<compile_context>
chip_gen: v7x
topology: tpu7x:2x2x1
jax: 0.10.2.dev20260603
libtpu: 0.0.44.dev20260713+nightly
codegen_flags: <defaults>
</compile_context>

<pallas_src>
import functools

import jax
import jax.numpy as jnp
from jax import lax
from jax.experimental import pallas as pl
from jax.experimental.pallas import tpu as pltpu
from jax.experimental.pallas import tpu_sc as plsc

NC = 2
NS = 16
NW = NC * NS
CH = 80

_F32 = jnp.float32


def _sc_mesh():
    return plsc.VectorSubcoreMesh(
        core_axis_name="c", subcore_axis_name="s", num_cores=NC, num_subcores=NS
    )


def _round_up(v, m):
    return (v + m - 1) // m * m


def _copy_out_slices(N, rz):
    slices = []
    for s in range(NS):
        r0 = s * rz
        slices.append((r0, min(rz, N - r0) if r0 < N else 0))
    return slices


def _pipelined_pass(table_hbm, acc, src_blk, dst_blk, rows, sem, sem2, pb):
    pltpu.async_copy(table_hbm.at[src_blk.at[0]], rows[0], sem)
    pltpu.async_copy(table_hbm.at[src_blk.at[1]], rows[1], sem)

    def step(i, carry):
        pltpu.make_async_copy(table_hbm.at[pl.ds(0, CH)], rows[0], sem).wait()

        @pl.when(i > 0)
        def _():
            pltpu.make_async_copy(rows[0], acc.at[dst_blk.at[0]], sem2).wait()

        @pl.when(i + 2 < pb)
        def _():
            for r in range(3):
                @pl.when(lax.rem(i, 3) == r)
                def _():
                    pltpu.async_copy(table_hbm.at[src_blk.at[i + 2]],
                                     rows[(r + 2) % 3], sem)

        for r in range(3):
            @pl.when(lax.rem(i, 3) == r)
            def _():
                pltpu.async_copy(rows[r], acc.at[dst_blk.at[i]], sem2,
                                 add=True)
        return carry

    lax.fori_loop(0, pb, step, 0)
    pltpu.make_async_copy(rows[0], acc.at[dst_blk.at[0]], sem2).wait()


PB = 25


@functools.cache
def _build_agg1(N, E, D):
    epw = E // NW
    nch = epw // CH
    NP = _round_up(N, 8 * NS)
    rz = NP // NS

    @functools.partial(
        pl.kernel,
        out_type=(
            jax.ShapeDtypeStruct((NC, N, D), _F32),
            jax.ShapeDtypeStruct((NC, N, D), _F32),
        ),
        mesh=_sc_mesh(),
        scratch_types=[
            pltpu.VMEM_SHARED((NP, D), _F32),
            pltpu.VMEM((PB, CH), jnp.int32),
            pltpu.VMEM((PB, CH), jnp.int32),
            pltpu.VMEM((CH, D), _F32),
            pltpu.VMEM((CH, D), _F32),
            pltpu.VMEM((CH, D), _F32),
            pltpu.SemaphoreType.DMA,
            pltpu.SemaphoreType.DMA,
        ],
    )
    def agg1(x_hbm, src3_hbm, dst3_hbm, znf_hbm, ones_hbm,
             sum_out, cnt_out, acc, src_blk, dst_blk, rows_a, rows_b, rows_c,
             sem, sem2):
        c = lax.axis_index("c")
        s = lax.axis_index("s")
        wid = s * NC + c
        z0 = pl.multiple_of(s * rz, 8)
        pltpu.sync_copy(znf_hbm, acc.at[pl.ds(z0, rz)])
        plsc.subcore_barrier()

        def ppass(p, carry):
            pltpu.sync_copy(src3_hbm.at[wid, p], src_blk)
            pltpu.sync_copy(dst3_hbm.at[wid, p], dst_blk)
            _pipelined_pass(x_hbm, acc, src_blk, dst_blk,
                            (rows_a, rows_b, rows_c), sem, sem2, PB)
            return carry

        lax.fori_loop(0, nch // PB, ppass, 0)
        plsc.subcore_barrier()
        for r0, nr in _copy_out_slices(N, rz):
            @pl.when(s == r0 // rz)
            def _():
                pltpu.sync_copy(acc.at[pl.ds(r0, nr)],
                                sum_out.at[c, pl.ds(r0, nr)])
        plsc.subcore_barrier()
        pltpu.sync_copy(znf_hbm, acc.at[pl.ds(z0, rz)])
        pltpu.sync_copy(ones_hbm, rows_a)
        plsc.subcore_barrier()

        def cpass(p, carry):
            pltpu.sync_copy(dst3_hbm.at[wid, p], dst_blk)

            def cfire(i, carry2):
                pltpu.async_copy(rows_a, acc.at[dst_blk.at[i]], sem2,
                                 add=True)
                return carry2

            lax.fori_loop(0, PB, cfire, 0)

            def cdrain(i, carry2):
                pltpu.make_async_copy(rows_a, acc.at[dst_blk.at[0]],
                                      sem2).wait()
                return carry2

            lax.fori_loop(0, PB, cdrain, 0)
            return carry

        lax.fori_loop(0, nch // PB, cpass, 0)
        plsc.subcore_barrier()
        for r0, nr in _copy_out_slices(N, rz):
            @pl.when(s == r0 // rz)
            def _():
                pltpu.sync_copy(acc.at[pl.ds(r0, nr)],
                                cnt_out.at[c, pl.ds(r0, nr)])

    return agg1


@functools.cache
def _build_agg2(N, E, D):
    ept = E // NS
    nch = ept // CH
    NP = _round_up(N, 8 * NS)
    rz = NP // NS

    @functools.partial(
        pl.kernel,
        out_type=jax.ShapeDtypeStruct((NC, N, D), _F32),
        mesh=_sc_mesh(),
        scratch_types=[
            pltpu.VMEM_SHARED((NP, D), _F32),
            pltpu.VMEM((PB, CH), jnp.int32),
            pltpu.VMEM((PB, CH), jnp.int32),
            pltpu.VMEM((CH, D), _F32),
            pltpu.VMEM((CH, D), _F32),
            pltpu.VMEM((CH, D), _F32),
            pltpu.SemaphoreType.DMA,
            pltpu.SemaphoreType.DMA,
        ],
    )
    def agg2(hcat_hbm, src4_hbm, dst3_hbm, znf_hbm,
             sum_out, acc, src_blk, dst_blk, rows_a, rows_b, rows_c,
             sem, sem2):
        c = lax.axis_index("c")
        s = lax.axis_index("s")
        z0 = pl.multiple_of(s * rz, 8)
        pltpu.sync_copy(znf_hbm, acc.at[pl.ds(z0, rz)])
        plsc.subcore_barrier()

        def ppass(p, carry):
            pltpu.sync_copy(src4_hbm.at[c, s, p], src_blk)
            pltpu.sync_copy(dst3_hbm.at[s, p], dst_blk)
            _pipelined_pass(hcat_hbm, acc, src_blk, dst_blk,
                            (rows_a, rows_b, rows_c), sem, sem2, PB)
            return carry

        lax.fori_loop(0, nch // PB, ppass, 0)
        plsc.subcore_barrier()
        for r0, nr in _copy_out_slices(N, rz):
            @pl.when(s == r0 // rz)
            def _():
                pltpu.sync_copy(acc.at[pl.ds(r0, nr)],
                                sum_out.at[c, pl.ds(r0, nr)])

    return agg2


def _tc_b_body(nb, N, R, sum1_ref, cntp_ref, x_ref, wl_ref, bl_ref, wr_ref,
               g_ref, b_ref, hcat_ref, hpre_scr, acc_ref):
    ph = pl.program_id(0)
    j = pl.program_id(1)

    @pl.when(ph == 0)
    def _():
        cnt = cntp_ref[0, :, 0:1] + cntp_ref[1, :, 0:1]
        rcp = 1.0 / jnp.clip(cnt, 1.0, None)
        mean1 = (sum1_ref[0] + sum1_ref[1]) * rcp
        hp = (jnp.dot(mean1, wl_ref[...], preferred_element_type=_F32)
              + jnp.dot(x_ref[...], wr_ref[...], preferred_element_type=_F32)
              + bl_ref[...])
        hpre_scr[pl.ds(j * R, R), :] = hp

        @pl.when(j == 0)
        def _():
            acc_ref[...] = jnp.zeros_like(acc_ref)

        acc_ref[0:1, :] += jnp.sum(hp, axis=0, keepdims=True)
        acc_ref[1:2, :] += jnp.sum(hp * hp, axis=0, keepdims=True)
        d = hp.shape[1] // 2
        hcat_ref[0] = hp[:, :d]
        hcat_ref[1] = hp[:, d:]

    @pl.when(ph == 1)
    def _():
        inv_n = 1.0 / N
        mu = acc_ref[0:1, :] * inv_n
        var = acc_ref[1:2, :] * inv_n - mu * mu
        scale = g_ref[...] * lax.rsqrt(var + 1e-5)
        shift = b_ref[...] - mu * scale
        h = hpre_scr[pl.ds(j * R, R), :] * scale + shift
        h = jnp.where(h >= 0, h, 0.01 * h)
        d = h.shape[1] // 2
        hcat_ref[0] = h[:, :d]
        hcat_ref[1] = h[:, d:]


def _tc_d_body(sum2_ref, cntp_ref, hcat_ref, wl_ref, bl_ref, wr_ref, out_ref):
    cnt = cntp_ref[0, :, 0:1] + cntp_ref[1, :, 0:1]
    rcp = 1.0 / jnp.clip(cnt, 1.0, None)
    d = wl_ref.shape[0] // 2
    out_ref[...] = (
        jnp.dot(sum2_ref[0] * rcp, wl_ref[:d], preferred_element_type=_F32)
        + jnp.dot(sum2_ref[1] * rcp, wl_ref[d:], preferred_element_type=_F32)
        + jnp.dot(hcat_ref[0], wr_ref[:d], preferred_element_type=_F32)
        + jnp.dot(hcat_ref[1], wr_ref[d:], preferred_element_type=_F32)
        + bl_ref[...]
    )


def kernel(x, edge_index, W_l1, b_l1, W_r1, gamma1, beta1, W_l2, b_l2, W_r2):
    N, d_in = x.shape
    E = edge_index.shape[1]
    d_h = W_l1.shape[0]
    d_out = W_l2.shape[0]
    dh2 = d_h // 2
    NP = _round_up(N, 8 * NS)
    rz = NP // NS

    src = edge_index[0]
    dst = edge_index[1]
    np1 = E // NW // CH // PB
    np2 = E // NS // CH // PB
    src3 = src.reshape(NW, np1, PB, CH)
    dst3 = dst.reshape(NW, np1, PB, CH)
    src4 = jnp.concatenate([src, src + N]).reshape(NC, NS, np2, PB, CH)
    dst3b = dst.reshape(NS, np2, PB, CH)
    znf = jnp.zeros((rz, d_in), _F32)
    znh = jnp.zeros((rz, dh2), _F32)
    ones = jnp.ones((CH, d_in), _F32)

    sum1, cntp = _build_agg1(N, E, d_in)(x, src3, dst3, znf, ones)

    nb = 10
    R = N // nb
    hcat = pl.pallas_call(
        functools.partial(_tc_b_body, nb, N, R),
        grid=(2, nb),
        in_specs=[
            pl.BlockSpec((NC, R, d_in), lambda p, j: (0, j * (1 - p), 0)),
            pl.BlockSpec((NC, R, d_in), lambda p, j: (0, j * (1 - p), 0)),
            pl.BlockSpec((R, d_in), lambda p, j: (j * (1 - p), 0)),
            pl.BlockSpec((d_in, d_h), lambda p, j: (0, 0)),
            pl.BlockSpec((1, d_h), lambda p, j: (0, 0)),
            pl.BlockSpec((d_in, d_h), lambda p, j: (0, 0)),
            pl.BlockSpec((1, d_h), lambda p, j: (0, 0)),
            pl.BlockSpec((1, d_h), lambda p, j: (0, 0)),
        ],
        out_specs=pl.BlockSpec((NC, R, dh2), lambda p, j: (0, j, 0)),
        out_shape=jax.ShapeDtypeStruct((NC, N, dh2), _F32),
        scratch_shapes=[
            pltpu.VMEM((N, d_h), _F32),
            pltpu.VMEM((8, d_h), _F32),
        ],
    )(sum1, cntp, x, W_l1.T, b_l1.reshape(1, -1), W_r1.T,
      gamma1.reshape(1, -1), beta1.reshape(1, -1))

    sum2 = _build_agg2(N, E, dh2)(hcat.reshape(NC * N, dh2), src4, dst3b, znh)

    node_emb = pl.pallas_call(
        _tc_d_body,
        grid=(nb,),
        in_specs=[
            pl.BlockSpec((NC, R, dh2), lambda i: (0, i, 0)),
            pl.BlockSpec((NC, R, d_in), lambda i: (0, i, 0)),
            pl.BlockSpec((NC, R, dh2), lambda i: (0, i, 0)),
            pl.BlockSpec((d_h, d_out), lambda i: (0, 0)),
            pl.BlockSpec((1, d_out), lambda i: (0, 0)),
            pl.BlockSpec((d_h, d_out), lambda i: (0, 0)),
        ],
        out_specs=pl.BlockSpec((R, d_out), lambda i: (i, 0)),
        out_shape=jax.ShapeDtypeStruct((N, d_out), _F32),
    )(sum2, cntp, hcat, W_l2.T, b_l2.reshape(1, -1), W_r2.T)

    return node_emb

# --- scband reference (transcript-rebuilt; emitter-appended) ---
"""Pipeline reference for scband-gnnencoder-42588895707393 (READ-ONLY COPY).

The authoritative reference and input builder live on the scoring server;
editing this copy changes nothing except your own understanding.
"""

import jax, jax.numpy as jnp
import numpy as np

N = 10000
E = 320000
D_IN = 128
D_H = 256
D_OUT = 256


def setup_inputs(seed: int = 0) -> dict:
    key = jax.random.key(seed)
    ks = jax.random.split(key, 12)
    x = jax.random.normal(ks[0], (N, D_IN), dtype=jnp.float32)
    edge_index = jax.random.randint(ks[1], (2, E), 0, N, dtype=jnp.int32)
    s_in = 1.0 / np.sqrt(D_IN)
    s_h = 1.0 / np.sqrt(D_H)
    # SAGEConv layer 1: lin_l (with bias) applied to aggregated neighbors, lin_r (no bias) to self
    W_l1 = jax.random.uniform(ks[2], (D_H, D_IN), jnp.float32, -s_in, s_in)
    b_l1 = jax.random.uniform(ks[3], (D_H,), jnp.float32, -s_in, s_in)
    W_r1 = jax.random.uniform(ks[4], (D_H, D_IN), jnp.float32, -s_in, s_in)
    # BatchNorm1d params
    gamma1 = jnp.ones((D_H,), jnp.float32)
    beta1 = jnp.zeros((D_H,), jnp.float32)
    # SAGEConv layer 2
    W_l2 = jax.random.uniform(ks[5], (D_OUT, D_H), jnp.float32, -s_h, s_h)
    b_l2 = jax.random.uniform(ks[6], (D_OUT,), jnp.float32, -s_h, s_h)
    W_r2 = jax.random.uniform(ks[7], (D_OUT, D_H), jnp.float32, -s_h, s_h)
    return {"x": x, "edge_index": edge_index, "W_l1": W_l1, "b_l1": b_l1, "W_r1": W_r1,
            "gamma1": gamma1, "beta1": beta1, "W_l2": W_l2, "b_l2": b_l2, "W_r2": W_r2}


def _sage_conv(x, edge_index, W_l, b_l, W_r):
    # PyG SAGEConv: out = lin_l(mean_j(x_j)) + lin_r(x)
    src = edge_index[0]
    dst = edge_index[1]
    msgs = jnp.take(x, src, axis=0)
    summed = jax.ops.segment_sum(msgs, dst, num_segments=N)
    cnt = jax.ops.segment_sum(jnp.ones((msgs.shape[0],), x.dtype), dst, num_segments=N)
    mean = summed / jnp.clip(cnt, 1.0, None)[:, None]
    return mean @ W_l.T + b_l + x @ W_r.T


def _batchnorm(h, gamma, beta, eps=1e-5):
    mu = jnp.mean(h, axis=0)
    var = jnp.var(h, axis=0)
    return (h - mu) / jnp.sqrt(var + eps) * gamma + beta


def _leaky_relu(h, slope=0.01):
    return jnp.where(h >= 0, h, slope * h)


def reference(x, edge_index, W_l1, b_l1, W_r1, gamma1, beta1, W_l2, b_l2, W_r2):
    h = _sage_conv(x, edge_index, W_l1, b_l1, W_r1)
    h = _batchnorm(h, gamma1, beta1)
    h = _leaky_relu(h)
    # dropout p=0.0 -> identity
    node_emb = _sage_conv(h, edge_index, W_l2, b_l2, W_r2)
    return node_emb

if __name__ == "__main__":
    import jax
    _d = setup_inputs()
    print(jax.jit(kernel)(*tuple(_d.values())))

</pallas_src>

<mosaic_0001>
#map = affine_map<(d0, d1) -> (0, 0)>
#map1 = affine_map<(d0, d1) -> (0, 0, 0, 0, 0)>
#map2 = affine_map<(d0, d1) -> (0, 0, 0, 0)>
#map3 = affine_map<(d0, d1) -> (0, 0, 0)>
module attributes {stable_mosaic.version = 14 : i64} {
  func.func @agg2(%arg0: i32, %arg1: i32, %arg2: memref<20000x128xf32, #tpu.memory_space<hbm>>, %arg3: memref<2x16x10x25x80xi32, #tpu.memory_space<hbm>>, %arg4: memref<16x10x25x80xi32, #tpu.memory_space<hbm>>, %arg5: memref<632x128xf32, #tpu.memory_space<hbm>>, %arg6: memref<2x10000x128xf32, #tpu.memory_space<hbm>>, %arg7: memref<10112x128xf32, #tpu.memory_space<vmem_shared>>, %arg8: memref<25x80xi32, #tpu.memory_space<vmem>>, %arg9: memref<25x80xi32, #tpu.memory_space<vmem>>, %arg10: memref<80x128xf32, #tpu.memory_space<vmem>>, %arg11: memref<80x128xf32, #tpu.memory_space<vmem>>, %arg12: memref<80x128xf32, #tpu.memory_space<vmem>>, %arg13: memref<!tpu.dma_semaphore, #tpu.memory_space<semaphore_mem>>, %arg14: memref<!tpu.dma_semaphore, #tpu.memory_space<semaphore_mem>>) attributes {dimension_semantics = [#tpu.dimension_semantics<core_parallel>, #tpu.dimension_semantics<subcore_parallel>], iteration_bounds = array<i64: 2, 16>, scalar_prefetch = 0 : i64, scratch_operands = 8 : i64, tpu.core_type = #tpu.core_type<sc_vector_subcore>, window_params = [{transform_indices = #map}, {transform_indices = #map1}, {transform_indices = #map2}, {transform_indices = #map}, {transform_indices = #map3}]} {
    %mul3A = arith.constant 632 : i32
    %mul3A_0 = arith.muli %arg1, %mul3A : i32
    %multiple_of3A = tpu.assume_multiple %mul3A_0, 8 : i32
    "tpu.region"() ({
      %run_scoped3A = tpu.sem_alloc : memref<!tpu.dma_semaphore, #tpu.memory_space<semaphore_mem>>
      %dma_start3A = arith.constant 0 : i32
      %dma_start3A_84 = tpu.memref_slice %arg7[%multiple_of3A, %dma_start3A] : memref<10112x128xf32, #tpu.memory_space<vmem_shared>> -> memref<632x128xf32, #tpu.memory_space<vmem_shared>>
      tpu.enqueue_dma source(%arg5 : memref<632x128xf32, #tpu.memory_space<hbm>>) target(%dma_start3A_84 : memref<632x128xf32, #tpu.memory_space<vmem_shared>>) target_semaphore(%run_scoped3A : memref<!tpu.dma_semaphore, #tpu.memory_space<semaphore_mem>>)
      %dma_wait3A = arith.constant 0 : i32
      %dma_wait3A_85 = tpu.memref_slice %arg7[%multiple_of3A, %dma_wait3A] : memref<10112x128xf32, #tpu.memory_space<vmem_shared>> -> memref<632x128xf32, #tpu.memory_space<vmem_shared>>
      tpu.wait_dma2 semaphore(%run_scoped3A : memref<!tpu.dma_semaphore, #tpu.memory_space<semaphore_mem>>) src(%arg5 : memref<632x128xf32, #tpu.memory_space<hbm>>) dst(%dma_wait3A_85 : memref<632x128xf32, #tpu.memory_space<vmem_shared>>)
      tpu.yield
    }) : () -> ()
    %barrier3A = arith.constant 0 : index
    tpu.barrier barrier_id(%barrier3A)
    %scan3A = arith.constant 0 : i32
    %scan3A_1 = arith.constant 0 : i32
    %scan3A_2 = arith.constant 10 : i32
    %scan3A_3 = arith.addi %scan3A_1, %scan3A_2 : i32
    %scan3A_4 = arith.constant 1 : i32
    scf.for %scan3A_84 = %scan3A_1 to %scan3A_3 step %scan3A_4  : i32 {
      "tpu.region"() ({
        %run_scoped3A = tpu.sem_alloc : memref<!tpu.dma_semaphore, #tpu.memory_space<semaphore_mem>>
        %dma_start3A_110 = arith.constant 0 : i32
        %dma_start3A_111 = arith.constant 0 : i32
        %dma_start3A_112 = tpu.memref_slice %arg3[%arg0, %arg1, %scan3A_84, %dma_start3A_110, %dma_start3A_111] : memref<2x16x10x25x80xi32, #tpu.memory_space<hbm>> -> memref<1x1x1x25x80xi32, #tpu.memory_space<hbm>>
        %dma_start3A_113 = tpu.memref_squeeze %dma_start3A_112 : memref<1x1x1x25x80xi32, #tpu.memory_space<hbm>> -> memref<25x80xi32, #tpu.memory_space<hbm>>
        %dma_start3A_114 = arith.constant 0 : i32
        %dma_start3A_115 = arith.constant 0 : i32
        %dma_start3A_116 = tpu.memref_slice %arg3[%arg0, %arg1, %scan3A_84, %dma_start3A_114, %dma_start3A_115] : memref<2x16x10x25x80xi32, #tpu.memory_space<hbm>> -> memref<1x1x1x25x80xi32, #tpu.memory_space<hbm>>
        %dma_start3A_117 = tpu.memref_squeeze %dma_start3A_116 : memref<1x1x1x25x80xi32, #tpu.memory_space<hbm>> -> memref<25x80xi32, #tpu.memory_space<hbm>>
        tpu.enqueue_dma source(%dma_start3A_117 : memref<25x80xi32, #tpu.memory_space<hbm>>) target(%arg8 : memref<25x80xi32, #tpu.memory_space<vmem>>) target_semaphore(%run_scoped3A : memref<!tpu.dma_semaphore, #tpu.memory_space<semaphore_mem>>)
        %dma_wait3A_118 = arith.constant 0 : i32
        %dma_wait3A_119 = arith.constant 0 : i32
        %dma_wait3A_120 = tpu.memref_slice %arg3[%arg0, %arg1, %scan3A_84, %dma_wait3A_118, %dma_wait3A_119] : memref<2x16x10x25x80xi32, #tpu.memory_space<hbm>> -> memref<1x1x1x25x80xi32, #tpu.memory_space<hbm>>
        %dma_wait3A_121 = tpu.memref_squeeze %dma_wait3A_120 : memref<1x1x1x25x80xi32, #tpu.memory_space<hbm>> -> memref<25x80xi32, #tpu.memory_space<hbm>>
        %dma_wait3A_122 = arith.constant 0 : i32
        %dma_wait3A_123 = arith.constant 0 : i32
        %dma_wait3A_124 = tpu.memref_slice %arg3[%arg0, %arg1, %scan3A_84, %dma_wait3A_122, %dma_wait3A_123] : memref<2x16x10x25x80xi32, #tpu.memory_space<hbm>> -> memref<1x1x1x25x80xi32, #tpu.memory_space<hbm>>
        %dma_wait3A_125 = tpu.memref_squeeze %dma_wait3A_124 : memref<1x1x1x25x80xi32, #tpu.memory_space<hbm>> -> memref<25x80xi32, #tpu.memory_space<hbm>>
        tpu.wait_dma2 semaphore(%run_scoped3A : memref<!tpu.dma_semaphore, #tpu.memory_space<semaphore_mem>>) src(%dma_wait3A_125 : memref<25x80xi32, #tpu.memory_space<hbm>>) dst(%arg8 : memref<25x80xi32, #tpu.memory_space<vmem>>)
        tpu.yield
      }) : () -> ()
      "tpu.region"() ({
        %run_scoped3A = tpu.sem_alloc : memref<!tpu.dma_semaphore, #tpu.memory_space<semaphore_mem>>
        %dma_start3A_110 = arith.constant 0 : i32
        %dma_start3A_111 = arith.constant 0 : i32
        %dma_start3A_112 = tpu.memref_slice %arg4[%arg1, %scan3A_84, %dma_start3A_110, %dma_start3A_111] : memref<16x10x25x80xi32, #tpu.memory_space<hbm>> -> memref<1x1x25x80xi32, #tpu.memory_space<hbm>>
        %dma_start3A_113 = tpu.memref_squeeze %dma_start3A_112 : memref<1x1x25x80xi32, #tpu.memory_space<hbm>> -> memref<25x80xi32, #tpu.memory_space<hbm>>
        %dma_start3A_114 = arith.constant 0 : i32
        %dma_start3A_115 = arith.constant 0 : i32
        %dma_start3A_116 = tpu.memref_slice %arg4[%arg1, %scan3A_84, %dma_start3A_114, %dma_start3A_115] : memref<16x10x25x80xi32, #tpu.memory_space<hbm>> -> memref<1x1x25x80xi32, #tpu.memory_space<hbm>>
        %dma_start3A_117 = tpu.memref_squeeze %dma_start3A_116 : memref<1x1x25x80xi32, #tpu.memory_space<hbm>> -> memref<25x80xi32, #tpu.memory_space<hbm>>
        tpu.enqueue_dma source(%dma_start3A_117 : memref<25x80xi32, #tpu.memory_space<hbm>>) target(%arg9 : memref<25x80xi32, #tpu.memory_space<vmem>>) target_semaphore(%run_scoped3A : memref<!tpu.dma_semaphore, #tpu.memory_space<semaphore_mem>>)
        %dma_wait3A_118 = arith.constant 0 : i32
        %dma_wait3A_119 = arith.constant 0 : i32
        %dma_wait3A_120 = tpu.memref_slice %arg4[%arg1, %scan3A_84, %dma_wait3A_118, %dma_wait3A_119] : memref<16x10x25x80xi32, #tpu.memory_space<hbm>> -> memref<1x1x25x80xi32, #tpu.memory_space<hbm>>
        %dma_wait3A_121 = tpu.memref_squeeze %dma_wait3A_120 : memref<1x1x25x80xi32, #tpu.memory_space<hbm>> -> memref<25x80xi32, #tpu.memory_space<hbm>>
        %dma_wait3A_122 = arith.constant 0 : i32
        %dma_wait3A_123 = arith.constant 0 : i32
        %dma_wait3A_124 = tpu.memref_slice %arg4[%arg1, %scan3A_84, %dma_wait3A_122, %dma_wait3A_123] : memref<16x10x25x80xi32, #tpu.memory_space<hbm>> -> memref<1x1x25x80xi32, #tpu.memory_space<hbm>>
        %dma_wait3A_125 = tpu.memref_squeeze %dma_wait3A_124 : memref<1x1x25x80xi32, #tpu.memory_space<hbm>> -> memref<25x80xi32, #tpu.memory_space<hbm>>
        tpu.wait_dma2 semaphore(%run_scoped3A : memref<!tpu.dma_semaphore, #tpu.memory_space<semaphore_mem>>) src(%dma_wait3A_125 : memref<25x80xi32, #tpu.memory_space<hbm>>) dst(%arg9 : memref<25x80xi32, #tpu.memory_space<vmem>>)
        tpu.yield
      }) : () -> ()
      %dma_start3A = arith.constant 0 : i32
      %dma_start3A_85 = arith.constant 0 : i32
      %dma_start3A_86 = tpu.memref_slice %arg8[%dma_start3A, %dma_start3A_85] : memref<25x80xi32, #tpu.memory_space<vmem>> -> memref<1x80xi32, #tpu.memory_space<vmem>>
      %dma_start3A_87 = tpu.memref_squeeze %dma_start3A_86 : memref<1x80xi32, #tpu.memory_space<vmem>> -> memref<80xi32, #tpu.memory_space<vmem>>
      %dma_start3A_88 = arith.constant 0 : i32
      %dma_start3A_89 = arith.constant 0 : i32
      %dma_start3A_90 = tpu.memref_slice %arg2[%dma_start3A_88, %dma_start3A_89] : memref<20000x128xf32, #tpu.memory_space<hbm>> -> memref<20000x128xf32, #tpu.memory_space<hbm>>
      tpu.enqueue_indirect_dma source(%dma_start3A_90 : memref<20000x128xf32, #tpu.memory_space<hbm>>) target(%arg10 : memref<80x128xf32, #tpu.memory_space<vmem>>) offsets(%dma_start3A_87 : memref<80xi32, #tpu.memory_space<vmem>>) semaphore(%arg13 : memref<!tpu.dma_semaphore, #tpu.memory_space<semaphore_mem>>)
      %dma_start3A_91 = arith.constant 1 : i32
      %dma_start3A_92 = arith.constant 0 : i32
      %dma_start3A_93 = tpu.memref_slice %arg8[%dma_start3A_91, %dma_start3A_92] : memref<25x80xi32, #tpu.memory_space<vmem>> -> memref<1x80xi32, #tpu.memory_space<vmem>>
      %dma_start3A_94 = tpu.memref_squeeze %dma_start3A_93 : memref<1x80xi32, #tpu.memory_space<vmem>> -> memref<80xi32, #tpu.memory_space<vmem>>
      %dma_start3A_95 = arith.constant 0 : i32
      %dma_start3A_96 = arith.constant 0 : i32
      %dma_start3A_97 = tpu.memref_slice %arg2[%dma_start3A_95, %dma_start3A_96] : memref<20000x128xf32, #tpu.memory_space<hbm>> -> memref<20000x128xf32, #tpu.memory_space<hbm>>
      tpu.enqueue_indirect_dma source(%dma_start3A_97 : memref<20000x128xf32, #tpu.memory_space<hbm>>) target(%arg11 : memref<80x128xf32, #tpu.memory_space<vmem>>) offsets(%dma_start3A_94 : memref<80xi32, #tpu.memory_space<vmem>>) semaphore(%arg13 : memref<!tpu.dma_semaphore, #tpu.memory_space<semaphore_mem>>)
      %scan3A_98 = arith.constant 0 : i32
      %scan3A_99 = arith.constant 0 : i32
      %scan3A_100 = arith.constant 25 : i32
      %scan3A_101 = arith.addi %scan3A_99, %scan3A_100 : i32
      %scan3A_102 = arith.constant 1 : i32
      scf.for %scan3A_110 = %scan3A_99 to %scan3A_101 step %scan3A_102  : i32 {
        %dma_wait3A_111 = arith.constant 0 : i32
        %dma_wait3A_112 = arith.constant 0 : i32
        %dma_wait3A_113 = tpu.memref_slice %arg2[%dma_wait3A_111, %dma_wait3A_112] : memref<20000x128xf32, #tpu.memory_space<hbm>> -> memref<80x128xf32, #tpu.memory_space<hbm>>
        %dma_wait3A_114 = arith.constant 0 : i32
        %dma_wait3A_115 = arith.constant 0 : i32
        %dma_wait3A_116 = tpu.memref_slice %arg2[%dma_wait3A_114, %dma_wait3A_115] : memref<20000x128xf32, #tpu.memory_space<hbm>> -> memref<80x128xf32, #tpu.memory_space<hbm>>
        tpu.wait_dma2 semaphore(%arg13 : memref<!tpu.dma_semaphore, #tpu.memory_space<semaphore_mem>>) src(%dma_wait3A_116 : memref<80x128xf32, #tpu.memory_space<hbm>>) dst(%arg10 : memref<80x128xf32, #tpu.memory_space<vmem>>)
        %gt3A = arith.constant 0 : i32
        %gt3A_117 = arith.cmpi sgt, %scan3A_110, %gt3A : i32
        %convert_element_type3A_118 = arith.extui %gt3A_117 : i1 to i32
        %cond3A_119 = arith.constant 0 : i32
        %cond3A_120 = arith.cmpi ne, %convert_element_type3A_118, %cond3A_119 : i32
        scf.if %cond3A_120 {
          %dma_wait3A_146 = arith.constant 0 : i32
          %dma_wait3A_147 = arith.constant 0 : i32
          %dma_wait3A_148 = tpu.memref_slice %arg9[%dma_wait3A_146, %dma_wait3A_147] : memref<25x80xi32, #tpu.memory_space<vmem>> -> memref<1x80xi32, #tpu.memory_space<vmem>>
          %dma_wait3A_149 = tpu.memref_squeeze %dma_wait3A_148 : memref<1x80xi32, #tpu.memory_space<vmem>> -> memref<80xi32, #tpu.memory_space<vmem>>
          %dma_wait3A_150 = arith.constant 0 : i32
          %dma_wait3A_151 = arith.constant 0 : i32
          %dma_wait3A_152 = tpu.memref_slice %arg7[%dma_wait3A_150, %dma_wait3A_151] : memref<10112x128xf32, #tpu.memory_space<vmem_shared>> -> memref<10112x128xf32, #tpu.memory_space<vmem_shared>>
          tpu.wait_indirect_dma semaphore(%arg14 : memref<!tpu.dma_semaphore, #tpu.memory_space<semaphore_mem>>) src(%arg10 : memref<80x128xf32, #tpu.memory_space<vmem>>) dst(%dma_wait3A_152 : memref<10112x128xf32, #tpu.memory_space<vmem_shared>>)
        } else {
        }
        %add3A = arith.constant 2 : i32
        %add3A_121 = arith.addi %scan3A_110, %add3A : i32
        %lt3A = arith.constant 25 : i32
        %lt3A_122 = arith.cmpi slt, %add3A_121, %lt3A : i32
        %convert_element_type3A_123 = arith.extui %lt3A_122 : i1 to i32
        %cond3A_124 = arith.constant 0 : i32
        %cond3A_125 = arith.cmpi ne, %convert_element_type3A_123, %cond3A_124 : i32
        scf.if %cond3A_125 {
          %rem3A_146 = arith.constant 3 : i32
          %rem3A_147 = arith.remsi %scan3A_110, %rem3A_146 : i32
          %eq3A_148 = arith.constant 0 : i32
          %eq3A_149 = arith.cmpi eq, %rem3A_147, %eq3A_148 : i32
          %convert_element_type3A_150 = arith.extui %eq3A_149 : i1 to i32
          %cond3A_151 = arith.constant 0 : i32
          %cond3A_152 = arith.cmpi ne, %convert_element_type3A_150, %cond3A_151 : i32
          scf.if %cond3A_152 {
            %add3A_167 = arith.constant 2 : i32
            %add3A_168 = arith.addi %scan3A_110, %add3A_167 : i32
            %dma_start3A_169 = arith.constant 0 : i32
            %dma_start3A_170 = tpu.memref_slice %arg8[%add3A_168, %dma_start3A_169] : memref<25x80xi32, #tpu.memory_space<vmem>> -> memref<1x80xi32, #tpu.memory_space<vmem>>
            %dma_start3A_171 = tpu.memref_squeeze %dma_start3A_170 : memref<1x80xi32, #tpu.memory_space<vmem>> -> memref<80xi32, #tpu.memory_space<vmem>>
            %dma_start3A_172 = arith.constant 0 : i32
            %dma_start3A_173 = arith.constant 0 : i32
            %dma_start3A_174 = tpu.memref_slice %arg2[%dma_start3A_172, %dma_start3A_173] : memref<20000x128xf32, #tpu.memory_space<hbm>> -> memref<20000x128xf32, #tpu.memory_space<hbm>>
            tpu.enqueue_indirect_dma source(%dma_start3A_174 : memref<20000x128xf32, #tpu.memory_space<hbm>>) target(%arg12 : memref<80x128xf32, #tpu.memory_space<vmem>>) offsets(%dma_start3A_171 : memref<80xi32, #tpu.memory_space<vmem>>) semaphore(%arg13 : memref<!tpu.dma_semaphore, #tpu.memory_space<semaphore_mem>>)
          } else {
          }
          %rem3A_153 = arith.constant 3 : i32
          %rem3A_154 = arith.remsi %scan3A_110, %rem3A_153 : i32
          %eq3A_155 = arith.constant 1 : i32
          %eq3A_156 = arith.cmpi eq, %rem3A_154, %eq3A_155 : i32
          %convert_element_type3A_157 = arith.extui %eq3A_156 : i1 to i32
          %cond3A_158 = arith.constant 0 : i32
          %cond3A_159 = arith.cmpi ne, %convert_element_type3A_157, %cond3A_158 : i32
          scf.if %cond3A_159 {
            %add3A_167 = arith.constant 2 : i32
            %add3A_168 = arith.addi %scan3A_110, %add3A_167 : i32
            %dma_start3A_169 = arith.constant 0 : i32
            %dma_start3A_170 = tpu.memref_slice %arg8[%add3A_168, %dma_start3A_169] : memref<25x80xi32, #tpu.memory_space<vmem>> -> memref<1x80xi32, #tpu.memory_space<vmem>>
            %dma_start3A_171 = tpu.memref_squeeze %dma_start3A_170 : memref<1x80xi32, #tpu.memory_space<vmem>> -> memref<80xi32, #tpu.memory_space<vmem>>
            %dma_start3A_172 = arith.constant 0 : i32
            %dma_start3A_173 = arith.constant 0 : i32
            %dma_start3A_174 = tpu.memref_slice %arg2[%dma_start3A_172, %dma_start3A_173] : memref<20000x128xf32, #tpu.memory_space<hbm>> -> memref<20000x128xf32, #tpu.memory_space<hbm>>
            tpu.enqueue_indirect_dma source(%dma_start3A_174 : memref<20000x128xf32, #tpu.memory_space<hbm>>) target(%arg10 : memref<80x128xf32, #tpu.memory_space<vmem>>) offsets(%dma_start3A_171 : memref<80xi32, #tpu.memory_space<vmem>>) semaphore(%arg13 : memref<!tpu.dma_semaphore, #tpu.memory_space<semaphore_mem>>)
          } else {
          }
          %rem3A_160 = arith.constant 3 : i32
          %rem3A_161 = arith.remsi %scan3A_110, %rem3A_160 : i32
          %eq3A_162 = arith.constant 2 : i32
          %eq3A_163 = arith.cmpi eq, %rem3A_161, %eq3A_162 : i32
          %convert_element_type3A_164 = arith.extui %eq3A_163 : i1 to i32
          %cond3A_165 = arith.constant 0 : i32
          %cond3A_166 = arith.cmpi ne, %convert_element_type3A_164, %cond3A_165 : i32
          scf.if %cond3A_166 {
            %add3A_167 = arith.constant 2 : i32
            %add3A_168 = arith.addi %scan3A_110, %add3A_167 : i32
            %dma_start3A_169 = arith.constant 0 : i32
            %dma_start3A_170 = tpu.memref_slice %arg8[%add3A_168, %dma_start3A_169] : memref<25x80xi32, #tpu.memory_space<vmem>> -> memref<1x80xi32, #tpu.memory_space<vmem>>
            %dma_start3A_171 = tpu.memref_squeeze %dma_start3A_170 : memref<1x80xi32, #tpu.memory_space<vmem>> -> memref<80xi32, #tpu.memory_space<vmem>>
            %dma_start3A_172 = arith.constant 0 : i32
            %dma_start3A_173 = arith.constant 0 : i32
            %dma_start3A_174 = tpu.memref_slice %arg2[%dma_start3A_172, %dma_start3A_173] : memref<20000x128xf32, #tpu.memory_space<hbm>> -> memref<20000x128xf32, #tpu.memory_space<hbm>>
            tpu.enqueue_indirect_dma source(%dma_start3A_174 : memref<20000x128xf32, #tpu.memory_space<hbm>>) target(%arg11 : memref<80x128xf32, #tpu.memory_space<vmem>>) offsets(%dma_start3A_171 : memref<80xi32, #tpu.memory_space<vmem>>) semaphore(%arg13 : memref<!tpu.dma_semaphore, #tpu.memory_space<semaphore_mem>>)
          } else {
          }
        } else {
        }
        %rem3A = arith.constant 3 : i32
        %rem3A_126 = arith.remsi %scan3A_110, %rem3A : i32
        %eq3A_127 = arith.constant 0 : i32
        %eq3A_128 = arith.cmpi eq, %rem3A_126, %eq3A_127 : i32
        %convert_element_type3A_129 = arith.extui %eq3A_128 : i1 to i32
        %cond3A_130 = arith.constant 0 : i32
        %cond3A_131 = arith.cmpi ne, %convert_element_type3A_129, %cond3A_130 : i32
        scf.if %cond3A_131 {
          %dma_start3A_146 = arith.constant 0 : i32
          %dma_start3A_147 = tpu.memref_slice %arg9[%scan3A_110, %dma_start3A_146] : memref<25x80xi32, #tpu.memory_space<vmem>> -> memref<1x80xi32, #tpu.memory_space<vmem>>
          %dma_start3A_148 = tpu.memref_squeeze %dma_start3A_147 : memref<1x80xi32, #tpu.memory_space<vmem>> -> memref<80xi32, #tpu.memory_space<vmem>>
          %dma_start3A_149 = arith.constant 0 : i32
          %dma_start3A_150 = arith.constant 0 : i32
          %dma_start3A_151 = tpu.memref_slice %arg7[%dma_start3A_149, %dma_start3A_150] : memref<10112x128xf32, #tpu.memory_space<vmem_shared>> -> memref<10112x128xf32, #tpu.memory_space<vmem_shared>>
          tpu.enqueue_indirect_dma source(%arg10 : memref<80x128xf32, #tpu.memory_space<vmem>>) target(%dma_start3A_151 : memref<10112x128xf32, #tpu.memory_space<vmem_shared>>) offsets(%dma_start3A_148 : memref<80xi32, #tpu.memory_space<vmem>>) semaphore(%arg14 : memref<!tpu.dma_semaphore, #tpu.memory_space<semaphore_mem>>) {add = true}
        } else {
        }
        %rem3A_132 = arith.constant 3 : i32
        %rem3A_133 = arith.remsi %scan3A_110, %rem3A_132 : i32
        %eq3A_134 = arith.constant 1 : i32
        %eq3A_135 = arith.cmpi eq, %rem3A_133, %eq3A_134 : i32
        %convert_element_type3A_136 = arith.extui %eq3A_135 : i1 to i32
        %cond3A_137 = arith.constant 0 : i32
        %cond3A_138 = arith.cmpi ne, %convert_element_type3A_136, %cond3A_137 : i32
        scf.if %cond3A_138 {
          %dma_start3A_146 = arith.constant 0 : i32
          %dma_start3A_147 = tpu.memref_slice %arg9[%scan3A_110, %dma_start3A_146] : memref<25x80xi32, #tpu.memory_space<vmem>> -> memref<1x80xi32, #tpu.memory_space<vmem>>
          %dma_start3A_148 = tpu.memref_squeeze %dma_start3A_147 : memref<1x80xi32, #tpu.memory_space<vmem>> -> memref<80xi32, #tpu.memory_space<vmem>>
          %dma_start3A_149 = arith.constant 0 : i32
          %dma_start3A_150 = arith.constant 0 : i32
          %dma_start3A_151 = tpu.memref_slice %arg7[%dma_start3A_149, %dma_start3A_150] : memref<10112x128xf32, #tpu.memory_space<vmem_shared>> -> memref<10112x128xf32, #tpu.memory_space<vmem_shared>>
          tpu.enqueue_indirect_dma source(%arg11 : memref<80x128xf32, #tpu.memory_space<vmem>>) target(%dma_start3A_151 : memref<10112x128xf32, #tpu.memory_space<vmem_shared>>) offsets(%dma_start3A_148 : memref<80xi32, #tpu.memory_space<vmem>>) semaphore(%arg14 : memref<!tpu.dma_semaphore, #tpu.memory_space<semaphore_mem>>) {add = true}
        } else {
        }
        %rem3A_139 = arith.constant 3 : i32
        %rem3A_140 = arith.remsi %scan3A_110, %rem3A_139 : i32
        %eq3A_141 = arith.constant 2 : i32
        %eq3A_142 = arith.cmpi eq, %rem3A_140, %eq3A_141 : i32
        %convert_element_type3A_143 = arith.extui %eq3A_142 : i1 to i32
        %cond3A_144 = arith.constant 0 : i32
        %cond3A_145 = arith.cmpi ne, %convert_element_type3A_143, %cond3A_144 : i32
        scf.if %cond3A_145 {
          %dma_start3A_146 = arith.constant 0 : i32
          %dma_start3A_147 = tpu.memref_slice %arg9[%scan3A_110, %dma_start3A_146] : memref<25x80xi32, #tpu.memory_space<vmem>> -> memref<1x80xi32, #tpu.memory_space<vmem>>
          %dma_start3A_148 = tpu.memref_squeeze %dma_start3A_147 : memref<1x80xi32, #tpu.memory_space<vmem>> -> memref<80xi32, #tpu.memory_space<vmem>>
          %dma_start3A_149 = arith.constant 0 : i32
          %dma_start3A_150 = arith.constant 0 : i32
          %dma_start3A_151 = tpu.memref_slice %arg7[%dma_start3A_149, %dma_start3A_150] : memref<10112x128xf32, #tpu.memory_space<vmem_shared>> -> memref<10112x128xf32, #tpu.memory_space<vmem_shared>>
          tpu.enqueue_indirect_dma source(%arg12 : memref<80x128xf32, #tpu.memory_space<vmem>>) target(%dma_start3A_151 : memref<10112x128xf32, #tpu.memory_space<vmem_shared>>) offsets(%dma_start3A_148 : memref<80xi32, #tpu.memory_space<vmem>>) semaphore(%arg14 : memref<!tpu.dma_semaphore, #tpu.memory_space<semaphore_mem>>) {add = true}
        } else {
        }
      }
      %scan3A_103 = arith.constant 25 : i32
      %dma_wait3A = arith.constant 0 : i32
      %dma_wait3A_104 = arith.constant 0 : i32
      %dma_wait3A_105 = tpu.memref_slice %arg9[%dma_wait3A, %dma_wait3A_104] : memref<25x80xi32, #tpu.memory_space<vmem>> -> memref<1x80xi32, #tpu.memory_space<vmem>>
      %dma_wait3A_106 = tpu.memref_squeeze %dma_wait3A_105 : memref<1x80xi32, #tpu.memory_space<vmem>> -> memref<80xi32, #tpu.memory_space<vmem>>
      %dma_wait3A_107 = arith.constant 0 : i32
      %dma_wait3A_108 = arith.constant 0 : i32
      %dma_wait3A_109 = tpu.memref_slice %arg7[%dma_wait3A_107, %dma_wait3A_108] : memref<10112x128xf32, #tpu.memory_space<vmem_shared>> -> memref<10112x128xf32, #tpu.memory_space<vmem_shared>>
      tpu.wait_indirect_dma semaphore(%arg14 : memref<!tpu.dma_semaphore, #tpu.memory_space<semaphore_mem>>) src(%arg10 : memref<80x128xf32, #tpu.memory_space<vmem>>) dst(%dma_wait3A_109 : memref<10112x128xf32, #tpu.memory_space<vmem_shared>>)
    }
    %scan3A_5 = arith.constant 10 : i32
    %barrier3A_6 = arith.constant 0 : index
    tpu.barrier barrier_id(%barrier3A_6)
    %eq3A = arith.constant 0 : i32
    %eq3A_7 = arith.cmpi eq, %arg1, %eq3A : i32
    %convert_element_type3A = arith.extui %eq3A_7 : i1 to i32
    %cond3A = arith.constant 0 : i32
    %cond3A_8 = arith.cmpi ne, %convert_element_type3A, %cond3A : i32
    scf.if %cond3A_8 {
      "tpu.region"() ({
        %run_scoped3A = tpu.sem_alloc : memref<!tpu.dma_semaphore, #tpu.memory_space<semaphore_mem>>
        %dma_start3A = arith.constant 0 : i32
        %dma_start3A_84 = arith.constant 0 : i32
        %dma_start3A_85 = tpu.memref_slice %arg6[%arg0, %dma_start3A, %dma_start3A_84] : memref<2x10000x128xf32, #tpu.memory_space<hbm>> -> memref<1x632x128xf32, #tpu.memory_space<hbm>>
        %dma_start3A_86 = tpu.memref_squeeze %dma_start3A_85 : memref<1x632x128xf32, #tpu.memory_space<hbm>> -> memref<632x128xf32, #tpu.memory_space<hbm>>
        %dma_start3A_87 = arith.constant 0 : i32
        %dma_start3A_88 = arith.constant 0 : i32
        %dma_start3A_89 = tpu.memref_slice %arg7[%dma_start3A_87, %dma_start3A_88] : memref<10112x128xf32, #tpu.memory_space<vmem_shared>> -> memref<632x128xf32, #tpu.memory_space<vmem_shared>>
        tpu.enqueue_dma source(%dma_start3A_89 : memref<632x128xf32, #tpu.memory_space<vmem_shared>>) target(%dma_start3A_86 : memref<632x128xf32, #tpu.memory_space<hbm>>) target_semaphore(%run_scoped3A : memref<!tpu.dma_semaphore, #tpu.memory_space<semaphore_mem>>)
        %dma_wait3A = arith.constant 0 : i32
        %dma_wait3A_90 = arith.constant 0 : i32
        %dma_wait3A_91 = tpu.memref_slice %arg6[%arg0, %dma_wait3A, %dma_wait3A_90] : memref<2x10000x128xf32, #tpu.memory_space<hbm>> -> memref<1x632x128xf32, #tpu.memory_space<hbm>>
        %dma_wait3A_92 = tpu.memref_squeeze %dma_wait3A_91 : memref<1x632x128xf32, #tpu.memory_space<hbm>> -> memref<632x128xf32, #tpu.memory_space<hbm>>
        %dma_wait3A_93 = arith.constant 0 : i32
        %dma_wait3A_94 = arith.constant 0 : i32
        %dma_wait3A_95 = tpu.memref_slice %arg7[%dma_wait3A_93, %dma_wait3A_94] : memref<10112x128xf32, #tpu.memory_space<vmem_shared>> -> memref<632x128xf32, #tpu.memory_space<vmem_shared>>
        tpu.wait_dma2 semaphore(%run_scoped3A : memref<!tpu.dma_semaphore, #tpu.memory_space<semaphore_mem>>) src(%dma_wait3A_95 : memref<632x128xf32, #tpu.memory_space<vmem_shared>>) dst(%dma_wait3A_92 : memref<632x128xf32, #tpu.memory_space<hbm>>)
        tpu.yield
      }) : () -> ()
    } else {
    }
    %eq3A_9 = arith.constant 1 : i32
    %eq3A_10 = arith.cmpi eq, %arg1, %eq3A_9 : i32
    %convert_element_type3A_11 = arith.extui %eq3A_10 : i1 to i32
    %cond3A_12 = arith.constant 0 : i32
    %cond3A_13 = arith.cmpi ne, %convert_element_type3A_11, %cond3A_12 : i32
    scf.if %cond3A_13 {
      "tpu.region"() ({
        %run_scoped3A = tpu.sem_alloc : memref<!tpu.dma_semaphore, #tpu.memory_space<semaphore_mem>>
        %dma_start3A = arith.constant 632 : i32
        %dma_start3A_84 = arith.constant 0 : i32
        %dma_start3A_85 = tpu.memref_slice %arg6[%arg0, %dma_start3A, %dma_start3A_84] : memref<2x10000x128xf32, #tpu.memory_space<hbm>> -> memref<1x632x128xf32, #tpu.memory_space<hbm>>
        %dma_start3A_86 = tpu.memref_squeeze %dma_start3A_85 : memref<1x632x128xf32, #tpu.memory_space<hbm>> -> memref<632x128xf32, #tpu.memory_space<hbm>>
        %dma_start3A_87 = arith.constant 632 : i32
        %dma_start3A_88 = arith.constant 0 : i32
        %dma_start3A_89 = tpu.memref_slice %arg7[%dma_start3A_87, %dma_start3A_88] : memref<10112x128xf32, #tpu.memory_space<vmem_shared>> -> memref<632x128xf32, #tpu.memory_space<vmem_shared>>
        tpu.enqueue_dma source(%dma_start3A_89 : memref<632x128xf32, #tpu.memory_space<vmem_shared>>) target(%dma_start3A_86 : memref<632x128xf32, #tpu.memory_space<hbm>>) target_semaphore(%run_scoped3A : memref<!tpu.dma_semaphore, #tpu.memory_space<semaphore_mem>>)
        %dma_wait3A = arith.constant 632 : i32
        %dma_wait3A_90 = arith.constant 0 : i32
        %dma_wait3A_91 = tpu.memref_slice %arg6[%arg0, %dma_wait3A, %dma_wait3A_90] : memref<2x10000x128xf32, #tpu.memory_space<hbm>> -> memref<1x632x128xf32, #tpu.memory_space<hbm>>
        %dma_wait3A_92 = tpu.memref_squeeze %dma_wait3A_91 : memref<1x632x128xf32, #tpu.memory_space<hbm>> -> memref<632x128xf32, #tpu.memory_space<hbm>>
        %dma_wait3A_93 = arith.constant 632 : i32
        %dma_wait3A_94 = arith.constant 0 : i32
        %dma_wait3A_95 = tpu.memref_slice %arg7[%dma_wait3A_93, %dma_wait3A_94] : memref<10112x128xf32, #tpu.memory_space<vmem_shared>> -> memref<632x128xf32, #tpu.memory_space<vmem_shared>>
        tpu.wait_dma2 semaphore(%run_scoped3A : memref<!tpu.dma_semaphore, #tpu.memory_space<semaphore_mem>>) src(%dma_wait3A_95 : memref<632x128xf32, #tpu.memory_space<vmem_shared>>) dst(%dma_wait3A_92 : memref<632x128xf32, #tpu.memory_space<hbm>>)
        tpu.yield
      }) : () -> ()
    } else {
    }
    %eq3A_14 = arith.constant 2 : i32
    %eq3A_15 = arith.cmpi eq, %arg1, %eq3A_14 : i32
    %convert_element_type3A_16 = arith.extui %eq3A_15 : i1 to i32
    %cond3A_17 = arith.constant 0 : i32
    %cond3A_18 = arith.cmpi ne, %convert_element_type3A_16, %cond3A_17 : i32
    scf.if %cond3A_18 {
      "tpu.region"() ({
        %run_scoped3A = tpu.sem_alloc : memref<!tpu.dma_semaphore, #tpu.memory_space<semaphore_mem>>
        %dma_start3A = arith.constant 1264 : i32
        %dma_start3A_84 = arith.constant 0 : i32
        %dma_start3A_85 = tpu.memref_slice %arg6[%arg0, %dma_start3A, %dma_start3A_84] : memref<2x10000x128xf32, #tpu.memory_space<hbm>> -> memref<1x632x128xf32, #tpu.memory_space<hbm>>
        %dma_start3A_86 = tpu.memref_squeeze %dma_start3A_85 : memref<1x632x128xf32, #tpu.memory_space<hbm>> -> memref<632x128xf32, #tpu.memory_space<hbm>>
        %dma_start3A_87 = arith.constant 1264 : i32
        %dma_start3A_88 = arith.constant 0 : i32
        %dma_start3A_89 = tpu.memref_slice %arg7[%dma_start3A_87, %dma_start3A_88] : memref<10112x128xf32, #tpu.memory_space<vmem_shared>> -> memref<632x128xf32, #tpu.memory_space<vmem_shared>>
        tpu.enqueue_dma source(%dma_start3A_89 : memref<632x128xf32, #tpu.memory_space<vmem_shared>>) target(%dma_start3A_86 : memref<632x128xf32, #tpu.memory_space<hbm>>) target_semaphore(%run_scoped3A : memref<!tpu.dma_semaphore, #tpu.memory_space<semaphore_mem>>)
        %dma_wait3A = arith.constant 1264 : i32
        %dma_wait3A_90 = arith.constant 0 : i32
        %dma_wait3A_91 = tpu.memref_slice %arg6[%arg0, %dma_wait3A, %dma_wait3A_90] : memref<2x10000x128xf32, #tpu.memory_space<hbm>> -> memref<1x632x128xf32, #tpu.memory_space<hbm>>
        %dma_wait3A_92 = tpu.memref_squeeze %dma_wait3A_91 : memref<1x632x128xf32, #tpu.memory_space<hbm>> -> memref<632x128xf32, #tpu.memory_space<hbm>>
        %dma_wait3A_93 = arith.constant 1264 : i32
        %dma_wait3A_94 = arith.constant 0 : i32
        %dma_wait3A_95 = tpu.memref_slice %arg7[%dma_wait3A_93, %dma_wait3A_94] : memref<10112x128xf32, #tpu.memory_space<vmem_shared>> -> memref<632x128xf32, #tpu.memory_space<vmem_shared>>
        tpu.wait_dma2 semaphore(%run_scoped3A : memref<!tpu.dma_semaphore, #tpu.memory_space<semaphore_mem>>) src(%dma_wait3A_95 : memref<632x128xf32, #tpu.memory_space<vmem_shared>>) dst(%dma_wait3A_92 : memref<632x128xf32, #tpu.memory_space<hbm>>)
        tpu.yield
      }) : () -> ()
    } else {
    }
    %eq3A_19 = arith.constant 3 : i32
    %eq3A_20 = arith.cmpi eq, %arg1, %eq3A_19 : i32
    %convert_element_type3A_21 = arith.extui %eq3A_20 : i1 to i32
    %cond3A_22 = arith.constant 0 : i32
    %cond3A_23 = arith.cmpi ne, %convert_element_type3A_21, %cond3A_22 : i32
    scf.if %cond3A_23 {
      "tpu.region"() ({
        %run_scoped3A = tpu.sem_alloc : memref<!tpu.dma_semaphore, #tpu.memory_space<semaphore_mem>>
        %dma_start3A = arith.constant 1896 : i32
        %dma_start3A_84 = arith.constant 0 : i32
        %dma_start3A_85 = tpu.memref_slice %arg6[%arg0, %dma_start3A, %dma_start3A_84] : memref<2x10000x128xf32, #tpu.memory_space<hbm>> -> memref<1x632x128xf32, #tpu.memory_space<hbm>>
        %dma_start3A_86 = tpu.memref_squeeze %dma_start3A_85 : memref<1x632x128xf32, #tpu.memory_space<hbm>> -> memref<632x128xf32, #tpu.memory_space<hbm>>
        %dma_start3A_87 = arith.constant 1896 : i32
        %dma_start3A_88 = arith.constant 0 : i32
        %dma_start3A_89 = tpu.memref_slice %arg7[%dma_start3A_87, %dma_start3A_88] : memref<10112x128xf32, #tpu.memory_space<vmem_shared>> -> memref<632x128xf32, #tpu.memory_space<vmem_shared>>
        tpu.enqueue_dma source(%dma_start3A_89 : memref<632x128xf32, #tpu.memory_space<vmem_shared>>) target(%dma_start3A_86 : memref<632x128xf32, #tpu.memory_space<hbm>>) target_semaphore(%run_scoped3A : memref<!tpu.dma_semaphore, #tpu.memory_space<semaphore_mem>>)
        %dma_wait3A = arith.constant 1896 : i32
        %dma_wait3A_90 = arith.constant 0 : i32
        %dma_wait3A_91 = tpu.memref_slice %arg6[%arg0, %dma_wait3A, %dma_wait3A_90] : memref<2x10000x128xf32, #tpu.memory_space<hbm>> -> memref<1x632x128xf32, #tpu.memory_space<hbm>>
        %dma_wait3A_92 = tpu.memref_squeeze %dma_wait3A_91 : memref<1x632x128xf32, #tpu.memory_space<hbm>> -> memref<632x128xf32, #tpu.memory_space<hbm>>
        %dma_wait3A_93 = arith.constant 1896 : i32
        %dma_wait3A_94 = arith.constant 0 : i32
        %dma_wait3A_95 = tpu.memref_slice %arg7[%dma_wait3A_93, %dma_wait3A_94] : memref<10112x128xf32, #tpu.memory_space<vmem_shared>> -> memref<632x128xf32, #tpu.memory_space<vmem_shared>>
        tpu.wait_dma2 semaphore(%run_scoped3A : memref<!tpu.dma_semaphore, #tpu.memory_space<semaphore_mem>>) src(%dma_wait3A_95 : memref<632x128xf32, #tpu.memory_space<vmem_shared>>) dst(%dma_wait3A_92 : memref<632x128xf32, #tpu.memory_space<hbm>>)
        tpu.yield
      }) : () -> ()
    } else {
    }
    %eq3A_24 = arith.constant 4 : i32
    %eq3A_25 = arith.cmpi eq, %arg1, %eq3A_24 : i32
    %convert_element_type3A_26 = arith.extui %eq3A_25 : i1 to i32
    %cond3A_27 = arith.constant 0 : i32
    %cond3A_28 = arith.cmpi ne, %convert_element_type3A_26, %cond3A_27 : i32
    scf.if %cond3A_28 {
      "tpu.region"() ({
        %run_scoped3A = tpu.sem_alloc : memref<!tpu.dma_semaphore, #tpu.memory_space<semaphore_mem>>
        %dma_start3A = arith.constant 2528 : i32
        %dma_start3A_84 = arith.constant 0 : i32
        %dma_start3A_85 = tpu.memref_slice %arg6[%arg0, %dma_start3A, %dma_start3A_84] : memref<2x10000x128xf32, #tpu.memory_space<hbm>> -> memref<1x632x128xf32, #tpu.memory_space<hbm>>
        %dma_start3A_86 = tpu.memref_squeeze %dma_start3A_85 : memref<1x632x128xf32, #tpu.memory_space<hbm>> -> memref<632x128xf32, #tpu.memory_space<hbm>>
        %dma_start3A_87 = arith.constant 2528 : i32
        %dma_start3A_88 = arith.constant 0 : i32
        %dma_start3A_89 = tpu.memref_slice %arg7[%dma_start3A_87, %dma_start3A_88] : memref<10112x128xf32, #tpu.memory_space<vmem_shared>> -> memref<632x128xf32, #tpu.memory_space<vmem_shared>>
        tpu.enqueue_dma source(%dma_start3A_89 : memref<632x128xf32, #tpu.memory_space<vmem_shared>>) target(%dma_start3A_86 : memref<632x128xf32, #tpu.memory_space<hbm>>) target_semaphore(%run_scoped3A : memref<!tpu.dma_semaphore, #tpu.memory_space<semaphore_mem>>)
        %dma_wait3A = arith.constant 2528 : i32
        %dma_wait3A_90 = arith.constant 0 : i32
        %dma_wait3A_91 = tpu.memref_slice %arg6[%arg0, %dma_wait3A, %dma_wait3A_90] : memref<2x10000x128xf32, #tpu.memory_space<hbm>> -> memref<1x632x128xf32, #tpu.memory_space<hbm>>
        %dma_wait3A_92 = tpu.memref_squeeze %dma_wait3A_91 : memref<1x632x128xf32, #tpu.memory_space<hbm>> -> memref<632x128xf32, #tpu.memory_space<hbm>>
        %dma_wait3A_93 = arith.constant 2528 : i32
        %dma_wait3A_94 = arith.constant 0 : i32
        %dma_wait3A_95 = tpu.memref_slice %arg7[%dma_wait3A_93, %dma_wait3A_94] : memref<10112x128xf32, #tpu.memory_space<vmem_shared>> -> memref<632x128xf32, #tpu.memory_space<vmem_shared>>
        tpu.wait_dma2 semaphore(%run_scoped3A : memref<!tpu.dma_semaphore, #tpu.memory_space<semaphore_mem>>) src(%dma_wait3A_95 : memref<632x128xf32, #tpu.memory_space<vmem_shared>>) dst(%dma_wait3A_92 : memref<632x128xf32, #tpu.memory_space<hbm>>)
        tpu.yield
      }) : () -> ()
    } else {
    }
    %eq3A_29 = arith.constant 5 : i32
    %eq3A_30 = arith.cmpi eq, %arg1, %eq3A_29 : i32
    %convert_element_type3A_31 = arith.extui %eq3A_30 : i1 to i32
    %cond3A_32 = arith.constant 0 : i32
    %cond3A_33 = arith.cmpi ne, %convert_element_type3A_31, %cond3A_32 : i32
    scf.if %cond3A_33 {
      "tpu.region"() ({
        %run_scoped3A = tpu.sem_alloc : memref<!tpu.dma_semaphore, #tpu.memory_space<semaphore_mem>>
        %dma_start3A = arith.constant 3160 : i32
        %dma_start3A_84 = arith.constant 0 : i32
        %dma_start3A_85 = tpu.memref_slice %arg6[%arg0, %dma_start3A, %dma_start3A_84] : memref<2x10000x128xf32, #tpu.memory_space<hbm>> -> memref<1x632x128xf32, #tpu.memory_space<hbm>>
        %dma_start3A_86 = tpu.memref_squeeze %dma_start3A_85 : memref<1x632x128xf32, #tpu.memory_space<hbm>> -> memref<632x128xf32, #tpu.memory_space<hbm>>
        %dma_start3A_87 = arith.constant 3160 : i32
        %dma_start3A_88 = arith.constant 0 : i32
        %dma_start3A_89 = tpu.memref_slice %arg7[%dma_start3A_87, %dma_start3A_88] : memref<10112x128xf32, #tpu.memory_space<vmem_shared>> -> memref<632x128xf32, #tpu.memory_space<vmem_shared>>
        tpu.enqueue_dma source(%dma_start3A_89 : memref<632x128xf32, #tpu.memory_space<vmem_shared>>) target(%dma_start3A_86 : memref<632x128xf32, #tpu.memory_space<hbm>>) target_semaphore(%run_scoped3A : memref<!tpu.dma_semaphore, #tpu.memory_space<semaphore_mem>>)
        %dma_wait3A = arith.constant 3160 : i32
        %dma_wait3A_90 = arith.constant 0 : i32
        %dma_wait3A_91 = tpu.memref_slice %arg6[%arg0, %dma_wait3A, %dma_wait3A_90] : memref<2x10000x128xf32, #tpu.memory_space<hbm>> -> memref<1x632x128xf32, #tpu.memory_space<hbm>>
        %dma_wait3A_92 = tpu.memref_squeeze %dma_wait3A_91 : memref<1x632x128xf32, #tpu.memory_space<hbm>> -> memref<632x128xf32, #tpu.memory_space<hbm>>
        %dma_wait3A_93 = arith.constant 3160 : i32
        %dma_wait3A_94 = arith.constant 0 : i32
        %dma_wait3A_95 = tpu.memref_slice %arg7[%dma_wait3A_93, %dma_wait3A_94] : memref<10112x128xf32, #tpu.memory_space<vmem_shared>> -> memref<632x128xf32, #tpu.memory_space<vmem_shared>>
        tpu.wait_dma2 semaphore(%run_scoped3A : memref<!tpu.dma_semaphore, #tpu.memory_space<semaphore_mem>>) src(%dma_wait3A_95 : memref<632x128xf32, #tpu.memory_space<vmem_shared>>) dst(%dma_wait3A_92 : memref<632x128xf32, #tpu.memory_space<hbm>>)
        tpu.yield
      }) : () -> ()
    } else {
    }
    %eq3A_34 = arith.constant 6 : i32
    %eq3A_35 = arith.cmpi eq, %arg1, %eq3A_34 : i32
    %convert_element_type3A_36 = arith.extui %eq3A_35 : i1 to i32
    %cond3A_37 = arith.constant 0 : i32
    %cond3A_38 = arith.cmpi ne, %convert_element_type3A_36, %cond3A_37 : i32
    scf.if %cond3A_38 {
      "tpu.region"() ({
        %run_scoped3A = tpu.sem_alloc : memref<!tpu.dma_semaphore, #tpu.memory_space<semaphore_mem>>
        %dma_start3A = arith.constant 3792 : i32
        %dma_start3A_84 = arith.constant 0 : i32
        %dma_start3A_85 = tpu.memref_slice %arg6[%arg0, %dma_start3A, %dma_start3A_84] : memref<2x10000x128xf32, #tpu.memory_space<hbm>> -> memref<1x632x128xf32, #tpu.memory_space<hbm>>
        %dma_start3A_86 = tpu.memref_squeeze %dma_start3A_85 : memref<1x632x128xf32, #tpu.memory_space<hbm>> -> memref<632x128xf32, #tpu.memory_space<hbm>>
        %dma_start3A_87 = arith.constant 3792 : i32
        %dma_start3A_88 = arith.constant 0 : i32
        %dma_start3A_89 = tpu.memref_slice %arg7[%dma_start3A_87, %dma_start3A_88] : memref<10112x128xf32, #tpu.memory_space<vmem_shared>> -> memref<632x128xf32, #tpu.memory_space<vmem_shared>>
        tpu.enqueue_dma source(%dma_start3A_89 : memref<632x128xf32, #tpu.memory_space<vmem_shared>>) target(%dma_start3A_86 : memref<632x128xf32, #tpu.memory_space<hbm>>) target_semaphore(%run_scoped3A : memref<!tpu.dma_semaphore, #tpu.memory_space<semaphore_mem>>)
        %dma_wait3A = arith.constant 3792 : i32
        %dma_wait3A_90 = arith.constant 0 : i32
        %dma_wait3A_91 = tpu.memref_slice %arg6[%arg0, %dma_wait3A, %dma_wait3A_90] : memref<2x10000x128xf32, #tpu.memory_space<hbm>> -> memref<1x632x128xf32, #tpu.memory_space<hbm>>
        %dma_wait3A_92 = tpu.memref_squeeze %dma_wait3A_91 : memref<1x632x128xf32, #tpu.memory_space<hbm>> -> memref<632x128xf32, #tpu.memory_space<hbm>>
        %dma_wait3A_93 = arith.constant 3792 : i32
        %dma_wait3A_94 = arith.constant 0 : i32
        %dma_wait3A_95 = tpu.memref_slice %arg7[%dma_wait3A_93, %dma_wait3A_94] : memref<10112x128xf32, #tpu.memory_space<vmem_shared>> -> memref<632x128xf32, #tpu.memory_space<vmem_shared>>
        tpu.wait_dma2 semaphore(%run_scoped3A : memref<!tpu.dma_semaphore, #tpu.memory_space<semaphore_mem>>) src(%dma_wait3A_95 : memref<632x128xf32, #tpu.memory_space<vmem_shared>>) dst(%dma_wait3A_92 : memref<632x128xf32, #tpu.memory_space<hbm>>)
        tpu.yield
      }) : () -> ()
    } else {
    }
    %eq3A_39 = arith.constant 7 : i32
    %eq3A_40 = arith.cmpi eq, %arg1, %eq3A_39 : i32
    %convert_element_type3A_41 = arith.extui %eq3A_40 : i1 to i32
    %cond3A_42 = arith.constant 0 : i32
    %cond3A_43 = arith.cmpi ne, %convert_element_type3A_41, %cond3A_42 : i32
    scf.if %cond3A_43 {
      "tpu.region"() ({
        %run_scoped3A = tpu.sem_alloc : memref<!tpu.dma_semaphore, #tpu.memory_space<semaphore_mem>>
        %dma_start3A = arith.constant 4424 : i32
        %dma_start3A_84 = arith.constant 0 : i32
        %dma_start3A_85 = tpu.memref_slice %arg6[%arg0, %dma_start3A, %dma_start3A_84] : memref<2x10000x128xf32, #tpu.memory_space<hbm>> -> memref<1x632x128xf32, #tpu.memory_space<hbm>>
        %dma_start3A_86 = tpu.memref_squeeze %dma_start3A_85 : memref<1x632x128xf32, #tpu.memory_space<hbm>> -> memref<632x128xf32, #tpu.memory_space<hbm>>
        %dma_start3A_87 = arith.constant 4424 : i32
        %dma_start3A_88 = arith.constant 0 : i32
        %dma_start3A_89 = tpu.memref_slice %arg7[%dma_start3A_87, %dma_start3A_88] : memref<10112x128xf32, #tpu.memory_space<vmem_shared>> -> memref<632x128xf32, #tpu.memory_space<vmem_shared>>
        tpu.enqueue_dma source(%dma_start3A_89 : memref<632x128xf32, #tpu.memory_space<vmem_shared>>) target(%dma_start3A_86 : memref<632x128xf32, #tpu.memory_space<hbm>>) target_semaphore(%run_scoped3A : memref<!tpu.dma_semaphore, #tpu.memory_space<semaphore_mem>>)
        %dma_wait3A = arith.constant 4424 : i32
        %dma_wait3A_90 = arith.constant 0 : i32
        %dma_wait3A_91 = tpu.memref_slice %arg6[%arg0, %dma_wait3A, %dma_wait3A_90] : memref<2x10000x128xf32, #tpu.memory_space<hbm>> -> memref<1x632x128xf32, #tpu.memory_space<hbm>>
        %dma_wait3A_92 = tpu.memref_squeeze %dma_wait3A_91 : memref<1x632x128xf32, #tpu.memory_space<hbm>> -> memref<632x128xf32, #tpu.memory_space<hbm>>
        %dma_wait3A_93 = arith.constant 4424 : i32
        %dma_wait3A_94 = arith.constant 0 : i32
        %dma_wait3A_95 = tpu.memref_slice %arg7[%dma_wait3A_93, %dma_wait3A_94] : memref<10112x128xf32, #tpu.memory_space<vmem_shared>> -> memref<632x128xf32, #tpu.memory_space<vmem_shared>>
        tpu.wait_dma2 semaphore(%run_scoped3A : memref<!tpu.dma_semaphore, #tpu.memory_space<semaphore_mem>>) src(%dma_wait3A_95 : memref<632x128xf32, #tpu.memory_space<vmem_shared>>) dst(%dma_wait3A_92 : memref<632x128xf32, #tpu.memory_space<hbm>>)
        tpu.yield
      }) : () -> ()
    } else {
    }
    %eq3A_44 = arith.constant 8 : i32
    %eq3A_45 = arith.cmpi eq, %arg1, %eq3A_44 : i32
    %convert_element_type3A_46 = arith.extui %eq3A_45 : i1 to i32
    %cond3A_47 = arith.constant 0 : i32
    %cond3A_48 = arith.cmpi ne, %convert_element_type3A_46, %cond3A_47 : i32
    scf.if %cond3A_48 {
      "tpu.region"() ({
        %run_scoped3A = tpu.sem_alloc : memref<!tpu.dma_semaphore, #tpu.memory_space<semaphore_mem>>
        %dma_start3A = arith.constant 5056 : i32
        %dma_start3A_84 = arith.constant 0 : i32
        %dma_start3A_85 = tpu.memref_slice %arg6[%arg0, %dma_start3A, %dma_start3A_84] : memref<2x10000x128xf32, #tpu.memory_space<hbm>> -> memref<1x632x128xf32, #tpu.memory_space<hbm>>
        %dma_start3A_86 = tpu.memref_squeeze %dma_start3A_85 : memref<1x632x128xf32, #tpu.memory_space<hbm>> -> memref<632x128xf32, #tpu.memory_space<hbm>>
        %dma_start3A_87 = arith.constant 5056 : i32
        %dma_start3A_88 = arith.constant 0 : i32
        %dma_start3A_89 = tpu.memref_slice %arg7[%dma_start3A_87, %dma_start3A_88] : memref<10112x128xf32, #tpu.memory_space<vmem_shared>> -> memref<632x128xf32, #tpu.memory_space<vmem_shared>>
        tpu.enqueue_dma source(%dma_start3A_89 : memref<632x128xf32, #tpu.memory_space<vmem_shared>>) target(%dma_start3A_86 : memref<632x128xf32, #tpu.memory_space<hbm>>) target_semaphore(%run_scoped3A : memref<!tpu.dma_semaphore, #tpu.memory_space<semaphore_mem>>)
        %dma_wait3A = arith.constant 5056 : i32
        %dma_wait3A_90 = arith.constant 0 : i32
        %dma_wait3A_91 = tpu.memref_slice %arg6[%arg0, %dma_wait3A, %dma_wait3A_90] : memref<2x10000x128xf32, #tpu.memory_space<hbm>> -> memref<1x632x128xf32, #tpu.memory_space<hbm>>
        %dma_wait3A_92 = tpu.memref_squeeze %dma_wait3A_91 : memref<1x632x128xf32, #tpu.memory_space<hbm>> -> memref<632x128xf32, #tpu.memory_space<hbm>>
        %dma_wait3A_93 = arith.constant 5056 : i32
        %dma_wait3A_94 = arith.constant 0 : i32
        %dma_wait3A_95 = tpu.memref_slice %arg7[%dma_wait3A_93, %dma_wait3A_94] : memref<10112x128xf32, #tpu.memory_space<vmem_shared>> -> memref<632x128xf32, #tpu.memory_space<vmem_shared>>
        tpu.wait_dma2 semaphore(%run_scoped3A : memref<!tpu.dma_semaphore, #tpu.memory_space<semaphore_mem>>) src(%dma_wait3A_95 : memref<632x128xf32, #tpu.memory_space<vmem_shared>>) dst(%dma_wait3A_92 : memref<632x128xf32, #tpu.memory_space<hbm>>)
        tpu.yield
      }) : () -> ()
    } else {
    }
    %eq3A_49 = arith.constant 9 : i32
    %eq3A_50 = arith.cmpi eq, %arg1, %eq3A_49 : i32
    %convert_element_type3A_51 = arith.extui %eq3A_50 : i1 to i32
    %cond3A_52 = arith.constant 0 : i32
    %cond3A_53 = arith.cmpi ne, %convert_element_type3A_51, %cond3A_52 : i32
    scf.if %cond3A_53 {
      "tpu.region"() ({
        %run_scoped3A = tpu.sem_alloc : memref<!tpu.dma_semaphore, #tpu.memory_space<semaphore_mem>>
        %dma_start3A = arith.constant 5688 : i32
        %dma_start3A_84 = arith.constant 0 : i32
        %dma_start3A_85 = tpu.memref_slice %arg6[%arg0, %dma_start3A, %dma_start3A_84] : memref<2x10000x128xf32, #tpu.memory_space<hbm>> -> memref<1x632x128xf32, #tpu.memory_space<hbm>>
        %dma_start3A_86 = tpu.memref_squeeze %dma_start3A_85 : memref<1x632x128xf32, #tpu.memory_space<hbm>> -> memref<632x128xf32, #tpu.memory_space<hbm>>
        %dma_start3A_87 = arith.constant 5688 : i32
        %dma_start3A_88 = arith.constant 0 : i32
        %dma_start3A_89 = tpu.memref_slice %arg7[%dma_start3A_87, %dma_start3A_88] : memref<10112x128xf32, #tpu.memory_space<vmem_shared>> -> memref<632x128xf32, #tpu.memory_space<vmem_shared>>
        tpu.enqueue_dma source(%dma_start3A_89 : memref<632x128xf32, #tpu.memory_space<vmem_shared>>) target(%dma_start3A_86 : memref<632x128xf32, #tpu.memory_space<hbm>>) target_semaphore(%run_scoped3A : memref<!tpu.dma_semaphore, #tpu.memory_space<semaphore_mem>>)
        %dma_wait3A = arith.constant 5688 : i32
        %dma_wait3A_90 = arith.constant 0 : i32
        %dma_wait3A_91 = tpu.memref_slice %arg6[%arg0, %dma_wait3A, %dma_wait3A_90] : memref<2x10000x128xf32, #tpu.memory_space<hbm>> -> memref<1x632x128xf32, #tpu.memory_space<hbm>>
        %dma_wait3A_92 = tpu.memref_squeeze %dma_wait3A_91 : memref<1x632x128xf32, #tpu.memory_space<hbm>> -> memref<632x128xf32, #tpu.memory_space<hbm>>
        %dma_wait3A_93 = arith.constant 5688 : i32
        %dma_wait3A_94 = arith.constant 0 : i32
        %dma_wait3A_95 = tpu.memref_slice %arg7[%dma_wait3A_93, %dma_wait3A_94] : memref<10112x128xf32, #tpu.memory_space<vmem_shared>> -> memref<632x128xf32, #tpu.memory_space<vmem_shared>>
        tpu.wait_dma2 semaphore(%run_scoped3A : memref<!tpu.dma_semaphore, #tpu.memory_space<semaphore_mem>>) src(%dma_wait3A_95 : memref<632x128xf32, #tpu.memory_space<vmem_shared>>) dst(%dma_wait3A_92 : memref<632x128xf32, #tpu.memory_space<hbm>>)
        tpu.yield
      }) : () -> ()
    } else {
    }
    %eq3A_54 = arith.constant 10 : i32
    %eq3A_55 = arith.cmpi eq, %arg1, %eq3A_54 : i32
    %convert_element_type3A_56 = arith.extui %eq3A_55 : i1 to i32
    %cond3A_57 = arith.constant 0 : i32
    %cond3A_58 = arith.cmpi ne, %convert_element_type3A_56, %cond3A_57 : i32
    scf.if %cond3A_58 {
      "tpu.region"() ({
        %run_scoped3A = tpu.sem_alloc : memref<!tpu.dma_semaphore, #tpu.memory_space<semaphore_mem>>
        %dma_start3A = arith.constant 6320 : i32
        %dma_start3A_84 = arith.constant 0 : i32
        %dma_start3A_85 = tpu.memref_slice %arg6[%arg0, %dma_start3A, %dma_start3A_84] : memref<2x10000x128xf32, #tpu.memory_space<hbm>> -> memref<1x632x128xf32, #tpu.memory_space<hbm>>
        %dma_start3A_86 = tpu.memref_squeeze %dma_start3A_85 : memref<1x632x128xf32, #tpu.memory_space<hbm>> -> memref<632x128xf32, #tpu.memory_space<hbm>>
        %dma_start3A_87 = arith.constant 6320 : i32
        %dma_start3A_88 = arith.constant 0 : i32
        %dma_start3A_89 = tpu.memref_slice %arg7[%dma_start3A_87, %dma_start3A_88] : memref<10112x128xf32, #tpu.memory_space<vmem_shared>> -> memref<632x128xf32, #tpu.memory_space<vmem_shared>>
        tpu.enqueue_dma source(%dma_start3A_89 : memref<632x128xf32, #tpu.memory_space<vmem_shared>>) target(%dma_start3A_86 : memref<632x128xf32, #tpu.memory_space<hbm>>) target_semaphore(%run_scoped3A : memref<!tpu.dma_semaphore, #tpu.memory_space<semaphore_mem>>)
        %dma_wait3A = arith.constant 6320 : i32
        %dma_wait3A_90 = arith.constant 0 : i32
        %dma_wait3A_91 = tpu.memref_slice %arg6[%arg0, %dma_wait3A, %dma_wait3A_90] : memref<2x10000x128xf32, #tpu.memory_space<hbm>> -> memref<1x632x128xf32, #tpu.memory_space<hbm>>
        %dma_wait3A_92 = tpu.memref_squeeze %dma_wait3A_91 : memref<1x632x128xf32, #tpu.memory_space<hbm>> -> memref<632x128xf32, #tpu.memory_space<hbm>>
        %dma_wait3A_93 = arith.constant 6320 : i32
        %dma_wait3A_94 = arith.constant 0 : i32
        %dma_wait3A_95 = tpu.memref_slice %arg7[%dma_wait3A_93, %dma_wait3A_94] : memref<10112x128xf32, #tpu.memory_space<vmem_shared>> -> memref<632x128xf32, #tpu.memory_space<vmem_shared>>
        tpu.wait_dma2 semaphore(%run_scoped3A : memref<!tpu.dma_semaphore, #tpu.memory_space<semaphore_mem>>) src(%dma_wait3A_95 : memref<632x128xf32, #tpu.memory_space<vmem_shared>>) dst(%dma_wait3A_92 : memref<632x128xf32, #tpu.memory_space<hbm>>)
        tpu.yield
      }) : () -> ()
    } else {
    }
    %eq3A_59 = arith.constant 11 : i32
    %eq3A_60 = arith.cmpi eq, %arg1, %eq3A_59 : i32
    %convert_element_type3A_61 = arith.extui %eq3A_60 : i1 to i32
    %cond3A_62 = arith.constant 0 : i32
    %cond3A_63 = arith.cmpi ne, %convert_element_type3A_61, %cond3A_62 : i32
    scf.if %cond3A_63 {
      "tpu.region"() ({
        %run_scoped3A = tpu.sem_alloc : memref<!tpu.dma_semaphore, #tpu.memory_space<semaphore_mem>>
        %dma_start3A = arith.constant 6952 : i32
        %dma_start3A_84 = arith.constant 0 : i32
        %dma_start3A_85 = tpu.memref_slice %arg6[%arg0, %dma_start3A, %dma_start3A_84] : memref<2x10000x128xf32, #tpu.memory_space<hbm>> -> memref<1x632x128xf32, #tpu.memory_space<hbm>>
        %dma_start3A_86 = tpu.memref_squeeze %dma_start3A_85 : memref<1x632x128xf32, #tpu.memory_space<hbm>> -> memref<632x128xf32, #tpu.memory_space<hbm>>
        %dma_start3A_87 = arith.constant 6952 : i32
        %dma_start3A_88 = arith.constant 0 : i32
        %dma_start3A_89 = tpu.memref_slice %arg7[%dma_start3A_87, %dma_start3A_88] : memref<10112x128xf32, #tpu.memory_space<vmem_shared>> -> memref<632x128xf32, #tpu.memory_space<vmem_shared>>
        tpu.enqueue_dma source(%dma_start3A_89 : memref<632x128xf32, #tpu.memory_space<vmem_shared>>) target(%dma_start3A_86 : memref<632x128xf32, #tpu.memory_space<hbm>>) target_semaphore(%run_scoped3A : memref<!tpu.dma_semaphore, #tpu.memory_space<semaphore_mem>>)
        %dma_wait3A = arith.constant 6952 : i32
        %dma_wait3A_90 = arith.constant 0 : i32
        %dma_wait3A_91 = tpu.memref_slice %arg6[%arg0, %dma_wait3A, %dma_wait3A_90] : memref<2x10000x128xf32, #tpu.memory_space<hbm>> -> memref<1x632x128xf32, #tpu.memory_space<hbm>>
        %dma_wait3A_92 = tpu.memref_squeeze %dma_wait3A_91 : memref<1x632x128xf32, #tpu.memory_space<hbm>> -> memref<632x128xf32, #tpu.memory_space<hbm>>
        %dma_wait3A_93 = arith.constant 6952 : i32
        %dma_wait3A_94 = arith.constant 0 : i32
        %dma_wait3A_95 = tpu.memref_slice %arg7[%dma_wait3A_93, %dma_wait3A_94] : memref<10112x128xf32, #tpu.memory_space<vmem_shared>> -> memref<632x128xf32, #tpu.memory_space<vmem_shared>>
        tpu.wait_dma2 semaphore(%run_scoped3A : memref<!tpu.dma_semaphore, #tpu.memory_space<semaphore_mem>>) src(%dma_wait3A_95 : memref<632x128xf32, #tpu.memory_space<vmem_shared>>) dst(%dma_wait3A_92 : memref<632x128xf32, #tpu.memory_space<hbm>>)
        tpu.yield
      }) : () -> ()
    } else {
    }
    %eq3A_64 = arith.constant 12 : i32
    %eq3A_65 = arith.cmpi eq, %arg1, %eq3A_64 : i32
    %convert_element_type3A_66 = arith.extui %eq3A_65 : i1 to i32
    %cond3A_67 = arith.constant 0 : i32
    %cond3A_68 = arith.cmpi ne, %convert_element_type3A_66, %cond3A_67 : i32
    scf.if %cond3A_68 {
      "tpu.region"() ({
        %run_scoped3A = tpu.sem_alloc : memref<!tpu.dma_semaphore, #tpu.memory_space<semaphore_mem>>
        %dma_start3A = arith.constant 7584 : i32
        %dma_start3A_84 = arith.constant 0 : i32
        %dma_start3A_85 = tpu.memref_slice %arg6[%arg0, %dma_start3A, %dma_start3A_84] : memref<2x10000x128xf32, #tpu.memory_space<hbm>> -> memref<1x632x128xf32, #tpu.memory_space<hbm>>
        %dma_start3A_86 = tpu.memref_squeeze %dma_start3A_85 : memref<1x632x128xf32, #tpu.memory_space<hbm>> -> memref<632x128xf32, #tpu.memory_space<hbm>>
        %dma_start3A_87 = arith.constant 7584 : i32
        %dma_start3A_88 = arith.constant 0 : i32
        %dma_start3A_89 = tpu.memref_slice %arg7[%dma_start3A_87, %dma_start3A_88] : memref<10112x128xf32, #tpu.memory_space<vmem_shared>> -> memref<632x128xf32, #tpu.memory_space<vmem_shared>>
        tpu.enqueue_dma source(%dma_start3A_89 : memref<632x128xf32, #tpu.memory_space<vmem_shared>>) target(%dma_start3A_86 : memref<632x128xf32, #tpu.memory_space<hbm>>) target_semaphore(%run_scoped3A : memref<!tpu.dma_semaphore, #tpu.memory_space<semaphore_mem>>)
        %dma_wait3A = arith.constant 7584 : i32
        %dma_wait3A_90 = arith.constant 0 : i32
        %dma_wait3A_91 = tpu.memref_slice %arg6[%arg0, %dma_wait3A, %dma_wait3A_90] : memref<2x10000x128xf32, #tpu.memory_space<hbm>> -> memref<1x632x128xf32, #tpu.memory_space<hbm>>
        %dma_wait3A_92 = tpu.memref_squeeze %dma_wait3A_91 : memref<1x632x128xf32, #tpu.memory_space<hbm>> -> memref<632x128xf32, #tpu.memory_space<hbm>>
        %dma_wait3A_93 = arith.constant 7584 : i32
        %dma_wait3A_94 = arith.constant 0 : i32
        %dma_wait3A_95 = tpu.memref_slice %arg7[%dma_wait3A_93, %dma_wait3A_94] : memref<10112x128xf32, #tpu.memory_space<vmem_shared>> -> memref<632x128xf32, #tpu.memory_space<vmem_shared>>
        tpu.wait_dma2 semaphore(%run_scoped3A : memref<!tpu.dma_semaphore, #tpu.memory_space<semaphore_mem>>) src(%dma_wait3A_95 : memref<632x128xf32, #tpu.memory_space<vmem_shared>>) dst(%dma_wait3A_92 : memref<632x128xf32, #tpu.memory_space<hbm>>)
        tpu.yield
      }) : () -> ()
    } else {
    }
    %eq3A_69 = arith.constant 13 : i32
    %eq3A_70 = arith.cmpi eq, %arg1, %eq3A_69 : i32
    %convert_element_type3A_71 = arith.extui %eq3A_70 : i1 to i32
    %cond3A_72 = arith.constant 0 : i32
    %cond3A_73 = arith.cmpi ne, %convert_element_type3A_71, %cond3A_72 : i32
    scf.if %cond3A_73 {
      "tpu.region"() ({
        %run_scoped3A = tpu.sem_alloc : memref<!tpu.dma_semaphore, #tpu.memory_space<semaphore_mem>>
        %dma_start3A = arith.constant 8216 : i32
        %dma_start3A_84 = arith.constant 0 : i32
        %dma_start3A_85 = tpu.memref_slice %arg6[%arg0, %dma_start3A, %dma_start3A_84] : memref<2x10000x128xf32, #tpu.memory_space<hbm>> -> memref<1x632x128xf32, #tpu.memory_space<hbm>>
        %dma_start3A_86 = tpu.memref_squeeze %dma_start3A_85 : memref<1x632x128xf32, #tpu.memory_space<hbm>> -> memref<632x128xf32, #tpu.memory_space<hbm>>
        %dma_start3A_87 = arith.constant 8216 : i32
        %dma_start3A_88 = arith.constant 0 : i32
        %dma_start3A_89 = tpu.memref_slice %arg7[%dma_start3A_87, %dma_start3A_88] : memref<10112x128xf32, #tpu.memory_space<vmem_shared>> -> memref<632x128xf32, #tpu.memory_space<vmem_shared>>
        tpu.enqueue_dma source(%dma_start3A_89 : memref<632x128xf32, #tpu.memory_space<vmem_shared>>) target(%dma_start3A_86 : memref<632x128xf32, #tpu.memory_space<hbm>>) target_semaphore(%run_scoped3A : memref<!tpu.dma_semaphore, #tpu.memory_space<semaphore_mem>>)
        %dma_wait3A = arith.constant 8216 : i32
        %dma_wait3A_90 = arith.constant 0 : i32
        %dma_wait3A_91 = tpu.memref_slice %arg6[%arg0, %dma_wait3A, %dma_wait3A_90] : memref<2x10000x128xf32, #tpu.memory_space<hbm>> -> memref<1x632x128xf32, #tpu.memory_space<hbm>>
        %dma_wait3A_92 = tpu.memref_squeeze %dma_wait3A_91 : memref<1x632x128xf32, #tpu.memory_space<hbm>> -> memref<632x128xf32, #tpu.memory_space<hbm>>
        %dma_wait3A_93 = arith.constant 8216 : i32
        %dma_wait3A_94 = arith.constant 0 : i32
        %dma_wait3A_95 = tpu.memref_slice %arg7[%dma_wait3A_93, %dma_wait3A_94] : memref<10112x128xf32, #tpu.memory_space<vmem_shared>> -> memref<632x128xf32, #tpu.memory_space<vmem_shared>>
        tpu.wait_dma2 semaphore(%run_scoped3A : memref<!tpu.dma_semaphore, #tpu.memory_space<semaphore_mem>>) src(%dma_wait3A_95 : memref<632x128xf32, #tpu.memory_space<vmem_shared>>) dst(%dma_wait3A_92 : memref<632x128xf32, #tpu.memory_space<hbm>>)
        tpu.yield
      }) : () -> ()
    } else {
    }
    %eq3A_74 = arith.constant 14 : i32
    %eq3A_75 = arith.cmpi eq, %arg1, %eq3A_74 : i32
    %convert_element_type3A_76 = arith.extui %eq3A_75 : i1 to i32
    %cond3A_77 = arith.constant 0 : i32
    %cond3A_78 = arith.cmpi ne, %convert_element_type3A_76, %cond3A_77 : i32
    scf.if %cond3A_78 {
      "tpu.region"() ({
        %run_scoped3A = tpu.sem_alloc : memref<!tpu.dma_semaphore, #tpu.memory_space<semaphore_mem>>
        %dma_start3A = arith.constant 8848 : i32
        %dma_start3A_84 = arith.constant 0 : i32
        %dma_start3A_85 = tpu.memref_slice %arg6[%arg0, %dma_start3A, %dma_start3A_84] : memref<2x10000x128xf32, #tpu.memory_space<hbm>> -> memref<1x632x128xf32, #tpu.memory_space<hbm>>
        %dma_start3A_86 = tpu.memref_squeeze %dma_start3A_85 : memref<1x632x128xf32, #tpu.memory_space<hbm>> -> memref<632x128xf32, #tpu.memory_space<hbm>>
        %dma_start3A_87 = arith.constant 8848 : i32
        %dma_start3A_88 = arith.constant 0 : i32
        %dma_start3A_89 = tpu.memref_slice %arg7[%dma_start3A_87, %dma_start3A_88] : memref<10112x128xf32, #tpu.memory_space<vmem_shared>> -> memref<632x128xf32, #tpu.memory_space<vmem_shared>>
        tpu.enqueue_dma source(%dma_start3A_89 : memref<632x128xf32, #tpu.memory_space<vmem_shared>>) target(%dma_start3A_86 : memref<632x128xf32, #tpu.memory_space<hbm>>) target_semaphore(%run_scoped3A : memref<!tpu.dma_semaphore, #tpu.memory_space<semaphore_mem>>)
        %dma_wait3A = arith.constant 8848 : i32
        %dma_wait3A_90 = arith.constant 0 : i32
        %dma_wait3A_91 = tpu.memref_slice %arg6[%arg0, %dma_wait3A, %dma_wait3A_90] : memref<2x10000x128xf32, #tpu.memory_space<hbm>> -> memref<1x632x128xf32, #tpu.memory_space<hbm>>
        %dma_wait3A_92 = tpu.memref_squeeze %dma_wait3A_91 : memref<1x632x128xf32, #tpu.memory_space<hbm>> -> memref<632x128xf32, #tpu.memory_space<hbm>>
        %dma_wait3A_93 = arith.constant 8848 : i32
        %dma_wait3A_94 = arith.constant 0 : i32
        %dma_wait3A_95 = tpu.memref_slice %arg7[%dma_wait3A_93, %dma_wait3A_94] : memref<10112x128xf32, #tpu.memory_space<vmem_shared>> -> memref<632x128xf32, #tpu.memory_space<vmem_shared>>
        tpu.wait_dma2 semaphore(%run_scoped3A : memref<!tpu.dma_semaphore, #tpu.memory_space<semaphore_mem>>) src(%dma_wait3A_95 : memref<632x128xf32, #tpu.memory_space<vmem_shared>>) dst(%dma_wait3A_92 : memref<632x128xf32, #tpu.memory_space<hbm>>)
        tpu.yield
      }) : () -> ()
    } else {
    }
    %eq3A_79 = arith.constant 15 : i32
    %eq3A_80 = arith.cmpi eq, %arg1, %eq3A_79 : i32
    %convert_element_type3A_81 = arith.extui %eq3A_80 : i1 to i32
    %cond3A_82 = arith.constant 0 : i32
    %cond3A_83 = arith.cmpi ne, %convert_element_type3A_81, %cond3A_82 : i32
    scf.if %cond3A_83 {
      "tpu.region"() ({
        %run_scoped3A = tpu.sem_alloc : memref<!tpu.dma_semaphore, #tpu.memory_space<semaphore_mem>>
        %dma_start3A = arith.constant 9480 : i32
        %dma_start3A_84 = arith.constant 0 : i32
        %dma_start3A_85 = tpu.memref_slice %arg6[%arg0, %dma_start3A, %dma_start3A_84] : memref<2x10000x128xf32, #tpu.memory_space<hbm>> -> memref<1x520x128xf32, #tpu.memory_space<hbm>>
        %dma_start3A_86 = tpu.memref_squeeze %dma_start3A_85 : memref<1x520x128xf32, #tpu.memory_space<hbm>> -> memref<520x128xf32, #tpu.memory_space<hbm>>
        %dma_start3A_87 = arith.constant 9480 : i32
        %dma_start3A_88 = arith.constant 0 : i32
        %dma_start3A_89 = tpu.memref_slice %arg7[%dma_start3A_87, %dma_start3A_88] : memref<10112x128xf32, #tpu.memory_space<vmem_shared>> -> memref<520x128xf32, #tpu.memory_space<vmem_shared>>
        tpu.enqueue_dma source(%dma_start3A_89 : memref<520x128xf32, #tpu.memory_space<vmem_shared>>) target(%dma_start3A_86 : memref<520x128xf32, #tpu.memory_space<hbm>>) target_semaphore(%run_scoped3A : memref<!tpu.dma_semaphore, #tpu.memory_space<semaphore_mem>>)
        %dma_wait3A = arith.constant 9480 : i32
        %dma_wait3A_90 = arith.constant 0 : i32
        %dma_wait3A_91 = tpu.memref_slice %arg6[%arg0, %dma_wait3A, %dma_wait3A_90] : memref<2x10000x128xf32, #tpu.memory_space<hbm>> -> memref<1x520x128xf32, #tpu.memory_space<hbm>>
        %dma_wait3A_92 = tpu.memref_squeeze %dma_wait3A_91 : memref<1x520x128xf32, #tpu.memory_space<hbm>> -> memref<520x128xf32, #tpu.memory_space<hbm>>
        %dma_wait3A_93 = arith.constant 9480 : i32
        %dma_wait3A_94 = arith.constant 0 : i32
        %dma_wait3A_95 = tpu.memref_slice %arg7[%dma_wait3A_93, %dma_wait3A_94] : memref<10112x128xf32, #tpu.memory_space<vmem_shared>> -> memref<520x128xf32, #tpu.memory_space<vmem_shared>>
        tpu.wait_dma2 semaphore(%run_scoped3A : memref<!tpu.dma_semaphore, #tpu.memory_space<semaphore_mem>>) src(%dma_wait3A_95 : memref<520x128xf32, #tpu.memory_space<vmem_shared>>) dst(%dma_wait3A_92 : memref<520x128xf32, #tpu.memory_space<hbm>>)
        tpu.yield
      }) : () -> ()
    } else {
    }
    return
  }
}

#map = affine_map<(d0, d1) -> (0, 0)>
#map1 = affine_map<(d0, d1) -> (0, 0, 0, 0)>
#map2 = affine_map<(d0, d1) -> (0, 0, 0)>
module attributes {stable_mosaic.version = 14 : i64} {
  func.func @agg1(%arg0: i32, %arg1: i32, %arg2: memref<10000x128xf32, #tpu.memory_space<hbm>>, %arg3: memref<32x5x25x80xi32, #tpu.memory_space<hbm>>, %arg4: memref<32x5x25x80xi32, #tpu.memory_space<hbm>>, %arg5: memref<632x128xf32, #tpu.memory_space<hbm>>, %arg6: memref<80x128xf32, #tpu.memory_space<hbm>>, %arg7: memref<2x10000x128xf32, #tpu.memory_space<hbm>>, %arg8: memref<2x10000x128xf32, #tpu.memory_space<hbm>>, %arg9: memref<10112x128xf32, #tpu.memory_space<vmem_shared>>, %arg10: memref<25x80xi32, #tpu.memory_space<vmem>>, %arg11: memref<25x80xi32, #tpu.memory_space<vmem>>, %arg12: memref<80x128xf32, #tpu.memory_space<vmem>>, %arg13: memref<80x128xf32, #tpu.memory_space<vmem>>, %arg14: memref<80x128xf32, #tpu.memory_space<vmem>>, %arg15: memref<!tpu.dma_semaphore, #tpu.memory_space<semaphore_mem>>, %arg16: memref<!tpu.dma_semaphore, #tpu.memory_space<semaphore_mem>>) attributes {dimension_semantics = [#tpu.dimension_semantics<core_parallel>, #tpu.dimension_semantics<subcore_parallel>], iteration_bounds = array<i64: 2, 16>, scalar_prefetch = 0 : i64, scratch_operands = 8 : i64, tpu.core_type = #tpu.core_type<sc_vector_subcore>, window_params = [{transform_indices = #map}, {transform_indices = #map1}, {transform_indices = #map1}, {transform_indices = #map}, {transform_indices = #map}, {transform_indices = #map2}, {transform_indices = #map2}]} {
    %mul3A = arith.constant 2 : i32
    %mul3A_0 = arith.muli %arg1, %mul3A : i32
    %add3A = arith.addi %mul3A_0, %arg0 : i32
    %mul3A_1 = arith.constant 632 : i32
    %mul3A_2 = arith.muli %arg1, %mul3A_1 : i32
    %multiple_of3A = tpu.assume_multiple %mul3A_2, 8 : i32
    "tpu.region"() ({
      %run_scoped3A = tpu.sem_alloc : memref<!tpu.dma_semaphore, #tpu.memory_space<semaphore_mem>>
      %dma_start3A = arith.constant 0 : i32
      %dma_start3A_175 = tpu.memref_slice %arg9[%multiple_of3A, %dma_start3A] : memref<10112x128xf32, #tpu.memory_space<vmem_shared>> -> memref<632x128xf32, #tpu.memory_space<vmem_shared>>
      tpu.enqueue_dma source(%arg5 : memref<632x128xf32, #tpu.memory_space<hbm>>) target(%dma_start3A_175 : memref<632x128xf32, #tpu.memory_space<vmem_shared>>) target_semaphore(%run_scoped3A : memref<!tpu.dma_semaphore, #tpu.memory_space<semaphore_mem>>)
      %dma_wait3A = arith.constant 0 : i32
      %dma_wait3A_176 = tpu.memref_slice %arg9[%multiple_of3A, %dma_wait3A] : memref<10112x128xf32, #tpu.memory_space<vmem_shared>> -> memref<632x128xf32, #tpu.memory_space<vmem_shared>>
      tpu.wait_dma2 semaphore(%run_scoped3A : memref<!tpu.dma_semaphore, #tpu.memory_space<semaphore_mem>>) src(%arg5 : memref<632x128xf32, #tpu.memory_space<hbm>>) dst(%dma_wait3A_176 : memref<632x128xf32, #tpu.memory_space<vmem_shared>>)
      tpu.yield
    }) : () -> ()
    %barrier3A = arith.constant 0 : index
    tpu.barrier barrier_id(%barrier3A)
    %scan3A = arith.constant 0 : i32
    %scan3A_3 = arith.constant 0 : i32
    %scan3A_4 = arith.constant 5 : i32
    %scan3A_5 = arith.addi %scan3A_3, %scan3A_4 : i32
    %scan3A_6 = arith.constant 1 : i32
    scf.for %scan3A_175 = %scan3A_3 to %scan3A_5 step %scan3A_6  : i32 {
      "tpu.region"() ({
        %run_scoped3A = tpu.sem_alloc : memref<!tpu.dma_semaphore, #tpu.memory_space<semaphore_mem>>
        %dma_start3A_201 = arith.constant 0 : i32
        %dma_start3A_202 = arith.constant 0 : i32
        %dma_start3A_203 = tpu.memref_slice %arg3[%add3A, %scan3A_175, %dma_start3A_201, %dma_start3A_202] : memref<32x5x25x80xi32, #tpu.memory_space<hbm>> -> memref<1x1x25x80xi32, #tpu.memory_space<hbm>>
        %dma_start3A_204 = tpu.memref_squeeze %dma_start3A_203 : memref<1x1x25x80xi32, #tpu.memory_space<hbm>> -> memref<25x80xi32, #tpu.memory_space<hbm>>
        %dma_start3A_205 = arith.constant 0 : i32
        %dma_start3A_206 = arith.constant 0 : i32
        %dma_start3A_207 = tpu.memref_slice %arg3[%add3A, %scan3A_175, %dma_start3A_205, %dma_start3A_206] : memref<32x5x25x80xi32, #tpu.memory_space<hbm>> -> memref<1x1x25x80xi32, #tpu.memory_space<hbm>>
        %dma_start3A_208 = tpu.memref_squeeze %dma_start3A_207 : memref<1x1x25x80xi32, #tpu.memory_space<hbm>> -> memref<25x80xi32, #tpu.memory_space<hbm>>
        tpu.enqueue_dma source(%dma_start3A_208 : memref<25x80xi32, #tpu.memory_space<hbm>>) target(%arg10 : memref<25x80xi32, #tpu.memory_space<vmem>>) target_semaphore(%run_scoped3A : memref<!tpu.dma_semaphore, #tpu.memory_space<semaphore_mem>>)
        %dma_wait3A_209 = arith.constant 0 : i32
        %dma_wait3A_210 = arith.constant 0 : i32
        %dma_wait3A_211 = tpu.memref_slice %arg3[%add3A, %scan3A_175, %dma_wait3A_209, %dma_wait3A_210] : memref<32x5x25x80xi32, #tpu.memory_space<hbm>> -> memref<1x1x25x80xi32, #tpu.memory_space<hbm>>
        %dma_wait3A_212 = tpu.memref_squeeze %dma_wait3A_211 : memref<1x1x25x80xi32, #tpu.memory_space<hbm>> -> memref<25x80xi32, #tpu.memory_space<hbm>>
        %dma_wait3A_213 = arith.constant 0 : i32
        %dma_wait3A_214 = arith.constant 0 : i32
        %dma_wait3A_215 = tpu.memref_slice %arg3[%add3A, %scan3A_175, %dma_wait3A_213, %dma_wait3A_214] : memref<32x5x25x80xi32, #tpu.memory_space<hbm>> -> memref<1x1x25x80xi32, #tpu.memory_space<hbm>>
        %dma_wait3A_216 = tpu.memref_squeeze %dma_wait3A_215 : memref<1x1x25x80xi32, #tpu.memory_space<hbm>> -> memref<25x80xi32, #tpu.memory_space<hbm>>
        tpu.wait_dma2 semaphore(%run_scoped3A : memref<!tpu.dma_semaphore, #tpu.memory_space<semaphore_mem>>) src(%dma_wait3A_216 : memref<25x80xi32, #tpu.memory_space<hbm>>) dst(%arg10 : memref<25x80xi32, #tpu.memory_space<vmem>>)
        tpu.yield
      }) : () -> ()
      "tpu.region"() ({
        %run_scoped3A = tpu.sem_alloc : memref<!tpu.dma_semaphore, #tpu.memory_space<semaphore_mem>>
        %dma_start3A_201 = arith.constant 0 : i32
        %dma_start3A_202 = arith.constant 0 : i32
        %dma_start3A_203 = tpu.memref_slice %arg4[%add3A, %scan3A_175, %dma_start3A_201, %dma_start3A_202] : memref<32x5x25x80xi32, #tpu.memory_space<hbm>> -> memref<1x1x25x80xi32, #tpu.memory_space<hbm>>
        %dma_start3A_204 = tpu.memref_squeeze %dma_start3A_203 : memref<1x1x25x80xi32, #tpu.memory_space<hbm>> -> memref<25x80xi32, #tpu.memory_space<hbm>>
        %dma_start3A_205 = arith.constant 0 : i32
        %dma_start3A_206 = arith.constant 0 : i32
        %dma_start3A_207 = tpu.memref_slice %arg4[%add3A, %scan3A_175, %dma_start3A_205, %dma_start3A_206] : memref<32x5x25x80xi32, #tpu.memory_space<hbm>> -> memref<1x1x25x80xi32, #tpu.memory_space<hbm>>
        %dma_start3A_208 = tpu.memref_squeeze %dma_start3A_207 : memref<1x1x25x80xi32, #tpu.memory_space<hbm>> -> memref<25x80xi32, #tpu.memory_space<hbm>>
        tpu.enqueue_dma source(%dma_start3A_208 : memref<25x80xi32, #tpu.memory_space<hbm>>) target(%arg11 : memref<25x80xi32, #tpu.memory_space<vmem>>) target_semaphore(%run_scoped3A : memref<!tpu.dma_semaphore, #tpu.memory_space<semaphore_mem>>)
        %dma_wait3A_209 = arith.constant 0 : i32
        %dma_wait3A_210 = arith.constant 0 : i32
        %dma_wait3A_211 = tpu.memref_slice %arg4[%add3A, %scan3A_175, %dma_wait3A_209, %dma_wait3A_210] : memref<32x5x25x80xi32, #tpu.memory_space<hbm>> -> memref<1x1x25x80xi32, #tpu.memory_space<hbm>>
        %dma_wait3A_212 = tpu.memref_squeeze %dma_wait3A_211 : memref<1x1x25x80xi32, #tpu.memory_space<hbm>> -> memref<25x80xi32, #tpu.memory_space<hbm>>
        %dma_wait3A_213 = arith.constant 0 : i32
        %dma_wait3A_214 = arith.constant 0 : i32
        %dma_wait3A_215 = tpu.memref_slice %arg4[%add3A, %scan3A_175, %dma_wait3A_213, %dma_wait3A_214] : memref<32x5x25x80xi32, #tpu.memory_space<hbm>> -> memref<1x1x25x80xi32, #tpu.memory_space<hbm>>
        %dma_wait3A_216 = tpu.memref_squeeze %dma_wait3A_215 : memref<1x1x25x80xi32, #tpu.memory_space<hbm>> -> memref<25x80xi32, #tpu.memory_space<hbm>>
        tpu.wait_dma2 semaphore(%run_scoped3A : memref<!tpu.dma_semaphore, #tpu.memory_space<semaphore_mem>>) src(%dma_wait3A_216 : memref<25x80xi32, #tpu.memory_space<hbm>>) dst(%arg11 : memref<25x80xi32, #tpu.memory_space<vmem>>)
        tpu.yield
      }) : () -> ()
      %dma_start3A = arith.constant 0 : i32
      %dma_start3A_176 = arith.constant 0 : i32
      %dma_start3A_177 = tpu.memref_slice %arg10[%dma_start3A, %dma_start3A_176] : memref<25x80xi32, #tpu.memory_space<vmem>> -> memref<1x80xi32, #tpu.memory_space<vmem>>
      %dma_start3A_178 = tpu.memref_squeeze %dma_start3A_177 : memref<1x80xi32, #tpu.memory_space<vmem>> -> memref<80xi32, #tpu.memory_space<vmem>>
      %dma_start3A_179 = arith.constant 0 : i32
      %dma_start3A_180 = arith.constant 0 : i32
      %dma_start3A_181 = tpu.memref_slice %arg2[%dma_start3A_179, %dma_start3A_180] : memref<10000x128xf32, #tpu.memory_space<hbm>> -> memref<10000x128xf32, #tpu.memory_space<hbm>>
      tpu.enqueue_indirect_dma source(%dma_start3A_181 : memref<10000x128xf32, #tpu.memory_space<hbm>>) target(%arg12 : memref<80x128xf32, #tpu.memory_space<vmem>>) offsets(%dma_start3A_178 : memref<80xi32, #tpu.memory_space<vmem>>) semaphore(%arg15 : memref<!tpu.dma_semaphore, #tpu.memory_space<semaphore_mem>>)
      %dma_start3A_182 = arith.constant 1 : i32
      %dma_start3A_183 = arith.constant 0 : i32
      %dma_start3A_184 = tpu.memref_slice %arg10[%dma_start3A_182, %dma_start3A_183] : memref<25x80xi32, #tpu.memory_space<vmem>> -> memref<1x80xi32, #tpu.memory_space<vmem>>
      %dma_start3A_185 = tpu.memref_squeeze %dma_start3A_184 : memref<1x80xi32, #tpu.memory_space<vmem>> -> memref<80xi32, #tpu.memory_space<vmem>>
      %dma_start3A_186 = arith.constant 0 : i32
      %dma_start3A_187 = arith.constant 0 : i32
      %dma_start3A_188 = tpu.memref_slice %arg2[%dma_start3A_186, %dma_start3A_187] : memref<10000x128xf32, #tpu.memory_space<hbm>> -> memref<10000x128xf32, #tpu.memory_space<hbm>>
      tpu.enqueue_indirect_dma source(%dma_start3A_188 : memref<10000x128xf32, #tpu.memory_space<hbm>>) target(%arg13 : memref<80x128xf32, #tpu.memory_space<vmem>>) offsets(%dma_start3A_185 : memref<80xi32, #tpu.memory_space<vmem>>) semaphore(%arg15 : memref<!tpu.dma_semaphore, #tpu.memory_space<semaphore_mem>>)
      %scan3A_189 = arith.constant 0 : i32
      %scan3A_190 = arith.constant 0 : i32
      %scan3A_191 = arith.constant 25 : i32
      %scan3A_192 = arith.addi %scan3A_190, %scan3A_191 : i32
      %scan3A_193 = arith.constant 1 : i32
      scf.for %scan3A_201 = %scan3A_190 to %scan3A_192 step %scan3A_193  : i32 {
        %dma_wait3A_202 = arith.constant 0 : i32
        %dma_wait3A_203 = arith.constant 0 : i32
        %dma_wait3A_204 = tpu.memref_slice %arg2[%dma_wait3A_202, %dma_wait3A_203] : memref<10000x128xf32, #tpu.memory_space<hbm>> -> memref<80x128xf32, #tpu.memory_space<hbm>>
        %dma_wait3A_205 = arith.constant 0 : i32
        %dma_wait3A_206 = arith.constant 0 : i32
        %dma_wait3A_207 = tpu.memref_slice %arg2[%dma_wait3A_205, %dma_wait3A_206] : memref<10000x128xf32, #tpu.memory_space<hbm>> -> memref<80x128xf32, #tpu.memory_space<hbm>>
        tpu.wait_dma2 semaphore(%arg15 : memref<!tpu.dma_semaphore, #tpu.memory_space<semaphore_mem>>) src(%dma_wait3A_207 : memref<80x128xf32, #tpu.memory_space<hbm>>) dst(%arg12 : memref<80x128xf32, #tpu.memory_space<vmem>>)
        %gt3A = arith.constant 0 : i32
        %gt3A_208 = arith.cmpi sgt, %scan3A_201, %gt3A : i32
        %convert_element_type3A_209 = arith.extui %gt3A_208 : i1 to i32
        %cond3A_210 = arith.constant 0 : i32
        %cond3A_211 = arith.cmpi ne, %convert_element_type3A_209, %cond3A_210 : i32
        scf.if %cond3A_211 {
          %dma_wait3A_238 = arith.constant 0 : i32
          %dma_wait3A_239 = arith.constant 0 : i32
          %dma_wait3A_240 = tpu.memref_slice %arg11[%dma_wait3A_238, %dma_wait3A_239] : memref<25x80xi32, #tpu.memory_space<vmem>> -> memref<1x80xi32, #tpu.memory_space<vmem>>
          %dma_wait3A_241 = tpu.memref_squeeze %dma_wait3A_240 : memref<1x80xi32, #tpu.memory_space<vmem>> -> memref<80xi32, #tpu.memory_space<vmem>>
          %dma_wait3A_242 = arith.constant 0 : i32
          %dma_wait3A_243 = arith.constant 0 : i32
          %dma_wait3A_244 = tpu.memref_slice %arg9[%dma_wait3A_242, %dma_wait3A_243] : memref<10112x128xf32, #tpu.memory_space<vmem_shared>> -> memref<10112x128xf32, #tpu.memory_space<vmem_shared>>
          tpu.wait_indirect_dma semaphore(%arg16 : memref<!tpu.dma_semaphore, #tpu.memory_space<semaphore_mem>>) src(%arg12 : memref<80x128xf32, #tpu.memory_space<vmem>>) dst(%dma_wait3A_244 : memref<10112x128xf32, #tpu.memory_space<vmem_shared>>)
        } else {
        }
        %add3A_212 = arith.constant 2 : i32
        %add3A_213 = arith.addi %scan3A_201, %add3A_212 : i32
        %lt3A = arith.constant 25 : i32
        %lt3A_214 = arith.cmpi slt, %add3A_213, %lt3A : i32
        %convert_element_type3A_215 = arith.extui %lt3A_214 : i1 to i32
        %cond3A_216 = arith.constant 0 : i32
        %cond3A_217 = arith.cmpi ne, %convert_element_type3A_215, %cond3A_216 : i32
        scf.if %cond3A_217 {
          %rem3A_238 = arith.constant 3 : i32
          %rem3A_239 = arith.remsi %scan3A_201, %rem3A_238 : i32
          %eq3A_240 = arith.constant 0 : i32
          %eq3A_241 = arith.cmpi eq, %rem3A_239, %eq3A_240 : i32
          %convert_element_type3A_242 = arith.extui %eq3A_241 : i1 to i32
          %cond3A_243 = arith.constant 0 : i32
          %cond3A_244 = arith.cmpi ne, %convert_element_type3A_242, %cond3A_243 : i32
          scf.if %cond3A_244 {
            %add3A_259 = arith.constant 2 : i32
            %add3A_260 = arith.addi %scan3A_201, %add3A_259 : i32
            %dma_start3A_261 = arith.constant 0 : i32
            %dma_start3A_262 = tpu.memref_slice %arg10[%add3A_260, %dma_start3A_261] : memref<25x80xi32, #tpu.memory_space<vmem>> -> memref<1x80xi32, #tpu.memory_space<vmem>>
            %dma_start3A_263 = tpu.memref_squeeze %dma_start3A_262 : memref<1x80xi32, #tpu.memory_space<vmem>> -> memref<80xi32, #tpu.memory_space<vmem>>
            %dma_start3A_264 = arith.constant 0 : i32
            %dma_start3A_265 = arith.constant 0 : i32
            %dma_start3A_266 = tpu.memref_slice %arg2[%dma_start3A_264, %dma_start3A_265] : memref<10000x128xf32, #tpu.memory_space<hbm>> -> memref<10000x128xf32, #tpu.memory_space<hbm>>
            tpu.enqueue_indirect_dma source(%dma_start3A_266 : memref<10000x128xf32, #tpu.memory_space<hbm>>) target(%arg14 : memref<80x128xf32, #tpu.memory_space<vmem>>) offsets(%dma_start3A_263 : memref<80xi32, #tpu.memory_space<vmem>>) semaphore(%arg15 : memref<!tpu.dma_semaphore, #tpu.memory_space<semaphore_mem>>)
          } else {
          }
          %rem3A_245 = arith.constant 3 : i32
          %rem3A_246 = arith.remsi %scan3A_201, %rem3A_245 : i32
          %eq3A_247 = arith.constant 1 : i32
          %eq3A_248 = arith.cmpi eq, %rem3A_246, %eq3A_247 : i32
          %convert_element_type3A_249 = arith.extui %eq3A_248 : i1 to i32
          %cond3A_250 = arith.constant 0 : i32
          %cond3A_251 = arith.cmpi ne, %convert_element_type3A_249, %cond3A_250 : i32
          scf.if %cond3A_251 {
            %add3A_259 = arith.constant 2 : i32
            %add3A_260 = arith.addi %scan3A_201, %add3A_259 : i32
            %dma_start3A_261 = arith.constant 0 : i32
            %dma_start3A_262 = tpu.memref_slice %arg10[%add3A_260, %dma_start3A_261] : memref<25x80xi32, #tpu.memory_space<vmem>> -> memref<1x80xi32, #tpu.memory_space<vmem>>
            %dma_start3A_263 = tpu.memref_squeeze %dma_start3A_262 : memref<1x80xi32, #tpu.memory_space<vmem>> -> memref<80xi32, #tpu.memory_space<vmem>>
            %dma_start3A_264 = arith.constant 0 : i32
            %dma_start3A_265 = arith.constant 0 : i32
            %dma_start3A_266 = tpu.memref_slice %arg2[%dma_start3A_264, %dma_start3A_265] : memref<10000x128xf32, #tpu.memory_space<hbm>> -> memref<10000x128xf32, #tpu.memory_space<hbm>>
            tpu.enqueue_indirect_dma source(%dma_start3A_266 : memref<10000x128xf32, #tpu.memory_space<hbm>>) target(%arg12 : memref<80x128xf32, #tpu.memory_space<vmem>>) offsets(%dma_start3A_263 : memref<80xi32, #tpu.memory_space<vmem>>) semaphore(%arg15 : memref<!tpu.dma_semaphore, #tpu.memory_space<semaphore_mem>>)
          } else {
          }
          %rem3A_252 = arith.constant 3 : i32
          %rem3A_253 = arith.remsi %scan3A_201, %rem3A_252 : i32
          %eq3A_254 = arith.constant 2 : i32
          %eq3A_255 = arith.cmpi eq, %rem3A_253, %eq3A_254 : i32
          %convert_element_type3A_256 = arith.extui %eq3A_255 : i1 to i32
          %cond3A_257 = arith.constant 0 : i32
          %cond3A_258 = arith.cmpi ne, %convert_element_type3A_256, %cond3A_257 : i32
          scf.if %cond3A_258 {
            %add3A_259 = arith.constant 2 : i32
            %add3A_260 = arith.addi %scan3A_201, %add3A_259 : i32
            %dma_start3A_261 = arith.constant 0 : i32
            %dma_start3A_262 = tpu.memref_slice %arg10[%add3A_260, %dma_start3A_261] : memref<25x80xi32, #tpu.memory_space<vmem>> -> memref<1x80xi32, #tpu.memory_space<vmem>>
            %dma_start3A_263 = tpu.memref_squeeze %dma_start3A_262 : memref<1x80xi32, #tpu.memory_space<vmem>> -> memref<80xi32, #tpu.memory_space<vmem>>
            %dma_start3A_264 = arith.constant 0 : i32
            %dma_start3A_265 = arith.constant 0 : i32
            %dma_start3A_266 = tpu.memref_slice %arg2[%dma_start3A_264, %dma_start3A_265] : memref<10000x128xf32, #tpu.memory_space<hbm>> -> memref<10000x128xf32, #tpu.memory_space<hbm>>
            tpu.enqueue_indirect_dma source(%dma_start3A_266 : memref<10000x128xf32, #tpu.memory_space<hbm>>) target(%arg13 : memref<80x128xf32, #tpu.memory_space<vmem>>) offsets(%dma_start3A_263 : memref<80xi32, #tpu.memory_space<vmem>>) semaphore(%arg15 : memref<!tpu.dma_semaphore, #tpu.memory_space<semaphore_mem>>)
          } else {
          }
        } else {
        }
        %rem3A = arith.constant 3 : i32
        %rem3A_218 = arith.remsi %scan3A_201, %rem3A : i32
        %eq3A_219 = arith.constant 0 : i32
        %eq3A_220 = arith.cmpi eq, %rem3A_218, %eq3A_219 : i32
        %convert_element_type3A_221 = arith.extui %eq3A_220 : i1 to i32
        %cond3A_222 = arith.constant 0 : i32
        %cond3A_223 = arith.cmpi ne, %convert_element_type3A_221, %cond3A_222 : i32
        scf.if %cond3A_223 {
          %dma_start3A_238 = arith.constant 0 : i32
          %dma_start3A_239 = tpu.memref_slice %arg11[%scan3A_201, %dma_start3A_238] : memref<25x80xi32, #tpu.memory_space<vmem>> -> memref<1x80xi32, #tpu.memory_space<vmem>>
          %dma_start3A_240 = tpu.memref_squeeze %dma_start3A_239 : memref<1x80xi32, #tpu.memory_space<vmem>> -> memref<80xi32, #tpu.memory_space<vmem>>
          %dma_start3A_241 = arith.constant 0 : i32
          %dma_start3A_242 = arith.constant 0 : i32
          %dma_start3A_243 = tpu.memref_slice %arg9[%dma_start3A_241, %dma_start3A_242] : memref<10112x128xf32, #tpu.memory_space<vmem_shared>> -> memref<10112x128xf32, #tpu.memory_space<vmem_shared>>
          tpu.enqueue_indirect_dma source(%arg12 : memref<80x128xf32, #tpu.memory_space<vmem>>) target(%dma_start3A_243 : memref<10112x128xf32, #tpu.memory_space<vmem_shared>>) offsets(%dma_start3A_240 : memref<80xi32, #tpu.memory_space<vmem>>) semaphore(%arg16 : memref<!tpu.dma_semaphore, #tpu.memory_space<semaphore_mem>>) {add = true}
        } else {
        }
        %rem3A_224 = arith.constant 3 : i32
        %rem3A_225 = arith.remsi %scan3A_201, %rem3A_224 : i32
        %eq3A_226 = arith.constant 1 : i32
        %eq3A_227 = arith.cmpi eq, %rem3A_225, %eq3A_226 : i32
        %convert_element_type3A_228 = arith.extui %eq3A_227 : i1 to i32
        %cond3A_229 = arith.constant 0 : i32
        %cond3A_230 = arith.cmpi ne, %convert_element_type3A_228, %cond3A_229 : i32
        scf.if %cond3A_230 {
          %dma_start3A_238 = arith.constant 0 : i32
          %dma_start3A_239 = tpu.memref_slice %arg11[%scan3A_201, %dma_start3A_238] : memref<25x80xi32, #tpu.memory_space<vmem>> -> memref<1x80xi32, #tpu.memory_space<vmem>>
          %dma_start3A_240 = tpu.memref_squeeze %dma_start3A_239 : memref<1x80xi32, #tpu.memory_space<vmem>> -> memref<80xi32, #tpu.memory_space<vmem>>
          %dma_start3A_241 = arith.constant 0 : i32
          %dma_start3A_242 = arith.constant 0 : i32
          %dma_start3A_243 = tpu.memref_slice %arg9[%dma_start3A_241, %dma_start3A_242] : memref<10112x128xf32, #tpu.memory_space<vmem_shared>> -> memref<10112x128xf32, #tpu.memory_space<vmem_shared>>
          tpu.enqueue_indirect_dma source(%arg13 : memref<80x128xf32, #tpu.memory_space<vmem>>) target(%dma_start3A_243 : memref<10112x128xf32, #tpu.memory_space<vmem_shared>>) offsets(%dma_start3A_240 : memref<80xi32, #tpu.memory_space<vmem>>) semaphore(%arg16 : memref<!tpu.dma_semaphore, #tpu.memory_space<semaphore_mem>>) {add = true}
        } else {
        }
        %rem3A_231 = arith.constant 3 : i32
        %rem3A_232 = arith.remsi %scan3A_201, %rem3A_231 : i32
        %eq3A_233 = arith.constant 2 : i32
        %eq3A_234 = arith.cmpi eq, %rem3A_232, %eq3A_233 : i32
        %convert_element_type3A_235 = arith.extui %eq3A_234 : i1 to i32
        %cond3A_236 = arith.constant 0 : i32
        %cond3A_237 = arith.cmpi ne, %convert_element_type3A_235, %cond3A_236 : i32
        scf.if %cond3A_237 {
          %dma_start3A_238 = arith.constant 0 : i32
          %dma_start3A_239 = tpu.memref_slice %arg11[%scan3A_201, %dma_start3A_238] : memref<25x80xi32, #tpu.memory_space<vmem>> -> memref<1x80xi32, #tpu.memory_space<vmem>>
          %dma_start3A_240 = tpu.memref_squeeze %dma_start3A_239 : memref<1x80xi32, #tpu.memory_space<vmem>> -> memref<80xi32, #tpu.memory_space<vmem>>
          %dma_start3A_241 = arith.constant 0 : i32
          %dma_start3A_242 = arith.constant 0 : i32
          %dma_start3A_243 = tpu.memref_slice %arg9[%dma_start3A_241, %dma_start3A_242] : memref<10112x128xf32, #tpu.memory_space<vmem_shared>> -> memref<10112x128xf32, #tpu.memory_space<vmem_shared>>
          tpu.enqueue_indirect_dma source(%arg14 : memref<80x128xf32, #tpu.memory_space<vmem>>) target(%dma_start3A_243 : memref<10112x128xf32, #tpu.memory_space<vmem_shared>>) offsets(%dma_start3A_240 : memref<80xi32, #tpu.memory_space<vmem>>) semaphore(%arg16 : memref<!tpu.dma_semaphore, #tpu.memory_space<semaphore_mem>>) {add = true}
        } else {
        }
      }
      %scan3A_194 = arith.constant 25 : i32
      %dma_wait3A = arith.constant 0 : i32
      %dma_wait3A_195 = arith.constant 0 : i32
      %dma_wait3A_196 = tpu.memref_slice %arg11[%dma_wait3A, %dma_wait3A_195] : memref<25x80xi32, #tpu.memory_space<vmem>> -> memref<1x80xi32, #tpu.memory_space<vmem>>
      %dma_wait3A_197 = tpu.memref_squeeze %dma_wait3A_196 : memref<1x80xi32, #tpu.memory_space<vmem>> -> memref<80xi32, #tpu.memory_space<vmem>>
      %dma_wait3A_198 = arith.constant 0 : i32
      %dma_wait3A_199 = arith.constant 0 : i32
      %dma_wait3A_200 = tpu.memref_slice %arg9[%dma_wait3A_198, %dma_wait3A_199] : memref<10112x128xf32, #tpu.memory_space<vmem_shared>> -> memref<10112x128xf32, #tpu.memory_space<vmem_shared>>
      tpu.wait_indirect_dma semaphore(%arg16 : memref<!tpu.dma_semaphore, #tpu.memory_space<semaphore_mem>>) src(%arg12 : memref<80x128xf32, #tpu.memory_space<vmem>>) dst(%dma_wait3A_200 : memref<10112x128xf32, #tpu.memory_space<vmem_shared>>)
    }
    %scan3A_7 = arith.constant 5 : i32
    %barrier3A_8 = arith.constant 0 : index
    tpu.barrier barrier_id(%barrier3A_8)
    %eq3A = arith.constant 0 : i32
    %eq3A_9 = arith.cmpi eq, %arg1, %eq3A : i32
    %convert_element_type3A = arith.extui %eq3A_9 : i1 to i32
    %cond3A = arith.constant 0 : i32
    %cond3A_10 = arith.cmpi ne, %convert_element_type3A, %cond3A : i32
    scf.if %cond3A_10 {
      "tpu.region"() ({
        %run_scoped3A = tpu.sem_alloc : memref<!tpu.dma_semaphore, #tpu.memory_space<semaphore_mem>>
        %dma_start3A = arith.constant 0 : i32
        %dma_start3A_175 = arith.constant 0 : i32
        %dma_start3A_176 = tpu.memref_slice %arg7[%arg0, %dma_start3A, %dma_start3A_175] : memref<2x10000x128xf32, #tpu.memory_space<hbm>> -> memref<1x632x128xf32, #tpu.memory_space<hbm>>
        %dma_start3A_177 = tpu.memref_squeeze %dma_start3A_176 : memref<1x632x128xf32, #tpu.memory_space<hbm>> -> memref<632x128xf32, #tpu.memory_space<hbm>>
        %dma_start3A_178 = arith.constant 0 : i32
        %dma_start3A_179 = arith.constant 0 : i32
        %dma_start3A_180 = tpu.memref_slice %arg9[%dma_start3A_178, %dma_start3A_179] : memref<10112x128xf32, #tpu.memory_space<vmem_shared>> -> memref<632x128xf32, #tpu.memory_space<vmem_shared>>
        tpu.enqueue_dma source(%dma_start3A_180 : memref<632x128xf32, #tpu.memory_space<vmem_shared>>) target(%dma_start3A_177 : memref<632x128xf32, #tpu.memory_space<hbm>>) target_semaphore(%run_scoped3A : memref<!tpu.dma_semaphore, #tpu.memory_space<semaphore_mem>>)
        %dma_wait3A = arith.constant 0 : i32
        %dma_wait3A_181 = arith.constant 0 : i32
        %dma_wait3A_182 = tpu.memref_slice %arg7[%arg0, %dma_wait3A, %dma_wait3A_181] : memref<2x10000x128xf32, #tpu.memory_space<hbm>> -> memref<1x632x128xf32, #tpu.memory_space<hbm>>
        %dma_wait3A_183 = tpu.memref_squeeze %dma_wait3A_182 : memref<1x632x128xf32, #tpu.memory_space<hbm>> -> memref<632x128xf32, #tpu.memory_space<hbm>>
        %dma_wait3A_184 = arith.constant 0 : i32
        %dma_wait3A_185 = arith.constant 0 : i32
        %dma_wait3A_186 = tpu.memref_slice %arg9[%dma_wait3A_184, %dma_wait3A_185] : memref<10112x128xf32, #tpu.memory_space<vmem_shared>> -> memref<632x128xf32, #tpu.memory_space<vmem_shared>>
        tpu.wait_dma2 semaphore(%run_scoped3A : memref<!tpu.dma_semaphore, #tpu.memory_space<semaphore_mem>>) src(%dma_wait3A_186 : memref<632x128xf32, #tpu.memory_space<vmem_shared>>) dst(%dma_wait3A_183 : memref<632x128xf32, #tpu.memory_space<hbm>>)
        tpu.yield
      }) : () -> ()
    } else {
    }
    %eq3A_11 = arith.constant 1 : i32
    %eq3A_12 = arith.cmpi eq, %arg1, %eq3A_11 : i32
    %convert_element_type3A_13 = arith.extui %eq3A_12 : i1 to i32
    %cond3A_14 = arith.constant 0 : i32
    %cond3A_15 = arith.cmpi ne, %convert_element_type3A_13, %cond3A_14 : i32
    scf.if %cond3A_15 {
      "tpu.region"() ({
        %run_scoped3A = tpu.sem_alloc : memref<!tpu.dma_semaphore, #tpu.memory_space<semaphore_mem>>
        %dma_start3A = arith.constant 632 : i32
        %dma_start3A_175 = arith.constant 0 : i32
        %dma_start3A_176 = tpu.memref_slice %arg7[%arg0, %dma_start3A, %dma_start3A_175] : memref<2x10000x128xf32, #tpu.memory_space<hbm>> -> memref<1x632x128xf32, #tpu.memory_space<hbm>>
        %dma_start3A_177 = tpu.memref_squeeze %dma_start3A_176 : memref<1x632x128xf32, #tpu.memory_space<hbm>> -> memref<632x128xf32, #tpu.memory_space<hbm>>
        %dma_start3A_178 = arith.constant 632 : i32
        %dma_start3A_179 = arith.constant 0 : i32
        %dma_start3A_180 = tpu.memref_slice %arg9[%dma_start3A_178, %dma_start3A_179] : memref<10112x128xf32, #tpu.memory_space<vmem_shared>> -> memref<632x128xf32, #tpu.memory_space<vmem_shared>>
        tpu.enqueue_dma source(%dma_start3A_180 : memref<632x128xf32, #tpu.memory_space<vmem_shared>>) target(%dma_start3A_177 : memref<632x128xf32, #tpu.memory_space<hbm>>) target_semaphore(%run_scoped3A : memref<!tpu.dma_semaphore, #tpu.memory_space<semaphore_mem>>)
        %dma_wait3A = arith.constant 632 : i32
        %dma_wait3A_181 = arith.constant 0 : i32
        %dma_wait3A_182 = tpu.memref_slice %arg7[%arg0, %dma_wait3A, %dma_wait3A_181] : memref<2x10000x128xf32, #tpu.memory_space<hbm>> -> memref<1x632x128xf32, #tpu.memory_space<hbm>>
        %dma_wait3A_183 = tpu.memref_squeeze %dma_wait3A_182 : memref<1x632x128xf32, #tpu.memory_space<hbm>> -> memref<632x128xf32, #tpu.memory_space<hbm>>
        %dma_wait3A_184 = arith.constant 632 : i32
        %dma_wait3A_185 = arith.constant 0 : i32
        %dma_wait3A_186 = tpu.memref_slice %arg9[%dma_wait3A_184, %dma_wait3A_185] : memref<10112x128xf32, #tpu.memory_space<vmem_shared>> -> memref<632x128xf32, #tpu.memory_space<vmem_shared>>
        tpu.wait_dma2 semaphore(%run_scoped3A : memref<!tpu.dma_semaphore, #tpu.memory_space<semaphore_mem>>) src(%dma_wait3A_186 : memref<632x128xf32, #tpu.memory_space<vmem_shared>>) dst(%dma_wait3A_183 : memref<632x128xf32, #tpu.memory_space<hbm>>)
        tpu.yield
      }) : () -> ()
    } else {
    }
    %eq3A_16 = arith.constant 2 : i32
    %eq3A_17 = arith.cmpi eq, %arg1, %eq3A_16 : i32
    %convert_element_type3A_18 = arith.extui %eq3A_17 : i1 to i32
    %cond3A_19 = arith.constant 0 : i32
    %cond3A_20 = arith.cmpi ne, %convert_element_type3A_18, %cond3A_19 : i32
    scf.if %cond3A_20 {
      "tpu.region"() ({
        %run_scoped3A = tpu.sem_alloc : memref<!tpu.dma_semaphore, #tpu.memory_space<semaphore_mem>>
        %dma_start3A = arith.constant 1264 : i32
        %dma_start3A_175 = arith.constant 0 : i32
        %dma_start3A_176 = tpu.memref_slice %arg7[%arg0, %dma_start3A, %dma_start3A_175] : memref<2x10000x128xf32, #tpu.memory_space<hbm>> -> memref<1x632x128xf32, #tpu.memory_space<hbm>>
        %dma_start3A_177 = tpu.memref_squeeze %dma_start3A_176 : memref<1x632x128xf32, #tpu.memory_space<hbm>> -> memref<632x128xf32, #tpu.memory_space<hbm>>
        %dma_start3A_178 = arith.constant 1264 : i32
        %dma_start3A_179 = arith.constant 0 : i32
        %dma_start3A_180 = tpu.memref_slice %arg9[%dma_start3A_178, %dma_start3A_179] : memref<10112x128xf32, #tpu.memory_space<vmem_shared>> -> memref<632x128xf32, #tpu.memory_space<vmem_shared>>
        tpu.enqueue_dma source(%dma_start3A_180 : memref<632x128xf32, #tpu.memory_space<vmem_shared>>) target(%dma_start3A_177 : memref<632x128xf32, #tpu.memory_space<hbm>>) target_semaphore(%run_scoped3A : memref<!tpu.dma_semaphore, #tpu.memory_space<semaphore_mem>>)
        %dma_wait3A = arith.constant 1264 : i32
        %dma_wait3A_181 = arith.constant 0 : i32
        %dma_wait3A_182 = tpu.memref_slice %arg7[%arg0, %dma_wait3A, %dma_wait3A_181] : memref<2x10000x128xf32, #tpu.memory_space<hbm>> -> memref<1x632x128xf32, #tpu.memory_space<hbm>>
        %dma_wait3A_183 = tpu.memref_squeeze %dma_wait3A_182 : memref<1x632x128xf32, #tpu.memory_space<hbm>> -> memref<632x128xf32, #tpu.memory_space<hbm>>
        %dma_wait3A_184 = arith.constant 1264 : i32
        %dma_wait3A_185 = arith.constant 0 : i32
        %dma_wait3A_186 = tpu.memref_slice %arg9[%dma_wait3A_184, %dma_wait3A_185] : memref<10112x128xf32, #tpu.memory_space<vmem_shared>> -> memref<632x128xf32, #tpu.memory_space<vmem_shared>>
        tpu.wait_dma2 semaphore(%run_scoped3A : memref<!tpu.dma_semaphore, #tpu.memory_space<semaphore_mem>>) src(%dma_wait3A_186 : memref<632x128xf32, #tpu.memory_space<vmem_shared>>) dst(%dma_wait3A_183 : memref<632x128xf32, #tpu.memory_space<hbm>>)
        tpu.yield
      }) : () -> ()
    } else {
    }
    %eq3A_21 = arith.constant 3 : i32
    %eq3A_22 = arith.cmpi eq, %arg1, %eq3A_21 : i32
    %convert_element_type3A_23 = arith.extui %eq3A_22 : i1 to i32
    %cond3A_24 = arith.constant 0 : i32
    %cond3A_25 = arith.cmpi ne, %convert_element_type3A_23, %cond3A_24 : i32
    scf.if %cond3A_25 {
      "tpu.region"() ({
        %run_scoped3A = tpu.sem_alloc : memref<!tpu.dma_semaphore, #tpu.memory_space<semaphore_mem>>
        %dma_start3A = arith.constant 1896 : i32
        %dma_start3A_175 = arith.constant 0 : i32
        %dma_start3A_176 = tpu.memref_slice %arg7[%arg0, %dma_start3A, %dma_start3A_175] : memref<2x10000x128xf32, #tpu.memory_space<hbm>> -> memref<1x632x128xf32, #tpu.memory_space<hbm>>
        %dma_start3A_177 = tpu.memref_squeeze %dma_start3A_176 : memref<1x632x128xf32, #tpu.memory_space<hbm>> -> memref<632x128xf32, #tpu.memory_space<hbm>>
        %dma_start3A_178 = arith.constant 1896 : i32
        %dma_start3A_179 = arith.constant 0 : i32
        %dma_start3A_180 = tpu.memref_slice %arg9[%dma_start3A_178, %dma_start3A_179] : memref<10112x128xf32, #tpu.memory_space<vmem_shared>> -> memref<632x128xf32, #tpu.memory_space<vmem_shared>>
        tpu.enqueue_dma source(%dma_start3A_180 : memref<632x128xf32, #tpu.memory_space<vmem_shared>>) target(%dma_start3A_177 : memref<632x128xf32, #tpu.memory_space<hbm>>) target_semaphore(%run_scoped3A : memref<!tpu.dma_semaphore, #tpu.memory_space<semaphore_mem>>)
        %dma_wait3A = arith.constant 1896 : i32
        %dma_wait3A_181 = arith.constant 0 : i32
        %dma_wait3A_182 = tpu.memref_slice %arg7[%arg0, %dma_wait3A, %dma_wait3A_181] : memref<2x10000x128xf32, #tpu.memory_space<hbm>> -> memref<1x632x128xf32, #tpu.memory_space<hbm>>
        %dma_wait3A_183 = tpu.memref_squeeze %dma_wait3A_182 : memref<1x632x128xf32, #tpu.memory_space<hbm>> -> memref<632x128xf32, #tpu.memory_space<hbm>>
        %dma_wait3A_184 = arith.constant 1896 : i32
        %dma_wait3A_185 = arith.constant 0 : i32
        %dma_wait3A_186 = tpu.memref_slice %arg9[%dma_wait3A_184, %dma_wait3A_185] : memref<10112x128xf32, #tpu.memory_space<vmem_shared>> -> memref<632x128xf32, #tpu.memory_space<vmem_shared>>
        tpu.wait_dma2 semaphore(%run_scoped3A : memref<!tpu.dma_semaphore, #tpu.memory_space<semaphore_mem>>) src(%dma_wait3A_186 : memref<632x128xf32, #tpu.memory_space<vmem_shared>>) dst(%dma_wait3A_183 : memref<632x128xf32, #tpu.memory_space<hbm>>)
        tpu.yield
      }) : () -> ()
    } else {
    }
    %eq3A_26 = arith.constant 4 : i32
    %eq3A_27 = arith.cmpi eq, %arg1, %eq3A_26 : i32
    %convert_element_type3A_28 = arith.extui %eq3A_27 : i1 to i32
    %cond3A_29 = arith.constant 0 : i32
    %cond3A_30 = arith.cmpi ne, %convert_element_type3A_28, %cond3A_29 : i32
    scf.if %cond3A_30 {
      "tpu.region"() ({
        %run_scoped3A = tpu.sem_alloc : memref<!tpu.dma_semaphore, #tpu.memory_space<semaphore_mem>>
        %dma_start3A = arith.constant 2528 : i32
        %dma_start3A_175 = arith.constant 0 : i32
        %dma_start3A_176 = tpu.memref_slice %arg7[%arg0, %dma_start3A, %dma_start3A_175] : memref<2x10000x128xf32, #tpu.memory_space<hbm>> -> memref<1x632x128xf32, #tpu.memory_space<hbm>>
        %dma_start3A_177 = tpu.memref_squeeze %dma_start3A_176 : memref<1x632x128xf32, #tpu.memory_space<hbm>> -> memref<632x128xf32, #tpu.memory_space<hbm>>
        %dma_start3A_178 = arith.constant 2528 : i32
        %dma_start3A_179 = arith.constant 0 : i32
        %dma_start3A_180 = tpu.memref_slice %arg9[%dma_start3A_178, %dma_start3A_179] : memref<10112x128xf32, #tpu.memory_space<vmem_shared>> -> memref<632x128xf32, #tpu.memory_space<vmem_shared>>
        tpu.enqueue_dma source(%dma_start3A_180 : memref<632x128xf32, #tpu.memory_space<vmem_shared>>) target(%dma_start3A_177 : memref<632x128xf32, #tpu.memory_space<hbm>>) target_semaphore(%run_scoped3A : memref<!tpu.dma_semaphore, #tpu.memory_space<semaphore_mem>>)
        %dma_wait3A = arith.constant 2528 : i32
        %dma_wait3A_181 = arith.constant 0 : i32
        %dma_wait3A_182 = tpu.memref_slice %arg7[%arg0, %dma_wait3A, %dma_wait3A_181] : memref<2x10000x128xf32, #tpu.memory_space<hbm>> -> memref<1x632x128xf32, #tpu.memory_space<hbm>>
        %dma_wait3A_183 = tpu.memref_squeeze %dma_wait3A_182 : memref<1x632x128xf32, #tpu.memory_space<hbm>> -> memref<632x128xf32, #tpu.memory_space<hbm>>
        %dma_wait3A_184 = arith.constant 2528 : i32
        %dma_wait3A_185 = arith.constant 0 : i32
        %dma_wait3A_186 = tpu.memref_slice %arg9[%dma_wait3A_184, %dma_wait3A_185] : memref<10112x128xf32, #tpu.memory_space<vmem_shared>> -> memref<632x128xf32, #tpu.memory_space<vmem_shared>>
        tpu.wait_dma2 semaphore(%run_scoped3A : memref<!tpu.dma_semaphore, #tpu.memory_space<semaphore_mem>>) src(%dma_wait3A_186 : memref<632x128xf32, #tpu.memory_space<vmem_shared>>) dst(%dma_wait3A_183 : memref<632x128xf32, #tpu.memory_space<hbm>>)
        tpu.yield
      }) : () -> ()
    } else {
    }
    %eq3A_31 = arith.constant 5 : i32
    %eq3A_32 = arith.cmpi eq, %arg1, %eq3A_31 : i32
    %convert_element_type3A_33 = arith.extui %eq3A_32 : i1 to i32
    %cond3A_34 = arith.constant 0 : i32
    %cond3A_35 = arith.cmpi ne, %convert_element_type3A_33, %cond3A_34 : i32
    scf.if %cond3A_35 {
      "tpu.region"() ({
        %run_scoped3A = tpu.sem_alloc : memref<!tpu.dma_semaphore, #tpu.memory_space<semaphore_mem>>
        %dma_start3A = arith.constant 3160 : i32
        %dma_start3A_175 = arith.constant 0 : i32
        %dma_start3A_176 = tpu.memref_slice %arg7[%arg0, %dma_start3A, %dma_start3A_175] : memref<2x10000x128xf32, #tpu.memory_space<hbm>> -> memref<1x632x128xf32, #tpu.memory_space<hbm>>
        %dma_start3A_177 = tpu.memref_squeeze %dma_start3A_176 : memref<1x632x128xf32, #tpu.memory_space<hbm>> -> memref<632x128xf32, #tpu.memory_space<hbm>>
        %dma_start3A_178 = arith.constant 3160 : i32
        %dma_start3A_179 = arith.constant 0 : i32
        %dma_start3A_180 = tpu.memref_slice %arg9[%dma_start3A_178, %dma_start3A_179] : memref<10112x128xf32, #tpu.memory_space<vmem_shared>> -> memref<632x128xf32, #tpu.memory_space<vmem_shared>>
        tpu.enqueue_dma source(%dma_start3A_180 : memref<632x128xf32, #tpu.memory_space<vmem_shared>>) target(%dma_start3A_177 : memref<632x128xf32, #tpu.memory_space<hbm>>) target_semaphore(%run_scoped3A : memref<!tpu.dma_semaphore, #tpu.memory_space<semaphore_mem>>)
        %dma_wait3A = arith.constant 3160 : i32
        %dma_wait3A_181 = arith.constant 0 : i32
        %dma_wait3A_182 = tpu.memref_slice %arg7[%arg0, %dma_wait3A, %dma_wait3A_181] : memref<2x10000x128xf32, #tpu.memory_space<hbm>> -> memref<1x632x128xf32, #tpu.memory_space<hbm>>
        %dma_wait3A_183 = tpu.memref_squeeze %dma_wait3A_182 : memref<1x632x128xf32, #tpu.memory_space<hbm>> -> memref<632x128xf32, #tpu.memory_space<hbm>>
        %dma_wait3A_184 = arith.constant 3160 : i32
        %dma_wait3A_185 = arith.constant 0 : i32
        %dma_wait3A_186 = tpu.memref_slice %arg9[%dma_wait3A_184, %dma_wait3A_185] : memref<10112x128xf32, #tpu.memory_space<vmem_shared>> -> memref<632x128xf32, #tpu.memory_space<vmem_shared>>
        tpu.wait_dma2 semaphore(%run_scoped3A : memref<!tpu.dma_semaphore, #tpu.memory_space<semaphore_mem>>) src(%dma_wait3A_186 : memref<632x128xf32, #tpu.memory_space<vmem_shared>>) dst(%dma_wait3A_183 : memref<632x128xf32, #tpu.memory_space<hbm>>)
        tpu.yield
      }) : () -> ()
    } else {
    }
    %eq3A_36 = arith.constant 6 : i32
    %eq3A_37 = arith.cmpi eq, %arg1, %eq3A_36 : i32
    %convert_element_type3A_38 = arith.extui %eq3A_37 : i1 to i32
    %cond3A_39 = arith.constant 0 : i32
    %cond3A_40 = arith.cmpi ne, %convert_element_type3A_38, %cond3A_39 : i32
    scf.if %cond3A_40 {
      "tpu.region"() ({
        %run_scoped3A = tpu.sem_alloc : memref<!tpu.dma_semaphore, #tpu.memory_space<semaphore_mem>>
        %dma_start3A = arith.constant 3792 : i32
        %dma_start3A_175 = arith.constant 0 : i32
        %dma_start3A_176 = tpu.memref_slice %arg7[%arg0, %dma_start3A, %dma_start3A_175] : memref<2x10000x128xf32, #tpu.memory_space<hbm>> -> memref<1x632x128xf32, #tpu.memory_space<hbm>>
        %dma_start3A_177 = tpu.memref_squeeze %dma_start3A_176 : memref<1x632x128xf32, #tpu.memory_space<hbm>> -> memref<632x128xf32, #tpu.memory_space<hbm>>
        %dma_start3A_178 = arith.constant 3792 : i32
        %dma_start3A_179 = arith.constant 0 : i32
        %dma_start3A_180 = tpu.memref_slice %arg9[%dma_start3A_178, %dma_start3A_179] : memref<10112x128xf32, #tpu.memory_space<vmem_shared>> -> memref<632x128xf32, #tpu.memory_space<vmem_shared>>
        tpu.enqueue_dma source(%dma_start3A_180 : memref<632x128xf32, #tpu.memory_space<vmem_shared>>) target(%dma_start3A_177 : memref<632x128xf32, #tpu.memory_space<hbm>>) target_semaphore(%run_scoped3A : memref<!tpu.dma_semaphore, #tpu.memory_space<semaphore_mem>>)
        %dma_wait3A = arith.constant 3792 : i32
        %dma_wait3A_181 = arith.constant 0 : i32
        %dma_wait3A_182 = tpu.memref_slice %arg7[%arg0, %dma_wait3A, %dma_wait3A_181] : memref<2x10000x128xf32, #tpu.memory_space<hbm>> -> memref<1x632x128xf32, #tpu.memory_space<hbm>>
        %dma_wait3A_183 = tpu.memref_squeeze %dma_wait3A_182 : memref<1x632x128xf32, #tpu.memory_space<hbm>> -> memref<632x128xf32, #tpu.memory_space<hbm>>
        %dma_wait3A_184 = arith.constant 3792 : i32
        %dma_wait3A_185 = arith.constant 0 : i32
        %dma_wait3A_186 = tpu.memref_slice %arg9[%dma_wait3A_184, %dma_wait3A_185] : memref<10112x128xf32, #tpu.memory_space<vmem_shared>> -> memref<632x128xf32, #tpu.memory_space<vmem_shared>>
        tpu.wait_dma2 semaphore(%run_scoped3A : memref<!tpu.dma_semaphore, #tpu.memory_space<semaphore_mem>>) src(%dma_wait3A_186 : memref<632x128xf32, #tpu.memory_space<vmem_shared>>) dst(%dma_wait3A_183 : memref<632x128xf32, #tpu.memory_space<hbm>>)
        tpu.yield
      }) : () -> ()
    } else {
    }
    %eq3A_41 = arith.constant 7 : i32
    %eq3A_42 = arith.cmpi eq, %arg1, %eq3A_41 : i32
    %convert_element_type3A_43 = arith.extui %eq3A_42 : i1 to i32
    %cond3A_44 = arith.constant 0 : i32
    %cond3A_45 = arith.cmpi ne, %convert_element_type3A_43, %cond3A_44 : i32
    scf.if %cond3A_45 {
      "tpu.region"() ({
        %run_scoped3A = tpu.sem_alloc : memref<!tpu.dma_semaphore, #tpu.memory_space<semaphore_mem>>
        %dma_start3A = arith.constant 4424 : i32
        %dma_start3A_175 = arith.constant 0 : i32
        %dma_start3A_176 = tpu.memref_slice %arg7[%arg0, %dma_start3A, %dma_start3A_175] : memref<2x10000x128xf32, #tpu.memory_space<hbm>> -> memref<1x632x128xf32, #tpu.memory_space<hbm>>
        %dma_start3A_177 = tpu.memref_squeeze %dma_start3A_176 : memref<1x632x128xf32, #tpu.memory_space<hbm>> -> memref<632x128xf32, #tpu.memory_space<hbm>>
        %dma_start3A_178 = arith.constant 4424 : i32
        %dma_start3A_179 = arith.constant 0 : i32
        %dma_start3A_180 = tpu.memref_slice %arg9[%dma_start3A_178, %dma_start3A_179] : memref<10112x128xf32, #tpu.memory_space<vmem_shared>> -> memref<632x128xf32, #tpu.memory_space<vmem_shared>>
        tpu.enqueue_dma source(%dma_start3A_180 : memref<632x128xf32, #tpu.memory_space<vmem_shared>>) target(%dma_start3A_177 : memref<632x128xf32, #tpu.memory_space<hbm>>) target_semaphore(%run_scoped3A : memref<!tpu.dma_semaphore, #tpu.memory_space<semaphore_mem>>)
        %dma_wait3A = arith.constant 4424 : i32
        %dma_wait3A_181 = arith.constant 0 : i32
        %dma_wait3A_182 = tpu.memref_slice %arg7[%arg0, %dma_wait3A, %dma_wait3A_181] : memref<2x10000x128xf32, #tpu.memory_space<hbm>> -> memref<1x632x128xf32, #tpu.memory_space<hbm>>
        %dma_wait3A_183 = tpu.memref_squeeze %dma_wait3A_182 : memref<1x632x128xf32, #tpu.memory_space<hbm>> -> memref<632x128xf32, #tpu.memory_space<hbm>>
        %dma_wait3A_184 = arith.constant 4424 : i32
        %dma_wait3A_185 = arith.constant 0 : i32
        %dma_wait3A_186 = tpu.memref_slice %arg9[%dma_wait3A_184, %dma_wait3A_185] : memref<10112x128xf32, #tpu.memory_space<vmem_shared>> -> memref<632x128xf32, #tpu.memory_space<vmem_shared>>
        tpu.wait_dma2 semaphore(%run_scoped3A : memref<!tpu.dma_semaphore, #tpu.memory_space<semaphore_mem>>) src(%dma_wait3A_186 : memref<632x128xf32, #tpu.memory_space<vmem_shared>>) dst(%dma_wait3A_183 : memref<632x128xf32, #tpu.memory_space<hbm>>)
        tpu.yield
      }) : () -> ()
    } else {
    }
    %eq3A_46 = arith.constant 8 : i32
    %eq3A_47 = arith.cmpi eq, %arg1, %eq3A_46 : i32
    %convert_element_type3A_48 = arith.extui %eq3A_47 : i1 to i32
    %cond3A_49 = arith.constant 0 : i32
    %cond3A_50 = arith.cmpi ne, %convert_element_type3A_48, %cond3A_49 : i32
    scf.if %cond3A_50 {
      "tpu.region"() ({
        %run_scoped3A = tpu.sem_alloc : memref<!tpu.dma_semaphore, #tpu.memory_space<semaphore_mem>>
        %dma_start3A = arith.constant 5056 : i32
        %dma_start3A_175 = arith.constant 0 : i32
        %dma_start3A_176 = tpu.memref_slice %arg7[%arg0, %dma_start3A, %dma_start3A_175] : memref<2x10000x128xf32, #tpu.memory_space<hbm>> -> memref<1x632x128xf32, #tpu.memory_space<hbm>>
        %dma_start3A_177 = tpu.memref_squeeze %dma_start3A_176 : memref<1x632x128xf32, #tpu.memory_space<hbm>> -> memref<632x128xf32, #tpu.memory_space<hbm>>
        %dma_start3A_178 = arith.constant 5056 : i32
        %dma_start3A_179 = arith.constant 0 : i32
        %dma_start3A_180 = tpu.memref_slice %arg9[%dma_start3A_178, %dma_start3A_179] : memref<10112x128xf32, #tpu.memory_space<vmem_shared>> -> memref<632x128xf32, #tpu.memory_space<vmem_shared>>
        tpu.enqueue_dma source(%dma_start3A_180 : memref<632x128xf32, #tpu.memory_space<vmem_shared>>) target(%dma_start3A_177 : memref<632x128xf32, #tpu.memory_space<hbm>>) target_semaphore(%run_scoped3A : memref<!tpu.dma_semaphore, #tpu.memory_space<semaphore_mem>>)
        %dma_wait3A = arith.constant 5056 : i32
        %dma_wait3A_181 = arith.constant 0 : i32
        %dma_wait3A_182 = tpu.memref_slice %arg7[%arg0, %dma_wait3A, %dma_wait3A_181] : memref<2x10000x128xf32, #tpu.memory_space<hbm>> -> memref<1x632x128xf32, #tpu.memory_space<hbm>>
        %dma_wait3A_183 = tpu.memref_squeeze %dma_wait3A_182 : memref<1x632x128xf32, #tpu.memory_space<hbm>> -> memref<632x128xf32, #tpu.memory_space<hbm>>
        %dma_wait3A_184 = arith.constant 5056 : i32
        %dma_wait3A_185 = arith.constant 0 : i32
        %dma_wait3A_186 = tpu.memref_slice %arg9[%dma_wait3A_184, %dma_wait3A_185] : memref<10112x128xf32, #tpu.memory_space<vmem_shared>> -> memref<632x128xf32, #tpu.memory_space<vmem_shared>>
        tpu.wait_dma2 semaphore(%run_scoped3A : memref<!tpu.dma_semaphore, #tpu.memory_space<semaphore_mem>>) src(%dma_wait3A_186 : memref<632x128xf32, #tpu.memory_space<vmem_shared>>) dst(%dma_wait3A_183 : memref<632x128xf32, #tpu.memory_space<hbm>>)
        tpu.yield
      }) : () -> ()
    } else {
    }
    %eq3A_51 = arith.constant 9 : i32
    %eq3A_52 = arith.cmpi eq, %arg1, %eq3A_51 : i32
    %convert_element_type3A_53 = arith.extui %eq3A_52 : i1 to i32
    %cond3A_54 = arith.constant 0 : i32
    %cond3A_55 = arith.cmpi ne, %convert_element_type3A_53, %cond3A_54 : i32
    scf.if %cond3A_55 {
      "tpu.region"() ({
        %run_scoped3A = tpu.sem_alloc : memref<!tpu.dma_semaphore, #tpu.memory_space<semaphore_mem>>
        %dma_start3A = arith.constant 5688 : i32
        %dma_start3A_175 = arith.constant 0 : i32
        %dma_start3A_176 = tpu.memref_slice %arg7[%arg0, %dma_start3A, %dma_start3A_175] : memref<2x10000x128xf32, #tpu.memory_space<hbm>> -> memref<1x632x128xf32, #tpu.memory_space<hbm>>
        %dma_start3A_177 = tpu.memref_squeeze %dma_start3A_176 : memref<1x632x128xf32, #tpu.memory_space<hbm>> -> memref<632x128xf32, #tpu.memory_space<hbm>>
        %dma_start3A_178 = arith.constant 5688 : i32
        %dma_start3A_179 = arith.constant 0 : i32
        %dma_start3A_180 = tpu.memref_slice %arg9[%dma_start3A_178, %dma_start3A_179] : memref<10112x128xf32, #tpu.memory_space<vmem_shared>> -> memref<632x128xf32, #tpu.memory_space<vmem_shared>>
        tpu.enqueue_dma source(%dma_start3A_180 : memref<632x128xf32, #tpu.memory_space<vmem_shared>>) target(%dma_start3A_177 : memref<632x128xf32, #tpu.memory_space<hbm>>) target_semaphore(%run_scoped3A : memref<!tpu.dma_semaphore, #tpu.memory_space<semaphore_mem>>)
        %dma_wait3A = arith.constant 5688 : i32
        %dma_wait3A_181 = arith.constant 0 : i32
        %dma_wait3A_182 = tpu.memref_slice %arg7[%arg0, %dma_wait3A, %dma_wait3A_181] : memref<2x10000x128xf32, #tpu.memory_space<hbm>> -> memref<1x632x128xf32, #tpu.memory_space<hbm>>
        %dma_wait3A_183 = tpu.memref_squeeze %dma_wait3A_182 : memref<1x632x128xf32, #tpu.memory_space<hbm>> -> memref<632x128xf32, #tpu.memory_space<hbm>>
        %dma_wait3A_184 = arith.constant 5688 : i32
        %dma_wait3A_185 = arith.constant 0 : i32
        %dma_wait3A_186 = tpu.memref_slice %arg9[%dma_wait3A_184, %dma_wait3A_185] : memref<10112x128xf32, #tpu.memory_space<vmem_shared>> -> memref<632x128xf32, #tpu.memory_space<vmem_shared>>
        tpu.wait_dma2 semaphore(%run_scoped3A : memref<!tpu.dma_semaphore, #tpu.memory_space<semaphore_mem>>) src(%dma_wait3A_186 : memref<632x128xf32, #tpu.memory_space<vmem_shared>>) dst(%dma_wait3A_183 : memref<632x128xf32, #tpu.memory_space<hbm>>)
        tpu.yield
      }) : () -> ()
    } else {
    }
    %eq3A_56 = arith.constant 10 : i32
    %eq3A_57 = arith.cmpi eq, %arg1, %eq3A_56 : i32
    %convert_element_type3A_58 = arith.extui %eq3A_57 : i1 to i32
    %cond3A_59 = arith.constant 0 : i32
    %cond3A_60 = arith.cmpi ne, %convert_element_type3A_58, %cond3A_59 : i32
    scf.if %cond3A_60 {
      "tpu.region"() ({
        %run_scoped3A = tpu.sem_alloc : memref<!tpu.dma_semaphore, #tpu.memory_space<semaphore_mem>>
        %dma_start3A = arith.constant 6320 : i32
        %dma_start3A_175 = arith.constant 0 : i32
        %dma_start3A_176 = tpu.memref_slice %arg7[%arg0, %dma_start3A, %dma_start3A_175] : memref<2x10000x128xf32, #tpu.memory_space<hbm>> -> memref<1x632x128xf32, #tpu.memory_space<hbm>>
        %dma_start3A_177 = tpu.memref_squeeze %dma_start3A_176 : memref<1x632x128xf32, #tpu.memory_space<hbm>> -> memref<632x128xf32, #tpu.memory_space<hbm>>
        %dma_start3A_178 = arith.constant 6320 : i32
        %dma_start3A_179 = arith.constant 0 : i32
        %dma_start3A_180 = tpu.memref_slice %arg9[%dma_start3A_178, %dma_start3A_179] : memref<10112x128xf32, #tpu.memory_space<vmem_shared>> -> memref<632x128xf32, #tpu.memory_space<vmem_shared>>
        tpu.enqueue_dma source(%dma_start3A_180 : memref<632x128xf32, #tpu.memory_space<vmem_shared>>) target(%dma_start3A_177 : memref<632x128xf32, #tpu.memory_space<hbm>>) target_semaphore(%run_scoped3A : memref<!tpu.dma_semaphore, #tpu.memory_space<semaphore_mem>>)
        %dma_wait3A = arith.constant 6320 : i32
        %dma_wait3A_181 = arith.constant 0 : i32
        %dma_wait3A_182 = tpu.memref_slice %arg7[%arg0, %dma_wait3A, %dma_wait3A_181] : memref<2x10000x128xf32, #tpu.memory_space<hbm>> -> memref<1x632x128xf32, #tpu.memory_space<hbm>>
        %dma_wait3A_183 = tpu.memref_squeeze %dma_wait3A_182 : memref<1x632x128xf32, #tpu.memory_space<hbm>> -> memref<632x128xf32, #tpu.memory_space<hbm>>
        %dma_wait3A_184 = arith.constant 6320 : i32
        %dma_wait3A_185 = arith.constant 0 : i32
        %dma_wait3A_186 = tpu.memref_slice %arg9[%dma_wait3A_184, %dma_wait3A_185] : memref<10112x128xf32, #tpu.memory_space<vmem_shared>> -> memref<632x128xf32, #tpu.memory_space<vmem_shared>>
        tpu.wait_dma2 semaphore(%run_scoped3A : memref<!tpu.dma_semaphore, #tpu.memory_space<semaphore_mem>>) src(%dma_wait3A_186 : memref<632x128xf32, #tpu.memory_space<vmem_shared>>) dst(%dma_wait3A_183 : memref<632x128xf32, #tpu.memory_space<hbm>>)
        tpu.yield
      }) : () -> ()
    } else {
    }
    %eq3A_61 = arith.constant 11 : i32
    %eq3A_62 = arith.cmpi eq, %arg1, %eq3A_61 : i32
    %convert_element_type3A_63 = arith.extui %eq3A_62 : i1 to i32
    %cond3A_64 = arith.constant 0 : i32
    %cond3A_65 = arith.cmpi ne, %convert_element_type3A_63, %cond3A_64 : i32
    scf.if %cond3A_65 {
      "tpu.region"() ({
        %run_scoped3A = tpu.sem_alloc : memref<!tpu.dma_semaphore, #tpu.memory_space<semaphore_mem>>
        %dma_start3A = arith.constant 6952 : i32
        %dma_start3A_175 = arith.constant 0 : i32
        %dma_start3A_176 = tpu.memref_slice %arg7[%arg0, %dma_start3A, %dma_start3A_175] : memref<2x10000x128xf32, #tpu.memory_space<hbm>> -> memref<1x632x128xf32, #tpu.memory_space<hbm>>
        %dma_start3A_177 = tpu.memref_squeeze %dma_start3A_176 : memref<1x632x128xf32, #tpu.memory_space<hbm>> -> memref<632x128xf32, #tpu.memory_space<hbm>>
        %dma_start3A_178 = arith.constant 6952 : i32
        %dma_start3A_179 = arith.constant 0 : i32
        %dma_start3A_180 = tpu.memref_slice %arg9[%dma_start3A_178, %dma_start3A_179] : memref<10112x128xf32, #tpu.memory_space<vmem_shared>> -> memref<632x128xf32, #tpu.memory_space<vmem_shared>>
        tpu.enqueue_dma source(%dma_start3A_180 : memref<632x128xf32, #tpu.memory_space<vmem_shared>>) target(%dma_start3A_177 : memref<632x128xf32, #tpu.memory_space<hbm>>) target_semaphore(%run_scoped3A : memref<!tpu.dma_semaphore, #tpu.memory_space<semaphore_mem>>)
        %dma_wait3A = arith.constant 6952 : i32
        %dma_wait3A_181 = arith.constant 0 : i32
        %dma_wait3A_182 = tpu.memref_slice %arg7[%arg0, %dma_wait3A, %dma_wait3A_181] : memref<2x10000x128xf32, #tpu.memory_space<hbm>> -> memref<1x632x128xf32, #tpu.memory_space<hbm>>
        %dma_wait3A_183 = tpu.memref_squeeze %dma_wait3A_182 : memref<1x632x128xf32, #tpu.memory_space<hbm>> -> memref<632x128xf32, #tpu.memory_space<hbm>>
        %dma_wait3A_184 = arith.constant 6952 : i32
        %dma_wait3A_185 = arith.constant 0 : i32
        %dma_wait3A_186 = tpu.memref_slice %arg9[%dma_wait3A_184, %dma_wait3A_185] : memref<10112x128xf32, #tpu.memory_space<vmem_shared>> -> memref<632x128xf32, #tpu.memory_space<vmem_shared>>
        tpu.wait_dma2 semaphore(%run_scoped3A : memref<!tpu.dma_semaphore, #tpu.memory_space<semaphore_mem>>) src(%dma_wait3A_186 : memref<632x128xf32, #tpu.memory_space<vmem_shared>>) dst(%dma_wait3A_183 : memref<632x128xf32, #tpu.memory_space<hbm>>)
        tpu.yield
      }) : () -> ()
    } else {
    }
    %eq3A_66 = arith.constant 12 : i32
    %eq3A_67 = arith.cmpi eq, %arg1, %eq3A_66 : i32
    %convert_element_type3A_68 = arith.extui %eq3A_67 : i1 to i32
    %cond3A_69 = arith.constant 0 : i32
    %cond3A_70 = arith.cmpi ne, %convert_element_type3A_68, %cond3A_69 : i32
    scf.if %cond3A_70 {
      "tpu.region"() ({
        %run_scoped3A = tpu.sem_alloc : memref<!tpu.dma_semaphore, #tpu.memory_space<semaphore_mem>>
        %dma_start3A = arith.constant 7584 : i32
        %dma_start3A_175 = arith.constant 0 : i32
        %dma_start3A_176 = tpu.memref_slice %arg7[%arg0, %dma_start3A, %dma_start3A_175] : memref<2x10000x128xf32, #tpu.memory_space<hbm>> -> memref<1x632x128xf32, #tpu.memory_space<hbm>>
        %dma_start3A_177 = tpu.memref_squeeze %dma_start3A_176 : memref<1x632x128xf32, #tpu.memory_space<hbm>> -> memref<632x128xf32, #tpu.memory_space<hbm>>
        %dma_start3A_178 = arith.constant 7584 : i32
        %dma_start3A_179 = arith.constant 0 : i32
        %dma_start3A_180 = tpu.memref_slice %arg9[%dma_start3A_178, %dma_start3A_179] : memref<10112x128xf32, #tpu.memory_space<vmem_shared>> -> memref<632x128xf32, #tpu.memory_space<vmem_shared>>
        tpu.enqueue_dma source(%dma_start3A_180 : memref<632x128xf32, #tpu.memory_space<vmem_shared>>) target(%dma_start3A_177 : memref<632x128xf32, #tpu.memory_space<hbm>>) target_semaphore(%run_scoped3A : memref<!tpu.dma_semaphore, #tpu.memory_space<semaphore_mem>>)
        %dma_wait3A = arith.constant 7584 : i32
        %dma_wait3A_181 = arith.constant 0 : i32
        %dma_wait3A_182 = tpu.memref_slice %arg7[%arg0, %dma_wait3A, %dma_wait3A_181] : memref<2x10000x128xf32, #tpu.memory_space<hbm>> -> memref<1x632x128xf32, #tpu.memory_space<hbm>>
        %dma_wait3A_183 = tpu.memref_squeeze %dma_wait3A_182 : memref<1x632x128xf32, #tpu.memory_space<hbm>> -> memref<632x128xf32, #tpu.memory_space<hbm>>
        %dma_wait3A_184 = arith.constant 7584 : i32
        %dma_wait3A_185 = arith.constant 0 : i32
        %dma_wait3A_186 = tpu.memref_slice %arg9[%dma_wait3A_184, %dma_wait3A_185] : memref<10112x128xf32, #tpu.memory_space<vmem_shared>> -> memref<632x128xf32, #tpu.memory_space<vmem_shared>>
        tpu.wait_dma2 semaphore(%run_scoped3A : memref<!tpu.dma_semaphore, #tpu.memory_space<semaphore_mem>>) src(%dma_wait3A_186 : memref<632x128xf32, #tpu.memory_space<vmem_shared>>) dst(%dma_wait3A_183 : memref<632x128xf32, #tpu.memory_space<hbm>>)
        tpu.yield
      }) : () -> ()
    } else {
    }
    %eq3A_71 = arith.constant 13 : i32
    %eq3A_72 = arith.cmpi eq, %arg1, %eq3A_71 : i32
    %convert_element_type3A_73 = arith.extui %eq3A_72 : i1 to i32
    %cond3A_74 = arith.constant 0 : i32
    %cond3A_75 = arith.cmpi ne, %convert_element_type3A_73, %cond3A_74 : i32
    scf.if %cond3A_75 {
      "tpu.region"() ({
        %run_scoped3A = tpu.sem_alloc : memref<!tpu.dma_semaphore, #tpu.memory_space<semaphore_mem>>
        %dma_start3A = arith.constant 8216 : i32
        %dma_start3A_175 = arith.constant 0 : i32
        %dma_start3A_176 = tpu.memref_slice %arg7[%arg0, %dma_start3A, %dma_start3A_175] : memref<2x10000x128xf32, #tpu.memory_space<hbm>> -> memref<1x632x128xf32, #tpu.memory_space<hbm>>
        %dma_start3A_177 = tpu.memref_squeeze %dma_start3A_176 : memref<1x632x128xf32, #tpu.memory_space<hbm>> -> memref<632x128xf32, #tpu.memory_space<hbm>>
        %dma_start3A_178 = arith.constant 8216 : i32
        %dma_start3A_179 = arith.constant 0 : i32
        %dma_start3A_180 = tpu.memref_slice %arg9[%dma_start3A_178, %dma_start3A_179] : memref<10112x128xf32, #tpu.memory_space<vmem_shared>> -> memref<632x128xf32, #tpu.memory_space<vmem_shared>>
        tpu.enqueue_dma source(%dma_start3A_180 : memref<632x128xf32, #tpu.memory_space<vmem_shared>>) target(%dma_start3A_177 : memref<632x128xf32, #tpu.memory_space<hbm>>) target_semaphore(%run_scoped3A : memref<!tpu.dma_semaphore, #tpu.memory_space<semaphore_mem>>)
        %dma_wait3A = arith.constant 8216 : i32
        %dma_wait3A_181 = arith.constant 0 : i32
        %dma_wait3A_182 = tpu.memref_slice %arg7[%arg0, %dma_wait3A, %dma_wait3A_181] : memref<2x10000x128xf32, #tpu.memory_space<hbm>> -> memref<1x632x128xf32, #tpu.memory_space<hbm>>
        %dma_wait3A_183 = tpu.memref_squeeze %dma_wait3A_182 : memref<1x632x128xf32, #tpu.memory_space<hbm>> -> memref<632x128xf32, #tpu.memory_space<hbm>>
        %dma_wait3A_184 = arith.constant 8216 : i32
        %dma_wait3A_185 = arith.constant 0 : i32
        %dma_wait3A_186 = tpu.memref_slice %arg9[%dma_wait3A_184, %dma_wait3A_185] : memref<10112x128xf32, #tpu.memory_space<vmem_shared>> -> memref<632x128xf32, #tpu.memory_space<vmem_shared>>
        tpu.wait_dma2 semaphore(%run_scoped3A : memref<!tpu.dma_semaphore, #tpu.memory_space<semaphore_mem>>) src(%dma_wait3A_186 : memref<632x128xf32, #tpu.memory_space<vmem_shared>>) dst(%dma_wait3A_183 : memref<632x128xf32, #tpu.memory_space<hbm>>)
        tpu.yield
      }) : () -> ()
    } else {
    }
    %eq3A_76 = arith.constant 14 : i32
    %eq3A_77 = arith.cmpi eq, %arg1, %eq3A_76 : i32
    %convert_element_type3A_78 = arith.extui %eq3A_77 : i1 to i32
    %cond3A_79 = arith.constant 0 : i32
    %cond3A_80 = arith.cmpi ne, %convert_element_type3A_78, %cond3A_79 : i32
    scf.if %cond3A_80 {
      "tpu.region"() ({
        %run_scoped3A = tpu.sem_alloc : memref<!tpu.dma_semaphore, #tpu.memory_space<semaphore_mem>>
        %dma_start3A = arith.constant 8848 : i32
        %dma_start3A_175 = arith.constant 0 : i32
        %dma_start3A_176 = tpu.memref_slice %arg7[%arg0, %dma_start3A, %dma_start3A_175] : memref<2x10000x128xf32, #tpu.memory_space<hbm>> -> memref<1x632x128xf32, #tpu.memory_space<hbm>>
        %dma_start3A_177 = tpu.memref_squeeze %dma_start3A_176 : memref<1x632x128xf32, #tpu.memory_space<hbm>> -> memref<632x128xf32, #tpu.memory_space<hbm>>
        %dma_start3A_178 = arith.constant 8848 : i32
        %dma_start3A_179 = arith.constant 0 : i32
        %dma_start3A_180 = tpu.memref_slice %arg9[%dma_start3A_178, %dma_start3A_179] : memref<10112x128xf32, #tpu.memory_space<vmem_shared>> -> memref<632x128xf32, #tpu.memory_space<vmem_shared>>
        tpu.enqueue_dma source(%dma_start3A_180 : memref<632x128xf32, #tpu.memory_space<vmem_shared>>) target(%dma_start3A_177 : memref<632x128xf32, #tpu.memory_space<hbm>>) target_semaphore(%run_scoped3A : memref<!tpu.dma_semaphore, #tpu.memory_space<semaphore_mem>>)
        %dma_wait3A = arith.constant 8848 : i32
        %dma_wait3A_181 = arith.constant 0 : i32
        %dma_wait3A_182 = tpu.memref_slice %arg7[%arg0, %dma_wait3A, %dma_wait3A_181] : memref<2x10000x128xf32, #tpu.memory_space<hbm>> -> memref<1x632x128xf32, #tpu.memory_space<hbm>>
        %dma_wait3A_183 = tpu.memref_squeeze %dma_wait3A_182 : memref<1x632x128xf32, #tpu.memory_space<hbm>> -> memref<632x128xf32, #tpu.memory_space<hbm>>
        %dma_wait3A_184 = arith.constant 8848 : i32
        %dma_wait3A_185 = arith.constant 0 : i32
        %dma_wait3A_186 = tpu.memref_slice %arg9[%dma_wait3A_184, %dma_wait3A_185] : memref<10112x128xf32, #tpu.memory_space<vmem_shared>> -> memref<632x128xf32, #tpu.memory_space<vmem_shared>>
        tpu.wait_dma2 semaphore(%run_scoped3A : memref<!tpu.dma_semaphore, #tpu.memory_space<semaphore_mem>>) src(%dma_wait3A_186 : memref<632x128xf32, #tpu.memory_space<vmem_shared>>) dst(%dma_wait3A_183 : memref<632x128xf32, #tpu.memory_space<hbm>>)
        tpu.yield
      }) : () -> ()
    } else {
    }
    %eq3A_81 = arith.constant 15 : i32
    %eq3A_82 = arith.cmpi eq, %arg1, %eq3A_81 : i32
    %convert_element_type3A_83 = arith.extui %eq3A_82 : i1 to i32
    %cond3A_84 = arith.constant 0 : i32
    %cond3A_85 = arith.cmpi ne, %convert_element_type3A_83, %cond3A_84 : i32
    scf.if %cond3A_85 {
      "tpu.region"() ({
        %run_scoped3A = tpu.sem_alloc : memref<!tpu.dma_semaphore, #tpu.memory_space<semaphore_mem>>
        %dma_start3A = arith.constant 9480 : i32
        %dma_start3A_175 = arith.constant 0 : i32
        %dma_start3A_176 = tpu.memref_slice %arg7[%arg0, %dma_start3A, %dma_start3A_175] : memref<2x10000x128xf32, #tpu.memory_space<hbm>> -> memref<1x520x128xf32, #tpu.memory_space<hbm>>
        %dma_start3A_177 = tpu.memref_squeeze %dma_start3A_176 : memref<1x520x128xf32, #tpu.memory_space<hbm>> -> memref<520x128xf32, #tpu.memory_space<hbm>>
        %dma_start3A_178 = arith.constant 9480 : i32
        %dma_start3A_179 = arith.constant 0 : i32
        %dma_start3A_180 = tpu.memref_slice %arg9[%dma_start3A_178, %dma_start3A_179] : memref<10112x128xf32, #tpu.memory_space<vmem_shared>> -> memref<520x128xf32, #tpu.memory_space<vmem_shared>>
        tpu.enqueue_dma source(%dma_start3A_180 : memref<520x128xf32, #tpu.memory_space<vmem_shared>>) target(%dma_start3A_177 : memref<520x128xf32, #tpu.memory_space<hbm>>) target_semaphore(%run_scoped3A : memref<!tpu.dma_semaphore, #tpu.memory_space<semaphore_mem>>)
        %dma_wait3A = arith.constant 9480 : i32
        %dma_wait3A_181 = arith.constant 0 : i32
        %dma_wait3A_182 = tpu.memref_slice %arg7[%arg0, %dma_wait3A, %dma_wait3A_181] : memref<2x10000x128xf32, #tpu.memory_space<hbm>> -> memref<1x520x128xf32, #tpu.memory_space<hbm>>
        %dma_wait3A_183 = tpu.memref_squeeze %dma_wait3A_182 : memref<1x520x128xf32, #tpu.memory_space<hbm>> -> memref<520x128xf32, #tpu.memory_space<hbm>>
        %dma_wait3A_184 = arith.constant 9480 : i32
        %dma_wait3A_185 = arith.constant 0 : i32
        %dma_wait3A_186 = tpu.memref_slice %arg9[%dma_wait3A_184, %dma_wait3A_185] : memref<10112x128xf32, #tpu.memory_space<vmem_shared>> -> memref<520x128xf32, #tpu.memory_space<vmem_shared>>
        tpu.wait_dma2 semaphore(%run_scoped3A : memref<!tpu.dma_semaphore, #tpu.memory_space<semaphore_mem>>) src(%dma_wait3A_186 : memref<520x128xf32, #tpu.memory_space<vmem_shared>>) dst(%dma_wait3A_183 : memref<520x128xf32, #tpu.memory_space<hbm>>)
        tpu.yield
      }) : () -> ()
    } else {
    }
    %barrier3A_86 = arith.constant 0 : index
    tpu.barrier barrier_id(%barrier3A_86)
    "tpu.region"() ({
      %run_scoped3A = tpu.sem_alloc : memref<!tpu.dma_semaphore, #tpu.memory_space<semaphore_mem>>
      %dma_start3A = arith.constant 0 : i32
      %dma_start3A_175 = tpu.memref_slice %arg9[%multiple_of3A, %dma_start3A] : memref<10112x128xf32, #tpu.memory_space<vmem_shared>> -> memref<632x128xf32, #tpu.memory_space<vmem_shared>>
      tpu.enqueue_dma source(%arg5 : memref<632x128xf32, #tpu.memory_space<hbm>>) target(%dma_start3A_175 : memref<632x128xf32, #tpu.memory_space<vmem_shared>>) target_semaphore(%run_scoped3A : memref<!tpu.dma_semaphore, #tpu.memory_space<semaphore_mem>>)
      %dma_wait3A = arith.constant 0 : i32
      %dma_wait3A_176 = tpu.memref_slice %arg9[%multiple_of3A, %dma_wait3A] : memref<10112x128xf32, #tpu.memory_space<vmem_shared>> -> memref<632x128xf32, #tpu.memory_space<vmem_shared>>
      tpu.wait_dma2 semaphore(%run_scoped3A : memref<!tpu.dma_semaphore, #tpu.memory_space<semaphore_mem>>) src(%arg5 : memref<632x128xf32, #tpu.memory_space<hbm>>) dst(%dma_wait3A_176 : memref<632x128xf32, #tpu.memory_space<vmem_shared>>)
      tpu.yield
    }) : () -> ()
    "tpu.region"() ({
      %run_scoped3A = tpu.sem_alloc : memref<!tpu.dma_semaphore, #tpu.memory_space<semaphore_mem>>
      tpu.enqueue_dma source(%arg6 : memref<80x128xf32, #tpu.memory_space<hbm>>) target(%arg12 : memref<80x128xf32, #tpu.memory_space<vmem>>) target_semaphore(%run_scoped3A : memref<!tpu.dma_semaphore, #tpu.memory_space<semaphore_mem>>)
      tpu.wait_dma2 semaphore(%run_scoped3A : memref<!tpu.dma_semaphore, #tpu.memory_space<semaphore_mem>>) src(%arg6 : memref<80x128xf32, #tpu.memory_space<hbm>>) dst(%arg12 : memref<80x128xf32, #tpu.memory_space<vmem>>)
      tpu.yield
    }) : () -> ()
    %barrier3A_87 = arith.constant 0 : index
    tpu.barrier barrier_id(%barrier3A_87)
    %scan3A_88 = arith.constant 0 : i32
    %scan3A_89 = arith.constant 0 : i32
    %scan3A_90 = arith.constant 5 : i32
    %scan3A_91 = arith.addi %scan3A_89, %scan3A_90 : i32
    %scan3A_92 = arith.constant 1 : i32
    scf.for %scan3A_175 = %scan3A_89 to %scan3A_91 step %scan3A_92  : i32 {
      "tpu.region"() ({
        %run_scoped3A = tpu.sem_alloc : memref<!tpu.dma_semaphore, #tpu.memory_space<semaphore_mem>>
        %dma_start3A = arith.constant 0 : i32
        %dma_start3A_188 = arith.constant 0 : i32
        %dma_start3A_189 = tpu.memref_slice %arg4[%add3A, %scan3A_175, %dma_start3A, %dma_start3A_188] : memref<32x5x25x80xi32, #tpu.memory_space<hbm>> -> memref<1x1x25x80xi32, #tpu.memory_space<hbm>>
        %dma_start3A_190 = tpu.memref_squeeze %dma_start3A_189 : memref<1x1x25x80xi32, #tpu.memory_space<hbm>> -> memref<25x80xi32, #tpu.memory_space<hbm>>
        %dma_start3A_191 = arith.constant 0 : i32
        %dma_start3A_192 = arith.constant 0 : i32
        %dma_start3A_193 = tpu.memref_slice %arg4[%add3A, %scan3A_175, %dma_start3A_191, %dma_start3A_192] : memref<32x5x25x80xi32, #tpu.memory_space<hbm>> -> memref<1x1x25x80xi32, #tpu.memory_space<hbm>>
        %dma_start3A_194 = tpu.memref_squeeze %dma_start3A_193 : memref<1x1x25x80xi32, #tpu.memory_space<hbm>> -> memref<25x80xi32, #tpu.memory_space<hbm>>
        tpu.enqueue_dma source(%dma_start3A_194 : memref<25x80xi32, #tpu.memory_space<hbm>>) target(%arg11 : memref<25x80xi32, #tpu.memory_space<vmem>>) target_semaphore(%run_scoped3A : memref<!tpu.dma_semaphore, #tpu.memory_space<semaphore_mem>>)
        %dma_wait3A = arith.constant 0 : i32
        %dma_wait3A_195 = arith.constant 0 : i32
        %dma_wait3A_196 = tpu.memref_slice %arg4[%add3A, %scan3A_175, %dma_wait3A, %dma_wait3A_195] : memref<32x5x25x80xi32, #tpu.memory_space<hbm>> -> memref<1x1x25x80xi32, #tpu.memory_space<hbm>>
        %dma_wait3A_197 = tpu.memref_squeeze %dma_wait3A_196 : memref<1x1x25x80xi32, #tpu.memory_space<hbm>> -> memref<25x80xi32, #tpu.memory_space<hbm>>
        %dma_wait3A_198 = arith.constant 0 : i32
        %dma_wait3A_199 = arith.constant 0 : i32
        %dma_wait3A_200 = tpu.memref_slice %arg4[%add3A, %scan3A_175, %dma_wait3A_198, %dma_wait3A_199] : memref<32x5x25x80xi32, #tpu.memory_space<hbm>> -> memref<1x1x25x80xi32, #tpu.memory_space<hbm>>
        %dma_wait3A_201 = tpu.memref_squeeze %dma_wait3A_200 : memref<1x1x25x80xi32, #tpu.memory_space<hbm>> -> memref<25x80xi32, #tpu.memory_space<hbm>>
        tpu.wait_dma2 semaphore(%run_scoped3A : memref<!tpu.dma_semaphore, #tpu.memory_space<semaphore_mem>>) src(%dma_wait3A_201 : memref<25x80xi32, #tpu.memory_space<hbm>>) dst(%arg11 : memref<25x80xi32, #tpu.memory_space<vmem>>)
        tpu.yield
      }) : () -> ()
      %scan3A_176 = arith.constant 0 : i32
      %scan3A_177 = arith.constant 0 : i32
      %scan3A_178 = arith.constant 25 : i32
      %scan3A_179 = arith.addi %scan3A_177, %scan3A_178 : i32
      %scan3A_180 = arith.constant 1 : i32
      scf.for %scan3A_188 = %scan3A_177 to %scan3A_179 step %scan3A_180  : i32 {
        %dma_start3A = arith.constant 0 : i32
        %dma_start3A_189 = tpu.memref_slice %arg11[%scan3A_188, %dma_start3A] : memref<25x80xi32, #tpu.memory_space<vmem>> -> memref<1x80xi32, #tpu.memory_space<vmem>>
        %dma_start3A_190 = tpu.memref_squeeze %dma_start3A_189 : memref<1x80xi32, #tpu.memory_space<vmem>> -> memref<80xi32, #tpu.memory_space<vmem>>
        %dma_start3A_191 = arith.constant 0 : i32
        %dma_start3A_192 = arith.constant 0 : i32
        %dma_start3A_193 = tpu.memref_slice %arg9[%dma_start3A_191, %dma_start3A_192] : memref<10112x128xf32, #tpu.memory_space<vmem_shared>> -> memref<10112x128xf32, #tpu.memory_space<vmem_shared>>
        tpu.enqueue_indirect_dma source(%arg12 : memref<80x128xf32, #tpu.memory_space<vmem>>) target(%dma_start3A_193 : memref<10112x128xf32, #tpu.memory_space<vmem_shared>>) offsets(%dma_start3A_190 : memref<80xi32, #tpu.memory_space<vmem>>) semaphore(%arg16 : memref<!tpu.dma_semaphore, #tpu.memory_space<semaphore_mem>>) {add = true}
      }
      %scan3A_181 = arith.constant 25 : i32
      %scan3A_182 = arith.constant 0 : i32
      %scan3A_183 = arith.constant 0 : i32
      %scan3A_184 = arith.constant 25 : i32
      %scan3A_185 = arith.addi %scan3A_183, %scan3A_184 : i32
      %scan3A_186 = arith.constant 1 : i32
      scf.for %scan3A_188 = %scan3A_183 to %scan3A_185 step %scan3A_186  : i32 {
        %dma_wait3A = arith.constant 0 : i32
        %dma_wait3A_189 = arith.constant 0 : i32
        %dma_wait3A_190 = tpu.memref_slice %arg11[%dma_wait3A, %dma_wait3A_189] : memref<25x80xi32, #tpu.memory_space<vmem>> -> memref<1x80xi32, #tpu.memory_space<vmem>>
        %dma_wait3A_191 = tpu.memref_squeeze %dma_wait3A_190 : memref<1x80xi32, #tpu.memory_space<vmem>> -> memref<80xi32, #tpu.memory_space<vmem>>
        %dma_wait3A_192 = arith.constant 0 : i32
        %dma_wait3A_193 = arith.constant 0 : i32
        %dma_wait3A_194 = tpu.memref_slice %arg9[%dma_wait3A_192, %dma_wait3A_193] : memref<10112x128xf32, #tpu.memory_space<vmem_shared>> -> memref<10112x128xf32, #tpu.memory_space<vmem_shared>>
        tpu.wait_indirect_dma semaphore(%arg16 : memref<!tpu.dma_semaphore, #tpu.memory_space<semaphore_mem>>) src(%arg12 : memref<80x128xf32, #tpu.memory_space<vmem>>) dst(%dma_wait3A_194 : memref<10112x128xf32, #tpu.memory_space<vmem_shared>>)
      }
      %scan3A_187 = arith.constant 25 : i32
    }
    %scan3A_93 = arith.constant 5 : i32
    %barrier3A_94 = arith.constant 0 : index
    tpu.barrier barrier_id(%barrier3A_94)
    %eq3A_95 = arith.constant 0 : i32
    %eq3A_96 = arith.cmpi eq, %arg1, %eq3A_95 : i32
    %convert_element_type3A_97 = arith.extui %eq3A_96 : i1 to i32
    %cond3A_98 = arith.constant 0 : i32
    %cond3A_99 = arith.cmpi ne, %convert_element_type3A_97, %cond3A_98 : i32
    scf.if %cond3A_99 {
      "tpu.region"() ({
        %run_scoped3A = tpu.sem_alloc : memref<!tpu.dma_semaphore, #tpu.memory_space<semaphore_mem>>
        %dma_start3A = arith.constant 0 : i32
        %dma_start3A_175 = arith.constant 0 : i32
        %dma_start3A_176 = tpu.memref_slice %arg8[%arg0, %dma_start3A, %dma_start3A_175] : memref<2x10000x128xf32, #tpu.memory_space<hbm>> -> memref<1x632x128xf32, #tpu.memory_space<hbm>>
        %dma_start3A_177 = tpu.memref_squeeze %dma_start3A_176 : memref<1x632x128xf32, #tpu.memory_space<hbm>> -> memref<632x128xf32, #tpu.memory_space<hbm>>
        %dma_start3A_178 = arith.constant 0 : i32
        %dma_start3A_179 = arith.constant 0 : i32
        %dma_start3A_180 = tpu.memref_slice %arg9[%dma_start3A_178, %dma_start3A_179] : memref<10112x128xf32, #tpu.memory_space<vmem_shared>> -> memref<632x128xf32, #tpu.memory_space<vmem_shared>>
        tpu.enqueue_dma source(%dma_start3A_180 : memref<632x128xf32, #tpu.memory_space<vmem_shared>>) target(%dma_start3A_177 : memref<632x128xf32, #tpu.memory_space<hbm>>) target_semaphore(%run_scoped3A : memref<!tpu.dma_semaphore, #tpu.memory_space<semaphore_mem>>)
        %dma_wait3A = arith.constant 0 : i32
        %dma_wait3A_181 = arith.constant 0 : i32
        %dma_wait3A_182 = tpu.memref_slice %arg8[%arg0, %dma_wait3A, %dma_wait3A_181] : memref<2x10000x128xf32, #tpu.memory_space<hbm>> -> memref<1x632x128xf32, #tpu.memory_space<hbm>>
        %dma_wait3A_183 = tpu.memref_squeeze %dma_wait3A_182 : memref<1x632x128xf32, #tpu.memory_space<hbm>> -> memref<632x128xf32, #tpu.memory_space<hbm>>
        %dma_wait3A_184 = arith.constant 0 : i32
        %dma_wait3A_185 = arith.constant 0 : i32
        %dma_wait3A_186 = tpu.memref_slice %arg9[%dma_wait3A_184, %dma_wait3A_185] : memref<10112x128xf32, #tpu.memory_space<vmem_shared>> -> memref<632x128xf32, #tpu.memory_space<vmem_shared>>
        tpu.wait_dma2 semaphore(%run_scoped3A : memref<!tpu.dma_semaphore, #tpu.memory_space<semaphore_mem>>) src(%dma_wait3A_186 : memref<632x128xf32, #tpu.memory_space<vmem_shared>>) dst(%dma_wait3A_183 : memref<632x128xf32, #tpu.memory_space<hbm>>)
        tpu.yield
      }) : () -> ()
    } else {
    }
    %eq3A_100 = arith.constant 1 : i32
    %eq3A_101 = arith.cmpi eq, %arg1, %eq3A_100 : i32
    %convert_element_type3A_102 = arith.extui %eq3A_101 : i1 to i32
    %cond3A_103 = arith.constant 0 : i32
    %cond3A_104 = arith.cmpi ne, %convert_element_type3A_102, %cond3A_103 : i32
    scf.if %cond3A_104 {
      "tpu.region"() ({
        %run_scoped3A = tpu.sem_alloc : memref<!tpu.dma_semaphore, #tpu.memory_space<semaphore_mem>>
        %dma_start3A = arith.constant 632 : i32
        %dma_start3A_175 = arith.constant 0 : i32
        %dma_start3A_176 = tpu.memref_slice %arg8[%arg0, %dma_start3A, %dma_start3A_175] : memref<2x10000x128xf32, #tpu.memory_space<hbm>> -> memref<1x632x128xf32, #tpu.memory_space<hbm>>
        %dma_start3A_177 = tpu.memref_squeeze %dma_start3A_176 : memref<1x632x128xf32, #tpu.memory_space<hbm>> -> memref<632x128xf32, #tpu.memory_space<hbm>>
        %dma_start3A_178 = arith.constant 632 : i32
        %dma_start3A_179 = arith.constant 0 : i32
        %dma_start3A_180 = tpu.memref_slice %arg9[%dma_start3A_178, %dma_start3A_179] : memref<10112x128xf32, #tpu.memory_space<vmem_shared>> -> memref<632x128xf32, #tpu.memory_space<vmem_shared>>
        tpu.enqueue_dma source(%dma_start3A_180 : memref<632x128xf32, #tpu.memory_space<vmem_shared>>) target(%dma_start3A_177 : memref<632x128xf32, #tpu.memory_space<hbm>>) target_semaphore(%run_scoped3A : memref<!tpu.dma_semaphore, #tpu.memory_space<semaphore_mem>>)
        %dma_wait3A = arith.constant 632 : i32
        %dma_wait3A_181 = arith.constant 0 : i32
        %dma_wait3A_182 = tpu.memref_slice %arg8[%arg0, %dma_wait3A, %dma_wait3A_181] : memref<2x10000x128xf32, #tpu.memory_space<hbm>> -> memref<1x632x128xf32, #tpu.memory_space<hbm>>
        %dma_wait3A_183 = tpu.memref_squeeze %dma_wait3A_182 : memref<1x632x128xf32, #tpu.memory_space<hbm>> -> memref<632x128xf32, #tpu.memory_space<hbm>>
        %dma_wait3A_184 = arith.constant 632 : i32
        %dma_wait3A_185 = arith.constant 0 : i32
        %dma_wait3A_186 = tpu.memref_slice %arg9[%dma_wait3A_184, %dma_wait3A_185] : memref<10112x128xf32, #tpu.memory_space<vmem_shared>> -> memref<632x128xf32, #tpu.memory_space<vmem_shared>>
        tpu.wait_dma2 semaphore(%run_scoped3A : memref<!tpu.dma_semaphore, #tpu.memory_space<semaphore_mem>>) src(%dma_wait3A_186 : memref<632x128xf32, #tpu.memory_space<vmem_shared>>) dst(%dma_wait3A_183 : memref<632x128xf32, #tpu.memory_space<hbm>>)
        tpu.yield
      }) : () -> ()
    } else {
    }
    %eq3A_105 = arith.constant 2 : i32
    %eq3A_106 = arith.cmpi eq, %arg1, %eq3A_105 : i32
    %convert_element_type3A_107 = arith.extui %eq3A_106 : i1 to i32
    %cond3A_108 = arith.constant 0 : i32
    %cond3A_109 = arith.cmpi ne, %convert_element_type3A_107, %cond3A_108 : i32
    scf.if %cond3A_109 {
      "tpu.region"() ({
        %run_scoped3A = tpu.sem_alloc : memref<!tpu.dma_semaphore, #tpu.memory_space<semaphore_mem>>
        %dma_start3A = arith.constant 1264 : i32
        %dma_start3A_175 = arith.constant 0 : i32
        %dma_start3A_176 = tpu.memref_slice %arg8[%arg0, %dma_start3A, %dma_start3A_175] : memref<2x10000x128xf32, #tpu.memory_space<hbm>> -> memref<1x632x128xf32, #tpu.memory_space<hbm>>
        %dma_start3A_177 = tpu.memref_squeeze %dma_start3A_176 : memref<1x632x128xf32, #tpu.memory_space<hbm>> -> memref<632x128xf32, #tpu.memory_space<hbm>>
        %dma_start3A_178 = arith.constant 1264 : i32
        %dma_start3A_179 = arith.constant 0 : i32
        %dma_start3A_180 = tpu.memref_slice %arg9[%dma_start3A_178, %dma_start3A_179] : memref<10112x128xf32, #tpu.memory_space<vmem_shared>> -> memref<632x128xf32, #tpu.memory_space<vmem_shared>>
        tpu.enqueue_dma source(%dma_start3A_180 : memref<632x128xf32, #tpu.memory_space<vmem_shared>>) target(%dma_start3A_177 : memref<632x128xf32, #tpu.memory_space<hbm>>) target_semaphore(%run_scoped3A : memref<!tpu.dma_semaphore, #tpu.memory_space<semaphore_mem>>)
        %dma_wait3A = arith.constant 1264 : i32
        %dma_wait3A_181 = arith.constant 0 : i32
        %dma_wait3A_182 = tpu.memref_slice %arg8[%arg0, %dma_wait3A, %dma_wait3A_181] : memref<2x10000x128xf32, #tpu.memory_space<hbm>> -> memref<1x632x128xf32, #tpu.memory_space<hbm>>
        %dma_wait3A_183 = tpu.memref_squeeze %dma_wait3A_182 : memref<1x632x128xf32, #tpu.memory_space<hbm>> -> memref<632x128xf32, #tpu.memory_space<hbm>>
        %dma_wait3A_184 = arith.constant 1264 : i32
        %dma_wait3A_185 = arith.constant 0 : i32
        %dma_wait3A_186 = tpu.memref_slice %arg9[%dma_wait3A_184, %dma_wait3A_185] : memref<10112x128xf32, #tpu.memory_space<vmem_shared>> -> memref<632x128xf32, #tpu.memory_space<vmem_shared>>
        tpu.wait_dma2 semaphore(%run_scoped3A : memref<!tpu.dma_semaphore, #tpu.memory_space<semaphore_mem>>) src(%dma_wait3A_186 : memref<632x128xf32, #tpu.memory_space<vmem_shared>>) dst(%dma_wait3A_183 : memref<632x128xf32, #tpu.memory_space<hbm>>)
        tpu.yield
      }) : () -> ()
    } else {
    }
    %eq3A_110 = arith.constant 3 : i32
    %eq3A_111 = arith.cmpi eq, %arg1, %eq3A_110 : i32
    %convert_element_type3A_112 = arith.extui %eq3A_111 : i1 to i32
    %cond3A_113 = arith.constant 0 : i32
    %cond3A_114 = arith.cmpi ne, %convert_element_type3A_112, %cond3A_113 : i32
    scf.if %cond3A_114 {
      "tpu.region"() ({
        %run_scoped3A = tpu.sem_alloc : memref<!tpu.dma_semaphore, #tpu.memory_space<semaphore_mem>>
        %dma_start3A = arith.constant 1896 : i32
        %dma_start3A_175 = arith.constant 0 : i32
        %dma_start3A_176 = tpu.memref_slice %arg8[%arg0, %dma_start3A, %dma_start3A_175] : memref<2x10000x128xf32, #tpu.memory_space<hbm>> -> memref<1x632x128xf32, #tpu.memory_space<hbm>>
        %dma_start3A_177 = tpu.memref_squeeze %dma_start3A_176 : memref<1x632x128xf32, #tpu.memory_space<hbm>> -> memref<632x128xf32, #tpu.memory_space<hbm>>
        %dma_start3A_178 = arith.constant 1896 : i32
        %dma_start3A_179 = arith.constant 0 : i32
        %dma_start3A_180 = tpu.memref_slice %arg9[%dma_start3A_178, %dma_start3A_179] : memref<10112x128xf32, #tpu.memory_space<vmem_shared>> -> memref<632x128xf32, #tpu.memory_space<vmem_shared>>
        tpu.enqueue_dma source(%dma_start3A_180 : memref<632x128xf32, #tpu.memory_space<vmem_shared>>) target(%dma_start3A_177 : memref<632x128xf32, #tpu.memory_space<hbm>>) target_semaphore(%run_scoped3A : memref<!tpu.dma_semaphore, #tpu.memory_space<semaphore_mem>>)
        %dma_wait3A = arith.constant 1896 : i32
        %dma_wait3A_181 = arith.constant 0 : i32
        %dma_wait3A_182 = tpu.memref_slice %arg8[%arg0, %dma_wait3A, %dma_wait3A_181] : memref<2x10000x128xf32, #tpu.memory_space<hbm>> -> memref<1x632x128xf32, #tpu.memory_space<hbm>>
        %dma_wait3A_183 = tpu.memref_squeeze %dma_wait3A_182 : memref<1x632x128xf32, #tpu.memory_space<hbm>> -> memref<632x128xf32, #tpu.memory_space<hbm>>
        %dma_wait3A_184 = arith.constant 1896 : i32
        %dma_wait3A_185 = arith.constant 0 : i32
        %dma_wait3A_186 = tpu.memref_slice %arg9[%dma_wait3A_184, %dma_wait3A_185] : memref<10112x128xf32, #tpu.memory_space<vmem_shared>> -> memref<632x128xf32, #tpu.memory_space<vmem_shared>>
        tpu.wait_dma2 semaphore(%run_scoped3A : memref<!tpu.dma_semaphore, #tpu.memory_space<semaphore_mem>>) src(%dma_wait3A_186 : memref<632x128xf32, #tpu.memory_space<vmem_shared>>) dst(%dma_wait3A_183 : memref<632x128xf32, #tpu.memory_space<hbm>>)
        tpu.yield
      }) : () -> ()
    } else {
    }
    %eq3A_115 = arith.constant 4 : i32
    %eq3A_116 = arith.cmpi eq, %arg1, %eq3A_115 : i32
    %convert_element_type3A_117 = arith.extui %eq3A_116 : i1 to i32
    %cond3A_118 = arith.constant 0 : i32
    %cond3A_119 = arith.cmpi ne, %convert_element_type3A_117, %cond3A_118 : i32
    scf.if %cond3A_119 {
      "tpu.region"() ({
        %run_scoped3A = tpu.sem_alloc : memref<!tpu.dma_semaphore, #tpu.memory_space<semaphore_mem>>
        %dma_start3A = arith.constant 2528 : i32
        %dma_start3A_175 = arith.constant 0 : i32
        %dma_start3A_176 = tpu.memref_slice %arg8[%arg0, %dma_start3A, %dma_start3A_175] : memref<2x10000x128xf32, #tpu.memory_space<hbm>> -> memref<1x632x128xf32, #tpu.memory_space<hbm>>
        %dma_start3A_177 = tpu.memref_squeeze %dma_start3A_176 : memref<1x632x128xf32, #tpu.memory_space<hbm>> -> memref<632x128xf32, #tpu.memory_space<hbm>>
        %dma_start3A_178 = arith.constant 2528 : i32
        %dma_start3A_179 = arith.constant 0 : i32
        %dma_start3A_180 = tpu.memref_slice %arg9[%dma_start3A_178, %dma_start3A_179] : memref<10112x128xf32, #tpu.memory_space<vmem_shared>> -> memref<632x128xf32, #tpu.memory_space<vmem_shared>>
        tpu.enqueue_dma source(%dma_start3A_180 : memref<632x128xf32, #tpu.memory_space<vmem_shared>>) target(%dma_start3A_177 : memref<632x128xf32, #tpu.memory_space<hbm>>) target_semaphore(%run_scoped3A : memref<!tpu.dma_semaphore, #tpu.memory_space<semaphore_mem>>)
        %dma_wait3A = arith.constant 2528 : i32
        %dma_wait3A_181 = arith.constant 0 : i32
        %dma_wait3A_182 = tpu.memref_slice %arg8[%arg0, %dma_wait3A, %dma_wait3A_181] : memref<2x10000x128xf32, #tpu.memory_space<hbm>> -> memref<1x632x128xf32, #tpu.memory_space<hbm>>
        %dma_wait3A_183 = tpu.memref_squeeze %dma_wait3A_182 : memref<1x632x128xf32, #tpu.memory_space<hbm>> -> memref<632x128xf32, #tpu.memory_space<hbm>>
        %dma_wait3A_184 = arith.constant 2528 : i32
        %dma_wait3A_185 = arith.constant 0 : i32
        %dma_wait3A_186 = tpu.memref_slice %arg9[%dma_wait3A_184, %dma_wait3A_185] : memref<10112x128xf32, #tpu.memory_space<vmem_shared>> -> memref<632x128xf32, #tpu.memory_space<vmem_shared>>
        tpu.wait_dma2 semaphore(%run_scoped3A : memref<!tpu.dma_semaphore, #tpu.memory_space<semaphore_mem>>) src(%dma_wait3A_186 : memref<632x128xf32, #tpu.memory_space<vmem_shared>>) dst(%dma_wait3A_183 : memref<632x128xf32, #tpu.memory_space<hbm>>)
        tpu.yield
      }) : () -> ()
    } else {
    }
    %eq3A_120 = arith.constant 5 : i32
    %eq3A_121 = arith.cmpi eq, %arg1, %eq3A_120 : i32
    %convert_element_type3A_122 = arith.extui %eq3A_121 : i1 to i32
    %cond3A_123 = arith.constant 0 : i32
    %cond3A_124 = arith.cmpi ne, %convert_element_type3A_122, %cond3A_123 : i32
    scf.if %cond3A_124 {
      "tpu.region"() ({
        %run_scoped3A = tpu.sem_alloc : memref<!tpu.dma_semaphore, #tpu.memory_space<semaphore_mem>>
        %dma_start3A = arith.constant 3160 : i32
        %dma_start3A_175 = arith.constant 0 : i32
        %dma_start3A_176 = tpu.memref_slice %arg8[%arg0, %dma_start3A, %dma_start3A_175] : memref<2x10000x128xf32, #tpu.memory_space<hbm>> -> memref<1x632x128xf32, #tpu.memory_space<hbm>>
        %dma_start3A_177 = tpu.memref_squeeze %dma_start3A_176 : memref<1x632x128xf32, #tpu.memory_space<hbm>> -> memref<632x128xf32, #tpu.memory_space<hbm>>
        %dma_start3A_178 = arith.constant 3160 : i32
        %dma_start3A_179 = arith.constant 0 : i32
        %dma_start3A_180 = tpu.memref_slice %arg9[%dma_start3A_178, %dma_start3A_179] : memref<10112x128xf32, #tpu.memory_space<vmem_shared>> -> memref<632x128xf32, #tpu.memory_space<vmem_shared>>
        tpu.enqueue_dma source(%dma_start3A_180 : memref<632x128xf32, #tpu.memory_space<vmem_shared>>) target(%dma_start3A_177 : memref<632x128xf32, #tpu.memory_space<hbm>>) target_semaphore(%run_scoped3A : memref<!tpu.dma_semaphore, #tpu.memory_space<semaphore_mem>>)
        %dma_wait3A = arith.constant 3160 : i32
        %dma_wait3A_181 = arith.constant 0 : i32
        %dma_wait3A_182 = tpu.memref_slice %arg8[%arg0, %dma_wait3A, %dma_wait3A_181] : memref<2x10000x128xf32, #tpu.memory_space<hbm>> -> memref<1x632x128xf32, #tpu.memory_space<hbm>>
        %dma_wait3A_183 = tpu.memref_squeeze %dma_wait3A_182 : memref<1x632x128xf32, #tpu.memory_space<hbm>> -> memref<632x128xf32, #tpu.memory_space<hbm>>
        %dma_wait3A_184 = arith.constant 3160 : i32
        %dma_wait3A_185 = arith.constant 0 : i32
        %dma_wait3A_186 = tpu.memref_slice %arg9[%dma_wait3A_184, %dma_wait3A_185] : memref<10112x128xf32, #tpu.memory_space<vmem_shared>> -> memref<632x128xf32, #tpu.memory_space<vmem_shared>>
        tpu.wait_dma2 semaphore(%run_scoped3A : memref<!tpu.dma_semaphore, #tpu.memory_space<semaphore_mem>>) src(%dma_wait3A_186 : memref<632x128xf32, #tpu.memory_space<vmem_shared>>) dst(%dma_wait3A_183 : memref<632x128xf32, #tpu.memory_space<hbm>>)
        tpu.yield
      }) : () -> ()
    } else {
    }
    %eq3A_125 = arith.constant 6 : i32
    %eq3A_126 = arith.cmpi eq, %arg1, %eq3A_125 : i32
    %convert_element_type3A_127 = arith.extui %eq3A_126 : i1 to i32
    %cond3A_128 = arith.constant 0 : i32
    %cond3A_129 = arith.cmpi ne, %convert_element_type3A_127, %cond3A_128 : i32
    scf.if %cond3A_129 {
      "tpu.region"() ({
        %run_scoped3A = tpu.sem_alloc : memref<!tpu.dma_semaphore, #tpu.memory_space<semaphore_mem>>
        %dma_start3A = arith.constant 3792 : i32
        %dma_start3A_175 = arith.constant 0 : i32
        %dma_start3A_176 = tpu.memref_slice %arg8[%arg0, %dma_start3A, %dma_start3A_175] : memref<2x10000x128xf32, #tpu.memory_space<hbm>> -> memref<1x632x128xf32, #tpu.memory_space<hbm>>
        %dma_start3A_177 = tpu.memref_squeeze %dma_start3A_176 : memref<1x632x128xf32, #tpu.memory_space<hbm>> -> memref<632x128xf32, #tpu.memory_space<hbm>>
        %dma_start3A_178 = arith.constant 3792 : i32
        %dma_start3A_179 = arith.constant 0 : i32
        %dma_start3A_180 = tpu.memref_slice %arg9[%dma_start3A_178, %dma_start3A_179] : memref<10112x128xf32, #tpu.memory_space<vmem_shared>> -> memref<632x128xf32, #tpu.memory_space<vmem_shared>>
        tpu.enqueue_dma source(%dma_start3A_180 : memref<632x128xf32, #tpu.memory_space<vmem_shared>>) target(%dma_start3A_177 : memref<632x128xf32, #tpu.memory_space<hbm>>) target_semaphore(%run_scoped3A : memref<!tpu.dma_semaphore, #tpu.memory_space<semaphore_mem>>)
        %dma_wait3A = arith.constant 3792 : i32
        %dma_wait3A_181 = arith.constant 0 : i32
        %dma_wait3A_182 = tpu.memref_slice %arg8[%arg0, %dma_wait3A, %dma_wait3A_181] : memref<2x10000x128xf32, #tpu.memory_space<hbm>> -> memref<1x632x128xf32, #tpu.memory_space<hbm>>
        %dma_wait3A_183 = tpu.memref_squeeze %dma_wait3A_182 : memref<1x632x128xf32, #tpu.memory_space<hbm>> -> memref<632x128xf32, #tpu.memory_space<hbm>>
        %dma_wait3A_184 = arith.constant 3792 : i32
        %dma_wait3A_185 = arith.constant 0 : i32
        %dma_wait3A_186 = tpu.memref_slice %arg9[%dma_wait3A_184, %dma_wait3A_185] : memref<10112x128xf32, #tpu.memory_space<vmem_shared>> -> memref<632x128xf32, #tpu.memory_space<vmem_shared>>
        tpu.wait_dma2 semaphore(%run_scoped3A : memref<!tpu.dma_semaphore, #tpu.memory_space<semaphore_mem>>) src(%dma_wait3A_186 : memref<632x128xf32, #tpu.memory_space<vmem_shared>>) dst(%dma_wait3A_183 : memref<632x128xf32, #tpu.memory_space<hbm>>)
        tpu.yield
      }) : () -> ()
    } else {
    }
    %eq3A_130 = arith.constant 7 : i32
    %eq3A_131 = arith.cmpi eq, %arg1, %eq3A_130 : i32
    %convert_element_type3A_132 = arith.extui %eq3A_131 : i1 to i32
    %cond3A_133 = arith.constant 0 : i32
    %cond3A_134 = arith.cmpi ne, %convert_element_type3A_132, %cond3A_133 : i32
    scf.if %cond3A_134 {
      "tpu.region"() ({
        %run_scoped3A = tpu.sem_alloc : memref<!tpu.dma_semaphore, #tpu.memory_space<semaphore_mem>>
        %dma_start3A = arith.constant 4424 : i32
        %dma_start3A_175 = arith.constant 0 : i32
        %dma_start3A_176 = tpu.memref_slice %arg8[%arg0, %dma_start3A, %dma_start3A_175] : memref<2x10000x128xf32, #tpu.memory_space<hbm>> -> memref<1x632x128xf32, #tpu.memory_space<hbm>>
        %dma_start3A_177 = tpu.memref_squeeze %dma_start3A_176 : memref<1x632x128xf32, #tpu.memory_space<hbm>> -> memref<632x128xf32, #tpu.memory_space<hbm>>
        %dma_start3A_178 = arith.constant 4424 : i32
        %dma_start3A_179 = arith.constant 0 : i32
        %dma_start3A_180 = tpu.memref_slice %arg9[%dma_start3A_178, %dma_start3A_179] : memref<10112x128xf32, #tpu.memory_space<vmem_shared>> -> memref<632x128xf32, #tpu.memory_space<vmem_shared>>
        tpu.enqueue_dma source(%dma_start3A_180 : memref<632x128xf32, #tpu.memory_space<vmem_shared>>) target(%dma_start3A_177 : memref<632x128xf32, #tpu.memory_space<hbm>>) target_semaphore(%run_scoped3A : memref<!tpu.dma_semaphore, #tpu.memory_space<semaphore_mem>>)
        %dma_wait3A = arith.constant 4424 : i32
        %dma_wait3A_181 = arith.constant 0 : i32
        %dma_wait3A_182 = tpu.memref_slice %arg8[%arg0, %dma_wait3A, %dma_wait3A_181] : memref<2x10000x128xf32, #tpu.memory_space<hbm>> -> memref<1x632x128xf32, #tpu.memory_space<hbm>>
        %dma_wait3A_183 = tpu.memref_squeeze %dma_wait3A_182 : memref<1x632x128xf32, #tpu.memory_space<hbm>> -> memref<632x128xf32, #tpu.memory_space<hbm>>
        %dma_wait3A_184 = arith.constant 4424 : i32
        %dma_wait3A_185 = arith.constant 0 : i32
        %dma_wait3A_186 = tpu.memref_slice %arg9[%dma_wait3A_184, %dma_wait3A_185] : memref<10112x128xf32, #tpu.memory_space<vmem_shared>> -> memref<632x128xf32, #tpu.memory_space<vmem_shared>>
        tpu.wait_dma2 semaphore(%run_scoped3A : memref<!tpu.dma_semaphore, #tpu.memory_space<semaphore_mem>>) src(%dma_wait3A_186 : memref<632x128xf32, #tpu.memory_space<vmem_shared>>) dst(%dma_wait3A_183 : memref<632x128xf32, #tpu.memory_space<hbm>>)
        tpu.yield
      }) : () -> ()
    } else {
    }
    %eq3A_135 = arith.constant 8 : i32
    %eq3A_136 = arith.cmpi eq, %arg1, %eq3A_135 : i32
    %convert_element_type3A_137 = arith.extui %eq3A_136 : i1 to i32
    %cond3A_138 = arith.constant 0 : i32
    %cond3A_139 = arith.cmpi ne, %convert_element_type3A_137, %cond3A_138 : i32
    scf.if %cond3A_139 {
      "tpu.region"() ({
        %run_scoped3A = tpu.sem_alloc : memref<!tpu.dma_semaphore, #tpu.memory_space<semaphore_mem>>
        %dma_start3A = arith.constant 5056 : i32
        %dma_start3A_175 = arith.constant 0 : i32
        %dma_start3A_176 = tpu.memref_slice %arg8[%arg0, %dma_start3A, %dma_start3A_175] : memref<2x10000x128xf32, #tpu.memory_space<hbm>> -> memref<1x632x128xf32, #tpu.memory_space<hbm>>
        %dma_start3A_177 = tpu.memref_squeeze %dma_start3A_176 : memref<1x632x128xf32, #tpu.memory_space<hbm>> -> memref<632x128xf32, #tpu.memory_space<hbm>>
        %dma_start3A_178 = arith.constant 5056 : i32
        %dma_start3A_179 = arith.constant 0 : i32
        %dma_start3A_180 = tpu.memref_slice %arg9[%dma_start3A_178, %dma_start3A_179] : memref<10112x128xf32, #tpu.memory_space<vmem_shared>> -> memref<632x128xf32, #tpu.memory_space<vmem_shared>>
        tpu.enqueue_dma source(%dma_start3A_180 : memref<632x128xf32, #tpu.memory_space<vmem_shared>>) target(%dma_start3A_177 : memref<632x128xf32, #tpu.memory_space<hbm>>) target_semaphore(%run_scoped3A : memref<!tpu.dma_semaphore, #tpu.memory_space<semaphore_mem>>)
        %dma_wait3A = arith.constant 5056 : i32
        %dma_wait3A_181 = arith.constant 0 : i32
        %dma_wait3A_182 = tpu.memref_slice %arg8[%arg0, %dma_wait3A, %dma_wait3A_181] : memref<2x10000x128xf32, #tpu.memory_space<hbm>> -> memref<1x632x128xf32, #tpu.memory_space<hbm>>
        %dma_wait3A_183 = tpu.memref_squeeze %dma_wait3A_182 : memref<1x632x128xf32, #tpu.memory_space<hbm>> -> memref<632x128xf32, #tpu.memory_space<hbm>>
        %dma_wait3A_184 = arith.constant 5056 : i32
        %dma_wait3A_185 = arith.constant 0 : i32
        %dma_wait3A_186 = tpu.memref_slice %arg9[%dma_wait3A_184, %dma_wait3A_185] : memref<10112x128xf32, #tpu.memory_space<vmem_shared>> -> memref<632x128xf32, #tpu.memory_space<vmem_shared>>
        tpu.wait_dma2 semaphore(%run_scoped3A : memref<!tpu.dma_semaphore, #tpu.memory_space<semaphore_mem>>) src(%dma_wait3A_186 : memref<632x128xf32, #tpu.memory_space<vmem_shared>>) dst(%dma_wait3A_183 : memref<632x128xf32, #tpu.memory_space<hbm>>)
        tpu.yield
      }) : () -> ()
    } else {
    }
    %eq3A_140 = arith.constant 9 : i32
    %eq3A_141 = arith.cmpi eq, %arg1, %eq3A_140 : i32
    %convert_element_type3A_142 = arith.extui %eq3A_141 : i1 to i32
    %cond3A_143 = arith.constant 0 : i32
    %cond3A_144 = arith.cmpi ne, %convert_element_type3A_142, %cond3A_143 : i32
    scf.if %cond3A_144 {
      "tpu.region"() ({
        %run_scoped3A = tpu.sem_alloc : memref<!tpu.dma_semaphore, #tpu.memory_space<semaphore_mem>>
        %dma_start3A = arith.constant 5688 : i32
        %dma_start3A_175 = arith.constant 0 : i32
        %dma_start3A_176 = tpu.memref_slice %arg8[%arg0, %dma_start3A, %dma_start3A_175] : memref<2x10000x128xf32, #tpu.memory_space<hbm>> -> memref<1x632x128xf32, #tpu.memory_space<hbm>>
        %dma_start3A_177 = tpu.memref_squeeze %dma_start3A_176 : memref<1x632x128xf32, #tpu.memory_space<hbm>> -> memref<632x128xf32, #tpu.memory_space<hbm>>
        %dma_start3A_178 = arith.constant 5688 : i32
        %dma_start3A_179 = arith.constant 0 : i32
        %dma_start3A_180 = tpu.memref_slice %arg9[%dma_start3A_178, %dma_start3A_179] : memref<10112x128xf32, #tpu.memory_space<vmem_shared>> -> memref<632x128xf32, #tpu.memory_space<vmem_shared>>
        tpu.enqueue_dma source(%dma_start3A_180 : memref<632x128xf32, #tpu.memory_space<vmem_shared>>) target(%dma_start3A_177 : memref<632x128xf32, #tpu.memory_space<hbm>>) target_semaphore(%run_scoped3A : memref<!tpu.dma_semaphore, #tpu.memory_space<semaphore_mem>>)
        %dma_wait3A = arith.constant 5688 : i32
        %dma_wait3A_181 = arith.constant 0 : i32
        %dma_wait3A_182 = tpu.memref_slice %arg8[%arg0, %dma_wait3A, %dma_wait3A_181] : memref<2x10000x128xf32, #tpu.memory_space<hbm>> -> memref<1x632x128xf32, #tpu.memory_space<hbm>>
        %dma_wait3A_183 = tpu.memref_squeeze %dma_wait3A_182 : memref<1x632x128xf32, #tpu.memory_space<hbm>> -> memref<632x128xf32, #tpu.memory_space<hbm>>
        %dma_wait3A_184 = arith.constant 5688 : i32
        %dma_wait3A_185 = arith.constant 0 : i32
        %dma_wait3A_186 = tpu.memref_slice %arg9[%dma_wait3A_184, %dma_wait3A_185] : memref<10112x128xf32, #tpu.memory_space<vmem_shared>> -> memref<632x128xf32, #tpu.memory_space<vmem_shared>>
        tpu.wait_dma2 semaphore(%run_scoped3A : memref<!tpu.dma_semaphore, #tpu.memory_space<semaphore_mem>>) src(%dma_wait3A_186 : memref<632x128xf32, #tpu.memory_space<vmem_shared>>) dst(%dma_wait3A_183 : memref<632x128xf32, #tpu.memory_space<hbm>>)
        tpu.yield
      }) : () -> ()
    } else {
    }
    %eq3A_145 = arith.constant 10 : i32
    %eq3A_146 = arith.cmpi eq, %arg1, %eq3A_145 : i32
    %convert_element_type3A_147 = arith.extui %eq3A_146 : i1 to i32
    %cond3A_148 = arith.constant 0 : i32
    %cond3A_149 = arith.cmpi ne, %convert_element_type3A_147, %cond3A_148 : i32
    scf.if %cond3A_149 {
      "tpu.region"() ({
        %run_scoped3A = tpu.sem_alloc : memref<!tpu.dma_semaphore, #tpu.memory_space<semaphore_mem>>
        %dma_start3A = arith.constant 6320 : i32
        %dma_start3A_175 = arith.constant 0 : i32
        %dma_start3A_176 = tpu.memref_slice %arg8[%arg0, %dma_start3A, %dma_start3A_175] : memref<2x10000x128xf32, #tpu.memory_space<hbm>> -> memref<1x632x128xf32, #tpu.memory_space<hbm>>
        %dma_start3A_177 = tpu.memref_squeeze %dma_start3A_176 : memref<1x632x128xf32, #tpu.memory_space<hbm>> -> memref<632x128xf32, #tpu.memory_space<hbm>>
        %dma_start3A_178 = arith.constant 6320 : i32
        %dma_start3A_179 = arith.constant 0 : i32
        %dma_start3A_180 = tpu.memref_slice %arg9[%dma_start3A_178, %dma_start3A_179] : memref<10112x128xf32, #tpu.memory_space<vmem_shared>> -> memref<632x128xf32, #tpu.memory_space<vmem_shared>>
        tpu.enqueue_dma source(%dma_start3A_180 : memref<632x128xf32, #tpu.memory_space<vmem_shared>>) target(%dma_start3A_177 : memref<632x128xf32, #tpu.memory_space<hbm>>) target_semaphore(%run_scoped3A : memref<!tpu.dma_semaphore, #tpu.memory_space<semaphore_mem>>)
        %dma_wait3A = arith.constant 6320 : i32
        %dma_wait3A_181 = arith.constant 0 : i32
        %dma_wait3A_182 = tpu.memref_slice %arg8[%arg0, %dma_wait3A, %dma_wait3A_181] : memref<2x10000x128xf32, #tpu.memory_space<hbm>> -> memref<1x632x128xf32, #tpu.memory_space<hbm>>
        %dma_wait3A_183 = tpu.memref_squeeze %dma_wait3A_182 : memref<1x632x128xf32, #tpu.memory_space<hbm>> -> memref<632x128xf32, #tpu.memory_space<hbm>>
        %dma_wait3A_184 = arith.constant 6320 : i32
        %dma_wait3A_185 = arith.constant 0 : i32
        %dma_wait3A_186 = tpu.memref_slice %arg9[%dma_wait3A_184, %dma_wait3A_185] : memref<10112x128xf32, #tpu.memory_space<vmem_shared>> -> memref<632x128xf32, #tpu.memory_space<vmem_shared>>
        tpu.wait_dma2 semaphore(%run_scoped3A : memref<!tpu.dma_semaphore, #tpu.memory_space<semaphore_mem>>) src(%dma_wait3A_186 : memref<632x128xf32, #tpu.memory_space<vmem_shared>>) dst(%dma_wait3A_183 : memref<632x128xf32, #tpu.memory_space<hbm>>)
        tpu.yield
      }) : () -> ()
    } else {
    }
    %eq3A_150 = arith.constant 11 : i32
    %eq3A_151 = arith.cmpi eq, %arg1, %eq3A_150 : i32
    %convert_element_type3A_152 = arith.extui %eq3A_151 : i1 to i32
    %cond3A_153 = arith.constant 0 : i32
    %cond3A_154 = arith.cmpi ne, %convert_element_type3A_152, %cond3A_153 : i32
    scf.if %cond3A_154 {
      "tpu.region"() ({
        %run_scoped3A = tpu.sem_alloc : memref<!tpu.dma_semaphore, #tpu.memory_space<semaphore_mem>>
        %dma_start3A = arith.constant 6952 : i32
        %dma_start3A_175 = arith.constant 0 : i32
        %dma_start3A_176 = tpu.memref_slice %arg8[%arg0, %dma_start3A, %dma_start3A_175] : memref<2x10000x128xf32, #tpu.memory_space<hbm>> -> memref<1x632x128xf32, #tpu.memory_space<hbm>>
        %dma_start3A_177 = tpu.memref_squeeze %dma_start3A_176 : memref<1x632x128xf32, #tpu.memory_space<hbm>> -> memref<632x128xf32, #tpu.memory_space<hbm>>
        %dma_start3A_178 = arith.constant 6952 : i32
        %dma_start3A_179 = arith.constant 0 : i32
        %dma_start3A_180 = tpu.memref_slice %arg9[%dma_start3A_178, %dma_start3A_179] : memref<10112x128xf32, #tpu.memory_space<vmem_shared>> -> memref<632x128xf32, #tpu.memory_space<vmem_shared>>
        tpu.enqueue_dma source(%dma_start3A_180 : memref<632x128xf32, #tpu.memory_space<vmem_shared>>) target(%dma_start3A_177 : memref<632x128xf32, #tpu.memory_space<hbm>>) target_semaphore(%run_scoped3A : memref<!tpu.dma_semaphore, #tpu.memory_space<semaphore_mem>>)
        %dma_wait3A = arith.constant 6952 : i32
        %dma_wait3A_181 = arith.constant 0 : i32
        %dma_wait3A_182 = tpu.memref_slice %arg8[%arg0, %dma_wait3A, %dma_wait3A_181] : memref<2x10000x128xf32, #tpu.memory_space<hbm>> -> memref<1x632x128xf32, #tpu.memory_space<hbm>>
        %dma_wait3A_183 = tpu.memref_squeeze %dma_wait3A_182 : memref<1x632x128xf32, #tpu.memory_space<hbm>> -> memref<632x128xf32, #tpu.memory_space<hbm>>
        %dma_wait3A_184 = arith.constant 6952 : i32
        %dma_wait3A_185 = arith.constant 0 : i32
        %dma_wait3A_186 = tpu.memref_slice %arg9[%dma_wait3A_184, %dma_wait3A_185] : memref<10112x128xf32, #tpu.memory_space<vmem_shared>> -> memref<632x128xf32, #tpu.memory_space<vmem_shared>>
        tpu.wait_dma2 semaphore(%run_scoped3A : memref<!tpu.dma_semaphore, #tpu.memory_space<semaphore_mem>>) src(%dma_wait3A_186 : memref<632x128xf32, #tpu.memory_space<vmem_shared>>) dst(%dma_wait3A_183 : memref<632x128xf32, #tpu.memory_space<hbm>>)
        tpu.yield
      }) : () -> ()
    } else {
    }
    %eq3A_155 = arith.constant 12 : i32
    %eq3A_156 = arith.cmpi eq, %arg1, %eq3A_155 : i32
    %convert_element_type3A_157 = arith.extui %eq3A_156 : i1 to i32
    %cond3A_158 = arith.constant 0 : i32
    %cond3A_159 = arith.cmpi ne, %convert_element_type3A_157, %cond3A_158 : i32
    scf.if %cond3A_159 {
      "tpu.region"() ({
        %run_scoped3A = tpu.sem_alloc : memref<!tpu.dma_semaphore, #tpu.memory_space<semaphore_mem>>
        %dma_start3A = arith.constant 7584 : i32
        %dma_start3A_175 = arith.constant 0 : i32
        %dma_start3A_176 = tpu.memref_slice %arg8[%arg0, %dma_start3A, %dma_start3A_175] : memref<2x10000x128xf32, #tpu.memory_space<hbm>> -> memref<1x632x128xf32, #tpu.memory_space<hbm>>
        %dma_start3A_177 = tpu.memref_squeeze %dma_start3A_176 : memref<1x632x128xf32, #tpu.memory_space<hbm>> -> memref<632x128xf32, #tpu.memory_space<hbm>>
        %dma_start3A_178 = arith.constant 7584 : i32
        %dma_start3A_179 = arith.constant 0 : i32
        %dma_start3A_180 = tpu.memref_slice %arg9[%dma_start3A_178, %dma_start3A_179] : memref<10112x128xf32, #tpu.memory_space<vmem_shared>> -> memref<632x128xf32, #tpu.memory_space<vmem_shared>>
        tpu.enqueue_dma source(%dma_start3A_180 : memref<632x128xf32, #tpu.memory_space<vmem_shared>>) target(%dma_start3A_177 : memref<632x128xf32, #tpu.memory_space<hbm>>) target_semaphore(%run_scoped3A : memref<!tpu.dma_semaphore, #tpu.memory_space<semaphore_mem>>)
        %dma_wait3A = arith.constant 7584 : i32
        %dma_wait3A_181 = arith.constant 0 : i32
        %dma_wait3A_182 = tpu.memref_slice %arg8[%arg0, %dma_wait3A, %dma_wait3A_181] : memref<2x10000x128xf32, #tpu.memory_space<hbm>> -> memref<1x632x128xf32, #tpu.memory_space<hbm>>
        %dma_wait3A_183 = tpu.memref_squeeze %dma_wait3A_182 : memref<1x632x128xf32, #tpu.memory_space<hbm>> -> memref<632x128xf32, #tpu.memory_space<hbm>>
        %dma_wait3A_184 = arith.constant 7584 : i32
        %dma_wait3A_185 = arith.constant 0 : i32
        %dma_wait3A_186 = tpu.memref_slice %arg9[%dma_wait3A_184, %dma_wait3A_185] : memref<10112x128xf32, #tpu.memory_space<vmem_shared>> -> memref<632x128xf32, #tpu.memory_space<vmem_shared>>
        tpu.wait_dma2 semaphore(%run_scoped3A : memref<!tpu.dma_semaphore, #tpu.memory_space<semaphore_mem>>) src(%dma_wait3A_186 : memref<632x128xf32, #tpu.memory_space<vmem_shared>>) dst(%dma_wait3A_183 : memref<632x128xf32, #tpu.memory_space<hbm>>)
        tpu.yield
      }) : () -> ()
    } else {
    }
    %eq3A_160 = arith.constant 13 : i32
    %eq3A_161 = arith.cmpi eq, %arg1, %eq3A_160 : i32
    %convert_element_type3A_162 = arith.extui %eq3A_161 : i1 to i32
    %cond3A_163 = arith.constant 0 : i32
    %cond3A_164 = arith.cmpi ne, %convert_element_type3A_162, %cond3A_163 : i32
    scf.if %cond3A_164 {
      "tpu.region"() ({
        %run_scoped3A = tpu.sem_alloc : memref<!tpu.dma_semaphore, #tpu.memory_space<semaphore_mem>>
        %dma_start3A = arith.constant 8216 : i32
        %dma_start3A_175 = arith.constant 0 : i32
        %dma_start3A_176 = tpu.memref_slice %arg8[%arg0, %dma_start3A, %dma_start3A_175] : memref<2x10000x128xf32, #tpu.memory_space<hbm>> -> memref<1x632x128xf32, #tpu.memory_space<hbm>>
        %dma_start3A_177 = tpu.memref_squeeze %dma_start3A_176 : memref<1x632x128xf32, #tpu.memory_space<hbm>> -> memref<632x128xf32, #tpu.memory_space<hbm>>
        %dma_start3A_178 = arith.constant 8216 : i32
        %dma_start3A_179 = arith.constant 0 : i32
        %dma_start3A_180 = tpu.memref_slice %arg9[%dma_start3A_178, %dma_start3A_179] : memref<10112x128xf32, #tpu.memory_space<vmem_shared>> -> memref<632x128xf32, #tpu.memory_space<vmem_shared>>
        tpu.enqueue_dma source(%dma_start3A_180 : memref<632x128xf32, #tpu.memory_space<vmem_shared>>) target(%dma_start3A_177 : memref<632x128xf32, #tpu.memory_space<hbm>>) target_semaphore(%run_scoped3A : memref<!tpu.dma_semaphore, #tpu.memory_space<semaphore_mem>>)
        %dma_wait3A = arith.constant 8216 : i32
        %dma_wait3A_181 = arith.constant 0 : i32
        %dma_wait3A_182 = tpu.memref_slice %arg8[%arg0, %dma_wait3A, %dma_wait3A_181] : memref<2x10000x128xf32, #tpu.memory_space<hbm>> -> memref<1x632x128xf32, #tpu.memory_space<hbm>>
        %dma_wait3A_183 = tpu.memref_squeeze %dma_wait3A_182 : memref<1x632x128xf32, #tpu.memory_space<hbm>> -> memref<632x128xf32, #tpu.memory_space<hbm>>
        %dma_wait3A_184 = arith.constant 8216 : i32
        %dma_wait3A_185 = arith.constant 0 : i32
        %dma_wait3A_186 = tpu.memref_slice %arg9[%dma_wait3A_184, %dma_wait3A_185] : memref<10112x128xf32, #tpu.memory_space<vmem_shared>> -> memref<632x128xf32, #tpu.memory_space<vmem_shared>>
        tpu.wait_dma2 semaphore(%run_scoped3A : memref<!tpu.dma_semaphore, #tpu.memory_space<semaphore_mem>>) src(%dma_wait3A_186 : memref<632x128xf32, #tpu.memory_space<vmem_shared>>) dst(%dma_wait3A_183 : memref<632x128xf32, #tpu.memory_space<hbm>>)
        tpu.yield
      }) : () -> ()
    } else {
    }
    %eq3A_165 = arith.constant 14 : i32
    %eq3A_166 = arith.cmpi eq, %arg1, %eq3A_165 : i32
    %convert_element_type3A_167 = arith.extui %eq3A_166 : i1 to i32
    %cond3A_168 = arith.constant 0 : i32
    %cond3A_169 = arith.cmpi ne, %convert_element_type3A_167, %cond3A_168 : i32
    scf.if %cond3A_169 {
      "tpu.region"() ({
        %run_scoped3A = tpu.sem_alloc : memref<!tpu.dma_semaphore, #tpu.memory_space<semaphore_mem>>
        %dma_start3A = arith.constant 8848 : i32
        %dma_start3A_175 = arith.constant 0 : i32
        %dma_start3A_176 = tpu.memref_slice %arg8[%arg0, %dma_start3A, %dma_start3A_175] : memref<2x10000x128xf32, #tpu.memory_space<hbm>> -> memref<1x632x128xf32, #tpu.memory_space<hbm>>
        %dma_start3A_177 = tpu.memref_squeeze %dma_start3A_176 : memref<1x632x128xf32, #tpu.memory_space<hbm>> -> memref<632x128xf32, #tpu.memory_space<hbm>>
        %dma_start3A_178 = arith.constant 8848 : i32
        %dma_start3A_179 = arith.constant 0 : i32
        %dma_start3A_180 = tpu.memref_slice %arg9[%dma_start3A_178, %dma_start3A_179] : memref<10112x128xf32, #tpu.memory_space<vmem_shared>> -> memref<632x128xf32, #tpu.memory_space<vmem_shared>>
        tpu.enqueue_dma source(%dma_start3A_180 : memref<632x128xf32, #tpu.memory_space<vmem_shared>>) target(%dma_start3A_177 : memref<632x128xf32, #tpu.memory_space<hbm>>) target_semaphore(%run_scoped3A : memref<!tpu.dma_semaphore, #tpu.memory_space<semaphore_mem>>)
        %dma_wait3A = arith.constant 8848 : i32
        %dma_wait3A_181 = arith.constant 0 : i32
        %dma_wait3A_182 = tpu.memref_slice %arg8[%arg0, %dma_wait3A, %dma_wait3A_181] : memref<2x10000x128xf32, #tpu.memory_space<hbm>> -> memref<1x632x128xf32, #tpu.memory_space<hbm>>
        %dma_wait3A_183 = tpu.memref_squeeze %dma_wait3A_182 : memref<1x632x128xf32, #tpu.memory_space<hbm>> -> memref<632x128xf32, #tpu.memory_space<hbm>>
        %dma_wait3A_184 = arith.constant 8848 : i32
        %dma_wait3A_185 = arith.constant 0 : i32
        %dma_wait3A_186 = tpu.memref_slice %arg9[%dma_wait3A_184, %dma_wait3A_185] : memref<10112x128xf32, #tpu.memory_space<vmem_shared>> -> memref<632x128xf32, #tpu.memory_space<vmem_shared>>
        tpu.wait_dma2 semaphore(%run_scoped3A : memref<!tpu.dma_semaphore, #tpu.memory_space<semaphore_mem>>) src(%dma_wait3A_186 : memref<632x128xf32, #tpu.memory_space<vmem_shared>>) dst(%dma_wait3A_183 : memref<632x128xf32, #tpu.memory_space<hbm>>)
        tpu.yield
      }) : () -> ()
    } else {
    }
    %eq3A_170 = arith.constant 15 : i32
    %eq3A_171 = arith.cmpi eq, %arg1, %eq3A_170 : i32
    %convert_element_type3A_172 = arith.extui %eq3A_171 : i1 to i32
    %cond3A_173 = arith.constant 0 : i32
    %cond3A_174 = arith.cmpi ne, %convert_element_type3A_172, %cond3A_173 : i32
    scf.if %cond3A_174 {
      "tpu.region"() ({
        %run_scoped3A = tpu.sem_alloc : memref<!tpu.dma_semaphore, #tpu.memory_space<semaphore_mem>>
        %dma_start3A = arith.constant 9480 : i32
        %dma_start3A_175 = arith.constant 0 : i32
        %dma_start3A_176 = tpu.memref_slice %arg8[%arg0, %dma_start3A, %dma_start3A_175] : memref<2x10000x128xf32, #tpu.memory_space<hbm>> -> memref<1x520x128xf32, #tpu.memory_space<hbm>>
        %dma_start3A_177 = tpu.memref_squeeze %dma_start3A_176 : memref<1x520x128xf32, #tpu.memory_space<hbm>> -> memref<520x128xf32, #tpu.memory_space<hbm>>
        %dma_start3A_178 = arith.constant 9480 : i32
        %dma_start3A_179 = arith.constant 0 : i32
        %dma_start3A_180 = tpu.memref_slice %arg9[%dma_start3A_178, %dma_start3A_179] : memref<10112x128xf32, #tpu.memory_space<vmem_shared>> -> memref<520x128xf32, #tpu.memory_space<vmem_shared>>
        tpu.enqueue_dma source(%dma_start3A_180 : memref<520x128xf32, #tpu.memory_space<vmem_shared>>) target(%dma_start3A_177 : memref<520x128xf32, #tpu.memory_space<hbm>>) target_semaphore(%run_scoped3A : memref<!tpu.dma_semaphore, #tpu.memory_space<semaphore_mem>>)
        %dma_wait3A = arith.constant 9480 : i32
        %dma_wait3A_181 = arith.constant 0 : i32
        %dma_wait3A_182 = tpu.memref_slice %arg8[%arg0, %dma_wait3A, %dma_wait3A_181] : memref<2x10000x128xf32, #tpu.memory_space<hbm>> -> memref<1x520x128xf32, #tpu.memory_space<hbm>>
        %dma_wait3A_183 = tpu.memref_squeeze %dma_wait3A_182 : memref<1x520x128xf32, #tpu.memory_space<hbm>> -> memref<520x128xf32, #tpu.memory_space<hbm>>
        %dma_wait3A_184 = arith.constant 9480 : i32
        %dma_wait3A_185 = arith.constant 0 : i32
        %dma_wait3A_186 = tpu.memref_slice %arg9[%dma_wait3A_184, %dma_wait3A_185] : memref<10112x128xf32, #tpu.memory_space<vmem_shared>> -> memref<520x128xf32, #tpu.memory_space<vmem_shared>>
        tpu.wait_dma2 semaphore(%run_scoped3A : memref<!tpu.dma_semaphore, #tpu.memory_space<semaphore_mem>>) src(%dma_wait3A_186 : memref<520x128xf32, #tpu.memory_space<vmem_shared>>) dst(%dma_wait3A_183 : memref<520x128xf32, #tpu.memory_space<hbm>>)
        tpu.yield
      }) : () -> ()
    } else {
    }
    return
  }
}

module attributes {stable_mosaic.version = 14 : i64} {
  func.func @_tc_b_body(%arg0: i32, %arg1: i32, %arg2: memref<2x1000x128xf32, #tpu.memory_space<vmem>>, %arg3: memref<2x1000x128xf32, #tpu.memory_space<vmem>>, %arg4: memref<1000x128xf32, #tpu.memory_space<vmem>>, %arg5: memref<128x256xf32, #tpu.memory_space<vmem>>, %arg6: memref<1x256xf32, #tpu.memory_space<vmem>>, %arg7: memref<128x256xf32, #tpu.memory_space<vmem>>, %arg8: memref<1x256xf32, #tpu.memory_space<vmem>>, %arg9: memref<1x256xf32, #tpu.memory_space<vmem>>, %arg10: memref<2x1000x128xf32, #tpu.memory_space<vmem>>, %arg11: memref<10000x256xf32, #tpu.memory_space<vmem>>, %arg12: memref<8x256xf32, #tpu.memory_space<vmem>>) attributes {dimension_semantics = [#tpu.dimension_semantics<arbitrary>, #tpu.dimension_semantics<arbitrary>], iteration_bounds = array<i64: 2, 10>, scalar_prefetch = 0 : i64, scratch_operands = 2 : i64, tpu.core_type = #tpu.core_type<tc>, window_params = [{transform_indices = @transform_0, window_bounds = array<i64: 2, 1000, 128>}, {transform_indices = @transform_1, window_bounds = array<i64: 2, 1000, 128>}, {transform_indices = @transform_2, window_bounds = array<i64: 1000, 128>}, {pipeline_mode = #tpu.pipeline_mode<synchronous>, transform_indices = @transform_3, window_bounds = array<i64: 128, 256>}, {pipeline_mode = #tpu.pipeline_mode<synchronous>, transform_indices = @transform_4, window_bounds = array<i64: 1, 256>}, {pipeline_mode = #tpu.pipeline_mode<synchronous>, transform_indices = @transform_5, window_bounds = array<i64: 128, 256>}, {pipeline_mode = #tpu.pipeline_mode<synchronous>, transform_indices = @transform_6, window_bounds = array<i64: 1, 256>}, {pipeline_mode = #tpu.pipeline_mode<synchronous>, transform_indices = @transform_7, window_bounds = array<i64: 1, 256>}, {transform_indices = @transform_8, window_bounds = array<i64: 2, 1000, 128>}]} {
    %eq3A = arith.constant 0 : i32
    %eq3A_0 = arith.cmpi eq, %arg0, %eq3A : i32
    %convert_element_type3A = arith.extui %eq3A_0 : i1 to i32
    %cond3A = arith.constant 0 : i32
    %cond3A_1 = arith.cmpi ne, %convert_element_type3A, %cond3A : i32
    scf.if %cond3A_1 {
      %get3A = arith.constant 0 : index
      %get3A_7 = arith.constant 0 : index
      %get3A_8 = arith.constant 0 : index
      %get3A_9 = vector.load %arg3[%get3A, %get3A_7, %get3A_8] : memref<2x1000x128xf32, #tpu.memory_space<vmem>>, vector<1x1000x1xf32>
      %get3A_10 = vector.shape_cast %get3A_9 : vector<1x1000x1xf32> to vector<1000x1xf32>
      %get3A_11 = arith.constant 1 : index
      %get3A_12 = arith.constant 0 : index
      %get3A_13 = arith.constant 0 : index
      %get3A_14 = vector.load %arg3[%get3A_11, %get3A_12, %get3A_13] : memref<2x1000x128xf32, #tpu.memory_space<vmem>>, vector<1x1000x1xf32>
      %get3A_15 = vector.shape_cast %get3A_14 : vector<1x1000x1xf32> to vector<1000x1xf32>
      %add3A = arith.addf %get3A_10, %get3A_15 : vector<1000x1xf32>
      %jit3A = arith.constant 1.000000e+00 : f32
      %max3A = vector.broadcast %jit3A : f32 to vector<1000x1xf32>
      %max3A_16 = arith.maximumf %max3A, %add3A : vector<1000x1xf32>
      %div3A = arith.constant 1.000000e+00 : f32
      %div3A_17 = vector.broadcast %div3A : f32 to vector<1000x1xf32>
      %div3A_18 = arith.divf %div3A_17, %max3A_16 : vector<1000x1xf32>
      %get3A_19 = arith.constant 0 : index
      %get3A_20 = arith.constant 0 : index
      %get3A_21 = arith.constant 0 : index
      %get3A_22 = vector.load %arg2[%get3A_19, %get3A_20, %get3A_21] : memref<2x1000x128xf32, #tpu.memory_space<vmem>>, vector<1x1000x128xf32>
      %get3A_23 = vector.shape_cast %get3A_22 : vector<1x1000x128xf32> to vector<1000x128xf32>
      %get3A_24 = arith.constant 1 : index
      %get3A_25 = arith.constant 0 : index
      %get3A_26 = arith.constant 0 : index
      %get3A_27 = vector.load %arg2[%get3A_24, %get3A_25, %get3A_26] : memref<2x1000x128xf32, #tpu.memory_space<vmem>>, vector<1x1000x128xf32>
      %get3A_28 = vector.shape_cast %get3A_27 : vector<1x1000x128xf32> to vector<1000x128xf32>
      %add3A_29 = arith.addf %get3A_23, %get3A_28 : vector<1000x128xf32>
      %mul3A = vector.broadcast %div3A_18 : vector<1000x1xf32> to vector<1000x128xf32>
      %mul3A_30 = arith.mulf %add3A_29, %mul3A : vector<1000x128xf32>
      %get3A_31 = arith.constant 0 : index
      %get3A_32 = arith.constant 0 : index
      %get3A_33 = vector.load %arg5[%get3A_31, %get3A_32] : memref<128x256xf32, #tpu.memory_space<vmem>>, vector<128x256xf32>
      %dot_general3A = arith.constant dense<0.000000e+00> : vector<1000x256xf32>
      %dot_general3A_34 = tpu.matmul %mul3A_30, %get3A_33, %dot_general3A {dimension_numbers = #tpu.dot_dimension_numbers<[1], [0], [0], [1], [0, 0, 1, 1], [], []>, transpose_lhs_hint = false} : vector<1000x128xf32>, vector<128x256xf32>, vector<1000x256xf32> -> vector<1000x256xf32>
      %get3A_35 = arith.constant 0 : index
      %get3A_36 = arith.constant 0 : index
      %get3A_37 = vector.load %arg4[%get3A_35, %get3A_36] : memref<1000x128xf32, #tpu.memory_space<vmem>>, vector<1000x128xf32>
      %get3A_38 = arith.constant 0 : index
      %get3A_39 = arith.constant 0 : index
      %get3A_40 = vector.load %arg7[%get3A_38, %get3A_39] : memref<128x256xf32, #tpu.memory_space<vmem>>, vector<128x256xf32>
      %dot_general3A_41 = arith.constant dense<0.000000e+00> : vector<1000x256xf32>
      %dot_general3A_42 = tpu.matmul %get3A_37, %get3A_40, %dot_general3A_41 {dimension_numbers = #tpu.dot_dimension_numbers<[1], [0], [0], [1], [0, 0, 1, 1], [], []>, transpose_lhs_hint = false} : vector<1000x128xf32>, vector<128x256xf32>, vector<1000x256xf32> -> vector<1000x256xf32>
      %add3A_43 = arith.addf %dot_general3A_34, %dot_general3A_42 : vector<1000x256xf32>
      %get3A_44 = arith.constant 0 : index
      %get3A_45 = arith.constant 0 : index
      %get3A_46 = vector.load %arg6[%get3A_44, %get3A_45] : memref<1x256xf32, #tpu.memory_space<vmem>>, vector<1x256xf32>
      %add3A_47 = vector.broadcast %get3A_46 : vector<1x256xf32> to vector<1000x256xf32>
      %add3A_48 = arith.addf %add3A_43, %add3A_47 : vector<1000x256xf32>
      %mul3A_49 = arith.constant 1000 : i32
      %mul3A_50 = arith.muli %arg1, %mul3A_49 : i32
      %swap3A = arith.index_cast %mul3A_50 : i32 to index
      %swap3A_51 = arith.constant 0 : index
      %swap3A_52 = vector.load %arg11[%swap3A, %swap3A_51] : memref<10000x256xf32, #tpu.memory_space<vmem>>, vector<1000x256xf32>
      tpu.vector_store %arg11[%swap3A, %swap3A_51], %add3A_48 {strides = array<i32>} : memref<10000x256xf32, #tpu.memory_space<vmem>>, vector<1000x256xf32>,
      %eq3A_53 = arith.constant 0 : i32
      %eq3A_54 = arith.cmpi eq, %arg1, %eq3A_53 : i32
      %convert_element_type3A_55 = arith.extui %eq3A_54 : i1 to i32
      %cond3A_56 = arith.constant 0 : i32
      %cond3A_57 = arith.cmpi ne, %convert_element_type3A_55, %cond3A_56 : i32
      scf.if %cond3A_57 {
        %broadcast_in_dim3A_90 = arith.constant 0.000000e+00 : f32
        %broadcast_in_dim3A_91 = vector.broadcast %broadcast_in_dim3A_90 : f32 to vector<8x256xf32>
        %swap3A_92 = arith.constant 0 : index
        %swap3A_93 = arith.constant 0 : index
        %swap3A_94 = vector.load %arg12[%swap3A_92, %swap3A_93] : memref<8x256xf32, #tpu.memory_space<vmem>>, vector<8x256xf32>
        tpu.vector_store %arg12[%swap3A_92, %swap3A_93], %broadcast_in_dim3A_91 {strides = array<i32>} : memref<8x256xf32, #tpu.memory_space<vmem>>, vector<8x256xf32>,
      } else {
      }
      %get3A_58 = arith.constant 0 : index
      %get3A_59 = arith.constant 0 : index
      %get3A_60 = vector.load %arg12[%get3A_58, %get3A_59] : memref<8x256xf32, #tpu.memory_space<vmem>>, vector<1x256xf32>
      %reduce_sum3A = arith.constant dense<0.000000e+00> : vector<256xf32>
      %reduce_sum3A_61 = vector.multi_reduction <add>, %add3A_48, %reduce_sum3A [0] : vector<1000x256xf32> to vector<256xf32>
      %broadcast_in_dim3A = vector.shape_cast %reduce_sum3A_61 : vector<256xf32> to vector<1x256xf32>
      %add3A_62 = arith.addf %get3A_60, %broadcast_in_dim3A : vector<1x256xf32>
      %swap3A_63 = arith.constant 0 : index
      %swap3A_64 = arith.constant 0 : index
      %swap3A_65 = vector.load %arg12[%swap3A_63, %swap3A_64] : memref<8x256xf32, #tpu.memory_space<vmem>>, vector<1x256xf32>
      tpu.vector_store %arg12[%swap3A_63, %swap3A_64], %add3A_62 {strides = array<i32>} : memref<8x256xf32, #tpu.memory_space<vmem>>, vector<1x256xf32>,
      %get3A_66 = arith.constant 1 : index
      %get3A_67 = arith.constant 0 : index
      %get3A_68 = vector.load %arg12[%get3A_66, %get3A_67] : memref<8x256xf32, #tpu.memory_space<vmem>>, vector<1x256xf32>
      %mul3A_69 = arith.mulf %add3A_48, %add3A_48 : vector<1000x256xf32>
      %reduce_sum3A_70 = arith.constant dense<0.000000e+00> : vector<256xf32>
      %reduce_sum3A_71 = vector.multi_reduction <add>, %mul3A_69, %reduce_sum3A_70 [0] : vector<1000x256xf32> to vector<256xf32>
      %broadcast_in_dim3A_72 = vector.shape_cast %reduce_sum3A_71 : vector<256xf32> to vector<1x256xf32>
      %add3A_73 = arith.addf %get3A_68, %broadcast_in_dim3A_72 : vector<1x256xf32>
      %swap3A_74 = arith.constant 1 : index
      %swap3A_75 = arith.constant 0 : index
      %swap3A_76 = vector.load %arg12[%swap3A_74, %swap3A_75] : memref<8x256xf32, #tpu.memory_space<vmem>>, vector<1x256xf32>
      tpu.vector_store %arg12[%swap3A_74, %swap3A_75], %add3A_73 {strides = array<i32>} : memref<8x256xf32, #tpu.memory_space<vmem>>, vector<1x256xf32>,
      %slice3A = vector.extract_strided_slice %add3A_48 {offsets = [0, 0], sizes = [1000, 128], strides = [1, 1]} : vector<1000x256xf32> to vector<1000x128xf32>
      %swap3A_77 = arith.constant 0 : index
      %swap3A_78 = arith.constant 0 : index
      %swap3A_79 = arith.constant 0 : index
      %swap3A_80 = vector.load %arg10[%swap3A_77, %swap3A_78, %swap3A_79] : memref<2x1000x128xf32, #tpu.memory_space<vmem>>, vector<1x1000x128xf32>
      %swap3A_81 = vector.shape_cast %swap3A_80 : vector<1x1000x128xf32> to vector<1000x128xf32>
      %swap3A_82 = vector.shape_cast %slice3A : vector<1000x128xf32> to vector<1x1000x128xf32>
      tpu.vector_store %arg10[%swap3A_77, %swap3A_78, %swap3A_79], %swap3A_82 {strides = array<i32>} : memref<2x1000x128xf32, #tpu.memory_space<vmem>>, vector<1x1000x128xf32>,
      %slice3A_83 = vector.extract_strided_slice %add3A_48 {offsets = [0, 128], sizes = [1000, 128], strides = [1, 1]} : vector<1000x256xf32> to vector<1000x128xf32>
      %swap3A_84 = arith.constant 1 : index
      %swap3A_85 = arith.constant 0 : index
      %swap3A_86 = arith.constant 0 : index
      %swap3A_87 = vector.load %arg10[%swap3A_84, %swap3A_85, %swap3A_86] : memref<2x1000x128xf32, #tpu.memory_space<vmem>>, vector<1x1000x128xf32>
      %swap3A_88 = vector.shape_cast %swap3A_87 : vector<1x1000x128xf32> to vector<1000x128xf32>
      %swap3A_89 = vector.shape_cast %slice3A_83 : vector<1000x128xf32> to vector<1x1000x128xf32>
      tpu.vector_store %arg10[%swap3A_84, %swap3A_85, %swap3A_86], %swap3A_89 {strides = array<i32>} : memref<2x1000x128xf32, #tpu.memory_space<vmem>>, vector<1x1000x128xf32>,
    } else {
    }
    %eq3A_2 = arith.constant 1 : i32
    %eq3A_3 = arith.cmpi eq, %arg0, %eq3A_2 : i32
    %convert_element_type3A_4 = arith.extui %eq3A_3 : i1 to i32
    %cond3A_5 = arith.constant 0 : i32
    %cond3A_6 = arith.cmpi ne, %convert_element_type3A_4, %cond3A_5 : i32
    scf.if %cond3A_6 {
      %get3A = arith.constant 0 : index
      %get3A_7 = arith.constant 0 : index
      %get3A_8 = vector.load %arg12[%get3A, %get3A_7] : memref<8x256xf32, #tpu.memory_space<vmem>>, vector<1x256xf32>
      %mul3A = arith.constant 9.99999974E-5 : f32
      %mul3A_9 = vector.broadcast %mul3A : f32 to vector<1x256xf32>
      %mul3A_10 = arith.mulf %get3A_8, %mul3A_9 : vector<1x256xf32>
      %get3A_11 = arith.constant 1 : index
      %get3A_12 = arith.constant 0 : index
      %get3A_13 = vector.load %arg12[%get3A_11, %get3A_12] : memref<8x256xf32, #tpu.memory_space<vmem>>, vector<1x256xf32>
      %mul3A_14 = arith.constant 9.99999974E-5 : f32
      %mul3A_15 = vector.broadcast %mul3A_14 : f32 to vector<1x256xf32>
      %mul3A_16 = arith.mulf %get3A_13, %mul3A_15 : vector<1x256xf32>
      %mul3A_17 = arith.mulf %mul3A_10, %mul3A_10 : vector<1x256xf32>
      %sub3A = arith.subf %mul3A_16, %mul3A_17 : vector<1x256xf32>
      %get3A_18 = arith.constant 0 : index
      %get3A_19 = arith.constant 0 : index
      %get3A_20 = vector.load %arg8[%get3A_18, %get3A_19] : memref<1x256xf32, #tpu.memory_space<vmem>>, vector<1x256xf32>
      %add3A = arith.constant 9.99999974E-6 : f32
      %add3A_21 = vector.broadcast %add3A : f32 to vector<1x256xf32>
      %add3A_22 = arith.addf %sub3A, %add3A_21 : vector<1x256xf32>
      %rsqrt3A = math.rsqrt %add3A_22 : vector<1x256xf32>
      %mul3A_23 = arith.mulf %get3A_20, %rsqrt3A : vector<1x256xf32>
      %get3A_24 = arith.constant 0 : index
      %get3A_25 = arith.constant 0 : index
      %get3A_26 = vector.load %arg9[%get3A_24, %get3A_25] : memref<1x256xf32, #tpu.memory_space<vmem>>, vector<1x256xf32>
      %mul3A_27 = arith.mulf %mul3A_10, %mul3A_23 : vector<1x256xf32>
      %sub3A_28 = arith.subf %get3A_26, %mul3A_27 : vector<1x256xf32>
      %mul3A_29 = arith.constant 1000 : i32
      %mul3A_30 = arith.muli %arg1, %mul3A_29 : i32
      %get3A_31 = arith.index_cast %mul3A_30 : i32 to index
      %get3A_32 = arith.constant 0 : index
      %get3A_33 = vector.load %arg11[%get3A_31, %get3A_32] : memref<10000x256xf32, #tpu.memory_space<vmem>>, vector<1000x256xf32>
      %mul3A_34 = vector.broadcast %mul3A_23 : vector<1x256xf32> to vector<1000x256xf32>
      %mul3A_35 = arith.mulf %get3A_33, %mul3A_34 : vector<1000x256xf32>
      %add3A_36 = vector.broadcast %sub3A_28 : vector<1x256xf32> to vector<1000x256xf32>
      %add3A_37 = arith.addf %mul3A_35, %add3A_36 : vector<1000x256xf32>
      %ge3A = arith.constant 0.000000e+00 : f32
      %ge3A_38 = vector.broadcast %ge3A : f32 to vector<1000x256xf32>
      %ge3A_39 = arith.cmpf oge, %add3A_37, %ge3A_38 : vector<1000x256xf32>
      %mul3A_40 = arith.constant 0.00999999977 : f32
      %mul3A_41 = vector.broadcast %mul3A_40 : f32 to vector<1000x256xf32>
      %mul3A_42 = arith.mulf %mul3A_41, %add3A_37 : vector<1000x256xf32>
      %select_n3A = arith.select %ge3A_39, %add3A_37, %mul3A_42 : vector<1000x256xi1>, vector<1000x256xf32>
      %slice3A = vector.extract_strided_slice %select_n3A {offsets = [0, 0], sizes = [1000, 128], strides = [1, 1]} : vector<1000x256xf32> to vector<1000x128xf32>
      %swap3A = arith.constant 0 : index
      %swap3A_43 = arith.constant 0 : index
      %swap3A_44 = arith.constant 0 : index
      %swap3A_45 = vector.load %arg10[%swap3A, %swap3A_43, %swap3A_44] : memref<2x1000x128xf32, #tpu.memory_space<vmem>>, vector<1x1000x128xf32>
      %swap3A_46 = vector.shape_cast %swap3A_45 : vector<1x1000x128xf32> to vector<1000x128xf32>
      %swap3A_47 = vector.shape_cast %slice3A : vector<1000x128xf32> to vector<1x1000x128xf32>
      tpu.vector_store %arg10[%swap3A, %swap3A_43, %swap3A_44], %swap3A_47 {strides = array<i32>} : memref<2x1000x128xf32, #tpu.memory_space<vmem>>, vector<1x1000x128xf32>,
      %slice3A_48 = vector.extract_strided_slice %select_n3A {offsets = [0, 128], sizes = [1000, 128], strides = [1, 1]} : vector<1000x256xf32> to vector<1000x128xf32>
      %swap3A_49 = arith.constant 1 : index
      %swap3A_50 = arith.constant 0 : index
      %swap3A_51 = arith.constant 0 : index
      %swap3A_52 = vector.load %arg10[%swap3A_49, %swap3A_50, %swap3A_51] : memref<2x1000x128xf32, #tpu.memory_space<vmem>>, vector<1x1000x128xf32>
      %swap3A_53 = vector.shape_cast %swap3A_52 : vector<1x1000x128xf32> to vector<1000x128xf32>
      %swap3A_54 = vector.shape_cast %slice3A_48 : vector<1000x128xf32> to vector<1x1000x128xf32>
      tpu.vector_store %arg10[%swap3A_49, %swap3A_50, %swap3A_51], %swap3A_54 {strides = array<i32>} : memref<2x1000x128xf32, #tpu.memory_space<vmem>>, vector<1x1000x128xf32>,
    } else {
    }
    return
  }
  func.func @transform_0(%arg0: i32, %arg1: i32) -> (i32, i32, i32) {
    %sub3A = arith.constant 1 : i32
    %sub3A_0 = arith.subi %sub3A, %arg0 : i32
    %mul3A = arith.muli %arg1, %sub3A_0 : i32
    %c0_i32 = arith.constant 0 : i32
    %c0_i32_1 = arith.constant 0 : i32
    %c0_i32_2 = arith.constant 0 : i32
    return %c0_i32, %mul3A, %c0_i32_1 : i32, i32, i32
  }
  func.func @transform_1(%arg0: i32, %arg1: i32) -> (i32, i32, i32) {
    %sub3A = arith.constant 1 : i32
    %sub3A_0 = arith.subi %sub3A, %arg0 : i32
    %mul3A = arith.muli %arg1, %sub3A_0 : i32
    %c0_i32 = arith.constant 0 : i32
    %c0_i32_1 = arith.constant 0 : i32
    %c0_i32_2 = arith.constant 0 : i32
    return %c0_i32, %mul3A, %c0_i32_1 : i32, i32, i32
  }
  func.func @transform_2(%arg0: i32, %arg1: i32) -> (i32, i32) {
    %sub3A = arith.constant 1 : i32
    %sub3A_0 = arith.subi %sub3A, %arg0 : i32
    %mul3A = arith.muli %arg1, %sub3A_0 : i32
    %c0_i32 = arith.constant 0 : i32
    %c0_i32_1 = arith.constant 0 : i32
    return %mul3A, %c0_i32 : i32, i32
  }
  func.func @transform_3(%arg0: i32, %arg1: i32) -> (i32, i32) {
    %c0_i32 = arith.constant 0 : i32
    %c0_i32_0 = arith.constant 0 : i32
    %c0_i32_1 = arith.constant 0 : i32
    return %c0_i32, %c0_i32_0 : i32, i32
  }
  func.func @transform_4(%arg0: i32, %arg1: i32) -> (i32, i32) {
    %c0_i32 = arith.constant 0 : i32
    %c0_i32_0 = arith.constant 0 : i32
    %c0_i32_1 = arith.constant 0 : i32
    return %c0_i32, %c0_i32_0 : i32, i32
  }
  func.func @transform_5(%arg0: i32, %arg1: i32) -> (i32, i32) {
    %c0_i32 = arith.constant 0 : i32
    %c0_i32_0 = arith.constant 0 : i32
    %c0_i32_1 = arith.constant 0 : i32
    return %c0_i32, %c0_i32_0 : i32, i32
  }
  func.func @transform_6(%arg0: i32, %arg1: i32) -> (i32, i32) {
    %c0_i32 = arith.constant 0 : i32
    %c0_i32_0 = arith.constant 0 : i32
    %c0_i32_1 = arith.constant 0 : i32
    return %c0_i32, %c0_i32_0 : i32, i32
  }
  func.func @transform_7(%arg0: i32, %arg1: i32) -> (i32, i32) {
    %c0_i32 = arith.constant 0 : i32
    %c0_i32_0 = arith.constant 0 : i32
    %c0_i32_1 = arith.constant 0 : i32
    return %c0_i32, %c0_i32_0 : i32, i32
  }
  func.func @transform_8(%arg0: i32, %arg1: i32) -> (i32, i32, i32) {
    %c0_i32 = arith.constant 0 : i32
    %c0_i32_0 = arith.constant 0 : i32
    %c0_i32_1 = arith.constant 0 : i32
    return %c0_i32, %arg1, %c0_i32_0 : i32, i32, i32
  }
}

module attributes {stable_mosaic.version = 14 : i64} {
  func.func @_tc_d_body(%arg0: i32, %arg1: memref<2x1000x128xf32, #tpu.memory_space<vmem>>, %arg2: memref<2x1000x128xf32, #tpu.memory_space<vmem>>, %arg3: memref<2x1000x128xf32, #tpu.memory_space<vmem>>, %arg4: memref<256x256xf32, #tpu.memory_space<vmem>>, %arg5: memref<1x256xf32, #tpu.memory_space<vmem>>, %arg6: memref<256x256xf32, #tpu.memory_space<vmem>>, %arg7: memref<1000x256xf32, #tpu.memory_space<vmem>>) attributes {dimension_semantics = [#tpu.dimension_semantics<arbitrary>], iteration_bounds = array<i64: 10>, scalar_prefetch = 0 : i64, scratch_operands = 0 : i64, tpu.core_type = #tpu.core_type<tc>, window_params = [{transform_indices = @transform_0, window_bounds = array<i64: 2, 1000, 128>}, {transform_indices = @transform_1, window_bounds = array<i64: 2, 1000, 128>}, {transform_indices = @transform_2, window_bounds = array<i64: 2, 1000, 128>}, {pipeline_mode = #tpu.pipeline_mode<synchronous>, transform_indices = @transform_3, window_bounds = array<i64: 256, 256>}, {pipeline_mode = #tpu.pipeline_mode<synchronous>, transform_indices = @transform_4, window_bounds = array<i64: 1, 256>}, {pipeline_mode = #tpu.pipeline_mode<synchronous>, transform_indices = @transform_5, window_bounds = array<i64: 256, 256>}, {transform_indices = @transform_6, window_bounds = array<i64: 1000, 256>}]} {
    %get3A = arith.constant 0 : index
    %get3A_0 = arith.constant 0 : index
    %get3A_1 = arith.constant 0 : index
    %get3A_2 = vector.load %arg2[%get3A, %get3A_0, %get3A_1] : memref<2x1000x128xf32, #tpu.memory_space<vmem>>, vector<1x1000x1xf32>
    %get3A_3 = vector.shape_cast %get3A_2 : vector<1x1000x1xf32> to vector<1000x1xf32>
    %get3A_4 = arith.constant 1 : index
    %get3A_5 = arith.constant 0 : index
    %get3A_6 = arith.constant 0 : index
    %get3A_7 = vector.load %arg2[%get3A_4, %get3A_5, %get3A_6] : memref<2x1000x128xf32, #tpu.memory_space<vmem>>, vector<1x1000x1xf32>
    %get3A_8 = vector.shape_cast %get3A_7 : vector<1x1000x1xf32> to vector<1000x1xf32>
    %add3A = arith.addf %get3A_3, %get3A_8 : vector<1000x1xf32>
    %jit3A = arith.constant 1.000000e+00 : f32
    %max3A = vector.broadcast %jit3A : f32 to vector<1000x1xf32>
    %max3A_9 = arith.maximumf %max3A, %add3A : vector<1000x1xf32>
    %div3A = arith.constant 1.000000e+00 : f32
    %div3A_10 = vector.broadcast %div3A : f32 to vector<1000x1xf32>
    %div3A_11 = arith.divf %div3A_10, %max3A_9 : vector<1000x1xf32>
    %get3A_12 = arith.constant 0 : index
    %get3A_13 = arith.constant 0 : index
    %get3A_14 = arith.constant 0 : index
    %get3A_15 = vector.load %arg1[%get3A_12, %get3A_13, %get3A_14] : memref<2x1000x128xf32, #tpu.memory_space<vmem>>, vector<1x1000x128xf32>
    %get3A_16 = vector.shape_cast %get3A_15 : vector<1x1000x128xf32> to vector<1000x128xf32>
    %mul3A = vector.broadcast %div3A_11 : vector<1000x1xf32> to vector<1000x128xf32>
    %mul3A_17 = arith.mulf %get3A_16, %mul3A : vector<1000x128xf32>
    %get3A_18 = arith.constant 0 : index
    %get3A_19 = arith.constant 0 : index
    %get3A_20 = vector.load %arg4[%get3A_18, %get3A_19] : memref<256x256xf32, #tpu.memory_space<vmem>>, vector<128x256xf32>
    %dot_general3A = arith.constant dense<0.000000e+00> : vector<1000x256xf32>
    %dot_general3A_21 = tpu.matmul %mul3A_17, %get3A_20, %dot_general3A {dimension_numbers = #tpu.dot_dimension_numbers<[1], [0], [0], [1], [0, 0, 1, 1], [], []>, transpose_lhs_hint = false} : vector<1000x128xf32>, vector<128x256xf32>, vector<1000x256xf32> -> vector<1000x256xf32>
    %get3A_22 = arith.constant 1 : index
    %get3A_23 = arith.constant 0 : index
    %get3A_24 = arith.constant 0 : index
    %get3A_25 = vector.load %arg1[%get3A_22, %get3A_23, %get3A_24] : memref<2x1000x128xf32, #tpu.memory_space<vmem>>, vector<1x1000x128xf32>
    %get3A_26 = vector.shape_cast %get3A_25 : vector<1x1000x128xf32> to vector<1000x128xf32>
    %mul3A_27 = vector.broadcast %div3A_11 : vector<1000x1xf32> to vector<1000x128xf32>
    %mul3A_28 = arith.mulf %get3A_26, %mul3A_27 : vector<1000x128xf32>
    %get3A_29 = arith.constant 128 : index
    %get3A_30 = arith.constant 0 : index
    %get3A_31 = vector.load %arg4[%get3A_29, %get3A_30] : memref<256x256xf32, #tpu.memory_space<vmem>>, vector<128x256xf32>
    %dot_general3A_32 = arith.constant dense<0.000000e+00> : vector<1000x256xf32>
    %dot_general3A_33 = tpu.matmul %mul3A_28, %get3A_31, %dot_general3A_32 {dimension_numbers = #tpu.dot_dimension_numbers<[1], [0], [0], [1], [0, 0, 1, 1], [], []>, transpose_lhs_hint = false} : vector<1000x128xf32>, vector<128x256xf32>, vector<1000x256xf32> -> vector<1000x256xf32>
    %add3A_34 = arith.addf %dot_general3A_21, %dot_general3A_33 : vector<1000x256xf32>
    %get3A_35 = arith.constant 0 : index
    %get3A_36 = arith.constant 0 : index
    %get3A_37 = arith.constant 0 : index
    %get3A_38 = vector.load %arg3[%get3A_35, %get3A_36, %get3A_37] : memref<2x1000x128xf32, #tpu.memory_space<vmem>>, vector<1x1000x128xf32>
    %get3A_39 = vector.shape_cast %get3A_38 : vector<1x1000x128xf32> to vector<1000x128xf32>
    %get3A_40 = arith.constant 0 : index
    %get3A_41 = arith.constant 0 : index
    %get3A_42 = vector.load %arg6[%get3A_40, %get3A_41] : memref<256x256xf32, #tpu.memory_space<vmem>>, vector<128x256xf32>
    %dot_general3A_43 = arith.constant dense<0.000000e+00> : vector<1000x256xf32>
    %dot_general3A_44 = tpu.matmul %get3A_39, %get3A_42, %dot_general3A_43 {dimension_numbers = #tpu.dot_dimension_numbers<[1], [0], [0], [1], [0, 0, 1, 1], [], []>, transpose_lhs_hint = false} : vector<1000x128xf32>, vector<128x256xf32>, vector<1000x256xf32> -> vector<1000x256xf32>
    %add3A_45 = arith.addf %add3A_34, %dot_general3A_44 : vector<1000x256xf32>
    %get3A_46 = arith.constant 1 : index
    %get3A_47 = arith.constant 0 : index
    %get3A_48 = arith.constant 0 : index
    %get3A_49 = vector.load %arg3[%get3A_46, %get3A_47, %get3A_48] : memref<2x1000x128xf32, #tpu.memory_space<vmem>>, vector<1x1000x128xf32>
    %get3A_50 = vector.shape_cast %get3A_49 : vector<1x1000x128xf32> to vector<1000x128xf32>
    %get3A_51 = arith.constant 128 : index
    %get3A_52 = arith.constant 0 : index
    %get3A_53 = vector.load %arg6[%get3A_51, %get3A_52] : memref<256x256xf32, #tpu.memory_space<vmem>>, vector<128x256xf32>
    %dot_general3A_54 = arith.constant dense<0.000000e+00> : vector<1000x256xf32>
    %dot_general3A_55 = tpu.matmul %get3A_50, %get3A_53, %dot_general3A_54 {dimension_numbers = #tpu.dot_dimension_numbers<[1], [0], [0], [1], [0, 0, 1, 1], [], []>, transpose_lhs_hint = false} : vector<1000x128xf32>, vector<128x256xf32>, vector<1000x256xf32> -> vector<1000x256xf32>
    %add3A_56 = arith.addf %add3A_45, %dot_general3A_55 : vector<1000x256xf32>
    %get3A_57 = arith.constant 0 : index
    %get3A_58 = arith.constant 0 : index
    %get3A_59 = vector.load %arg5[%get3A_57, %get3A_58] : memref<1x256xf32, #tpu.memory_space<vmem>>, vector<1x256xf32>
    %add3A_60 = vector.broadcast %get3A_59 : vector<1x256xf32> to vector<1000x256xf32>
    %add3A_61 = arith.addf %add3A_56, %add3A_60 : vector<1000x256xf32>
    %swap3A = arith.constant 0 : index
    %swap3A_62 = arith.constant 0 : index
    %swap3A_63 = vector.load %arg7[%swap3A, %swap3A_62] : memref<1000x256xf32, #tpu.memory_space<vmem>>, vector<1000x256xf32>
    tpu.vector_store %arg7[%swap3A, %swap3A_62], %add3A_61 {strides = array<i32>} : memref<1000x256xf32, #tpu.memory_space<vmem>>, vector<1000x256xf32>,
    return
  }
  func.func @transform_0(%arg0: i32) -> (i32, i32, i32) {
    %c0_i32 = arith.constant 0 : i32
    %c0_i32_0 = arith.constant 0 : i32
    %c0_i32_1 = arith.constant 0 : i32
    return %c0_i32, %arg0, %c0_i32_0 : i32, i32, i32
  }
  func.func @transform_1(%arg0: i32) -> (i32, i32, i32) {
    %c0_i32 = arith.constant 0 : i32
    %c0_i32_0 = arith.constant 0 : i32
    %c0_i32_1 = arith.constant 0 : i32
    return %c0_i32, %arg0, %c0_i32_0 : i32, i32, i32
  }
  func.func @transform_2(%arg0: i32) -> (i32, i32, i32) {
    %c0_i32 = arith.constant 0 : i32
    %c0_i32_0 = arith.constant 0 : i32
    %c0_i32_1 = arith.constant 0 : i32
    return %c0_i32, %arg0, %c0_i32_0 : i32, i32, i32
  }
  func.func @transform_3(%arg0: i32) -> (i32, i32) {
    %c0_i32 = arith.constant 0 : i32
    %c0_i32_0 = arith.constant 0 : i32
    %c0_i32_1 = arith.constant 0 : i32
    return %c0_i32, %c0_i32_0 : i32, i32
  }
  func.func @transform_4(%arg0: i32) -> (i32, i32) {
    %c0_i32 = arith.constant 0 : i32
    %c0_i32_0 = arith.constant 0 : i32
    %c0_i32_1 = arith.constant 0 : i32
    return %c0_i32, %c0_i32_0 : i32, i32
  }
  func.func @transform_5(%arg0: i32) -> (i32, i32) {
    %c0_i32 = arith.constant 0 : i32
    %c0_i32_0 = arith.constant 0 : i32
    %c0_i32_1 = arith.constant 0 : i32
    return %c0_i32, %c0_i32_0 : i32, i32
  }
  func.func @transform_6(%arg0: i32) -> (i32, i32) {
    %c0_i32 = arith.constant 0 : i32
    %c0_i32_0 = arith.constant 0 : i32
    return %arg0, %c0_i32 : i32, i32
  }
}

</mosaic_0001>

<sc_bundles>
// kernel: kernel.6.cloned.1.call-start
scs
__scs_entry_jumppad:
0x0: {  	(pc) =	sbr.rel $0x88, $3  }
0x1: {  	(tag) =	ssettag $0x0;
	lr =	simm.s32 $0x1  }
0x2: {  	[smem:$0x3F97] =	sst lr;
	_ =	strace $0xD0000000  }
0x3: {  	_ = 	snop  }
0x4: {  	_ = 	snop  }
0x5: {  	_ = 	snop  }
0x6: {  	_ = 	snop  }
0x7: {  	_ = 	snop  }
__scs_overlays_trampoline_lowered:
0x8: {  	[smem:$0x3FA6] =	sst s0  }
0x9: {  	[smem:$0x3FA7] =	sst s1  }
0xa: {  	[smem:$0x3FA8] =	sst s2  }
0xb: {  	[smem:$0x3FA9] =	sst s3  }
0xc: {  	[smem:$0x3FAA] =	sst s4  }
0xd: {  	[smem:$0x3FAB] =	sst s5  }
0xe: {  	[smem:$0x3FAC] =	sst s6  }
0xf: {  	[smem:$0x3FAD] =	sst s7  }
0x10: {  	[smem:$0x3FAE] =	sst s8  }
0x11: {  	[smem:$0x3FAF] =	sst s9;
	s0 =	simm.s32 @!p0 $0x0  }
0x12: {  	s1 =	sld [smem:$0x3F95];
	s0 =	simm.s32 @p0 $0x1  }
0x13: {  	[smem:$0x3FB0] =	sst s0;
	s0 =	simm.s32 @!p1 $0x0  }
0x14: {  	s2 =	sld [smem:$0x3F94];
	s0 =	simm.s32 @p1 $0x1  }
0x15: {  	[smem:$0x3FB1] =	sst s0;
	s0 =	simm.s32 @!p2 $0x0  }
0x16: {  	s3 =	sld [smem:$0x3FDB];
	s0 =	simm.s32 @p2 $0x1  }
0x17: {  	s4 =	simm.s32 $0x1BF5;
	[smem:$0x3FB3] =	sst s0  }
0x18: {  	s0 =	sld [smem:$0x3F96];
	_ =	swait.ge [sflag:s4], $0x0  }
0x19: {  	s7 =	sld [smem:$0x3F97]  }
0x1a: {  	s8 =	sadd.s32 $0xFFFFE003, lr  }
0x1b: {  	s9 =	sadd.s32 $0xFFFFFEF7, lr;
	s5 =	simm.s32 $0xFFFFFFFF;
	p2 =	slt.u32 s8, $0xFFFFF086  }
0x1c: {  	p1 =	slt.u32 s9, $0xF7A;
	s5 =	simm.s32 @!p2 $0x0  }
0x1d: {  	s5 =	simm.s32 @p1 $0x1;
	p0 =	seq.s32 s7, s2  }
0x1e: {  	s7 =	smul.u32 @!p0 $0xF7A, s2;
	p2 =	seq.s32 @!p0 s5, $0x0  }
0x1f: {  	s9 =	smul.u32 $0xF7A, s1;
	s8 =	simm.s32 @!p0 $0x1BF5;
	p2 =	por !p2, p0  }
0x20: {  	[sflag:s8] =	ssyncset.s32 @!p0 $0xFFFFF086;
	s6 =	sadd.s32 @!p0 s3, s7;
	s7 =	simm.s32 @!p0 $0x108  }
0x21: {  	s3 =	sadd.s32 s3, s9;
	s6 =	sadd.s32 @!p0 $0x88, s6;
	s7 =	simm.s32 @p2 $0x1082  }
0x22: {  	[simem:s7], [sflag:s8] =	dma.local @!p0 [hbm:s6], $0xF7A  }
0x23: {  	s9 =	sor.u32 $0xD0000000, s2;
	s6 =	simm.s32 $0x108;
	_ =	swait.ge @!p0 [sflag:s8], $0x0  }
0x24: {  	s3 =	sadd.s32 $0x88, s3;
	s6 =	simm.s32 @!p1 $0x1082;
	[sflag:s4] =	ssyncset.s32 $0xFFFFF086  }
0x25: {  	[simem:s6], [sflag:s4] =	dma.local [hbm:s3], $0xF7A  }
0x26: {  	[smem:$0x3F97] =	sst s1;
	(tag) =	ssettag s2;
	_ =	strace s9  }
0x27: {  	s1 =	sld [smem:$0x3FA7]  }
0x28: {  	s2 =	sld [smem:$0x3FA8]  }
0x29: {  	s4 =	sld [smem:$0x3FAA]  }
0x2a: {  	p0 =	seq.s32 s5, $0x0;
	s5 =	sld [smem:$0x3FAB]  }
0x2b: {  	s6 =	sld [smem:$0x3FAC]  }
0x2c: {  	s7 =	sld [smem:$0x3FAD]  }
0x2d: {  	s3 =	simm.s32 $0x108;
	s8 =	sld [smem:$0x3FAE]  }
0x2e: {  	s3 =	simm.s32 @!p0 $0x1082;
	s9 =	sld [smem:$0x3FAF]  }
0x2f: {  	lr =	sadd.s32 s0, s3;
	s0 =	sld [smem:$0x3FA6]  }
0x30: {  	s3 =	sld [smem:$0x3FA9]  }
0x31: {  	[smem:$0x3FB2] =	sst s10  }
0x32: {  	s10 =	sld [smem:$0x3FB0];
	_ =	sdelay $0x3  }
0x33: {  	p0 =	seq.s32 s10, $0x1;
	s10 =	sld [smem:$0x3FB2];
	_ =	sdelay $0x3  }
0x34: {  	[smem:$0x3FB2] =	sst s10  }
0x35: {  	s10 =	sld [smem:$0x3FB1];
	_ =	sdelay $0x3  }
0x36: {  	p1 =	seq.s32 s10, $0x1;
	s10 =	sld [smem:$0x3FB2];
	_ =	sdelay $0x3  }
0x37: {  	[smem:$0x3FB2] =	sst s10  }
0x38: {  	s10 =	sld [smem:$0x3FB3]  }
0x39: {  	_ = 	snop;
	(pc) =	sbr.ind lr, $3  }
0x3a: {  	_ = 	snop  }
0x3b: {  	_ = 	snop  }
0x3c: {  	p2 =	seq.s32 s10, $0x1;
	s10 =	sld [smem:$0x3FB2]  }
0x3d: {  	_ =	shalt  }
0x3e: {  	_ =	shalt  }
0x3f: {  	_ =	shalt  }
0x40: {  	_ =	shalt  }
0x41: {  	_ =	shalt  }
0x42: {  	_ =	shalt  }
0x43: {  	_ =	shalt  }
0x44: {  	_ =	shalt  }
0x45: {  	_ =	shalt  }
0x46: {  	_ =	shalt  }
0x47: {  	_ =	shalt  }
0x48: {  	_ =	shalt  }
0x49: {  	_ =	shalt  }
0x4a: {  	_ =	shalt  }
0x4b: {  	_ =	shalt  }
0x4c: {  	_ =	shalt  }
0x4d: {  	_ =	shalt  }
0x4e: {  	_ =	shalt  }
0x4f: {  	_ =	shalt  }
0x50: {  	_ =	shalt  }
0x51: {  	_ =	shalt  }
0x52: {  	_ =	shalt  }
0x53: {  	_ =	shalt  }
0x54: {  	_ =	shalt  }
0x55: {  	_ =	shalt  }
0x56: {  	_ =	shalt  }
0x57: {  	_ =	shalt  }
0x58: {  	_ =	shalt  }
0x59: {  	_ =	shalt  }
0x5a: {  	_ =	shalt  }
0x5b: {  	_ =	shalt  }
0x5c: {  	_ =	shalt  }
0x5d: {  	_ =	shalt  }
0x5e: {  	_ =	shalt  }
0x5f: {  	_ =	shalt  }
0x60: {  	_ =	shalt  }
0x61: {  	_ =	shalt  }
0x62: {  	_ =	shalt  }
0x63: {  	_ =	shalt  }
0x64: {  	_ =	shalt  }
0x65: {  	_ =	shalt  }
0x66: {  	_ =	shalt  }
0x67: {  	_ =	shalt  }
0x68: {  	_ =	shalt  }
0x69: {  	_ =	shalt  }
0x6a: {  	_ =	shalt  }
0x6b: {  	_ =	shalt  }
0x6c: {  	_ =	shalt  }
0x6d: {  	_ =	shalt  }
0x6e: {  	_ =	shalt  }
0x6f: {  	_ =	shalt  }
0x70: {  	_ =	shalt  }
0x71: {  	_ =	shalt  }
0x72: {  	_ =	shalt  }
0x73: {  	_ =	shalt  }
0x74: {  	_ =	shalt  }
0x75: {  	_ =	shalt  }
0x76: {  	_ =	shalt  }
0x77: {  	_ =	shalt  }
0x78: {  	_ =	shalt  }
0x79: {  	_ =	shalt  }
0x7a: {  	_ =	shalt  }
0x7b: {  	_ =	shalt  }
0x7c: {  	_ =	shalt  }
0x7d: {  	_ =	shalt  }
0x7e: {  	_ =	shalt  }
0x7f: {  	_ =	shalt  }
0x80: {  	_ =	shalt  }
0x81: {  	_ =	shalt  }
0x82: {  	_ =	shalt  }
0x83: {  	_ =	shalt  }
0x84: {  	_ =	shalt  }
0x85: {  	_ =	shalt  }
0x86: {  	_ =	shalt  }
0x87: {  	_ =	shalt  }
.Lfunc_end0:
.L_simem_size_0:
called_computation_lowered:
.L_overlay_start_0:
0x88: {  	s2 =	sld [smem:$0x3FD9]  }
0x89: {  	s3 =	sld [smem:$0x3FFE];
	_ =	sdelay $0x1  }
0x8a: {  	s1 =	srdreg.scid  }
0x8b: {  	s0 =	sand.u32 $0x1, s1  }
0x8c: {  	s17 =	sshll.u32 s0, $0xA;
	s2 =	sadd.s32 s3, s2  }
0x8d: {  	s2 =	sadd.s32 s2, s17  }
0x8e: {  	[smem:$0x3FBE] =	sst s2  }
0x8f: {  	_ = 	snop  }
0x90: {  	s2 =	sld [smem:$0x3FC9]  }
0x91: {  	s18 =	sld [smem:$0x3FD0];
	(tm) =	ssettm $0x1  }
0x92: {  	s4 =	sld [smem:$0x3FFB];
	_ =	sdelay $0x3  }
0x93: {  	_ =	strace s4  }
0x94: {  	s4 =	sld [smem:$0x3FFC];
	_ =	sdelay $0x3  }
0x95: {  	_ =	strace s4  }
0x96: {  	s4 =	sld [smem:$0x3FFD];
	_ =	sdelay $0x3  }
0x97: {  	_ =	strace s4  }
0x98: {  	_ =	strace $0x8FFFFFFF  }
0x99: {  	s19 =	sld [smem:$0x3FDB];
	_ =	sdelay $0x1  }
0x9a: {  	s5 =	simm.s32 $_scs_section_size  }
0x9b: {  	s6 =	simm.s32 $_size__tile_overlayer_lowered;
	s7 =	simm.s32 $_tile_overlayer_lowered  }
0x9c: {  	s22 =	simm.s32 $0x1BFF;
	s21 =	sshll.u32 s7, $0x1;
	s4 =	sadd.s32 s5, s19  }
0x9d: {  	s8 =	simm.s32 $0x0;
	s20 =	sshll.u32 s6, $0x1;
	s6 =	sadd.s32 s21, s4  }
0x9e: {  	[timem:s8], [sflag:s22] =	dma.local [hbm:s6], s20  }
0x9f: {  	_ =	swait.ge [sflag:s22], s20  }
0xa0: {  	s5 =	ssub.s32 $0x0, s20;
	[sflag:s22] =	ssyncset.done $0x0  }
0xa1: {  	[sflag:s22] =	ssyncadd.s32 s5;
	_ =	sdelay $0x1  }
0xa2: {  	s23 =	simm.s32 $0x1B8B  }
0xa3: {  	_ =	swait.ge [sflag:s23], $0x1  }
0xa4: {  	[sflag:s23] =	ssyncset.done $0x0  }
0xa5: {  	s25 =	simm.s32 $0x1B8E;
	s24 =	sld [smem:$0x3FFE];
	[sflag:s23] =	ssyncadd.s32 $0xFFFFFFFF  }
0xa6: {  	s26 =	simm.s32 $execute0_lowered;
	[smem:$0x3FD2] =	sst s25  }
0xa7: {  	s6 =	sshll.u32 s26, $0x1;
	_ =	strace $0x80000046;
	[dreg:$0x1] =	wrdreg $0xFFFFFFFF  }
0xa8: {  	s28 =	simm.s32 $_size_execute0_lowered;
	s4 =	sadd.s32 s4, s6;
	[dreg:$0x0] =	wrdreg $0x0  }
0xa9: {  	s6 =	sshll.u32 s28, $0x1;
	[dreg:$0x2] =	wrdreg s4  }
0xaa: {  	[dreg:$0x3] =	wrdreg s6  }
0xab: {  	[dreg:$0x4] =	wrdreg $0xC0  }
0xac: {  	_ =	task [dreg:s8], $0x5FFFF  }
0xad: {  	[dreg:$0x1] =	wrdreg $0xFFFFFFFF  }
0xae: {  	[dreg:$0x0] =	wrdreg $0x60  }
0xaf: {  	[dreg:$0x2] =	wrdreg s2  }
0xb0: {  	[dreg:$0x3] =	wrdreg s24  }
0xb1: {  	[dreg:$0x4] =	wrdreg s18  }
0xb2: {  	[dreg:$0x5] =	wrdreg $0x0  }
0xb3: {  	[dreg:$0x6] =	wrdreg $0x9  }
0xb4: {  	_ =	task.clear_ibuf [dreg:s8], $0x7FFFF;
	_ =	strace $0x90000046  }
0xb5: {  	s29 =	simm.s32 $0x9;
	_ =	strace $0x80000048  }
0xb6: {  	_ =	swait.ge [sflag:s29], $0x1  }
0xb7: {  	[sflag:s29] =	ssyncadd.s32 $0xFFFFFFFF  }
0xb8: {  	_ =	strace $0x90000048  }
0xb9: {  	_ =	sfence  }
0xba: {  	s30 =	sld [smem:$0x0];
	_ =	sdelay $0x2  }
0xbb: {  	s31 =	sshll.u32 s1, $0xD;
	s1 =	sshrl.u32 s1, $0x2  }
0xbc: {  	s3 =	sand.u32 $0x4000, s31;
	s1 =	sadd.s32 s1, s30  }
0xbd: {  	s0 =	sor.u32 s3, s0;
	s1 =	sshll.u32 s1, $0x11  }
0xbe: {  	s0 =	sor.u32 s1, s0  }
0xbf: {  	s0 =	sadd.s32 $0x8F2B, s0  }
0xc0: {  	[sflag:s0] =	ssyncadd.remote.s32 $0x1  }
0xc1: {  	_ =	sfence.sel $0xFFFF  }
0xc2: {  	[dreg:$0x0] =	wrdreg $0xFFFFFFFF;
	(pc) =	sbr.abs _section_cstart, $3  }
0xc3: {  	[dreg:$0x1] =	wrdreg $0xFFFFFFFF  }
0xc4: {  	_ =	task.clear_ibuf [dreg:s8], $0x2FFFF;
	_ =	strace $0x9FFFFFFF  }
0xc5: {  	(tm) =	ssettm $0x7FFFFFFF  }
tec
execute0_lowered:
.L_overlay_start_1:
0x0: {  	(tag) =	ssettag $0x1  }
0x1: {  	s0 =	rddreg [dreg:$0x1]  }
0x2: {  	s3 =	rddreg [dreg:$0x2]  }
0x3: {  	s2 =	rddreg [dreg:$0x3]  }
0x4: {  	s22 =	simm.s32 $0x0;
	s1 =	srdreg.scid;
	s23 =	stileid.u32  }
0x5: {  	[smem:$0x7FF] =	sst s22;
	s5 =	sand.u32 $0x1, s1;
	s19 =	sadd.s32 $0x16C00, s0  }
0x6: {  	s24 =	sshll.u32 s23, $0x1;
	s7 =	smul.u32 $0xA000, s23;
	s21 =	sadd.s32 $0x2DA00, s0  }
0x7: {  	_ =	strace $0x80000047;
	s1 =	ssub.s32 $0x2, s5;
	s10 =	smul.u32 $0x5000, s5  }
0x8: {  	s6 =	smul.u32 $0x138800, s5;
	[dreg:$0x9] =	wrdreg s19;
	s4 =	sshrl.u32 s1, $0x1  }
0x9: {  	s1 =	ssub.s32 s1, s4;
	s4 =	sor.u32 s5, s24;
	s7 =	sadd.s32 s10, s7  }
0xa: {  	s6 =	sshrl.u32 s6, $0x3;
	s7 =	sshrl.u32 s7, $0x3;
	s1 =	smax.u32 s1, $0x1  }
0xb: {  	s8 =	sadd.s32 $0x25080, s6;
	s7 =	sadd.s32 s7, s19;
	[smem:$0x7E1] =	sst s1  }
0xc: {  	s9 =	sadd.s32 $0x22900, s6;
	s24 =	sadd.s32 s3, s8;
	[dreg:$0x5] =	wrdreg s7  }
0xd: {  	s11 =	sadd.s32 $0x20180, s6;
	s25 =	sadd.s32 s3, s9;
	[dreg:$0xa] =	wrdreg s24  }
0xe: {  	s12 =	sadd.s32 $0x1DA00, s6;
	s26 =	sadd.s32 s3, s11;
	[dreg:$0xb] =	wrdreg s25  }
0xf: {  	s13 =	sadd.s32 $0x1B280, s6;
	[dreg:$0xc] =	wrdreg s26;
	s25 =	sadd.s32 s3, s12  }
0x10: {  	s20 =	sadd.s32 $0x7680, s6;
	s26 =	sadd.s32 s3, s13;
	[dreg:$0xd] =	wrdreg s25  }
0x11: {  	s14 =	sadd.s32 $0x18B00, s6;
	s24 =	sadd.s32 s21, s20;
	[dreg:$0xe] =	wrdreg s26  }
0x12: {  	s15 =	sadd.s32 $0x16380, s6;
	s25 =	sadd.s32 s3, s14;
	[dreg:$0x1d] =	wrdreg s24  }
0x13: {  	s26 =	sadd.s32 s3, s15;
	[dreg:$0xf] =	wrdreg s25  }
0x14: {  	s10 =	sadd.s32 $0x13C00, s6;
	s24 =	simm.s32 $0x14D00;
	[dreg:$0x10] =	wrdreg s26  }
0x15: {  	s16 =	sadd.s32 $0x11480, s6;
	s25 =	sadd.s32 s3, s10;
	[dreg:$0x7] =	wrdreg s24  }
0x16: {  	s26 =	sadd.s32 s3, s16;
	[dreg:$0x11] =	wrdreg s25  }
0x17: {  	s17 =	sadd.s32 $0xED00, s6;
	s24 =	sadd.s32 $0x3B400, s2;
	[dreg:$0x12] =	wrdreg s26  }
0x18: {  	s18 =	sadd.s32 $0xC580, s6;
	s25 =	sadd.s32 s3, s17;
	[smem:$0x7FA] =	sst s24  }
0x19: {  	s19 =	sadd.s32 $0x9E00, s6;
	s26 =	sadd.s32 s3, s18;
	[dreg:$0x13] =	wrdreg s25  }
0x1a: {  	[dreg:$0x14] =	wrdreg s26;
	s25 =	sadd.s32 s3, s19  }
0x1b: {  	s5 =	smul.u32 $0x27100, s5;
	s26 =	sadd.s32 s3, s20;
	[dreg:$0x15] =	wrdreg s25  }
0x1c: {  	s7 =	sadd.s32 $0x4F00, s6;
	s20 =	simm.s32 $0x14C80;
	[dreg:$0x16] =	wrdreg s26  }
0x1d: {  	s6 =	sadd.s32 $0x2780, s6;
	s25 =	sadd.s32 s3, s7;
	[dreg:$0x6] =	wrdreg s20  }
0x1e: {  	s26 =	sadd.s32 s3, s6;
	[dreg:$0x17] =	wrdreg s25  }
0x1f: {  	s3 =	sadd.s32 s3, s5;
	[dreg:$0x18] =	wrdreg s26  }
0x20: {  	s5 =	sadd.s32 s21, s5;
	[dreg:$0x19] =	wrdreg s3  }
0x21: {  	s6 =	sadd.s32 s21, s6;
	[dreg:$0x1a] =	wrdreg s5  }
0x22: {  	s7 =	sadd.s32 s21, s7;
	[dreg:$0x1b] =	wrdreg s6  }
0x23: {  	s20 =	sadd.s32 $0x76800, s2;
	[dreg:$0x1c] =	wrdreg s7  }
0x24: {  	s25 =	sadd.s32 s21, s19;
	[smem:$0x7F7] =	sst s20  }
0x25: {  	s26 =	sadd.s32 s21, s18;
	[dreg:$0x1e] =	wrdreg s25  }
0x26: {  	s5 =	sadd.s32 s21, s17;
	[dreg:$0x1f] =	wrdreg s26  }
0x27: {  	s6 =	sadd.s32 s21, s16;
	[smem:$0x7D2] =	sst s5  }
0x28: {  	s7 =	sadd.s32 s21, s10;
	[smem:$0x7D3] =	sst s6  }
0x29: {  	s10 =	sadd.s32 s21, s15;
	[smem:$0x7D4] =	sst s7  }
0x2a: {  	s15 =	sadd.s32 s21, s14;
	[smem:$0x7D5] =	sst s10  }
0x2b: {  	s28 =	simm.s32 $0x15080;
	s16 =	sadd.s32 s21, s13;
	[smem:$0x7D6] =	sst s15  }
0x2c: {  	s29 =	simm.s32 $0x15100;
	s17 =	sadd.s32 s21, s12;
	[smem:$0x7D7] =	sst s16  }
0x2d: {  	s30 =	simm.s32 $0x15180;
	s18 =	sadd.s32 s21, s11;
	[smem:$0x7D8] =	sst s17  }
0x2e: {  	s31 =	simm.s32 $0x15200;
	s19 =	sadd.s32 s21, s9;
	[smem:$0x7D9] =	sst s18  }
0x2f: {  	s21 =	sadd.s32 s21, s8;
	s11 =	sadd.s32 $0x128400, s2;
	[smem:$0x7DA] =	sst s19  }
0x30: {  	s9 =	sshll.u32 s23, $0x6;
	s12 =	sadd.s32 $0x114800, s2;
	[smem:$0x7DB] =	sst s21  }
0x31: {  	s13 =	sadd.s32 $0x100C00, s2;
	s14 =	sadd.s32 $0xED000, s2;
	[smem:$0x7ED] =	sst s11  }
0x32: {  	s20 =	simm.s32 $0x15800;
	s25 =	smul.u32 $0x4F000, s23;
	[smem:$0x7EE] =	sst s12  }
0x33: {  	s26 =	simm.s32 $0x14D80;
	s6 =	sadd.s32 $0x2C00, s0;
	[smem:$0x7F0] =	sst s13  }
0x34: {  	s7 =	sadd.s32 $0x2B200, s0;
	s0 =	sadd.s32 $0x2AC00, s0;
	[smem:$0x7F1] =	sst s14  }
0x35: {  	s9 =	sor.u32 $0x1C03, s9;
	s10 =	smul.u32 $0x5000, s4;
	[dreg:$0x8] =	wrdreg s26  }
0x36: {  	s15 =	sadd.s32 $0xD9400, s2;
	s16 =	sadd.s32 $0xC5800, s2;
	[smem:$0x7DC] =	sst s6  }
0x37: {  	s17 =	sadd.s32 $0xB1C00, s2;
	[smem:$0x7DD] =	sst s7;
	s8 =	sshrl.u32 s25, $0x2  }
0x38: {  	s18 =	sadd.s32 $0x9E000, s2;
	[smem:$0x7DE] =	sst s0;
	s0 =	sadd.s32 s8, s2  }
0x39: {  	s19 =	sadd.s32 $0x8A400, s2;
	[smem:$0x7DF] =	sst s0;
	s0 =	stileid.u32  }
0x3a: {  	s21 =	sadd.s32 $0x62C00, s2;
	[smem:$0x7F2] =	sst s15;
	p2 =	sgt.s32 s0, $0x1  }
0x3b: {  	s23 =	sadd.s32 $0x4F000, s2;
	[smem:$0x7F3] =	sst s16;
	p0 =	seq.s32 @p2 s0, $0x2  }
0x3c: {  	s11 =	simm.s32 $0x15C00;
	[smem:$0x7F4] =	sst s17;
	p1 =	por !p0, !p2  }
0x3d: {  	s4 =	simm.s32 $0x0;
	[smem:$0x7F5] =	sst s18;
	s1 =	simm.s32 @!p1 $0x0  }
0x3e: {  	[smem:$0x7F6] =	sst s19;
	p0 =	por p0, !p2;
	s1 =	simm.s32 @p1 $0x1  }
0x3f: {  	p1 =	seq.s32 @!p2 s0, $0x0;
	[smem:$0x7E2] =	sst s1;
	s1 =	simm.s32 @!p0 $0x0  }
0x40: {  	[smem:$0x7F8] =	sst s21;
	s1 =	simm.s32 @p0 $0x1;
	p0 =	por !p1, p2  }
0x41: {  	s13 =	simm.s32 $0x15480;
	[smem:$0x7E3] =	sst s1;
	s1 =	simm.s32 @!p0 $0x0  }
0x42: {  	s14 =	simm.s32 $0x15500;
	[smem:$0x7F9] =	sst s23;
	s1 =	simm.s32 @p0 $0x1  }
0x43: {  	s12 =	simm.s32 $0x15700;
	[smem:$0x7E4] =	sst s1;
	s1 =	simm.s32 @!p2 $0x0  }
0x44: {  	p3 =	sgt.s32 s0, $0x5;
	p1 =	por p1, p2;
	s1 =	simm.s32 @p2 $0x1  }
0x45: {  	p0 =	seq.s32 @p3 s0, $0x6;
	[smem:$0x7E5] =	sst s1;
	s1 =	simm.s32 @!p1 $0x0  }
0x46: {  	s26 =	sadd.s32 $0x13C00, s2;
	s1 =	simm.s32 @p1 $0x1;
	p1 =	por !p0, !p3  }
0x47: {  	s18 =	simm.s32 $0x1;
	[smem:$0x7E6] =	sst s1;
	s1 =	simm.s32 @!p1 $0x0  }
0x48: {  	s19 =	simm.s32 $0x2;
	p0 =	por p0, !p3;
	s1 =	simm.s32 @p1 $0x1  }
0x49: {  	p1 =	seq.s32 @!p3 s0, $0x4;
	[smem:$0x7E7] =	sst s1;
	s1 =	simm.s32 @!p0 $0x0  }
0x4a: {  	[smem:$0x7FD] =	sst s9;
	s1 =	simm.s32 @p0 $0x1;
	p0 =	por !p1, p3  }
0x4b: {  	s6 =	simm.s32 $0x15300;
	[smem:$0x7E8] =	sst s1;
	s1 =	simm.s32 @!p0 $0x0  }
0x4c: {  	s7 =	simm.s32 $0x15380;
	s15 =	simm.s32 $0x15580;
	s1 =	simm.s32 @p0 $0x1  }
0x4d: {  	s16 =	simm.s32 $0x15600;
	[smem:$0x7E9] =	sst s1;
	s1 =	simm.s32 @!p3 $0x0  }
0x4e: {  	[smem:$0x7E0] =	sst s10;
	p0 =	por p1, p3;
	s1 =	simm.s32 @p3 $0x1  }
0x4f: {  	s17 =	simm.s32 $0x15780;
	[smem:$0x7EA] =	sst s1;
	s1 =	simm.s32 @!p0 $0x0  }
0x50: {  	[smem:$0x7FC] =	sst s26;
	s1 =	simm.s32 @p0 $0x1;
	p0 =	sgt.s32 s0, $0x7  }
0x51: {  	s25 =	sadd.s32 $0x27800, s2;
	[smem:$0x7EB] =	sst s1;
	s1 =	simm.s32 @!p0 $0x0  }
0x52: {  	s10 =	simm.s32 $0x50;
	s1 =	simm.s32 @p0 $0x1;
	p0 =	sgt.s32 s0, $0x3  }
0x53: {  	s26 =	simm.s32 $0x15000;
	[smem:$0x7FB] =	sst s25;
	s0 =	simm.s32 @!p0 $0x0  }
0x54: {  	s8 =	simm.s32 $0x3;
	[smem:$0x7EC] =	sst s1;
	s0 =	simm.s32 @p0 $0x1  }
0x55: {  	s25 =	simm.s32 $0x14F80;
	[smem:$0x7EF] =	sst s0;
	s0 =	simm.s32 $0x14C00  }
.LBB2_1:
0x56: {  	s1 =	sld [smem:$0x7DF]  }
0x57: {  	s24 =	sld [smem:$0x7DD];
	_ =	sdelay $0x1  }
0x58: {  	s5 =	sshrl.u32 s1, $0x3  }
0x59: {  	[spmem:s5], [sflag:s9] =	dma.local [hbm:s24], $0x2780  }
.Ltmp0:
0x5a: {  	_ =	swait.ge [sflag:s8], $0x2780;
	(pc) =	sbr.rel .LBB2_2-.Ltmp0, $4  }
0x5b: {  	[sflag:s8] =	ssyncset.done $0x0  }
0x5c: {  	[sflag:s8] =	ssyncadd.s32 $0xFFFFD880  }
0x5d: {  	[bflag:$0x0] =	sbarrier.arrive $0xFFFF  }
0x5e: {  	s1 =	simm.s32 $0x0  }
.LBB2_9:
0x5f: {  	s1 =	sadd.s32 $0x1, s1  }
0x60: {  	p0 =	sne.s32 s1, $0x5  }
.Ltmp1:
0x61: {  	_ = 	snop;
	(pc) =	sbr.rel @!p0 .LBB2_10-.Ltmp1, $4  }
0x62: {  	_ = 	snop  }
0x63: {  	_ =	swait.ge [sflag:s19], $0x2800  }
0x64: {  	[sflag:s19] =	ssyncset.done $0x0  }
0x65: {  	[sflag:s19] =	ssyncadd.s32 $0xFFFFD800  }
.LBB2_2:
0x66: {  	s9 =	sld [smem:$0x7E0];
	_ =	sdelay $0x1  }
0x67: {  	s3 =	sshll.u32 s1, $0xC;
	s23 =	sld [smem:$0x7DC]  }
0x68: {  	s3 =	sadd.s32 s9, s3  }
0x69: {  	s3 =	sshrl.u32 s3, $0x3  }
0x6a: {  	s9 =	simm.s32 $0x0;
	s21 =	sadd.s32 s23, s3;
	s23 =	simm.s32 $0x13C00  }
0x6b: {  	[tilespmem:s23], [sflag:$0x3] =	stream.linear.gather [hbm4b:s21+s9], $0xC80, $0x38;
	[tilespmem:$0x1D400] =	vst v63  }
0x6c: {  	_ =	swait.ge [sflag:s8], $0xC80  }
0x6d: {  	[sflag:s8] =	ssyncset.done $0x0;
	s24 =	rddreg [dreg:$0x9]  }
0x6e: {  	[sflag:s8] =	ssyncadd.s32 $0xFFFFF380;
	s21 =	sadd.s32 s24, s3;
	s3 =	simm.s32 $0x14C00  }
0x6f: {  	[tilespmem:s3], [sflag:$0x3] =	stream.linear.gather [hbm4b:s21+s9], $0xC80, $0x38;
	[tilespmem:$0x1D400] =	vst v63  }
0x70: {  	_ =	swait.ge [sflag:s8], $0xC80  }
0x71: {  	[sflag:s8] =	ssyncset.done $0x0  }
.Ltmp2:
0x72: {  	[sflag:s8] =	ssyncadd.s32 $0xFFFFF380;
	(pc) =	sbr.rel .LBB2_3-.Ltmp2, $4  }
0x73: {  	s21 =	rddreg [dreg:$0x0]  }
0x74: {  	[tilespmem:s11], [sflag:$0x1] =	stream.indirect.gather [hbm4b:s21+s10], $0x80, s23, s10, $0xb8;
	[tilespmem:$0x1D400] =	vst v63  }
0x75: {  	s24 =	simm.s32 $0x18400;
	s23 =	simm.s32 $0x13C80  }
0x76: {  	[tilespmem:s24], [sflag:$0x1] =	stream.indirect.gather [hbm4b:s21+s10], $0x80, s23, s10, $0xb8;
	[tilespmem:$0x1D400] =	vst v63  }
.LBB2_4:
0x77: {  	s21 =	simm.s32 $0x1AC00;
	s22 =	simm.s32 $0x2  }
.LBB2_7:
0x78: {  	s22 =	sshll.u32 s22, $0x7  }
0x79: {  	s22 =	sand.u32 $0x3FFFFF80, s22  }
0x7a: {  	s23 =	rddreg [dreg:$0x0];
	s22 =	sadd.s32 $0x13C00, s22  }
0x7b: {  	[tilespmem:s21], [sflag:$0x1] =	stream.indirect.gather [hbm4b:s23+s10], $0x80, s22, s10, $0xb8;
	[tilespmem:$0x1D400] =	vst v63  }
0x7c: {  	s22 =	simm.s32 $0x0  }
.LBB2_8:
0x7d: {  	s21 =	smul.u32 $0xAB, s9;
	_ =	sdelay $0x1  }
0x7e: {  	s21 =	sshrl.u32 s21, $0x9  }
0x7f: {  	s21 =	sand.u32 $0x7F, s21  }
0x80: {  	s21 =	smul.u32 $0x3, s21;
	_ =	sdelay $0x1  }
0x81: {  	s21 =	ssub.s32 s9, s21  }
0x82: {  	s21 =	sand.u32 $0xFF, s21  }
0x83: {  	p0 =	seq.s32 s21, $0x0  }
0x84: {  	p1 =	seq.s32 @!p0 s21, $0x2  }
0x85: {  	p1 =	por !p1, p0  }
0x86: {  	s21 =	simm.s32 @!p1 $0x1AC00  }
0x87: {  	s9 =	sadd.s32 $0x1, s9;
	s21 =	simm.s32 @p1 $0x18400  }
0x88: {  	s21 =	simm.s32 @p0 $0x15C00;
	p0 =	sne.s32 s9, $0x19  }
.Ltmp3:
0x89: {  	_ = 	snop;
	(pc) =	sbr.rel @!p0 .LBB2_9-.Ltmp3, $3  }
0x8a: {  	_ =	sdelay $0x1  }
0x8b: {  	[spmem:s2] =	stream.indirect.scatter.add.f32 [tilespmem:s21], [sflag:$0x2], $0x80, s3, s10, $0xb8;
	[tilespmem:$0x1D400] =	vst v63  }
0x8c: {  	s3 =	sadd.s32 $0x80, s3  }
.LBB2_3:
0x8d: {  	p0 =	seq.s32 s9, $0x0  }
.Ltmp4:
0x8e: {  	_ = 	snop;
	(pc) =	sbr.rel @p0 .LBB2_4-.Ltmp4, $4  }
0x8f: {  	_ = 	snop  }
0x90: {  	_ =	swait.ge [sflag:s18], $0x2800  }
0x91: {  	[sflag:s18] =	ssyncset.done $0x0  }
0x92: {  	[sflag:s18] =	ssyncadd.s32 $0xFFFFD800  }
0x93: {  	p0 =	sgt.u32 s9, $0x16  }
.Ltmp5:
0x94: {  	_ = 	snop;
	(pc) =	sbr.rel @p0 .LBB2_8-.Ltmp5, $4  }
0x95: {  	_ = 	snop  }
0x96: {  	_ =	swait.ge [sflag:s19], $0x2800  }
0x97: {  	[sflag:s19] =	ssyncset.done $0x0  }
0x98: {  	[sflag:s19] =	ssyncadd.s32 $0xFFFFD800  }
0x99: {  	s21 =	smul.u32 $0xAB, s9;
	_ =	sdelay $0x1  }
0x9a: {  	s21 =	sshrl.u32 s21, $0x9  }
0x9b: {  	s21 =	sand.u32 $0x7F, s21  }
0x9c: {  	s21 =	smul.u32 $0x3, s21;
	_ =	sdelay $0x1  }
0x9d: {  	s21 =	ssub.s32 s9, s21  }
0x9e: {  	s21 =	sand.u32 $0xFF, s21  }
0x9f: {  	p0 =	seq.s32 s21, $0x0  }
.Ltmp6:
0xa0: {  	p1 =	seq.s32 @!p0 s21, $0x2;
	(pc) =	sbr.rel .LBB2_7-.Ltmp6, $4  }
0xa1: {  	p1 =	por !p1, p0  }
0xa2: {  	s21 =	simm.s32 @!p1 $0x18400  }
0xa3: {  	s21 =	simm.s32 @p1 $0x15C00  }
0xa4: {  	s22 =	sadd.s32 $0x2, s9;
	s21 =	simm.s32 @p0 $0x1AC00  }
.LBB2_10:
0xa5: {  	[bflag:$0x0] =	sbarrier.arrive $0xFFFF  }
0xa6: {  	s1 =	sld [smem:$0x7EC];
	_ =	sdelay $0x2  }
0xa7: {  	p0 =	seq.s32 s1, $0x1  }
.Ltmp7:
0xa8: {  	_ = 	snop;
	(pc) =	sbr.rel @p0 .LBB2_14-.Ltmp7, $2  }
0xa9: {  	_ =	sdelay $0x2  }
0xaa: {  	[smem:$0x7D1] =	sst s4  }
0xab: {  	s1 =	sld [smem:$0x7EF];
	_ =	sdelay $0x2  }
0xac: {  	p0 =	seq.s32 s1, $0x1  }
.Ltmp8:
0xad: {  	_ = 	snop;
	(pc) =	sbr.rel @p0 .LBB2_13-.Ltmp8, $2  }
0xae: {  	_ =	sdelay $0x2  }
0xaf: {  	s21 =	sld [smem:$0x7FD];
	s23 =	simm.s32 $0x14E00;
	s24 =	simm.s32 $0x14E80  }
0xb0: {  	s1 =	sld [smem:$0x7E2];
	_ =	sdelay $0x2  }
0xb1: {  	p6 =	seq.s32 s1, $0x1;
	s1 =	sld [smem:$0x7FB];
	_ =	sdelay $0x2  }
0xb2: {  	s3 =	rddreg [dreg:$0x17];
	s1 =	sshrl.u32 @!p6 s1, $0x3  }
0xb3: {  	[hbm:s3], [sflag:s21] =	dma.local @!p6 [spmem:s1], $0x2780  }
0xb4: {  	s1 =	simm.s32 @!p6 $0x3  }
0xb5: {  	_ =	swait.ge @!p6 [sflag:s1], $0x2780  }
0xb6: {  	[sflag:s1] =	ssyncset.done @!p6 $0x0;
	s4 =	sld [smem:$0x7E3]  }
0xb7: {  	[sflag:s1] =	ssyncadd.s32 @!p6 $0xFFFFD880;
	s1 =	sld [smem:$0x7FA];
	_ =	sdelay $0x1  }
0xb8: {  	p2 =	seq.s32 s4, $0x1  }
0xb9: {  	s3 =	rddreg [dreg:$0x16];
	s1 =	sshrl.u32 @!p2 s1, $0x3  }
0xba: {  	[hbm:s3], [sflag:s21] =	dma.local @!p2 [spmem:s1], $0x2780  }
0xbb: {  	s1 =	simm.s32 @!p2 $0x3  }
0xbc: {  	_ =	swait.ge @!p2 [sflag:s1], $0x2780  }
0xbd: {  	s9 =	sld [smem:$0x7E4];
	_ =	sdelay $0x2  }
0xbe: {  	[sflag:s1] =	ssyncset.done @!p2 $0x0;
	p5 =	seq.s32 s9, $0x1  }
0xbf: {  	s3 =	rddreg [dreg:$0x19];
	[sflag:s1] =	ssyncadd.s32 @!p2 $0xFFFFD880;
	s1 =	sshrl.u32 @!p5 s2, $0x3  }
0xc0: {  	[hbm:s3], [sflag:s21] =	dma.local @!p5 [spmem:s1], $0x2780  }
0xc1: {  	s1 =	simm.s32 @!p5 $0x3  }
0xc2: {  	_ =	swait.ge @!p5 [sflag:s1], $0x2780  }
0xc3: {  	[sflag:s1] =	ssyncset.done @!p5 $0x0;
	s3 =	sld [smem:$0x7E6]  }
0xc4: {  	[sflag:s1] =	ssyncadd.s32 @!p5 $0xFFFFD880;
	s1 =	sld [smem:$0x7FC]  }
0xc5: {  	p0 =	por @!p2 $0x1, $0x1;
	p1 =	por @!p2 $0x0, $0x0  }
0xc6: {  	p4 =	por @!p2 $0x0, $0x0;
	p2 =	por @!p6 $0x0, $0x0;
	p3 =	seq.s32 s3, $0x1  }
0xc7: {  	p0 =	por @!p6 p2, p2;
	s3 =	rddreg [dreg:$0x18];
	s1 =	sshrl.u32 @!p3 s1, $0x3  }
0xc8: {  	[hbm:s3], [sflag:s21] =	dma.local @!p3 [spmem:s1], $0x2780  }
0xc9: {  	s1 =	simm.s32 @!p0 $0x0  }
0xca: {  	p4 =	por @!p6 p2, p2;
	s1 =	simm.s32 @p0 $0x1;
	p0 =	por @!p6 $0x1, $0x1  }
0xcb: {  	p2 =	por @!p3 $0x1, $0x1;
	s4 =	sld [smem:$0x7E5];
	p1 =	por @!p6 p0, p0  }
0xcc: {  	[smem:$0x7C9] =	sst s1;
	p0 =	por @!p3 $0x0, $0x0;
	s1 =	simm.s32 @!p1 $0x0  }
0xcd: {  	p6 =	por p4, p4;
	s1 =	simm.s32 @p1 $0x1;
	p1 =	por @!p5 $0x0, $0x0  }
0xce: {  	p2 =	por @!p5 p1, p1;
	p0 =	por @!p5 p1, p1;
	p1 =	seq.s32 s4, $0x1  }
0xcf: {  	p6 =	por @!p1 p2, p2  }
0xd0: {  	[smem:$0x7CA] =	sst s1;
	p5 =	por p4, p4;
	s1 =	simm.s32 @!p6 $0x0  }
0xd1: {  	p5 =	por @!p1 p0, p0;
	s1 =	simm.s32 @p6 $0x1  }
0xd2: {  	p2 =	por p4, p4;
	[smem:$0x7C3] =	sst s1;
	s1 =	simm.s32 @!p5 $0x0  }
0xd3: {  	p2 =	por @!p1 p0, p0;
	s1 =	simm.s32 @p5 $0x1  }
0xd4: {  	p5 =	por p4, p4;
	[smem:$0x7C4] =	sst s1;
	s1 =	simm.s32 @!p2 $0x0  }
0xd5: {  	s3 =	sld [smem:$0x7C9];
	p5 =	por @!p1 p0, p0;
	s1 =	simm.s32 @p2 $0x1  }
0xd6: {  	p2 =	por p4, p4;
	[smem:$0x7C5] =	sst s1;
	s1 =	simm.s32 @!p5 $0x0  }
0xd7: {  	p2 =	por @!p1 p0, p0;
	s1 =	simm.s32 @p5 $0x1  }
0xd8: {  	[smem:$0x7C6] =	sst s1;
	s1 =	simm.s32 @!p2 $0x0  }
0xd9: {  	s9 =	sld [smem:$0x7CA];
	s1 =	simm.s32 @p2 $0x1;
	p2 =	seq.s32 s3, $0x1  }
0xda: {  	p2 =	por @!p1 p0, p0  }
0xdb: {  	s3 =	simm.s32 @!p2 $0x0  }
0xdc: {  	p5 =	por p4, p4;
	s3 =	simm.s32 @p2 $0x1;
	p2 =	seq.s32 s9, $0x1  }
0xdd: {  	p5 =	por @!p1 p0, p0;
	[smem:$0x7C7] =	sst s1;
	p2 =	por @!p1 p0, p0  }
0xde: {  	s1 =	simm.s32 @!p5 $0x0;
	[smem:$0x7C9] =	sst s3;
	s3 =	simm.s32 @!p2 $0x0  }
0xdf: {  	s1 =	simm.s32 @p5 $0x1;
	s3 =	simm.s32 @p2 $0x1;
	p2 =	por p4, p4  }
0xe0: {  	p5 =	por p4, p4;
	[smem:$0x7C8] =	sst s1;
	p2 =	por @!p1 p0, p0  }
0xe1: {  	s1 =	simm.s32 @!p3 $0x3;
	[smem:$0x7CA] =	sst s3;
	s3 =	simm.s32 @!p2 $0x0  }
0xe2: {  	p5 =	por @!p1 p0, p0;
	_ =	swait.ge @!p3 [sflag:s1], $0x2780;
	s3 =	simm.s32 @p2 $0x1  }
0xe3: {  	p2 =	por p4, p4;
	[smem:$0x7CB] =	sst s3;
	s3 =	simm.s32 @!p5 $0x0  }
0xe4: {  	p2 =	por @!p1 p0, p0;
	s3 =	simm.s32 @p5 $0x1  }
0xe5: {  	p5 =	por p4, p4;
	[smem:$0x7CC] =	sst s3;
	s3 =	simm.s32 @!p2 $0x0  }
0xe6: {  	p5 =	por @!p1 p0, p0;
	s3 =	simm.s32 @p2 $0x1  }
0xe7: {  	[smem:$0x7CD] =	sst s3;
	s3 =	simm.s32 @!p5 $0x0  }
0xe8: {  	s3 =	simm.s32 @p5 $0x1;
	p5 =	por p4, p4  }
0xe9: {  	p5 =	por @!p1 p0, p0  }
.Ltmp9:
0xea: {  	[smem:$0x7CE] =	sst s3;
	s3 =	simm.s32 @!p5 $0x0;
	(pc) =	sbr.rel .LBB2_17-.Ltmp9, $4  }
0xeb: {  	p6 =	por p4, p4;
	p4 =	por @!p1 p0, p0;
	s3 =	simm.s32 @p5 $0x1  }
0xec: {  	[smem:$0x7CF] =	sst s3;
	s3 =	simm.s32 @!p4 $0x0  }
0xed: {  	p6 =	por @!p1 p0, p0;
	[sflag:s1] =	ssyncset.done @!p3 $0x0;
	s3 =	simm.s32 @p4 $0x1  }
0xee: {  	[sflag:s1] =	ssyncadd.s32 @!p3 $0xFFFFD880;
	p1 =	por p6, p6;
	[smem:$0x7D0] =	sst s3  }
.LBB2_14:
0xef: {  	s3 =	stileid.u32  }
0xf0: {  	p0 =	sgt.s32 s3, $0xB  }
.Ltmp10:
0xf1: {  	_ = 	snop;
	(pc) =	sbr.rel @p0 .LBB2_16-.Ltmp10, $2  }
0xf2: {  	_ =	sdelay $0x2  }
0xf3: {  	s21 =	sld [smem:$0x7FD];
	s23 =	simm.s32 $0x14E00;
	s24 =	simm.s32 $0x14E80  }
0xf4: {  	p2 =	sgt.s32 s3, $0x9;
	s1 =	sld [smem:$0x7F3]  }
0xf5: {  	p1 =	seq.s32 @p2 s3, $0xA  }
0xf6: {  	p0 =	por !p1, !p2  }
0xf7: {  	s9 =	rddreg [dreg:$0xf];
	s1 =	sshrl.u32 @!p0 s1, $0x3  }
0xf8: {  	[hbm:s9], [sflag:s21] =	dma.local @!p0 [spmem:s1], $0x2780  }
0xf9: {  	s1 =	simm.s32 @!p0 $0x3  }
0xfa: {  	_ =	swait.ge @!p0 [sflag:s1], $0x2780  }
0xfb: {  	[sflag:s1] =	ssyncset.done @!p0 $0x0  }
0xfc: {  	[sflag:s1] =	ssyncadd.s32 @!p0 $0xFFFFD880;
	s1 =	sld [smem:$0x7F2];
	_ =	sdelay $0x1  }
0xfd: {  	p3 =	por p1, !p2  }
0xfe: {  	s9 =	rddreg [dreg:$0xe];
	s1 =	sshrl.u32 @!p3 s1, $0x3  }
0xff: {  	[hbm:s9], [sflag:s21] =	dma.local @!p3 [spmem:s1], $0x2780  }
0x100: {  	s1 =	simm.s32 @!p3 $0x3  }
0x101: {  	_ =	swait.ge @!p3 [sflag:s1], $0x2780  }
0x102: {  	p1 =	seq.s32 @!p2 s3, $0x8;
	[sflag:s1] =	ssyncset.done @!p3 $0x0  }
0x103: {  	s3 =	simm.s32 @!p1 $0x0;
	[sflag:s1] =	ssyncadd.s32 @!p3 $0xFFFFD880;
	s1 =	sld [smem:$0x7F5]  }
0x104: {  	s3 =	simm.s32 @p1 $0x1  }
0x105: {  	p1 =	por !p1, p2;
	[smem:$0x7BE] =	sst s3  }
0x106: {  	p6 =	por @!p3 $0x1, $0x1;
	s3 =	rddreg [dreg:$0x11];
	s1 =	sshrl.u32 @!p1 s1, $0x3  }
0x107: {  	[hbm:s3], [sflag:s21] =	dma.local @!p1 [spmem:s1], $0x2780  }
0x108: {  	p4 =	por @!p3 $0x0, $0x0;
	p3 =	por @!p0 $0x0, $0x0;
	s3 =	sld [smem:$0x7BE]  }
0x109: {  	p6 =	por @!p0 p3, p3  }
0x10a: {  	s1 =	simm.s32 @!p6 $0x0  }
0x10b: {  	p5 =	por p4, p4;
	s1 =	simm.s32 @p6 $0x1;
	p6 =	seq.s32 s3, $0x1  }
0x10c: {  	p5 =	por @!p0 p3, p3;
	p3 =	por p6, p2;
	p6 =	por @!p0 $0x1, $0x1  }
0x10d: {  	[smem:$0x7C6] =	sst s1;
	s1 =	simm.s32 @!p3 $0x0;
	p4 =	por @!p0 p6, p6  }
0x10e: {  	s1 =	simm.s32 @p3 $0x1;
	s3 =	simm.s32 @!p4 $0x0  }
0x10f: {  	[smem:$0x7BF] =	sst s1;
	s3 =	simm.s32 @p4 $0x1  }
0x110: {  	s1 =	simm.s32 @!p1 $0x3;
	[smem:$0x7CE] =	sst s3  }
0x111: {  	_ =	swait.ge @!p1 [sflag:s1], $0x2780  }
0x112: {  	s4 =	sld [smem:$0x7BF]  }
0x113: {  	p3 =	por @!p3 $0x0, $0x0  }
0x114: {  	p4 =	por @!p1 $0x0, $0x0;
	p0 =	por p3, p3  }
0x115: {  	p0 =	por @!p1 p4, p4;
	p4 =	seq.s32 s4, $0x1  }
0x116: {  	p6 =	por @!p1 $0x0, $0x0;
	p4 =	por @!p4 $0x1, $0x1  }
0x117: {  	p4 =	por @!p1 p6, p6;
	p6 =	por @!p1 $0x1, $0x1  }
0x118: {  	p3 =	por @!p1 p6, p6;
	p6 =	por p5, p5  }
0x119: {  	[sflag:s1] =	ssyncset.done @!p1 $0x0;
	p6 =	por @!p2 p4, p4  }
0x11a: {  	[sflag:s1] =	ssyncadd.s32 @!p1 $0xFFFFD880;
	s1 =	simm.s32 @!p6 $0x0  }
0x11b: {  	s9 =	sld [smem:$0x7BF];
	s1 =	simm.s32 @p6 $0x1  }
0x11c: {  	[smem:$0x7C7] =	sst s1  }
0x11d: {  	s3 =	simm.s32 @!p3 $0x0;
	s1 =	sld [smem:$0x7F4]  }
0x11e: {  	s3 =	simm.s32 @p3 $0x1  }
0x11f: {  	p4 =	seq.s32 s9, $0x1;
	[smem:$0x7C0] =	sst s3  }
0x120: {  	s3 =	rddreg [dreg:$0x10];
	s1 =	sshrl.u32 @!p4 s1, $0x3  }
0x121: {  	[hbm:s3], [sflag:s21] =	dma.local @!p4 [spmem:s1], $0x2780  }
0x122: {  	s1 =	sld [smem:$0x7C0];
	_ =	sdelay $0x2  }
0x123: {  	p3 =	por p5, p5;
	p6 =	seq.s32 s1, $0x1  }
0x124: {  	p3 =	por @!p2 p6, p6  }
0x125: {  	p1 =	por p5, p5;
	s1 =	simm.s32 @!p3 $0x0  }
0x126: {  	p1 =	por @!p2 p0, p0;
	s1 =	simm.s32 @p3 $0x1  }
0x127: {  	[smem:$0x7CD] =	sst s1;
	s1 =	simm.s32 @!p1 $0x0  }
0x128: {  	s4 =	sld [smem:$0x7C6];
	s1 =	simm.s32 @p1 $0x1;
	p1 =	por p5, p5  }
0x129: {  	p1 =	por @!p2 p0, p0  }
0x12a: {  	[smem:$0x7C4] =	sst s1;
	s1 =	simm.s32 @!p1 $0x0  }
0x12b: {  	s1 =	simm.s32 @p1 $0x1;
	p1 =	seq.s32 s4, $0x1  }
0x12c: {  	p1 =	por @!p2 p0, p0  }
0x12d: {  	p3 =	por p5, p5;
	[smem:$0x7C5] =	sst s1;
	s1 =	simm.s32 @!p1 $0x0  }
0x12e: {  	p3 =	por @!p2 p0, p0;
	s1 =	simm.s32 @p1 $0x1  }
0x12f: {  	[smem:$0x7C6] =	sst s1;
	s1 =	simm.s32 @!p3 $0x0  }
0x130: {  	s1 =	simm.s32 @p3 $0x1;
	p3 =	por p5, p5  }
0x131: {  	p3 =	por @!p2 p0, p0  }
0x132: {  	p6 =	por p5, p5;
	s3 =	simm.s32 @!p3 $0x0  }
0x133: {  	p6 =	por @!p2 p0, p0;
	s3 =	simm.s32 @p3 $0x1  }
0x134: {  	[smem:$0x7C9] =	sst s3;
	s3 =	simm.s32 @!p6 $0x0  }
0x135: {  	s3 =	simm.s32 @p6 $0x1;
	p6 =	por p5, p5  }
0x136: {  	[smem:$0x7C8] =	sst s1;
	s1 =	simm.s32 @!p4 $0x3;
	p6 =	por @!p2 p0, p0  }
0x137: {  	p3 =	por p5, p5;
	[smem:$0x7C3] =	sst s3;
	s3 =	simm.s32 @!p6 $0x0  }
0x138: {  	p3 =	por @!p2 p0, p0;
	_ =	swait.ge @!p4 [sflag:s1], $0x2780;
	s3 =	simm.s32 @p6 $0x1  }
0x139: {  	[smem:$0x7CA] =	sst s3;
	s3 =	simm.s32 @!p3 $0x0  }
0x13a: {  	s9 =	sld [smem:$0x7CE];
	s3 =	simm.s32 @p3 $0x1;
	p3 =	por p5, p5  }
0x13b: {  	p3 =	por @!p2 p0, p0  }
0x13c: {  	[smem:$0x7CB] =	sst s3;
	s3 =	simm.s32 @!p3 $0x0  }
0x13d: {  	s3 =	simm.s32 @p3 $0x1;
	p3 =	seq.s32 s9, $0x1  }
0x13e: {  	p3 =	por @!p2 p0, p0  }
0x13f: {  	[smem:$0x7CC] =	sst s3;
	s3 =	simm.s32 @!p3 $0x0  }
0x140: {  	s3 =	simm.s32 @p3 $0x1;
	p3 =	por p5, p5  }
0x141: {  	p3 =	por @!p2 p0, p0  }
.Ltmp11:
0x142: {  	[smem:$0x7CE] =	sst s3;
	s3 =	simm.s32 @!p3 $0x0;
	(pc) =	sbr.rel .LBB2_17-.Ltmp11, $4  }
0x143: {  	p1 =	por p5, p5;
	p5 =	por @!p2 p0, p0;
	s3 =	simm.s32 @p3 $0x1  }
0x144: {  	[smem:$0x7CF] =	sst s3;
	s3 =	simm.s32 @!p5 $0x0  }
0x145: {  	[sflag:s1] =	ssyncset.done @!p4 $0x0;
	s3 =	simm.s32 @p5 $0x1  }
0x146: {  	p1 =	por @!p2 p0, p0;
	[sflag:s1] =	ssyncadd.s32 @!p4 $0xFFFFD880;
	[smem:$0x7D0] =	sst s3  }
.LBB2_13:
0x147: {  	s1 =	sld [smem:$0x7E7];
	_ =	sdelay $0x2  }
0x148: {  	p2 =	seq.s32 s1, $0x1;
	s1 =	sld [smem:$0x7F7];
	_ =	sdelay $0x2  }
0x149: {  	s3 =	rddreg [dreg:$0x13];
	s1 =	sshrl.u32 @!p2 s1, $0x3  }
0x14a: {  	[hbm:s3], [sflag:s21] =	dma.local @!p2 [spmem:s1], $0x2780  }
0x14b: {  	s1 =	simm.s32 @!p2 $0x3  }
0x14c: {  	_ =	swait.ge @!p2 [sflag:s1], $0x2780  }
0x14d: {  	[sflag:s1] =	ssyncset.done @!p2 $0x0;
	s9 =	sld [smem:$0x7E8]  }
0x14e: {  	[sflag:s1] =	ssyncadd.s32 @!p2 $0xFFFFD880;
	s1 =	sld [smem:$0x7F6];
	_ =	sdelay $0x1  }
0x14f: {  	p3 =	seq.s32 s9, $0x1  }
0x150: {  	s3 =	rddreg [dreg:$0x12];
	s1 =	sshrl.u32 @!p3 s1, $0x3  }
0x151: {  	[hbm:s3], [sflag:s21] =	dma.local @!p3 [spmem:s1], $0x2780  }
0x152: {  	s1 =	simm.s32 @!p3 $0x3  }
0x153: {  	_ =	swait.ge @!p3 [sflag:s1], $0x2780  }
0x154: {  	[sflag:s1] =	ssyncset.done @!p3 $0x0;
	s3 =	sld [smem:$0x7E9]  }
0x155: {  	[sflag:s1] =	ssyncadd.s32 @!p3 $0xFFFFD880;
	s1 =	sld [smem:$0x7F9];
	_ =	sdelay $0x1  }
0x156: {  	p1 =	por @!p2 $0x0, $0x0;
	p6 =	por @!p3 $0x1, $0x1;
	p4 =	seq.s32 s3, $0x1  }
0x157: {  	p6 =	por @!p2 p1, p1;
	s3 =	rddreg [dreg:$0x15];
	s1 =	sshrl.u32 @!p4 s1, $0x3  }
0x158: {  	[hbm:s3], [sflag:s21] =	dma.local @!p4 [spmem:s1], $0x2780  }
0x159: {  	s1 =	simm.s32 @!p4 $0x3;
	s3 =	simm.s32 @!p6 $0x0  }
0x15a: {  	p0 =	por @!p2 $0x1, $0x1;
	_ =	swait.ge @!p4 [sflag:s1], $0x2780;
	s3 =	simm.s32 @p6 $0x1  }
0x15b: {  	p5 =	por @!p3 $0x0, $0x0;
	p3 =	por @!p3 $0x0, $0x0;
	[smem:$0x7C2] =	sst s3  }
0x15c: {  	p3 =	por @!p2 p0, p0;
	[sflag:s1] =	ssyncset.done @!p4 $0x0;
	s4 =	sld [smem:$0x7EB]  }
0x15d: {  	s3 =	simm.s32 @!p3 $0x0;
	[sflag:s1] =	ssyncadd.s32 @!p4 $0xFFFFD880;
	s1 =	sld [smem:$0x7F8]  }
0x15e: {  	p5 =	por @!p2 p1, p1;
	s3 =	simm.s32 @p3 $0x1  }
0x15f: {  	p2 =	por @!p4 $0x0, $0x0;
	[smem:$0x7CC] =	sst s3;
	p3 =	seq.s32 s4, $0x1  }
0x160: {  	s3 =	rddreg [dreg:$0x14];
	s1 =	sshrl.u32 @!p3 s1, $0x3;
	p1 =	por @!p3 $0x1, $0x1  }
0x161: {  	[hbm:s3], [sflag:s21] =	dma.local @!p3 [spmem:s1], $0x2780  }
0x162: {  	p1 =	por @!p4 p2, p2  }
0x163: {  	s1 =	simm.s32 @!p1 $0x0  }
0x164: {  	s9 =	sld [smem:$0x7EA];
	s1 =	simm.s32 @p1 $0x1  }
0x165: {  	[smem:$0x7C1] =	sst s1  }
0x166: {  	s3 =	sld [smem:$0x7C1]  }
0x167: {  	p6 =	por @!p4 $0x1, $0x1;
	p0 =	por @!p3 $0x0, $0x0;
	p1 =	por @!p3 $0x0, $0x0  }
0x168: {  	p0 =	por @!p4 p2, p2;
	p2 =	por p5, p5;
	p1 =	por @!p4 p6, p6  }
0x169: {  	p6 =	por p1, p1;
	p1 =	seq.s32 s9, $0x1;
	p4 =	seq.s32 s3, $0x1  }
0x16a: {  	p2 =	por @!p1 p4, p4  }
0x16b: {  	s1 =	simm.s32 @!p2 $0x0  }
0x16c: {  	s1 =	simm.s32 @p2 $0x1;
	p2 =	por p5, p5  }
0x16d: {  	p2 =	por @!p1 p6, p6  }
0x16e: {  	p4 =	por p5, p5;
	[smem:$0x7C8] =	sst s1;
	s1 =	simm.s32 @!p2 $0x0  }
0x16f: {  	p4 =	por @!p1 p0, p0;
	s1 =	simm.s32 @p2 $0x1  }
0x170: {  	p2 =	por p5, p5;
	[smem:$0x7CB] =	sst s1;
	s1 =	simm.s32 @!p4 $0x0  }
0x171: {  	p2 =	por @!p1 p0, p0;
	s1 =	simm.s32 @p4 $0x1  }
0x172: {  	p4 =	por p5, p5;
	[smem:$0x7C4] =	sst s1;
	s1 =	simm.s32 @!p2 $0x0  }
0x173: {  	p4 =	por @!p1 p0, p0;
	s1 =	simm.s32 @p2 $0x1  }
0x174: {  	p2 =	por p5, p5;
	[smem:$0x7C5] =	sst s1;
	s1 =	simm.s32 @!p4 $0x0  }
0x175: {  	p2 =	por @!p1 p0, p0;
	s1 =	simm.s32 @p4 $0x1  }
0x176: {  	[smem:$0x7C6] =	sst s1;
	s1 =	simm.s32 @!p2 $0x0  }
0x177: {  	s1 =	simm.s32 @p2 $0x1;
	p2 =	por p5, p5  }
0x178: {  	p2 =	por @!p1 p0, p0  }
0x179: {  	p4 =	por p5, p5;
	s3 =	simm.s32 @!p2 $0x0  }
0x17a: {  	p4 =	por @!p1 p0, p0;
	s3 =	simm.s32 @p2 $0x1  }
0x17b: {  	[smem:$0x7C9] =	sst s3;
	s3 =	simm.s32 @!p4 $0x0  }
0x17c: {  	[smem:$0x7C7] =	sst s1;
	s3 =	simm.s32 @p4 $0x1  }
0x17d: {  	s1 =	simm.s32 @!p3 $0x3;
	[smem:$0x7C3] =	sst s3  }
0x17e: {  	s4 =	sld [smem:$0x7C2];
	_ =	swait.ge @!p3 [sflag:s1], $0x2780  }
0x17f: {  	p2 =	por p5, p5;
	s9 =	sld [smem:$0x7CC]  }
0x180: {  	p2 =	por @!p1 p0, p0  }
0x181: {  	s3 =	simm.s32 @!p2 $0x0  }
0x182: {  	s3 =	simm.s32 @p2 $0x1;
	p2 =	seq.s32 s9, $0x1  }
0x183: {  	p2 =	por @!p1 p0, p0  }
0x184: {  	p4 =	por p5, p5;
	[smem:$0x7CA] =	sst s3;
	s3 =	simm.s32 @!p2 $0x0  }
0x185: {  	p4 =	por @!p1 p0, p0;
	s3 =	simm.s32 @p2 $0x1  }
0x186: {  	p2 =	por p5, p5;
	[smem:$0x7CC] =	sst s3;
	s3 =	simm.s32 @!p4 $0x0  }
0x187: {  	p2 =	por @!p1 p0, p0;
	s3 =	simm.s32 @p4 $0x1  }
0x188: {  	p4 =	por p5, p5;
	[smem:$0x7CD] =	sst s3;
	s3 =	simm.s32 @!p2 $0x0  }
0x189: {  	p4 =	por @!p1 p0, p0;
	s3 =	simm.s32 @p2 $0x1  }
.Ltmp12:
0x18a: {  	[smem:$0x7CE] =	sst s3;
	s3 =	simm.s32 @!p4 $0x0;
	(pc) =	sbr.rel .LBB2_17-.Ltmp12, $4  }
0x18b: {  	p5 =	por @!p1 p0, p0;
	s3 =	simm.s32 @p4 $0x1  }
0x18c: {  	p6 =	seq.s32 s4, $0x1;
	[smem:$0x7CF] =	sst s3;
	s3 =	simm.s32 @!p5 $0x0  }
0x18d: {  	p6 =	por @!p1 p0, p0;
	[sflag:s1] =	ssyncset.done @!p3 $0x0;
	s3 =	simm.s32 @p5 $0x1  }
0x18e: {  	[sflag:s1] =	ssyncadd.s32 @!p3 $0xFFFFD880;
	p1 =	por p6, p6;
	[smem:$0x7D0] =	sst s3  }
.LBB2_16:
0x18f: {  	p2 =	sgt.s32 s3, $0xD;
	s1 =	sld [smem:$0x7EE]  }
0x190: {  	p1 =	seq.s32 @p2 s3, $0xE  }
0x191: {  	p0 =	por !p1, !p2  }
0x192: {  	s9 =	rddreg [dreg:$0xb];
	s1 =	sshrl.u32 @!p0 s1, $0x3  }
0x193: {  	[hbm:s9], [sflag:s21] =	dma.local @!p0 [spmem:s1], $0x2780  }
0x194: {  	s1 =	simm.s32 @!p0 $0x3  }
0x195: {  	_ =	swait.ge @!p0 [sflag:s1], $0x2780  }
0x196: {  	[sflag:s1] =	ssyncset.done @!p0 $0x0  }
0x197: {  	[sflag:s1] =	ssyncadd.s32 @!p0 $0xFFFFD880;
	s1 =	sld [smem:$0x7ED];
	_ =	sdelay $0x1  }
0x198: {  	p1 =	por p1, !p2  }
0x199: {  	s9 =	rddreg [dreg:$0xa];
	s1 =	sshrl.u32 @!p1 s1, $0x3  }
0x19a: {  	[hbm:s9], [sflag:s21] =	dma.local @!p1 [spmem:s1], $0x2080  }
0x19b: {  	s1 =	simm.s32 @!p1 $0x3  }
0x19c: {  	_ =	swait.ge @!p1 [sflag:s1], $0x2080  }
0x19d: {  	p3 =	seq.s32 @!p2 s3, $0xC;
	[sflag:s1] =	ssyncset.done @!p1 $0x0  }
0x19e: {  	s3 =	simm.s32 @!p3 $0x0;
	[sflag:s1] =	ssyncadd.s32 @!p1 $0xFFFFDF80;
	s1 =	sld [smem:$0x7F1]  }
0x19f: {  	s3 =	simm.s32 @p3 $0x1  }
0x1a0: {  	p6 =	por !p3, p2;
	[smem:$0x7BB] =	sst s3  }
0x1a1: {  	s3 =	rddreg [dreg:$0xd];
	s1 =	sshrl.u32 @!p6 s1, $0x3  }
0x1a2: {  	[hbm:s3], [sflag:s21] =	dma.local @!p6 [spmem:s1], $0x2780  }
0x1a3: {  	p5 =	por @!p1 $0x1, $0x1;
	p4 =	por @!p0 $0x0, $0x0;
	s3 =	sld [smem:$0x7BB]  }
0x1a4: {  	p5 =	por @!p0 p4, p4  }
0x1a5: {  	p3 =	por @!p1 $0x0, $0x0;
	p4 =	por @!p0 $0x0, $0x0;
	s1 =	simm.s32 @!p5 $0x0  }
0x1a6: {  	p1 =	por p3, p3;
	s1 =	simm.s32 @p5 $0x1;
	p5 =	seq.s32 s3, $0x1  }
0x1a7: {  	p3 =	por @!p0 p4, p4;
	p4 =	por p5, p2;
	p5 =	por @!p0 $0x1, $0x1  }
0x1a8: {  	p1 =	por @!p0 p5, p5  }
0x1a9: {  	[smem:$0x7C4] =	sst s1;
	s3 =	simm.s32 @!p1 $0x0  }
0x1aa: {  	s1 =	simm.s32 @!p4 $0x0;
	s3 =	simm.s32 @p1 $0x1;
	p1 =	por @!p4 $0x0, $0x0  }
0x1ab: {  	p5 =	por @!p6 $0x0, $0x0;
	s1 =	simm.s32 @p4 $0x1;
	p0 =	por p1, p1  }
0x1ac: {  	p0 =	por @!p6 p5, p5;
	p5 =	por @!p4 $0x1, $0x1;
	p4 =	por @!p6 $0x0, $0x0  }
0x1ad: {  	p5 =	por @!p6 p4, p4;
	p4 =	por @!p6 $0x1, $0x1  }
0x1ae: {  	[smem:$0x7BC] =	sst s1;
	p1 =	por @!p6 p4, p4  }
0x1af: {  	s1 =	simm.s32 @!p6 $0x3;
	[smem:$0x7D0] =	sst s3;
	s3 =	simm.s32 @!p1 $0x0  }
0x1b0: {  	_ =	swait.ge @!p6 [sflag:s1], $0x2780;
	s3 =	simm.s32 @p1 $0x1;
	p1 =	por p3, p3  }
0x1b1: {  	[sflag:s1] =	ssyncset.done @!p6 $0x0;
	p1 =	por @!p2 p5, p5  }
0x1b2: {  	[sflag:s1] =	ssyncadd.s32 @!p6 $0xFFFFD880;
	s1 =	simm.s32 @!p1 $0x0  }
0x1b3: {  	s4 =	sld [smem:$0x7BC];
	s1 =	simm.s32 @p1 $0x1  }
0x1b4: {  	[smem:$0x7C5] =	sst s1  }
0x1b5: {  	s1 =	sld [smem:$0x7F0];
	_ =	sdelay $0x1  }
0x1b6: {  	p4 =	seq.s32 s4, $0x1;
	[smem:$0x7BD] =	sst s3  }
0x1b7: {  	s3 =	rddreg [dreg:$0xc];
	s1 =	sshrl.u32 @!p4 s1, $0x3  }
0x1b8: {  	[hbm:s3], [sflag:s21] =	dma.local @!p4 [spmem:s1], $0x2780  }
0x1b9: {  	s1 =	simm.s32 @!p3 $0x0  }
0x1ba: {  	s1 =	simm.s32 @p3 $0x1  }
0x1bb: {  	[smem:$0x7C6] =	sst s1;
	s1 =	simm.s32 @!p3 $0x0  }
0x1bc: {  	s1 =	simm.s32 @p3 $0x1  }
0x1bd: {  	[smem:$0x7C2] =	sst s1;
	s1 =	simm.s32 @!p3 $0x0  }
0x1be: {  	s1 =	simm.s32 @p3 $0x1  }
0x1bf: {  	[smem:$0x7C9] =	sst s1;
	s1 =	simm.s32 @!p3 $0x0  }
0x1c0: {  	s1 =	simm.s32 @p3 $0x1  }
0x1c1: {  	[smem:$0x7C3] =	sst s1;
	s1 =	simm.s32 @!p3 $0x0  }
0x1c2: {  	s1 =	simm.s32 @p3 $0x1  }
0x1c3: {  	[smem:$0x7CA] =	sst s1;
	s1 =	simm.s32 @!p3 $0x0  }
0x1c4: {  	s1 =	simm.s32 @p3 $0x1  }
0x1c5: {  	[smem:$0x7CB] =	sst s1;
	s1 =	simm.s32 @!p3 $0x0  }
0x1c6: {  	s9 =	sld [smem:$0x7BD];
	s1 =	simm.s32 @p3 $0x1  }
0x1c7: {  	p6 =	por p3, p3;
	[smem:$0x7CC] =	sst s1;
	s1 =	simm.s32 @!p3 $0x0  }
0x1c8: {  	p5 =	por p3, p3;
	s3 =	sld [smem:$0x7C4];
	s1 =	simm.s32 @p3 $0x1  }
0x1c9: {  	p1 =	seq.s32 s9, $0x1;
	[smem:$0x7CD] =	sst s1;
	s1 =	simm.s32 @!p3 $0x0  }
0x1ca: {  	s9 =	sld [smem:$0x7C6];
	s1 =	simm.s32 @p3 $0x1;
	p3 =	por @!p2 p1, p1  }
0x1cb: {  	p1 =	seq.s32 s3, $0x1;
	[smem:$0x7CE] =	sst s1;
	s1 =	simm.s32 @!p3 $0x0  }
0x1cc: {  	p1 =	por @!p2 p0, p0;
	s1 =	simm.s32 @p3 $0x1  }
0x1cd: {  	[smem:$0x7CF] =	sst s1;
	s1 =	simm.s32 @!p1 $0x0  }
0x1ce: {  	s1 =	simm.s32 @p1 $0x1;
	p1 =	seq.s32 s9, $0x1  }
0x1cf: {  	s3 =	sld [smem:$0x7CA];
	p1 =	por @!p2 p0, p0  }
0x1d0: {  	[smem:$0x7C4] =	sst s1;
	s1 =	simm.s32 @!p1 $0x0  }
0x1d1: {  	p6 =	por @!p2 p0, p0;
	s1 =	simm.s32 @p1 $0x1  }
0x1d2: {  	[smem:$0x7C6] =	sst s1;
	s1 =	simm.s32 @!p6 $0x0  }
0x1d3: {  	s1 =	simm.s32 @p6 $0x1;
	p6 =	seq.s32 s3, $0x1;
	s3 =	sld [smem:$0x7C9]  }
0x1d4: {  	p5 =	por @!p2 p0, p0  }
0x1d5: {  	[smem:$0x7C7] =	sst s1;
	s1 =	simm.s32 @!p5 $0x0  }
0x1d6: {  	s9 =	sld [smem:$0x7C3];
	s1 =	simm.s32 @p5 $0x1;
	p5 =	seq.s32 s3, $0x1  }
0x1d7: {  	s4 =	sld [smem:$0x7CE];
	p5 =	por @!p2 p0, p0  }
0x1d8: {  	s3 =	simm.s32 @!p5 $0x0  }
0x1d9: {  	s3 =	simm.s32 @p5 $0x1;
	p5 =	seq.s32 s9, $0x1  }
0x1da: {  	p3 =	seq.s32 s4, $0x1;
	s4 =	sld [smem:$0x7C2];
	p5 =	por @!p2 p0, p0  }
0x1db: {  	[smem:$0x7C9] =	sst s3;
	s3 =	simm.s32 @!p5 $0x0  }
0x1dc: {  	[smem:$0x7C8] =	sst s1;
	s3 =	simm.s32 @p5 $0x1  }
0x1dd: {  	s1 =	simm.s32 @!p4 $0x3;
	[smem:$0x7C3] =	sst s3  }
0x1de: {  	_ =	swait.ge @!p4 [sflag:s1], $0x2780  }
0x1df: {  	p1 =	seq.s32 s4, $0x1;
	s4 =	sld [smem:$0x7CB];
	_ =	sdelay $0x1  }
0x1e0: {  	p6 =	por @!p2 p0, p0  }
0x1e1: {  	s3 =	simm.s32 @!p6 $0x0;
	s9 =	sld [smem:$0x7CC];
	p5 =	seq.s32 s4, $0x1  }
0x1e2: {  	s3 =	simm.s32 @p6 $0x1;
	p5 =	por @!p2 p0, p0  }
0x1e3: {  	[smem:$0x7CA] =	sst s3;
	s3 =	simm.s32 @!p5 $0x0  }
0x1e4: {  	s4 =	sld [smem:$0x7CD];
	s3 =	simm.s32 @p5 $0x1;
	p5 =	seq.s32 s9, $0x1  }
0x1e5: {  	p5 =	por @!p2 p0, p0  }
0x1e6: {  	[smem:$0x7CB] =	sst s3;
	s3 =	simm.s32 @!p5 $0x0  }
0x1e7: {  	s3 =	simm.s32 @p5 $0x1;
	p5 =	seq.s32 s4, $0x1  }
0x1e8: {  	s9 =	sld [smem:$0x7D0];
	p5 =	por @!p2 p0, p0  }
0x1e9: {  	[smem:$0x7CC] =	sst s3;
	s3 =	simm.s32 @!p5 $0x0  }
0x1ea: {  	p3 =	por @!p2 p0, p0;
	s3 =	simm.s32 @p5 $0x1  }
0x1eb: {  	[smem:$0x7CD] =	sst s3;
	s3 =	simm.s32 @!p3 $0x0  }
0x1ec: {  	s3 =	simm.s32 @p3 $0x1;
	p3 =	seq.s32 s9, $0x1  }
0x1ed: {  	p3 =	por @!p2 p0, p0  }
0x1ee: {  	[smem:$0x7CE] =	sst s3;
	s3 =	simm.s32 @!p3 $0x0  }
0x1ef: {  	[sflag:s1] =	ssyncset.done @!p4 $0x0;
	s3 =	simm.s32 @p3 $0x1  }
0x1f0: {  	p1 =	por @!p2 p0, p0;
	[sflag:s1] =	ssyncadd.s32 @!p4 $0xFFFFD880;
	[smem:$0x7D0] =	sst s3  }
.LBB2_17:
0x1f1: {  	[bflag:$0x0] =	sbarrier.arrive $0xFFFF  }
0x1f2: {  	s1 =	sld [smem:$0x7DD];
	_ =	sdelay $0x2  }
0x1f3: {  	[spmem:s5], [sflag:s21] =	dma.local [hbm:s1], $0x2780  }
0x1f4: {  	_ =	swait.ge [sflag:s8], $0x2780  }
0x1f5: {  	s3 =	sld [smem:$0x7DE]  }
0x1f6: {  	[sflag:s8] =	ssyncset.done $0x0  }
0x1f7: {  	s9 =	simm.s32 $0x0;
	[sflag:s8] =	ssyncadd.s32 $0xFFFFD880  }
0x1f8: {  	[tilespmem:s11], [sflag:$0x3] =	stream.linear.gather [hbm4b:s3+s9], $0x2800, $0x38;
	[tilespmem:$0x1D400] =	vst v63  }
0x1f9: {  	_ =	swait.ge [sflag:s8], $0x2800  }
0x1fa: {  	[sflag:s8] =	ssyncset.done $0x0  }
0x1fb: {  	[sflag:s8] =	ssyncadd.s32 $0xFFFFD800  }
0x1fc: {  	[bflag:$0x0] =	sbarrier.arrive $0xFFFF  }
0x1fd: {  	s21 =	rddreg [dreg:$0x5]  }
0x1fe: {  	s1 =	sadd.s32 $0x0, s21  }
0x1ff: {  	[tilespmem:s0], [sflag:$0x3] =	stream.linear.gather [hbm4b:s1+s22], $0xC80, $0x38;
	[tilespmem:$0x1D400] =	vst v63  }
0x200: {  	_ =	swait.ge [sflag:s8], $0xC80  }
0x201: {  	[sflag:s8] =	ssyncset.done $0x0  }
0x202: {  	[sflag:s8] =	ssyncadd.s32 $0xFFFFF380  }
0x203: {  	[spmem:s2] =	stream.indirect.scatter.add.f32 [tilespmem:s11], [sflag:$0x2], $0x80, s0, s10, $0xb8;
	[tilespmem:$0x1D400] =	vst v63  }
0x204: {  	s3 =	rddreg [dreg:$0x6]  }
0x205: {  	[spmem:s2] =	stream.indirect.scatter.add.f32 [tilespmem:s11], [sflag:$0x2], $0x80, s3, s10, $0xb8;
	[tilespmem:$0x1D400] =	vst v63  }
0x206: {  	s4 =	rddreg [dreg:$0x7]  }
0x207: {  	[spmem:s2] =	stream.indirect.scatter.add.f32 [tilespmem:s11], [sflag:$0x2], $0x80, s4, s10, $0xb8;
	[tilespmem:$0x1D400] =	vst v63  }
0x208: {  	s5 =	rddreg [dreg:$0x8]  }
0x209: {  	[spmem:s2] =	stream.indirect.scatter.add.f32 [tilespmem:s11], [sflag:$0x2], $0x80, s5, s10, $0xb8;
	[tilespmem:$0x1D400] =	vst v63  }
0x20a: {  	_ = 	snop  }
0x20b: {  	[spmem:s2] =	stream.indirect.scatter.add.f32 [tilespmem:s11], [sflag:$0x2], $0x80, s23, s10, $0xb8;
	[tilespmem:$0x1D400] =	vst v63  }
0x20c: {  	_ = 	snop  }
0x20d: {  	[spmem:s2] =	stream.indirect.scatter.add.f32 [tilespmem:s11], [sflag:$0x2], $0x80, s24, s10, $0xb8;
	[tilespmem:$0x1D400] =	vst v63  }
0x20e: {  	s9 =	simm.s32 $0x14F00  }
0x20f: {  	[spmem:s2] =	stream.indirect.scatter.add.f32 [tilespmem:s11], [sflag:$0x2], $0x80, s9, s10, $0xb8;
	[tilespmem:$0x1D400] =	vst v63  }
0x210: {  	_ = 	snop  }
0x211: {  	[spmem:s2] =	stream.indirect.scatter.add.f32 [tilespmem:s11], [sflag:$0x2], $0x80, s25, s10, $0xb8;
	[tilespmem:$0x1D400] =	vst v63  }
0x212: {  	_ = 	snop  }
0x213: {  	[spmem:s2] =	stream.indirect.scatter.add.f32 [tilespmem:s11], [sflag:$0x2], $0x80, s26, s10, $0xb8;
	[tilespmem:$0x1D400] =	vst v63  }
0x214: {  	_ = 	snop  }
0x215: {  	[spmem:s2] =	stream.indirect.scatter.add.f32 [tilespmem:s11], [sflag:$0x2], $0x80, s28, s10, $0xb8;
	[tilespmem:$0x1D400] =	vst v63  }
0x216: {  	_ = 	snop  }
0x217: {  	[spmem:s2] =	stream.indirect.scatter.add.f32 [tilespmem:s11], [sflag:$0x2], $0x80, s29, s10, $0xb8;
	[tilespmem:$0x1D400] =	vst v63  }
0x218: {  	_ = 	snop  }
0x219: {  	[spmem:s2] =	stream.indirect.scatter.add.f32 [tilespmem:s11], [sflag:$0x2], $0x80, s30, s10, $0xb8;
	[tilespmem:$0x1D400] =	vst v63  }
0x21a: {  	_ = 	snop  }
0x21b: {  	[spmem:s2] =	stream.indirect.scatter.add.f32 [tilespmem:s11], [sflag:$0x2], $0x80, s31, s10, $0xb8;
	[tilespmem:$0x1D400] =	vst v63  }
0x21c: {  	s21 =	simm.s32 $0x15280  }
0x21d: {  	[spmem:s2] =	stream.indirect.scatter.add.f32 [tilespmem:s11], [sflag:$0x2], $0x80, s21, s10, $0xb8;
	[tilespmem:$0x1D400] =	vst v63  }
0x21e: {  	_ = 	snop  }
0x21f: {  	[spmem:s2] =	stream.indirect.scatter.add.f32 [tilespmem:s11], [sflag:$0x2], $0x80, s6, s10, $0xb8;
	[tilespmem:$0x1D400] =	vst v63  }
0x220: {  	_ = 	snop  }
0x221: {  	[spmem:s2] =	stream.indirect.scatter.add.f32 [tilespmem:s11], [sflag:$0x2], $0x80, s7, s10, $0xb8;
	[tilespmem:$0x1D400] =	vst v63  }
0x222: {  	s4 =	simm.s32 $0x15400  }
0x223: {  	[spmem:s2] =	stream.indirect.scatter.add.f32 [tilespmem:s11], [sflag:$0x2], $0x80, s4, s10, $0xb8;
	[tilespmem:$0x1D400] =	vst v63  }
0x224: {  	_ = 	snop  }
0x225: {  	[spmem:s2] =	stream.indirect.scatter.add.f32 [tilespmem:s11], [sflag:$0x2], $0x80, s13, s10, $0xb8;
	[tilespmem:$0x1D400] =	vst v63  }
0x226: {  	_ = 	snop  }
0x227: {  	[spmem:s2] =	stream.indirect.scatter.add.f32 [tilespmem:s11], [sflag:$0x2], $0x80, s14, s10, $0xb8;
	[tilespmem:$0x1D400] =	vst v63  }
0x228: {  	_ = 	snop  }
0x229: {  	[spmem:s2] =	stream.indirect.scatter.add.f32 [tilespmem:s11], [sflag:$0x2], $0x80, s15, s10, $0xb8;
	[tilespmem:$0x1D400] =	vst v63  }
0x22a: {  	_ = 	snop  }
0x22b: {  	[spmem:s2] =	stream.indirect.scatter.add.f32 [tilespmem:s11], [sflag:$0x2], $0x80, s16, s10, $0xb8;
	[tilespmem:$0x1D400] =	vst v63  }
0x22c: {  	s5 =	simm.s32 $0x15680  }
0x22d: {  	[spmem:s2] =	stream.indirect.scatter.add.f32 [tilespmem:s11], [sflag:$0x2], $0x80, s5, s10, $0xb8;
	[tilespmem:$0x1D400] =	vst v63  }
0x22e: {  	_ = 	snop  }
0x22f: {  	[spmem:s2] =	stream.indirect.scatter.add.f32 [tilespmem:s11], [sflag:$0x2], $0x80, s12, s10, $0xb8;
	[tilespmem:$0x1D400] =	vst v63  }
0x230: {  	_ = 	snop  }
0x231: {  	[spmem:s2] =	stream.indirect.scatter.add.f32 [tilespmem:s11], [sflag:$0x2], $0x80, s17, s10, $0xb8;
	[tilespmem:$0x1D400] =	vst v63  }
0x232: {  	_ = 	snop  }
0x233: {  	[spmem:s2] =	stream.indirect.scatter.add.f32 [tilespmem:s11], [sflag:$0x2], $0x80, s20, s10, $0xb8;
	[tilespmem:$0x1D400] =	vst v63  }
0x234: {  	_ =	swait.ge [sflag:s19], $0x2800  }
0x235: {  	[sflag:s19] =	ssyncset.done $0x0  }
0x236: {  	[sflag:s19] =	ssyncadd.s32 $0xFFFFD800  }
0x237: {  	_ =	swait.ge [sflag:s19], $0x2800  }
0x238: {  	[sflag:s19] =	ssyncset.done $0x0  }
0x239: {  	[sflag:s19] =	ssyncadd.s32 $0xFFFFD800  }
0x23a: {  	_ =	swait.ge [sflag:s19], $0x2800  }
0x23b: {  	[sflag:s19] =	ssyncset.done $0x0  }
0x23c: {  	[sflag:s19] =	ssyncadd.s32 $0xFFFFD800  }
0x23d: {  	_ =	swait.ge [sflag:s19], $0x2800  }
0x23e: {  	[sflag:s19] =	ssyncset.done $0x0  }
0x23f: {  	[sflag:s19] =	ssyncadd.s32 $0xFFFFD800  }
0x240: {  	_ =	swait.ge [sflag:s19], $0x2800  }
0x241: {  	[sflag:s19] =	ssyncset.done $0x0  }
0x242: {  	[sflag:s19] =	ssyncadd.s32 $0xFFFFD800  }
0x243: {  	_ =	swait.ge [sflag:s19], $0x2800  }
0x244: {  	[sflag:s19] =	ssyncset.done $0x0  }
0x245: {  	[sflag:s19] =	ssyncadd.s32 $0xFFFFD800  }
0x246: {  	_ =	swait.ge [sflag:s19], $0x2800  }
0x247: {  	[sflag:s19] =	ssyncset.done $0x0  }
0x248: {  	[sflag:s19] =	ssyncadd.s32 $0xFFFFD800  }
0x249: {  	_ =	swait.ge [sflag:s19], $0x2800  }
0x24a: {  	[sflag:s19] =	ssyncset.done $0x0  }
0x24b: {  	[sflag:s19] =	ssyncadd.s32 $0xFFFFD800  }
0x24c: {  	_ =	swait.ge [sflag:s19], $0x2800  }
0x24d: {  	[sflag:s19] =	ssyncset.done $0x0  }
0x24e: {  	[sflag:s19] =	ssyncadd.s32 $0xFFFFD800  }
0x24f: {  	_ =	swait.ge [sflag:s19], $0x2800  }
0x250: {  	[sflag:s19] =	ssyncset.done $0x0  }
0x251: {  	[sflag:s19] =	ssyncadd.s32 $0xFFFFD800  }
0x252: {  	_ =	swait.ge [sflag:s19], $0x2800  }
0x253: {  	[sflag:s19] =	ssyncset.done $0x0  }
0x254: {  	[sflag:s19] =	ssyncadd.s32 $0xFFFFD800  }
0x255: {  	_ =	swait.ge [sflag:s19], $0x2800  }
0x256: {  	[sflag:s19] =	ssyncset.done $0x0  }
0x257: {  	[sflag:s19] =	ssyncadd.s32 $0xFFFFD800  }
0x258: {  	_ =	swait.ge [sflag:s19], $0x2800  }
0x259: {  	[sflag:s19] =	ssyncset.done $0x0  }
0x25a: {  	[sflag:s19] =	ssyncadd.s32 $0xFFFFD800  }
0x25b: {  	_ =	swait.ge [sflag:s19], $0x2800  }
0x25c: {  	[sflag:s19] =	ssyncset.done $0x0  }
0x25d: {  	[sflag:s19] =	ssyncadd.s32 $0xFFFFD800  }
0x25e: {  	_ =	swait.ge [sflag:s19], $0x2800  }
0x25f: {  	[sflag:s19] =	ssyncset.done $0x0  }
0x260: {  	[sflag:s19] =	ssyncadd.s32 $0xFFFFD800  }
0x261: {  	_ =	swait.ge [sflag:s19], $0x2800  }
0x262: {  	[sflag:s19] =	ssyncset.done $0x0  }
0x263: {  	[sflag:s19] =	ssyncadd.s32 $0xFFFFD800  }
0x264: {  	_ =	swait.ge [sflag:s19], $0x2800  }
0x265: {  	[sflag:s19] =	ssyncset.done $0x0  }
0x266: {  	[sflag:s19] =	ssyncadd.s32 $0xFFFFD800  }
0x267: {  	_ =	swait.ge [sflag:s19], $0x2800  }
0x268: {  	[sflag:s19] =	ssyncset.done $0x0  }
0x269: {  	[sflag:s19] =	ssyncadd.s32 $0xFFFFD800  }
0x26a: {  	_ =	swait.ge [sflag:s19], $0x2800  }
0x26b: {  	[sflag:s19] =	ssyncset.done $0x0  }
0x26c: {  	[sflag:s19] =	ssyncadd.s32 $0xFFFFD800  }
0x26d: {  	_ =	swait.ge [sflag:s19], $0x2800  }
0x26e: {  	[sflag:s19] =	ssyncset.done $0x0  }
0x26f: {  	[sflag:s19] =	ssyncadd.s32 $0xFFFFD800  }
0x270: {  	_ =	swait.ge [sflag:s19], $0x2800  }
0x271: {  	[sflag:s19] =	ssyncset.done $0x0  }
0x272: {  	[sflag:s19] =	ssyncadd.s32 $0xFFFFD800  }
0x273: {  	_ =	swait.ge [sflag:s19], $0x2800  }
0x274: {  	[sflag:s19] =	ssyncset.done $0x0  }
0x275: {  	[sflag:s19] =	ssyncadd.s32 $0xFFFFD800  }
0x276: {  	_ =	swait.ge [sflag:s19], $0x2800  }
0x277: {  	[sflag:s19] =	ssyncset.done $0x0  }
0x278: {  	[sflag:s19] =	ssyncadd.s32 $0xFFFFD800  }
0x279: {  	_ =	swait.ge [sflag:s19], $0x2800  }
0x27a: {  	[sflag:s19] =	ssyncset.done $0x0  }
0x27b: {  	[sflag:s19] =	ssyncadd.s32 $0xFFFFD800  }
0x27c: {  	s1 =	simm.s32 $0x400;
	s0 =	simm.s32 $0x14C00;
	_ =	swait.ge [sflag:s19], $0x2800  }
0x27d: {  	s9 =	simm.s32 $0x200;
	s3 =	rddreg [dreg:$0x5];
	[sflag:s19] =	ssyncset.done $0x0  }
.LBB2_18:
0x27e: {  	[sflag:s19] =	ssyncadd.s32 $0xFFFFD800;
	s3 =	sadd.s32 s9, s3  }
0x27f: {  	[tilespmem:s0], [sflag:$0x3] =	stream.linear.gather [hbm4b:s3+s22], $0xC80, $0x38;
	[tilespmem:$0x1D400] =	vst v63  }
0x280: {  	_ =	swait.ge [sflag:s8], $0xC80  }
0x281: {  	[sflag:s8] =	ssyncset.done $0x0  }
0x282: {  	[sflag:s8] =	ssyncadd.s32 $0xFFFFF380  }
0x283: {  	[spmem:s2] =	stream.indirect.scatter.add.f32 [tilespmem:s11], [sflag:$0x2], $0x80, s0, s10, $0xb8;
	[tilespmem:$0x1D400] =	vst v63  }
0x284: {  	s21 =	smov.u32 s1;
	s3 =	rddreg [dreg:$0x6]  }
0x285: {  	[spmem:s2] =	stream.indirect.scatter.add.f32 [tilespmem:s11], [sflag:$0x2], $0x80, s3, s10, $0xb8;
	[tilespmem:$0x1D400] =	vst v63  }
0x286: {  	s9 =	smov.u32 s21;
	s21 =	rddreg [dreg:$0x7]  }
0x287: {  	[spmem:s2] =	stream.indirect.scatter.add.f32 [tilespmem:s11], [sflag:$0x2], $0x80, s21, s10, $0xb8;
	[tilespmem:$0x1D400] =	vst v63  }
0x288: {  	s3 =	rddreg [dreg:$0x8]  }
0x289: {  	[spmem:s2] =	stream.indirect.scatter.add.f32 [tilespmem:s11], [sflag:$0x2], $0x80, s3, s10, $0xb8;
	[tilespmem:$0x1D400] =	vst v63  }
0x28a: {  	_ = 	snop  }
0x28b: {  	[spmem:s2] =	stream.indirect.scatter.add.f32 [tilespmem:s11], [sflag:$0x2], $0x80, s23, s10, $0xb8;
	[tilespmem:$0x1D400] =	vst v63  }
0x28c: {  	_ = 	snop  }
0x28d: {  	[spmem:s2] =	stream.indirect.scatter.add.f32 [tilespmem:s11], [sflag:$0x2], $0x80, s24, s10, $0xb8;
	[tilespmem:$0x1D400] =	vst v63  }
0x28e: {  	s21 =	simm.s32 $0x14F00  }
0x28f: {  	[spmem:s2] =	stream.indirect.scatter.add.f32 [tilespmem:s11], [sflag:$0x2], $0x80, s21, s10, $0xb8;
	[tilespmem:$0x1D400] =	vst v63  }
0x290: {  	_ = 	snop  }
0x291: {  	[spmem:s2] =	stream.indirect.scatter.add.f32 [tilespmem:s11], [sflag:$0x2], $0x80, s25, s10, $0xb8;
	[tilespmem:$0x1D400] =	vst v63  }
0x292: {  	_ = 	snop  }
0x293: {  	[spmem:s2] =	stream.indirect.scatter.add.f32 [tilespmem:s11], [sflag:$0x2], $0x80, s26, s10, $0xb8;
	[tilespmem:$0x1D400] =	vst v63  }
0x294: {  	_ = 	snop  }
0x295: {  	[spmem:s2] =	stream.indirect.scatter.add.f32 [tilespmem:s11], [sflag:$0x2], $0x80, s28, s10, $0xb8;
	[tilespmem:$0x1D400] =	vst v63  }
0x296: {  	_ = 	snop  }
0x297: {  	[spmem:s2] =	stream.indirect.scatter.add.f32 [tilespmem:s11], [sflag:$0x2], $0x80, s29, s10, $0xb8;
	[tilespmem:$0x1D400] =	vst v63  }
0x298: {  	_ = 	snop  }
0x299: {  	[spmem:s2] =	stream.indirect.scatter.add.f32 [tilespmem:s11], [sflag:$0x2], $0x80, s30, s10, $0xb8;
	[tilespmem:$0x1D400] =	vst v63  }
0x29a: {  	_ = 	snop  }
0x29b: {  	[spmem:s2] =	stream.indirect.scatter.add.f32 [tilespmem:s11], [sflag:$0x2], $0x80, s31, s10, $0xb8;
	[tilespmem:$0x1D400] =	vst v63  }
0x29c: {  	s3 =	simm.s32 $0x15280  }
0x29d: {  	[spmem:s2] =	stream.indirect.scatter.add.f32 [tilespmem:s11], [sflag:$0x2], $0x80, s3, s10, $0xb8;
	[tilespmem:$0x1D400] =	vst v63  }
0x29e: {  	_ = 	snop  }
0x29f: {  	[spmem:s2] =	stream.indirect.scatter.add.f32 [tilespmem:s11], [sflag:$0x2], $0x80, s6, s10, $0xb8;
	[tilespmem:$0x1D400] =	vst v63  }
0x2a0: {  	_ = 	snop  }
0x2a1: {  	[spmem:s2] =	stream.indirect.scatter.add.f32 [tilespmem:s11], [sflag:$0x2], $0x80, s7, s10, $0xb8;
	[tilespmem:$0x1D400] =	vst v63  }
0x2a2: {  	_ = 	snop  }
0x2a3: {  	[spmem:s2] =	stream.indirect.scatter.add.f32 [tilespmem:s11], [sflag:$0x2], $0x80, s4, s10, $0xb8;
	[tilespmem:$0x1D400] =	vst v63  }
0x2a4: {  	_ = 	snop  }
0x2a5: {  	[spmem:s2] =	stream.indirect.scatter.add.f32 [tilespmem:s11], [sflag:$0x2], $0x80, s13, s10, $0xb8;
	[tilespmem:$0x1D400] =	vst v63  }
0x2a6: {  	_ = 	snop  }
0x2a7: {  	[spmem:s2] =	stream.indirect.scatter.add.f32 [tilespmem:s11], [sflag:$0x2], $0x80, s14, s10, $0xb8;
	[tilespmem:$0x1D400] =	vst v63  }
0x2a8: {  	_ = 	snop  }
0x2a9: {  	[spmem:s2] =	stream.indirect.scatter.add.f32 [tilespmem:s11], [sflag:$0x2], $0x80, s15, s10, $0xb8;
	[tilespmem:$0x1D400] =	vst v63  }
0x2aa: {  	_ = 	snop  }
0x2ab: {  	[spmem:s2] =	stream.indirect.scatter.add.f32 [tilespmem:s11], [sflag:$0x2], $0x80, s16, s10, $0xb8;
	[tilespmem:$0x1D400] =	vst v63  }
0x2ac: {  	_ = 	snop  }
0x2ad: {  	[spmem:s2] =	stream.indirect.scatter.add.f32 [tilespmem:s11], [sflag:$0x2], $0x80, s5, s10, $0xb8;
	[tilespmem:$0x1D400] =	vst v63  }
0x2ae: {  	_ = 	snop  }
0x2af: {  	[spmem:s2] =	stream.indirect.scatter.add.f32 [tilespmem:s11], [sflag:$0x2], $0x80, s12, s10, $0xb8;
	[tilespmem:$0x1D400] =	vst v63  }
0x2b0: {  	_ = 	snop  }
0x2b1: {  	[spmem:s2] =	stream.indirect.scatter.add.f32 [tilespmem:s11], [sflag:$0x2], $0x80, s17, s10, $0xb8;
	[tilespmem:$0x1D400] =	vst v63  }
0x2b2: {  	_ = 	snop  }
0x2b3: {  	[spmem:s2] =	stream.indirect.scatter.add.f32 [tilespmem:s11], [sflag:$0x2], $0x80, s20, s10, $0xb8;
	[tilespmem:$0x1D400] =	vst v63  }
0x2b4: {  	_ =	swait.ge [sflag:s19], $0x2800  }
0x2b5: {  	[sflag:s19] =	ssyncset.done $0x0  }
0x2b6: {  	[sflag:s19] =	ssyncadd.s32 $0xFFFFD800  }
0x2b7: {  	_ =	swait.ge [sflag:s19], $0x2800  }
0x2b8: {  	[sflag:s19] =	ssyncset.done $0x0  }
0x2b9: {  	[sflag:s19] =	ssyncadd.s32 $0xFFFFD800  }
0x2ba: {  	_ =	swait.ge [sflag:s19], $0x2800  }
0x2bb: {  	[sflag:s19] =	ssyncset.done $0x0  }
0x2bc: {  	[sflag:s19] =	ssyncadd.s32 $0xFFFFD800  }
0x2bd: {  	_ =	swait.ge [sflag:s19], $0x2800  }
0x2be: {  	[sflag:s19] =	ssyncset.done $0x0  }
0x2bf: {  	[sflag:s19] =	ssyncadd.s32 $0xFFFFD800  }
0x2c0: {  	_ =	swait.ge [sflag:s19], $0x2800  }
0x2c1: {  	[sflag:s19] =	ssyncset.done $0x0  }
0x2c2: {  	[sflag:s19] =	ssyncadd.s32 $0xFFFFD800  }
0x2c3: {  	_ =	swait.ge [sflag:s19], $0x2800  }
0x2c4: {  	[sflag:s19] =	ssyncset.done $0x0  }
0x2c5: {  	[sflag:s19] =	ssyncadd.s32 $0xFFFFD800  }
0x2c6: {  	_ =	swait.ge [sflag:s19], $0x2800  }
0x2c7: {  	[sflag:s19] =	ssyncset.done $0x0  }
0x2c8: {  	[sflag:s19] =	ssyncadd.s32 $0xFFFFD800  }
0x2c9: {  	_ =	swait.ge [sflag:s19], $0x2800  }
0x2ca: {  	[sflag:s19] =	ssyncset.done $0x0  }
0x2cb: {  	[sflag:s19] =	ssyncadd.s32 $0xFFFFD800  }
0x2cc: {  	_ =	swait.ge [sflag:s19], $0x2800  }
0x2cd: {  	[sflag:s19] =	ssyncset.done $0x0  }
0x2ce: {  	[sflag:s19] =	ssyncadd.s32 $0xFFFFD800  }
0x2cf: {  	_ =	swait.ge [sflag:s19], $0x2800  }
0x2d0: {  	[sflag:s19] =	ssyncset.done $0x0  }
0x2d1: {  	[sflag:s19] =	ssyncadd.s32 $0xFFFFD800  }
0x2d2: {  	_ =	swait.ge [sflag:s19], $0x2800  }
0x2d3: {  	[sflag:s19] =	ssyncset.done $0x0  }
0x2d4: {  	[sflag:s19] =	ssyncadd.s32 $0xFFFFD800  }
0x2d5: {  	_ =	swait.ge [sflag:s19], $0x2800  }
0x2d6: {  	[sflag:s19] =	ssyncset.done $0x0  }
0x2d7: {  	[sflag:s19] =	ssyncadd.s32 $0xFFFFD800  }
0x2d8: {  	_ =	swait.ge [sflag:s19], $0x2800  }
0x2d9: {  	[sflag:s19] =	ssyncset.done $0x0  }
0x2da: {  	[sflag:s19] =	ssyncadd.s32 $0xFFFFD800  }
0x2db: {  	_ =	swait.ge [sflag:s19], $0x2800  }
0x2dc: {  	[sflag:s19] =	ssyncset.done $0x0  }
0x2dd: {  	[sflag:s19] =	ssyncadd.s32 $0xFFFFD800  }
0x2de: {  	_ =	swait.ge [sflag:s19], $0x2800  }
0x2df: {  	[sflag:s19] =	ssyncset.done $0x0  }
0x2e0: {  	[sflag:s19] =	ssyncadd.s32 $0xFFFFD800  }
0x2e1: {  	_ =	swait.ge [sflag:s19], $0x2800  }
0x2e2: {  	[sflag:s19] =	ssyncset.done $0x0  }
0x2e3: {  	[sflag:s19] =	ssyncadd.s32 $0xFFFFD800  }
0x2e4: {  	_ =	swait.ge [sflag:s19], $0x2800  }
0x2e5: {  	[sflag:s19] =	ssyncset.done $0x0  }
0x2e6: {  	[sflag:s19] =	ssyncadd.s32 $0xFFFFD800  }
0x2e7: {  	_ =	swait.ge [sflag:s19], $0x2800  }
0x2e8: {  	[sflag:s19] =	ssyncset.done $0x0  }
0x2e9: {  	[sflag:s19] =	ssyncadd.s32 $0xFFFFD800  }
0x2ea: {  	_ =	swait.ge [sflag:s19], $0x2800  }
0x2eb: {  	[sflag:s19] =	ssyncset.done $0x0  }
0x2ec: {  	[sflag:s19] =	ssyncadd.s32 $0xFFFFD800  }
0x2ed: {  	_ =	swait.ge [sflag:s19], $0x2800  }
0x2ee: {  	[sflag:s19] =	ssyncset.done $0x0  }
0x2ef: {  	[sflag:s19] =	ssyncadd.s32 $0xFFFFD800  }
0x2f0: {  	_ =	swait.ge [sflag:s19], $0x2800  }
0x2f1: {  	[sflag:s19] =	ssyncset.done $0x0  }
0x2f2: {  	[sflag:s19] =	ssyncadd.s32 $0xFFFFD800  }
0x2f3: {  	_ =	swait.ge [sflag:s19], $0x2800  }
0x2f4: {  	[sflag:s19] =	ssyncset.done $0x0  }
0x2f5: {  	[sflag:s19] =	ssyncadd.s32 $0xFFFFD800  }
0x2f6: {  	_ =	swait.ge [sflag:s19], $0x2800  }
0x2f7: {  	[sflag:s19] =	ssyncset.done $0x0  }
0x2f8: {  	p2 =	sne.s32 s1, $0x800;
	[sflag:s19] =	ssyncadd.s32 $0xFFFFD800  }
.Ltmp13:
0x2f9: {  	_ =	swait.ge [sflag:s19], $0x2800;
	(pc) =	sbr.rel @p2 .LBB2_18-.Ltmp13, $4  }
0x2fa: {  	[sflag:s19] =	ssyncset.done $0x0  }
0x2fb: {  	[sflag:s19] =	ssyncadd.s32 $0xFFFFD800  }
0x2fc: {  	_ =	swait.ge [sflag:s19], $0x2800  }
0x2fd: {  	s1 =	sadd.s32 $0x200, s1;
	s3 =	rddreg [dreg:$0x5];
	[sflag:s19] =	ssyncset.done $0x0  }
0x2fe: {  	[sflag:s19] =	ssyncadd.s32 $0xFFFFD800;
	s1 =	sadd.s32 s9, s3  }
0x2ff: {  	[tilespmem:s0], [sflag:$0x3] =	stream.linear.gather [hbm4b:s1+s22], $0xC80, $0x38;
	[tilespmem:$0x1D400] =	vst v63  }
0x300: {  	_ =	swait.ge [sflag:s8], $0xC80  }
0x301: {  	[sflag:s8] =	ssyncset.done $0x0  }
0x302: {  	[sflag:s8] =	ssyncadd.s32 $0xFFFFF380  }
0x303: {  	[spmem:s2] =	stream.indirect.scatter.add.f32 [tilespmem:s11], [sflag:$0x2], $0x80, s0, s10, $0xb8;
	[tilespmem:$0x1D400] =	vst v63  }
0x304: {  	s3 =	rddreg [dreg:$0x6]  }
0x305: {  	[spmem:s2] =	stream.indirect.scatter.add.f32 [tilespmem:s11], [sflag:$0x2], $0x80, s3, s10, $0xb8;
	[tilespmem:$0x1D400] =	vst v63  }
0x306: {  	s9 =	rddreg [dreg:$0x7]  }
0x307: {  	[spmem:s2] =	stream.indirect.scatter.add.f32 [tilespmem:s11], [sflag:$0x2], $0x80, s9, s10, $0xb8;
	[tilespmem:$0x1D400] =	vst v63  }
0x308: {  	s0 =	rddreg [dreg:$0x8]  }
0x309: {  	[spmem:s2] =	stream.indirect.scatter.add.f32 [tilespmem:s11], [sflag:$0x2], $0x80, s0, s10, $0xb8;
	[tilespmem:$0x1D400] =	vst v63  }
0x30a: {  	_ = 	snop  }
0x30b: {  	[spmem:s2] =	stream.indirect.scatter.add.f32 [tilespmem:s11], [sflag:$0x2], $0x80, s23, s10, $0xb8;
	[tilespmem:$0x1D400] =	vst v63  }
0x30c: {  	_ = 	snop  }
0x30d: {  	[spmem:s2] =	stream.indirect.scatter.add.f32 [tilespmem:s11], [sflag:$0x2], $0x80, s24, s10, $0xb8;
	[tilespmem:$0x1D400] =	vst v63  }
0x30e: {  	_ = 	snop  }
0x30f: {  	[spmem:s2] =	stream.indirect.scatter.add.f32 [tilespmem:s11], [sflag:$0x2], $0x80, s21, s10, $0xb8;
	[tilespmem:$0x1D400] =	vst v63  }
0x310: {  	_ = 	snop  }
0x311: {  	[spmem:s2] =	stream.indirect.scatter.add.f32 [tilespmem:s11], [sflag:$0x2], $0x80, s25, s10, $0xb8;
	[tilespmem:$0x1D400] =	vst v63  }
0x312: {  	_ = 	snop  }
0x313: {  	[spmem:s2] =	stream.indirect.scatter.add.f32 [tilespmem:s11], [sflag:$0x2], $0x80, s26, s10, $0xb8;
	[tilespmem:$0x1D400] =	vst v63  }
0x314: {  	_ = 	snop  }
0x315: {  	[spmem:s2] =	stream.indirect.scatter.add.f32 [tilespmem:s11], [sflag:$0x2], $0x80, s28, s10, $0xb8;
	[tilespmem:$0x1D400] =	vst v63  }
0x316: {  	_ = 	snop  }
0x317: {  	[spmem:s2] =	stream.indirect.scatter.add.f32 [tilespmem:s11], [sflag:$0x2], $0x80, s29, s10, $0xb8;
	[tilespmem:$0x1D400] =	vst v63  }
0x318: {  	_ = 	snop  }
0x319: {  	[spmem:s2] =	stream.indirect.scatter.add.f32 [tilespmem:s11], [sflag:$0x2], $0x80, s30, s10, $0xb8;
	[tilespmem:$0x1D400] =	vst v63  }
0x31a: {  	_ = 	snop  }
0x31b: {  	[spmem:s2] =	stream.indirect.scatter.add.f32 [tilespmem:s11], [sflag:$0x2], $0x80, s31, s10, $0xb8;
	[tilespmem:$0x1D400] =	vst v63  }
0x31c: {  	s3 =	simm.s32 $0x15280  }
0x31d: {  	[spmem:s2] =	stream.indirect.scatter.add.f32 [tilespmem:s11], [sflag:$0x2], $0x80, s3, s10, $0xb8;
	[tilespmem:$0x1D400] =	vst v63  }
0x31e: {  	_ = 	snop  }
0x31f: {  	[spmem:s2] =	stream.indirect.scatter.add.f32 [tilespmem:s11], [sflag:$0x2], $0x80, s6, s10, $0xb8;
	[tilespmem:$0x1D400] =	vst v63  }
0x320: {  	_ = 	snop  }
0x321: {  	[spmem:s2] =	stream.indirect.scatter.add.f32 [tilespmem:s11], [sflag:$0x2], $0x80, s7, s10, $0xb8;
	[tilespmem:$0x1D400] =	vst v63  }
0x322: {  	_ = 	snop  }
0x323: {  	[spmem:s2] =	stream.indirect.scatter.add.f32 [tilespmem:s11], [sflag:$0x2], $0x80, s4, s10, $0xb8;
	[tilespmem:$0x1D400] =	vst v63  }
0x324: {  	_ = 	snop  }
0x325: {  	[spmem:s2] =	stream.indirect.scatter.add.f32 [tilespmem:s11], [sflag:$0x2], $0x80, s13, s10, $0xb8;
	[tilespmem:$0x1D400] =	vst v63  }
0x326: {  	_ = 	snop  }
0x327: {  	[spmem:s2] =	stream.indirect.scatter.add.f32 [tilespmem:s11], [sflag:$0x2], $0x80, s14, s10, $0xb8;
	[tilespmem:$0x1D400] =	vst v63  }
0x328: {  	_ = 	snop  }
0x329: {  	[spmem:s2] =	stream.indirect.scatter.add.f32 [tilespmem:s11], [sflag:$0x2], $0x80, s15, s10, $0xb8;
	[tilespmem:$0x1D400] =	vst v63  }
0x32a: {  	_ = 	snop  }
0x32b: {  	[spmem:s2] =	stream.indirect.scatter.add.f32 [tilespmem:s11], [sflag:$0x2], $0x80, s16, s10, $0xb8;
	[tilespmem:$0x1D400] =	vst v63  }
0x32c: {  	_ = 	snop  }
0x32d: {  	[spmem:s2] =	stream.indirect.scatter.add.f32 [tilespmem:s11], [sflag:$0x2], $0x80, s5, s10, $0xb8;
	[tilespmem:$0x1D400] =	vst v63  }
0x32e: {  	_ = 	snop  }
0x32f: {  	[spmem:s2] =	stream.indirect.scatter.add.f32 [tilespmem:s11], [sflag:$0x2], $0x80, s12, s10, $0xb8;
	[tilespmem:$0x1D400] =	vst v63  }
0x330: {  	_ = 	snop  }
0x331: {  	[spmem:s2] =	stream.indirect.scatter.add.f32 [tilespmem:s11], [sflag:$0x2], $0x80, s17, s10, $0xb8;
	[tilespmem:$0x1D400] =	vst v63  }
0x332: {  	_ = 	snop  }
0x333: {  	[spmem:s2] =	stream.indirect.scatter.add.f32 [tilespmem:s11], [sflag:$0x2], $0x80, s20, s10, $0xb8;
	[tilespmem:$0x1D400] =	vst v63  }
0x334: {  	_ =	swait.ge [sflag:s19], $0x2800  }
0x335: {  	[sflag:s19] =	ssyncset.done $0x0  }
0x336: {  	[sflag:s19] =	ssyncadd.s32 $0xFFFFD800  }
0x337: {  	_ =	swait.ge [sflag:s19], $0x2800  }
0x338: {  	[sflag:s19] =	ssyncset.done $0x0  }
0x339: {  	[sflag:s19] =	ssyncadd.s32 $0xFFFFD800  }
0x33a: {  	_ =	swait.ge [sflag:s19], $0x2800  }
0x33b: {  	[sflag:s19] =	ssyncset.done $0x0  }
0x33c: {  	[sflag:s19] =	ssyncadd.s32 $0xFFFFD800  }
0x33d: {  	_ =	swait.ge [sflag:s19], $0x2800  }
0x33e: {  	[sflag:s19] =	ssyncset.done $0x0  }
0x33f: {  	[sflag:s19] =	ssyncadd.s32 $0xFFFFD800  }
0x340: {  	_ =	swait.ge [sflag:s19], $0x2800  }
0x341: {  	[sflag:s19] =	ssyncset.done $0x0  }
0x342: {  	[sflag:s19] =	ssyncadd.s32 $0xFFFFD800  }
0x343: {  	_ =	swait.ge [sflag:s19], $0x2800  }
0x344: {  	[sflag:s19] =	ssyncset.done $0x0  }
0x345: {  	[sflag:s19] =	ssyncadd.s32 $0xFFFFD800  }
0x346: {  	_ =	swait.ge [sflag:s19], $0x2800  }
0x347: {  	[sflag:s19] =	ssyncset.done $0x0  }
0x348: {  	[sflag:s19] =	ssyncadd.s32 $0xFFFFD800  }
0x349: {  	_ =	swait.ge [sflag:s19], $0x2800  }
0x34a: {  	[sflag:s19] =	ssyncset.done $0x0  }
0x34b: {  	[sflag:s19] =	ssyncadd.s32 $0xFFFFD800  }
0x34c: {  	_ =	swait.ge [sflag:s19], $0x2800  }
0x34d: {  	[sflag:s19] =	ssyncset.done $0x0  }
0x34e: {  	[sflag:s19] =	ssyncadd.s32 $0xFFFFD800  }
0x34f: {  	_ =	swait.ge [sflag:s19], $0x2800  }
0x350: {  	[sflag:s19] =	ssyncset.done $0x0  }
0x351: {  	[sflag:s19] =	ssyncadd.s32 $0xFFFFD800  }
0x352: {  	_ =	swait.ge [sflag:s19], $0x2800  }
0x353: {  	[sflag:s19] =	ssyncset.done $0x0  }
0x354: {  	[sflag:s19] =	ssyncadd.s32 $0xFFFFD800  }
0x355: {  	_ =	swait.ge [sflag:s19], $0x2800  }
0x356: {  	[sflag:s19] =	ssyncset.done $0x0  }
0x357: {  	[sflag:s19] =	ssyncadd.s32 $0xFFFFD800  }
0x358: {  	_ =	swait.ge [sflag:s19], $0x2800  }
0x359: {  	[sflag:s19] =	ssyncset.done $0x0  }
0x35a: {  	[sflag:s19] =	ssyncadd.s32 $0xFFFFD800  }
0x35b: {  	_ =	swait.ge [sflag:s19], $0x2800  }
0x35c: {  	[sflag:s19] =	ssyncset.done $0x0  }
0x35d: {  	[sflag:s19] =	ssyncadd.s32 $0xFFFFD800  }
0x35e: {  	_ =	swait.ge [sflag:s19], $0x2800  }
0x35f: {  	[sflag:s19] =	ssyncset.done $0x0  }
0x360: {  	[sflag:s19] =	ssyncadd.s32 $0xFFFFD800  }
0x361: {  	_ =	swait.ge [sflag:s19], $0x2800  }
0x362: {  	[sflag:s19] =	ssyncset.done $0x0  }
0x363: {  	[sflag:s19] =	ssyncadd.s32 $0xFFFFD800  }
0x364: {  	_ =	swait.ge [sflag:s19], $0x2800  }
0x365: {  	[sflag:s19] =	ssyncset.done $0x0  }
0x366: {  	[sflag:s19] =	ssyncadd.s32 $0xFFFFD800  }
0x367: {  	_ =	swait.ge [sflag:s19], $0x2800  }
0x368: {  	[sflag:s19] =	ssyncset.done $0x0  }
0x369: {  	[sflag:s19] =	ssyncadd.s32 $0xFFFFD800  }
0x36a: {  	_ =	swait.ge [sflag:s19], $0x2800  }
0x36b: {  	[sflag:s19] =	ssyncset.done $0x0  }
0x36c: {  	[sflag:s19] =	ssyncadd.s32 $0xFFFFD800  }
0x36d: {  	_ =	swait.ge [sflag:s19], $0x2800  }
0x36e: {  	[sflag:s19] =	ssyncset.done $0x0  }
0x36f: {  	[sflag:s19] =	ssyncadd.s32 $0xFFFFD800  }
0x370: {  	_ =	swait.ge [sflag:s19], $0x2800  }
0x371: {  	[sflag:s19] =	ssyncset.done $0x0  }
0x372: {  	[sflag:s19] =	ssyncadd.s32 $0xFFFFD800  }
0x373: {  	_ =	swait.ge [sflag:s19], $0x2800  }
0x374: {  	[sflag:s19] =	ssyncset.done $0x0  }
0x375: {  	[sflag:s19] =	ssyncadd.s32 $0xFFFFD800  }
0x376: {  	_ =	swait.ge [sflag:s19], $0x2800  }
0x377: {  	[sflag:s19] =	ssyncset.done $0x0  }
0x378: {  	[sflag:s19] =	ssyncadd.s32 $0xFFFFD800  }
0x379: {  	_ =	swait.ge [sflag:s19], $0x2800  }
0x37a: {  	[sflag:s19] =	ssyncset.done $0x0  }
0x37b: {  	[sflag:s19] =	ssyncadd.s32 $0xFFFFD800  }
0x37c: {  	_ =	swait.ge [sflag:s19], $0x2800  }
0x37d: {  	[sflag:s19] =	ssyncset.done $0x0  }
0x37e: {  	[sflag:s19] =	ssyncadd.s32 $0xFFFFD800  }
0x37f: {  	[bflag:$0x0] =	sbarrier.arrive $0xFFFF  }
0x380: {  	s4 =	stileid.u32;
	s9 =	sld [smem:$0x7FD]  }
0x381: {  	p2 =	sne.s32 s4, $0x0  }
0x382: {  	s1 =	sshrl.u32 @!p2 s2, $0x3;
	s3 =	rddreg [dreg:$0x1a]  }
0x383: {  	[hbm:s3], [sflag:s9] =	dma.local @!p2 [spmem:s1], $0x2780  }
0x384: {  	s1 =	simm.s32 @!p2 $0x3  }
0x385: {  	_ =	swait.ge @!p2 [sflag:s1], $0x2780  }
0x386: {  	[sflag:s1] =	ssyncset.done @!p2 $0x0;
	s5 =	sld [smem:$0x7C3]  }
0x387: {  	[sflag:s1] =	ssyncadd.s32 @!p2 $0xFFFFD880;
	s1 =	sld [smem:$0x7FC];
	_ =	sdelay $0x1  }
0x388: {  	p0 =	seq.s32 s5, $0x1  }
0x389: {  	s3 =	rddreg [dreg:$0x1b];
	s1 =	sshrl.u32 @p0 s1, $0x3  }
0x38a: {  	[hbm:s3], [sflag:s9] =	dma.local @p0 [spmem:s1], $0x2780  }
0x38b: {  	s1 =	simm.s32 @p0 $0x3  }
0x38c: {  	_ =	swait.ge @p0 [sflag:s1], $0x2780  }
0x38d: {  	[sflag:s1] =	ssyncset.done @p0 $0x0;
	s21 =	sld [smem:$0x7CA]  }
0x38e: {  	[sflag:s1] =	ssyncadd.s32 @p0 $0xFFFFD880;
	s1 =	sld [smem:$0x7FB];
	_ =	sdelay $0x1  }
0x38f: {  	p0 =	seq.s32 s21, $0x1  }
0x390: {  	s3 =	rddreg [dreg:$0x1c];
	s1 =	sshrl.u32 @p0 s1, $0x3  }
0x391: {  	[hbm:s3], [sflag:s9] =	dma.local @p0 [spmem:s1], $0x2780  }
0x392: {  	s1 =	simm.s32 @p0 $0x3  }
0x393: {  	_ =	swait.ge @p0 [sflag:s1], $0x2780  }
0x394: {  	[sflag:s1] =	ssyncset.done @p0 $0x0;
	s23 =	sld [smem:$0x7C9]  }
0x395: {  	[sflag:s1] =	ssyncadd.s32 @p0 $0xFFFFD880;
	s1 =	sld [smem:$0x7FA];
	_ =	sdelay $0x1  }
0x396: {  	p6 =	seq.s32 s23, $0x1  }
0x397: {  	s3 =	rddreg [dreg:$0x1d];
	s1 =	sshrl.u32 @p6 s1, $0x3  }
0x398: {  	[hbm:s3], [sflag:s9] =	dma.local @p6 [spmem:s1], $0x2780  }
0x399: {  	s1 =	simm.s32 @p6 $0x3  }
0x39a: {  	_ =	swait.ge @p6 [sflag:s1], $0x2780  }
0x39b: {  	[sflag:s1] =	ssyncset.done @p6 $0x0;
	s24 =	sld [smem:$0x7CB]  }
0x39c: {  	[sflag:s1] =	ssyncadd.s32 @p6 $0xFFFFD880;
	s1 =	sld [smem:$0x7F9];
	_ =	sdelay $0x1  }
0x39d: {  	p0 =	seq.s32 s24, $0x1  }
0x39e: {  	s3 =	rddreg [dreg:$0x1e];
	s1 =	sshrl.u32 @p0 s1, $0x3  }
0x39f: {  	[hbm:s3], [sflag:s9] =	dma.local @p0 [spmem:s1], $0x2780  }
0x3a0: {  	s1 =	simm.s32 @p0 $0x3  }
0x3a1: {  	_ =	swait.ge @p0 [sflag:s1], $0x2780  }
0x3a2: {  	[sflag:s1] =	ssyncset.done @p0 $0x0;
	s3 =	sld [smem:$0x7C8]  }
0x3a3: {  	[sflag:s1] =	ssyncadd.s32 @p0 $0xFFFFD880;
	s1 =	sld [smem:$0x7F8];
	_ =	sdelay $0x1  }
0x3a4: {  	p6 =	seq.s32 s3, $0x1  }
0x3a5: {  	s3 =	rddreg [dreg:$0x1f];
	s1 =	sshrl.u32 @p6 s1, $0x3  }
0x3a6: {  	[hbm:s3], [sflag:s9] =	dma.local @p6 [spmem:s1], $0x2780  }
0x3a7: {  	s1 =	simm.s32 @p6 $0x3  }
0x3a8: {  	_ =	swait.ge @p6 [sflag:s1], $0x2780  }
0x3a9: {  	[sflag:s1] =	ssyncset.done @p6 $0x0;
	s4 =	sld [smem:$0x7CC]  }
0x3aa: {  	[sflag:s1] =	ssyncadd.s32 @p6 $0xFFFFD880;
	s1 =	sld [smem:$0x7F7]  }
0x3ab: {  	s3 =	sld [smem:$0x7D2]  }
0x3ac: {  	p0 =	seq.s32 s4, $0x1  }
0x3ad: {  	s1 =	sshrl.u32 @p0 s1, $0x3  }
0x3ae: {  	[hbm:s3], [sflag:s9] =	dma.local @p0 [spmem:s1], $0x2780  }
0x3af: {  	s1 =	simm.s32 @p0 $0x3  }
0x3b0: {  	_ =	swait.ge @p0 [sflag:s1], $0x2780  }
0x3b1: {  	[sflag:s1] =	ssyncset.done @p0 $0x0  }
0x3b2: {  	[sflag:s1] =	ssyncadd.s32 @p0 $0xFFFFD880;
	s1 =	sld [smem:$0x7F6]  }
0x3b3: {  	s3 =	sld [smem:$0x7D3];
	_ =	sdelay $0x1  }
0x3b4: {  	s1 =	sshrl.u32 @p1 s1, $0x3  }
0x3b5: {  	[hbm:s3], [sflag:s9] =	dma.local @p1 [spmem:s1], $0x2780  }
0x3b6: {  	s1 =	simm.s32 @p1 $0x3  }
0x3b7: {  	_ =	swait.ge @p1 [sflag:s1], $0x2780  }
0x3b8: {  	[sflag:s1] =	ssyncset.done @p1 $0x0;
	s5 =	sld [smem:$0x7CD]  }
0x3b9: {  	[sflag:s1] =	ssyncadd.s32 @p1 $0xFFFFD880;
	s1 =	sld [smem:$0x7F5]  }
0x3ba: {  	s3 =	sld [smem:$0x7D4]  }
0x3bb: {  	p0 =	seq.s32 s5, $0x1  }
0x3bc: {  	s1 =	sshrl.u32 @p0 s1, $0x3  }
0x3bd: {  	[hbm:s3], [sflag:s9] =	dma.local @p0 [spmem:s1], $0x2780  }
0x3be: {  	s1 =	simm.s32 @p0 $0x3  }
0x3bf: {  	_ =	swait.ge @p0 [sflag:s1], $0x2780  }
0x3c0: {  	[sflag:s1] =	ssyncset.done @p0 $0x0;
	s21 =	sld [smem:$0x7C7]  }
0x3c1: {  	[sflag:s1] =	ssyncadd.s32 @p0 $0xFFFFD880;
	s1 =	sld [smem:$0x7F4]  }
0x3c2: {  	s3 =	sld [smem:$0x7D5]  }
0x3c3: {  	p6 =	seq.s32 s21, $0x1  }
0x3c4: {  	s1 =	sshrl.u32 @p6 s1, $0x3  }
0x3c5: {  	[hbm:s3], [sflag:s9] =	dma.local @p6 [spmem:s1], $0x2780  }
0x3c6: {  	s1 =	simm.s32 @p6 $0x3  }
0x3c7: {  	_ =	swait.ge @p6 [sflag:s1], $0x2780  }
0x3c8: {  	[sflag:s1] =	ssyncset.done @p6 $0x0;
	s23 =	sld [smem:$0x7CE]  }
0x3c9: {  	[sflag:s1] =	ssyncadd.s32 @p6 $0xFFFFD880;
	s1 =	sld [smem:$0x7F3]  }
0x3ca: {  	s3 =	sld [smem:$0x7D6]  }
0x3cb: {  	p0 =	seq.s32 s23, $0x1  }
0x3cc: {  	s1 =	sshrl.u32 @p0 s1, $0x3  }
0x3cd: {  	[hbm:s3], [sflag:s9] =	dma.local @p0 [spmem:s1], $0x2780  }
0x3ce: {  	s1 =	simm.s32 @p0 $0x3  }
0x3cf: {  	_ =	swait.ge @p0 [sflag:s1], $0x2780  }
0x3d0: {  	[sflag:s1] =	ssyncset.done @p0 $0x0;
	s24 =	sld [smem:$0x7C6]  }
0x3d1: {  	[sflag:s1] =	ssyncadd.s32 @p0 $0xFFFFD880;
	s1 =	sld [smem:$0x7F2]  }
0x3d2: {  	s3 =	sld [smem:$0x7D7]  }
0x3d3: {  	p0 =	seq.s32 s24, $0x1  }
0x3d4: {  	s1 =	sshrl.u32 @p0 s1, $0x3  }
0x3d5: {  	[hbm:s3], [sflag:s9] =	dma.local @p0 [spmem:s1], $0x2780  }
0x3d6: {  	s1 =	simm.s32 @p0 $0x3  }
0x3d7: {  	_ =	swait.ge @p0 [sflag:s1], $0x2780  }
0x3d8: {  	s3 =	sld [smem:$0x7CF]  }
0x3d9: {  	[sflag:s1] =	ssyncset.done @p0 $0x0  }
0x3da: {  	[sflag:s1] =	ssyncadd.s32 @p0 $0xFFFFD880;
	s1 =	sld [smem:$0x7F1]  }
0x3db: {  	p0 =	seq.s32 s3, $0x1;
	s3 =	sld [smem:$0x7D8];
	_ =	sdelay $0x1  }
0x3dc: {  	s1 =	sshrl.u32 @p0 s1, $0x3  }
0x3dd: {  	[hbm:s3], [sflag:s9] =	dma.local @p0 [spmem:s1], $0x2780  }
0x3de: {  	s1 =	simm.s32 @p0 $0x3  }
0x3df: {  	_ =	swait.ge @p0 [sflag:s1], $0x2780  }
0x3e0: {  	[sflag:s1] =	ssyncset.done @p0 $0x0;
	s4 =	sld [smem:$0x7C5]  }
0x3e1: {  	[sflag:s1] =	ssyncadd.s32 @p0 $0xFFFFD880;
	s1 =	sld [smem:$0x7F0]  }
0x3e2: {  	s3 =	sld [smem:$0x7D9]  }
0x3e3: {  	p0 =	seq.s32 s4, $0x1  }
0x3e4: {  	s1 =	sshrl.u32 @p0 s1, $0x3  }
0x3e5: {  	[hbm:s3], [sflag:s9] =	dma.local @p0 [spmem:s1], $0x2780  }
0x3e6: {  	s1 =	simm.s32 @p0 $0x3  }
0x3e7: {  	_ =	swait.ge @p0 [sflag:s1], $0x2780  }
0x3e8: {  	[sflag:s1] =	ssyncset.done @p0 $0x0;
	s5 =	sld [smem:$0x7D0]  }
0x3e9: {  	[sflag:s1] =	ssyncadd.s32 @p0 $0xFFFFD880;
	s1 =	sld [smem:$0x7EE]  }
0x3ea: {  	s3 =	sld [smem:$0x7DA]  }
0x3eb: {  	p0 =	seq.s32 s5, $0x1  }
0x3ec: {  	s1 =	sshrl.u32 @p0 s1, $0x3  }
0x3ed: {  	[hbm:s3], [sflag:s9] =	dma.local @p0 [spmem:s1], $0x2780  }
0x3ee: {  	s1 =	simm.s32 @p0 $0x3  }
0x3ef: {  	_ =	swait.ge @p0 [sflag:s1], $0x2780  }
0x3f0: {  	[sflag:s1] =	ssyncset.done @p0 $0x0;
	s21 =	sld [smem:$0x7C4]  }
0x3f1: {  	[sflag:s1] =	ssyncadd.s32 @p0 $0xFFFFD880;
	s1 =	sld [smem:$0x7ED]  }
0x3f2: {  	s3 =	sld [smem:$0x7DB]  }
0x3f3: {  	p1 =	seq.s32 s21, $0x1  }
0x3f4: {  	s1 =	sshrl.u32 @p1 s1, $0x3  }
0x3f5: {  	[hbm:s3], [sflag:s9] =	dma.local @p1 [spmem:s1], $0x2080  }
0x3f6: {  	s1 =	simm.s32 @p1 $0x3  }
0x3f7: {  	_ =	swait.ge @p1 [sflag:s1], $0x2080  }
0x3f8: {  	s23 =	sld [smem:$0x7D1]  }
0x3f9: {  	s24 =	sld [smem:$0x7E1];
	_ =	sdelay $0x1  }
0x3fa: {  	s4 =	sadd.s32 $0x1, s23  }
0x3fb: {  	p0 =	sne.s32 s4, s24  }
.Ltmp14:
0x3fc: {  	_ = 	snop;
	(pc) =	sbr.rel @p0 .LBB2_1-.Ltmp14, $3  }
0x3fd: {  	_ =	sdelay $0x1  }
0x3fe: {  	[sflag:s1] =	ssyncset.done @p1 $0x0  }
0x3ff: {  	s0 =	simm.s32 $0x14C00;
	[sflag:s1] =	ssyncadd.s32 @p1 $0xFFFFDF80  }
0x400: {  	_ =	sfence.sel $0x180000  }
0x401: {  	[bflag:$0x0] =	sbarrier.arrive $0xFFFF  }
0x402: {  	_ =	strace $0x90000047  }
0x403: {  	[bflag:$0x2] =	sbarrier.arrive $0xFFFF  }
0x404: {  	s0 =	rddreg [dreg:$0x4]  }
0x405: {  	s0 =	sadd.s32 @!p2 $0x100000, s0  }
0x406: {  	[sflag:s0] =	ssyncadd.tile.s32 @!p2 $0x1;
	_ =	shalt  }
.Lfunc_end2:
_tile_overlayer_lowered:
.L_overlay_start_2:
0x407: {  	(tag) =	ssettag $0x2  }
0x408: {  	s0 =	rddreg [dreg:$0x0];
	s2 =	stileid.u32  }
0x409: {  	s1 =	rddreg [dreg:$0x1];
	p0 =	sne.s32 s2, $0x0  }
0x40a: {  	s3 =	rddreg [dreg:$0x2];
	[bflag:$0x3] =	sbarrier.arrive $0xFFFF;
	s2 =	simm.s32 @!p0 $0x1C03  }
0x40b: {  	[timem:s3], [sflag:s2] =	dma.local @!p0 [hbm:s0], s1  }
0x40c: {  	s0 =	simm.s32 @!p0 $0x3  }
0x40d: {  	_ =	swait.ge @!p0 [sflag:s0], s1  }
0x40e: {  	s1 =	ssub.s32 @!p0 $0x0, s1;
	[sflag:s0] =	ssyncset.done @!p0 $0x0  }
0x40f: {  	[sflag:s0] =	ssyncadd.s32 @!p0 s1  }
0x410: {  	[bflag:$0x3] =	sbarrier.arrive $0xFFFF  }
0x411: {  	_ =	shalt  }

// kernel: kernel.9.cloned.1.call-start
scs
__scs_entry_jumppad:
0x0: {  	(pc) =	sbr.rel $0x88, $3  }
0x1: {  	(tag) =	ssettag $0x0;
	lr =	simm.s32 $0x1  }
0x2: {  	[smem:$0x3F97] =	sst lr;
	_ =	strace $0xD0000000  }
0x3: {  	_ = 	snop  }
0x4: {  	_ = 	snop  }
0x5: {  	_ = 	snop  }
0x6: {  	_ = 	snop  }
0x7: {  	_ = 	snop  }
__scs_overlays_trampoline_lowered:
0x8: {  	[smem:$0x3FA6] =	sst s0  }
0x9: {  	[smem:$0x3FA7] =	sst s1  }
0xa: {  	[smem:$0x3FA8] =	sst s2  }
0xb: {  	[smem:$0x3FA9] =	sst s3  }
0xc: {  	[smem:$0x3FAA] =	sst s4  }
0xd: {  	[smem:$0x3FAB] =	sst s5  }
0xe: {  	[smem:$0x3FAC] =	sst s6  }
0xf: {  	[smem:$0x3FAD] =	sst s7  }
0x10: {  	[smem:$0x3FAE] =	sst s8  }
0x11: {  	[smem:$0x3FAF] =	sst s9;
	s0 =	simm.s32 @!p0 $0x0  }
0x12: {  	s1 =	sld [smem:$0x3F95];
	s0 =	simm.s32 @p0 $0x1  }
0x13: {  	[smem:$0x3FB0] =	sst s0;
	s0 =	simm.s32 @!p1 $0x0  }
0x14: {  	s2 =	sld [smem:$0x3F94];
	s0 =	simm.s32 @p1 $0x1  }
0x15: {  	[smem:$0x3FB1] =	sst s0;
	s0 =	simm.s32 @!p2 $0x0  }
0x16: {  	s3 =	sld [smem:$0x3FDB];
	s0 =	simm.s32 @p2 $0x1  }
0x17: {  	s4 =	simm.s32 $0x1BF5;
	[smem:$0x3FB3] =	sst s0  }
0x18: {  	s0 =	sld [smem:$0x3F96];
	_ =	swait.ge [sflag:s4], $0x0  }
0x19: {  	s7 =	sld [smem:$0x3F97]  }
0x1a: {  	s8 =	sadd.s32 $0xFFFFE003, lr  }
0x1b: {  	s9 =	sadd.s32 $0xFFFFFEF7, lr;
	s5 =	simm.s32 $0xFFFFFFFF;
	p2 =	slt.u32 s8, $0xFFFFF086  }
0x1c: {  	p1 =	slt.u32 s9, $0xF7A;
	s5 =	simm.s32 @!p2 $0x0  }
0x1d: {  	s5 =	simm.s32 @p1 $0x1;
	p0 =	seq.s32 s7, s2  }
0x1e: {  	s7 =	smul.u32 @!p0 $0xF7A, s2;
	p2 =	seq.s32 @!p0 s5, $0x0  }
0x1f: {  	s9 =	smul.u32 $0xF7A, s1;
	s8 =	simm.s32 @!p0 $0x1BF5;
	p2 =	por !p2, p0  }
0x20: {  	[sflag:s8] =	ssyncset.s32 @!p0 $0xFFFFF086;
	s6 =	sadd.s32 @!p0 s3, s7;
	s7 =	simm.s32 @!p0 $0x108  }
0x21: {  	s3 =	sadd.s32 s3, s9;
	s6 =	sadd.s32 @!p0 $0x88, s6;
	s7 =	simm.s32 @p2 $0x1082  }
0x22: {  	[simem:s7], [sflag:s8] =	dma.local @!p0 [hbm:s6], $0xF7A  }
0x23: {  	s9 =	sor.u32 $0xD0000000, s2;
	s6 =	simm.s32 $0x108;
	_ =	swait.ge @!p0 [sflag:s8], $0x0  }
0x24: {  	s3 =	sadd.s32 $0x88, s3;
	s6 =	simm.s32 @!p1 $0x1082;
	[sflag:s4] =	ssyncset.s32 $0xFFFFF086  }
0x25: {  	[simem:s6], [sflag:s4] =	dma.local [hbm:s3], $0xF7A  }
0x26: {  	[smem:$0x3F97] =	sst s1;
	(tag) =	ssettag s2;
	_ =	strace s9  }
0x27: {  	s1 =	sld [smem:$0x3FA7]  }
0x28: {  	s2 =	sld [smem:$0x3FA8]  }
0x29: {  	s4 =	sld [smem:$0x3FAA]  }
0x2a: {  	p0 =	seq.s32 s5, $0x0;
	s5 =	sld [smem:$0x3FAB]  }
0x2b: {  	s6 =	sld [smem:$0x3FAC]  }
0x2c: {  	s7 =	sld [smem:$0x3FAD]  }
0x2d: {  	s3 =	simm.s32 $0x108;
	s8 =	sld [smem:$0x3FAE]  }
0x2e: {  	s3 =	simm.s32 @!p0 $0x1082;
	s9 =	sld [smem:$0x3FAF]  }
0x2f: {  	lr =	sadd.s32 s0, s3;
	s0 =	sld [smem:$0x3FA6]  }
0x30: {  	s3 =	sld [smem:$0x3FA9]  }
0x31: {  	[smem:$0x3FB2] =	sst s10  }
0x32: {  	s10 =	sld [smem:$0x3FB0];
	_ =	sdelay $0x3  }
0x33: {  	p0 =	seq.s32 s10, $0x1;
	s10 =	sld [smem:$0x3FB2];
	_ =	sdelay $0x3  }
0x34: {  	[smem:$0x3FB2] =	sst s10  }
0x35: {  	s10 =	sld [smem:$0x3FB1];
	_ =	sdelay $0x3  }
0x36: {  	p1 =	seq.s32 s10, $0x1;
	s10 =	sld [smem:$0x3FB2];
	_ =	sdelay $0x3  }
0x37: {  	[smem:$0x3FB2] =	sst s10  }
0x38: {  	s10 =	sld [smem:$0x3FB3]  }
0x39: {  	_ = 	snop;
	(pc) =	sbr.ind lr, $3  }
0x3a: {  	_ = 	snop  }
0x3b: {  	_ = 	snop  }
0x3c: {  	p2 =	seq.s32 s10, $0x1;
	s10 =	sld [smem:$0x3FB2]  }
0x3d: {  	_ =	shalt  }
0x3e: {  	_ =	shalt  }
0x3f: {  	_ =	shalt  }
0x40: {  	_ =	shalt  }
0x41: {  	_ =	shalt  }
0x42: {  	_ =	shalt  }
0x43: {  	_ =	shalt  }
0x44: {  	_ =	shalt  }
0x45: {  	_ =	shalt  }
0x46: {  	_ =	shalt  }
0x47: {  	_ =	shalt  }
0x48: {  	_ =	shalt  }
0x49: {  	_ =	shalt  }
0x4a: {  	_ =	shalt  }
0x4b: {  	_ =	shalt  }
0x4c: {  	_ =	shalt  }
0x4d: {  	_ =	shalt  }
0x4e: {  	_ =	shalt  }
0x4f: {  	_ =	shalt  }
0x50: {  	_ =	shalt  }
0x51: {  	_ =	shalt  }
0x52: {  	_ =	shalt  }
0x53: {  	_ =	shalt  }
0x54: {  	_ =	shalt  }
0x55: {  	_ =	shalt  }
0x56: {  	_ =	shalt  }
0x57: {  	_ =	shalt  }
0x58: {  	_ =	shalt  }
0x59: {  	_ =	shalt  }
0x5a: {  	_ =	shalt  }
0x5b: {  	_ =	shalt  }
0x5c: {  	_ =	shalt  }
0x5d: {  	_ =	shalt  }
0x5e: {  	_ =	shalt  }
0x5f: {  	_ =	shalt  }
0x60: {  	_ =	shalt  }
0x61: {  	_ =	shalt  }
0x62: {  	_ =	shalt  }
0x63: {  	_ =	shalt  }
0x64: {  	_ =	shalt  }
0x65: {  	_ =	shalt  }
0x66: {  	_ =	shalt  }
0x67: {  	_ =	shalt  }
0x68: {  	_ =	shalt  }
0x69: {  	_ =	shalt  }
0x6a: {  	_ =	shalt  }
0x6b: {  	_ =	shalt  }
0x6c: {  	_ =	shalt  }
0x6d: {  	_ =	shalt  }
0x6e: {  	_ =	shalt  }
0x6f: {  	_ =	shalt  }
0x70: {  	_ =	shalt  }
0x71: {  	_ =	shalt  }
0x72: {  	_ =	shalt  }
0x73: {  	_ =	shalt  }
0x74: {  	_ =	shalt  }
0x75: {  	_ =	shalt  }
0x76: {  	_ =	shalt  }
0x77: {  	_ =	shalt  }
0x78: {  	_ =	shalt  }
0x79: {  	_ =	shalt  }
0x7a: {  	_ =	shalt  }
0x7b: {  	_ =	shalt  }
0x7c: {  	_ =	shalt  }
0x7d: {  	_ =	shalt  }
0x7e: {  	_ =	shalt  }
0x7f: {  	_ =	shalt  }
0x80: {  	_ =	shalt  }
0x81: {  	_ =	shalt  }
0x82: {  	_ =	shalt  }
0x83: {  	_ =	shalt  }
0x84: {  	_ =	shalt  }
0x85: {  	_ =	shalt  }
0x86: {  	_ =	shalt  }
0x87: {  	_ =	shalt  }
.Lfunc_end0:
.L_simem_size_0:
called_computation.1_lowered:
.L_overlay_start_0:
0x88: {  	s2 =	sld [smem:$0x3FD9]  }
0x89: {  	s3 =	sld [smem:$0x3FFE];
	_ =	sdelay $0x1  }
0x8a: {  	s1 =	srdreg.scid  }
0x8b: {  	s0 =	sand.u32 $0x1, s1  }
0x8c: {  	s17 =	sshll.u32 s0, $0xA;
	s2 =	sadd.s32 s3, s2  }
0x8d: {  	s2 =	sadd.s32 s2, s17  }
0x8e: {  	[smem:$0x3FBE] =	sst s2  }
0x8f: {  	_ = 	snop  }
0x90: {  	s2 =	sld [smem:$0x3FD0];
	(tm) =	ssettm $0x1  }
0x91: {  	s18 =	sld [smem:$0x3FFB];
	_ =	sdelay $0x3  }
0x92: {  	_ =	strace s18  }
0x93: {  	s3 =	sld [smem:$0x3FFC];
	_ =	sdelay $0x3  }
0x94: {  	_ =	strace s3  }
0x95: {  	s3 =	sld [smem:$0x3FFD];
	_ =	sdelay $0x3  }
0x96: {  	_ =	strace s3  }
0x97: {  	_ =	strace $0x8FFFFFFF  }
0x98: {  	s19 =	sld [smem:$0x3FDB];
	_ =	sdelay $0x1  }
0x99: {  	s4 =	simm.s32 $_scs_section_size  }
0x9a: {  	s5 =	simm.s32 $_size__tile_overlayer_lowered;
	s6 =	simm.s32 $_tile_overlayer_lowered  }
0x9b: {  	s22 =	simm.s32 $0x1BFF;
	s21 =	sshll.u32 s6, $0x1;
	s3 =	sadd.s32 s4, s19  }
0x9c: {  	s7 =	simm.s32 $0x0;
	s20 =	sshll.u32 s5, $0x1;
	s5 =	sadd.s32 s21, s3  }
0x9d: {  	[timem:s7], [sflag:s22] =	dma.local [hbm:s5], s20  }
0x9e: {  	_ =	swait.ge [sflag:s22], s20  }
0x9f: {  	s4 =	ssub.s32 $0x0, s20;
	[sflag:s22] =	ssyncset.done $0x0  }
0xa0: {  	[sflag:s22] =	ssyncadd.s32 s4;
	_ =	sdelay $0x1  }
0xa1: {  	s23 =	simm.s32 $0x1B8B  }
0xa2: {  	_ =	swait.ge [sflag:s23], $0x1  }
0xa3: {  	[sflag:s23] =	ssyncset.done $0x0  }
0xa4: {  	s25 =	simm.s32 $0x1B8E;
	s24 =	sld [smem:$0x3FFE];
	[sflag:s23] =	ssyncadd.s32 $0xFFFFFFFF  }
0xa5: {  	s26 =	simm.s32 $execute0_lowered;
	[smem:$0x3FD2] =	sst s25  }
0xa6: {  	s5 =	sshll.u32 s26, $0x1;
	_ =	strace $0x80000049;
	[dreg:$0x1] =	wrdreg $0xFFFFFFFF  }
0xa7: {  	s28 =	simm.s32 $_size_execute0_lowered;
	s3 =	sadd.s32 s3, s5;
	[dreg:$0x0] =	wrdreg $0x0  }
0xa8: {  	s5 =	sshll.u32 s28, $0x1;
	[dreg:$0x2] =	wrdreg s3  }
0xa9: {  	[dreg:$0x3] =	wrdreg s5  }
0xaa: {  	[dreg:$0x4] =	wrdreg $0xC0  }
0xab: {  	_ =	task [dreg:s7], $0x5FFFF  }
0xac: {  	[dreg:$0x1] =	wrdreg $0xFFFFFFFF  }
0xad: {  	[dreg:$0x0] =	wrdreg $0x60  }
0xae: {  	[dreg:$0x2] =	wrdreg s24  }
0xaf: {  	[dreg:$0x3] =	wrdreg s2  }
0xb0: {  	[dreg:$0x4] =	wrdreg $0x0  }
0xb1: {  	[dreg:$0x5] =	wrdreg $0x9  }
0xb2: {  	_ =	task.clear_ibuf [dreg:s7], $0x6FFFF;
	_ =	strace $0x90000049  }
0xb3: {  	s29 =	simm.s32 $0x9;
	_ =	strace $0x8000004B  }
0xb4: {  	_ =	swait.ge [sflag:s29], $0x1  }
0xb5: {  	[sflag:s29] =	ssyncadd.s32 $0xFFFFFFFF  }
0xb6: {  	_ =	strace $0x9000004B  }
0xb7: {  	_ =	sfence  }
0xb8: {  	s30 =	sld [smem:$0x0];
	_ =	sdelay $0x2  }
0xb9: {  	s31 =	sshll.u32 s1, $0xD;
	s1 =	sshrl.u32 s1, $0x2  }
0xba: {  	s3 =	sand.u32 $0x4000, s31;
	s1 =	sadd.s32 s1, s30  }
0xbb: {  	s0 =	sor.u32 s3, s0;
	s1 =	sshll.u32 s1, $0x11  }
0xbc: {  	s0 =	sor.u32 s1, s0  }
0xbd: {  	s0 =	sadd.s32 $0x8F2B, s0  }
0xbe: {  	[sflag:s0] =	ssyncadd.remote.s32 $0x1  }
0xbf: {  	_ =	sfence.sel $0xFFFF  }
0xc0: {  	[dreg:$0x0] =	wrdreg $0xFFFFFFFF;
	(pc) =	sbr.abs _section_cstart, $3  }
0xc1: {  	[dreg:$0x1] =	wrdreg $0xFFFFFFFF  }
0xc2: {  	_ =	task.clear_ibuf [dreg:s7], $0x2FFFF;
	_ =	strace $0x9FFFFFFF  }
0xc3: {  	(tm) =	ssettm $0x7FFFFFFF  }
tec
execute0_lowered:
.L_overlay_start_1:
0x0: {  	(tag) =	ssettag $0x1  }
0x1: {  	s14 =	stileid.u32  }
0x2: {  	p0 =	sgt.s32 s14, $0x3  }
0x3: {  	p2 =	sgt.s32 @p0 s14, $0x5  }
0x4: {  	s20 =	rddreg [dreg:$0x0];
	p1 =	por !p2, !p0  }
0x5: {  	s1 =	rddreg [dreg:$0x1];
	s3 =	simm.s32 $0x0;
	p3 =	seq.s32 @!p1 s14, $0x6  }
0x6: {  	s5 =	srdreg.scid;
	[smem:$0x7FF] =	sst s3;
	p1 =	por @p0 !p3, !p2  }
0x7: {  	p5 =	sgt.s32 @!p0 s14, $0x1;
	p4 =	por p2, !p0;
	s0 =	simm.s32 @!p1 $0x0  }
0x8: {  	p6 =	por !p5, p0;
	s0 =	simm.s32 @p1 $0x1;
	p1 =	por @p0 p3, !p2  }
0x9: {  	p4 =	seq.s32 @!p4 s14, $0x4;
	[smem:$0x7E8] =	sst s0;
	s0 =	simm.s32 @!p1 $0x0  }
0xa: {  	p6 =	seq.s32 @!p6 s14, $0x2;
	s0 =	simm.s32 @p1 $0x1;
	p1 =	por @p0 !p4, p2  }
0xb: {  	p3 =	por @!p0 !p6, !p5;
	[smem:$0x7E9] =	sst s0;
	s0 =	simm.s32 @!p1 $0x0  }
0xc: {  	s16 =	sld [smem:$0x7E8];
	s0 =	simm.s32 @p1 $0x1;
	p1 =	por p5, p0  }
0xd: {  	p6 =	por @!p0 p6, !p5;
	s17 =	sld [smem:$0x7E9];
	p1 =	seq.s32 @!p1 s14, $0x0  }
0xe: {  	p4 =	por @p0 p4, p2;
	[smem:$0x7EA] =	sst s0;
	p2 =	por @!p0 !p1, p5  }
0xf: {  	p1 =	por @!p0 p1, p5;
	p5 =	seq.s32 s16, $0x1;
	s0 =	simm.s32 @!p2 $0x0  }
0x10: {  	s18 =	sld [smem:$0x7EA];
	s0 =	simm.s32 @p2 $0x1;
	p2 =	por p5, !p0  }
0x11: {  	p5 =	seq.s32 s17, $0x1;
	[smem:$0x7EB] =	sst s0;
	s0 =	simm.s32 @!p2 $0x0  }
0x12: {  	s11 =	sand.u32 $0x1, s5;
	s0 =	simm.s32 @p2 $0x1;
	p2 =	por p5, !p0  }
0x13: {  	p5 =	seq.s32 s18, $0x1;
	[smem:$0x7F2] =	sst s0;
	s0 =	simm.s32 @!p2 $0x0  }
0x14: {  	s5 =	sadd.s32 $0x8FC00, s20;
	p5 =	por p5, !p0;
	s0 =	simm.s32 @p2 $0x1  }
0x15: {  	s9 =	smul.u32 $0x4F000, s14;
	[smem:$0x7F3] =	sst s0;
	s0 =	simm.s32 @!p5 $0x0  }
0x16: {  	p4 =	por p4, !p0;
	s19 =	sld [smem:$0x7EB];
	s0 =	simm.s32 @p5 $0x1  }
0x17: {  	s6 =	sadd.s32 $0x7BC00, s20;
	[smem:$0x7F4] =	sst s0;
	s0 =	simm.s32 @!p4 $0x0  }
0x18: {  	p3 =	por p3, p0;
	p2 =	sgt.s32 s14, $0xB;
	s0 =	simm.s32 @p4 $0x1  }
0x19: {  	p4 =	sgt.s32 @p2 s14, $0xD;
	[smem:$0x7F5] =	sst s0;
	s0 =	simm.s32 @!p3 $0x0  }
0x1a: {  	s0 =	simm.s32 @p3 $0x1;
	p3 =	por p6, p0;
	p6 =	seq.s32 s19, $0x1  }
0x1b: {  	[smem:$0x7F6] =	sst s0;
	s0 =	simm.s32 @!p3 $0x0;
	p6 =	por p6, p0  }
0x1c: {  	p0 =	por p1, p0;
	s0 =	simm.s32 @p3 $0x1;
	p3 =	por !p4, !p2  }
0x1d: {  	[smem:$0x7F7] =	sst s0;
	p3 =	seq.s32 @!p3 s14, $0xE;
	s0 =	simm.s32 @!p0 $0x0  }
0x1e: {  	s7 =	sadd.s32 $0x2B200, s20;
	s0 =	simm.s32 @p0 $0x1;
	p0 =	por @p2 !p3, !p4  }
0x1f: {  	s15 =	sshll.u32 s14, $0x6;
	[smem:$0x7F8] =	sst s0;
	s0 =	simm.s32 @!p0 $0x0  }
0x20: {  	p5 =	por p4, !p2;
	s0 =	simm.s32 @p0 $0x1;
	p0 =	por @p2 p3, !p4  }
0x21: {  	p5 =	seq.s32 @!p5 s14, $0xC;
	[smem:$0x7EC] =	sst s0;
	s0 =	simm.s32 @!p0 $0x0  }
0x22: {  	s8 =	ssub.s32 $0x2, s11;
	s0 =	simm.s32 @p0 $0x1;
	p0 =	por @p2 !p5, p4  }
0x23: {  	s12 =	smul.u32 $0x138800, s11;
	[smem:$0x7ED] =	sst s0;
	s0 =	simm.s32 @!p0 $0x0  }
0x24: {  	s26 =	smul.u32 $0xA0000, s11;
	s0 =	simm.s32 @p0 $0x1;
	p0 =	sgt.s32 @!p2 s14, $0x9  }
0x25: {  	s11 =	smul.u32 $0x27100, s11;
	p4 =	por @p2 p5, p4;
	p5 =	por !p0, p2  }
0x26: {  	s9 =	sshrl.u32 s9, $0x2;
	s4 =	sld [smem:$0x7EC];
	p5 =	seq.s32 @!p5 s14, $0xA  }
0x27: {  	s21 =	sld [smem:$0x7ED];
	p1 =	por p0, p2;
	p3 =	por @!p2 !p5, !p0  }
0x28: {  	[smem:$0x7EE] =	sst s0;
	p1 =	seq.s32 @!p1 s14, $0x8;
	s2 =	simm.s32 @!p3 $0x0  }
0x29: {  	s2 =	simm.s32 @p3 $0x1;
	p3 =	por @!p2 p5, !p0;
	p5 =	por @!p2 !p1, p0  }
0x2a: {  	s12 =	sshrl.u32 s12, $0x3;
	[smem:$0x7EF] =	sst s2;
	s2 =	simm.s32 @!p5 $0x0  }
0x2b: {  	s22 =	sld [smem:$0x7EE];
	p0 =	por @!p2 p1, p0;
	s2 =	simm.s32 @p5 $0x1  }
0x2c: {  	p5 =	seq.s32 s4, $0x1;
	[smem:$0x7F0] =	sst s2;
	s2 =	simm.s32 @!p0 $0x0  }
0x2d: {  	s23 =	sld [smem:$0x7EF];
	s2 =	simm.s32 @p0 $0x1;
	p0 =	por p5, !p2  }
0x2e: {  	p1 =	seq.s32 s21, $0x1;
	s24 =	sld [smem:$0x7F0];
	s4 =	simm.s32 @!p0 $0x0  }
0x2f: {  	[smem:$0x7F1] =	sst s2;
	s4 =	simm.s32 @p0 $0x1;
	p0 =	por p1, !p2  }
0x30: {  	p5 =	seq.s32 s22, $0x1;
	[smem:$0x7F9] =	sst s4;
	s4 =	simm.s32 @!p0 $0x0  }
0x31: {  	s2 =	rddreg [dreg:$0x2];
	s4 =	simm.s32 @p0 $0x1;
	p0 =	por p5, !p2  }
0x32: {  	s12 =	sadd.s32 s1, s12;
	[smem:$0x7FA] =	sst s4;
	s4 =	simm.s32 @!p0 $0x0  }
0x33: {  	s25 =	sld [smem:$0x7F1];
	s13 =	sadd.s32 s9, s2;
	s4 =	simm.s32 @p0 $0x1  }
0x34: {  	s9 =	sor.u32 $0x1C03, s15;
	s15 =	sadd.s32 $0x25080, s12;
	[smem:$0x7FB] =	sst s4  }
0x35: {  	s16 =	sadd.s32 $0x22900, s12;
	_ =	strace $0x8000004A;
	[dreg:$0x4] =	wrdreg s15  }
0x36: {  	s10 =	sshrl.u32 s8, $0x1;
	s17 =	sadd.s32 $0x20180, s12;
	[dreg:$0x5] =	wrdreg s16  }
0x37: {  	s1 =	sadd.s32 s1, s11;
	s18 =	sadd.s32 $0x1DA00, s12;
	[dreg:$0x6] =	wrdreg s17  }
0x38: {  	s19 =	sadd.s32 $0x1B280, s12;
	s0 =	ssub.s32 s8, s10;
	[dreg:$0x7] =	wrdreg s18  }
0x39: {  	s4 =	sadd.s32 $0xB7C00, s20;
	s20 =	sadd.s32 $0x18B00, s12;
	[dreg:$0x8] =	wrdreg s19  }
0x3a: {  	s8 =	smul.u32 $0xA000, s14;
	s21 =	sadd.s32 $0x16380, s12;
	[dreg:$0x9] =	wrdreg s20  }
0x3b: {  	s22 =	sadd.s32 $0x13C00, s12;
	p1 =	seq.s32 s23, $0x1;
	[dreg:$0xa] =	wrdreg s21  }
0x3c: {  	s23 =	sadd.s32 $0x11480, s12;
	p0 =	por p3, p2;
	[dreg:$0xb] =	wrdreg s22  }
0x3d: {  	p3 =	seq.s32 s24, $0x1;
	s24 =	sadd.s32 $0xED00, s12;
	[dreg:$0xc] =	wrdreg s23  }
0x3e: {  	p5 =	por p1, p2;
	p1 =	por p3, p2;
	[dreg:$0xd] =	wrdreg s24  }
0x3f: {  	p3 =	seq.s32 s25, $0x1;
	s25 =	sadd.s32 $0xC580, s12;
	[dreg:$0xe] =	wrdreg s1  }
0x40: {  	s10 =	sadd.s32 s26, s8;
	s26 =	sadd.s32 $0x9E00, s12;
	[dreg:$0xf] =	wrdreg s25  }
0x41: {  	s11 =	sadd.s32 $0x7680, s12;
	[dreg:$0x10] =	wrdreg s26  }
0x42: {  	[dreg:$0x11] =	wrdreg s11;
	s15 =	sadd.s32 $0x4F00, s12  }
0x43: {  	s16 =	sadd.s32 $0x2780, s12;
	[dreg:$0x12] =	wrdreg s15  }
0x44: {  	[dreg:$0x13] =	wrdreg s16  }
0x45: {  	s17 =	sld [smem:$0x7F2]  }
0x46: {  	s18 =	sld [smem:$0x7F3]  }
0x47: {  	s19 =	sld [smem:$0x7F4]  }
0x48: {  	s20 =	sld [smem:$0x7F5]  }
0x49: {  	s30 =	simm.s32 $0x18400;
	s21 =	sld [smem:$0x7F6]  }
0x4a: {  	s31 =	simm.s32 $0x1;
	p4 =	por p4, !p2;
	s22 =	sld [smem:$0x7F7]  }
0x4b: {  	s28 =	smax.u32 s0, $0x1;
	s0 =	sadd.s32 $0x76800, s2;
	s23 =	sld [smem:$0x7F8]  }
0x4c: {  	p2 =	por p3, p2;
	s24 =	sld [smem:$0x7F9];
	p3 =	seq.s32 s17, $0x1  }
0x4d: {  	s29 =	sshrl.u32 s13, $0x3;
	s25 =	sld [smem:$0x7FA];
	s0 =	sshrl.u32 @!p3 s0, $0x3  }
0x4e: {  	p3 =	seq.s32 s18, $0x1;
	[dreg:$0x14] =	wrdreg s0;
	s0 =	sadd.s32 $0x8A400, s2  }
0x4f: {  	s1 =	sadd.s32 $0x4F000, s2;
	s26 =	sld [smem:$0x7FB];
	s0 =	sshrl.u32 @!p3 s0, $0x3  }
0x50: {  	s11 =	sadd.s32 $0x13C00, s2;
	p3 =	seq.s32 s19, $0x1;
	[dreg:$0x15] =	wrdreg s0  }
0x51: {  	s0 =	sadd.s32 $0x62C00, s2;
	s1 =	sshrl.u32 @!p3 s1, $0x3;
	p3 =	seq.s32 s20, $0x1  }
0x52: {  	[dreg:$0x16] =	wrdreg s1;
	s0 =	sshrl.u32 @!p3 s0, $0x3;
	p3 =	seq.s32 s21, $0x1  }
0x53: {  	s1 =	sadd.s32 $0x3B400, s2;
	[dreg:$0x17] =	wrdreg s0;
	s0 =	sadd.s32 $0x27800, s2  }
0x54: {  	s0 =	sshrl.u32 @!p3 s0, $0x3;
	p3 =	seq.s32 s22, $0x1;
	s22 =	simm.s32 $0x3  }
0x55: {  	[dreg:$0x18] =	wrdreg s0;
	s0 =	sadd.s32 $0x128400, s2;
	s1 =	sshrl.u32 @!p3 s1, $0x3  }
0x56: {  	p3 =	seq.s32 s23, $0x1;
	s23 =	simm.s32 $0x13C00;
	[dreg:$0x19] =	wrdreg s1  }
0x57: {  	s1 =	sadd.s32 $0x114800, s2;
	s11 =	sshrl.u32 @!p3 s11, $0x3;
	p3 =	seq.s32 s24, $0x1  }
0x58: {  	s24 =	simm.s32 $0x50;
	[dreg:$0x1a] =	wrdreg s11;
	s1 =	sshrl.u32 @!p3 s1, $0x3  }
0x59: {  	p3 =	seq.s32 s25, $0x1;
	s11 =	sadd.s32 $0xC5800, s2;
	s25 =	simm.s32 $0x15C00  }
0x5a: {  	[dreg:$0x1b] =	wrdreg s1;
	s15 =	sshrl.u32 @!p3 s0, $0x3;
	s0 =	sadd.s32 $0x100C00, s2  }
0x5b: {  	s1 =	sadd.s32 $0xED000, s2;
	p3 =	seq.s32 s26, $0x1;
	s18 =	sshrl.u32 @!p5 s11, $0x3  }
0x5c: {  	s11 =	sadd.s32 $0x9E000, s2;
	s26 =	simm.s32 $0x13C80;
	s16 =	sshrl.u32 @!p3 s1, $0x3  }
.Ltmp0:
0x5d: {  	s1 =	simm.s32 @!p4 $0x0;
	s17 =	sshrl.u32 @!p4 s0, $0x3;
	(pc) =	sbr.rel .LBB2_1-.Ltmp0, $4  }
0x5e: {  	s0 =	sadd.s32 $0xD9400, s2;
	s20 =	sshrl.u32 @!p1 s11, $0x3;
	p3 =	sgt.s32 s14, $0x7  }
0x5f: {  	s1 =	simm.s32 @p4 $0x1;
	s19 =	sshrl.u32 @!p0 s0, $0x3;
	s0 =	simm.s32 @!p3 $0x0  }
0x60: {  	[smem:$0x7FC] =	sst s1;
	s1 =	sadd.s32 $0xB1C00, s2;
	s0 =	simm.s32 @p3 $0x1  }
0x61: {  	s21 =	sshrl.u32 @!p2 s1, $0x3;
	[smem:$0x7FD] =	sst s0;
	s1 =	simm.s32 $0x2  }
.LBB2_12:
0x62: {  	s0 =	sld [smem:$0x7F9];
	_ =	sdelay $0x1  }
0x63: {  	s11 =	rddreg [dreg:$0x1b]  }
0x64: {  	p3 =	seq.s32 s0, $0x1;
	s0 =	rddreg [dreg:$0x5]  }
0x65: {  	[hbm:s0], [sflag:s9] =	dma.local @!p3 [spmem:s11], $0x2780  }
0x66: {  	s0 =	simm.s32 @!p3 $0x3  }
0x67: {  	_ =	swait.ge @!p3 [sflag:s0], $0x2780  }
0x68: {  	s12 =	sld [smem:$0x7FA];
	_ =	sdelay $0x1  }
0x69: {  	[sflag:s0] =	ssyncset.done @!p3 $0x0  }
0x6a: {  	[sflag:s0] =	ssyncadd.s32 @!p3 $0xFFFFD880;
	s0 =	rddreg [dreg:$0x4];
	p3 =	seq.s32 s12, $0x1  }
0x6b: {  	[hbm:s0], [sflag:s9] =	dma.local @!p3 [spmem:s15], $0x2080  }
0x6c: {  	s0 =	simm.s32 @!p3 $0x3  }
0x6d: {  	_ =	swait.ge @!p3 [sflag:s0], $0x2080  }
0x6e: {  	s13 =	sld [smem:$0x7FB];
	_ =	sdelay $0x1  }
0x6f: {  	[sflag:s0] =	ssyncset.done @!p3 $0x0  }
0x70: {  	[sflag:s0] =	ssyncadd.s32 @!p3 $0xFFFFDF80;
	s0 =	rddreg [dreg:$0x7];
	p3 =	seq.s32 s13, $0x1  }
0x71: {  	[hbm:s0], [sflag:s9] =	dma.local @!p3 [spmem:s16], $0x2780  }
0x72: {  	s0 =	simm.s32 @!p3 $0x3  }
0x73: {  	_ =	swait.ge @!p3 [sflag:s0], $0x2780  }
0x74: {  	s14 =	sld [smem:$0x7FC];
	_ =	sdelay $0x1  }
0x75: {  	[sflag:s0] =	ssyncset.done @!p3 $0x0  }
0x76: {  	[sflag:s0] =	ssyncadd.s32 @!p3 $0xFFFFD880;
	s0 =	rddreg [dreg:$0x6];
	p3 =	seq.s32 s14, $0x1  }
0x77: {  	[hbm:s0], [sflag:s9] =	dma.local @!p3 [spmem:s17], $0x2780  }
0x78: {  	s0 =	simm.s32 @!p3 $0x3  }
0x79: {  	_ =	swait.ge @!p3 [sflag:s0], $0x2780  }
0x7a: {  	[sflag:s0] =	ssyncset.done @!p3 $0x0  }
0x7b: {  	[sflag:s0] =	ssyncadd.s32 @!p3 $0xFFFFD880;
	s0 =	rddreg [dreg:$0x9]  }
0x7c: {  	[hbm:s0], [sflag:s9] =	dma.local @!p5 [spmem:s18], $0x2780  }
0x7d: {  	s0 =	simm.s32 @!p5 $0x3  }
0x7e: {  	_ =	swait.ge @!p5 [sflag:s0], $0x2780  }
0x7f: {  	[sflag:s0] =	ssyncset.done @!p5 $0x0  }
0x80: {  	[sflag:s0] =	ssyncadd.s32 @!p5 $0xFFFFD880;
	s0 =	rddreg [dreg:$0x8]  }
0x81: {  	[hbm:s0], [sflag:s9] =	dma.local @!p0 [spmem:s19], $0x2780  }
0x82: {  	s0 =	simm.s32 @!p0 $0x3  }
0x83: {  	_ =	swait.ge @!p0 [sflag:s0], $0x2780  }
0x84: {  	[sflag:s0] =	ssyncset.done @!p0 $0x0  }
0x85: {  	[sflag:s0] =	ssyncadd.s32 @!p0 $0xFFFFD880;
	s0 =	rddreg [dreg:$0xb]  }
0x86: {  	[hbm:s0], [sflag:s9] =	dma.local @!p1 [spmem:s20], $0x2780  }
0x87: {  	s0 =	simm.s32 @!p1 $0x3  }
0x88: {  	_ =	swait.ge @!p1 [sflag:s0], $0x2780  }
0x89: {  	[sflag:s0] =	ssyncset.done @!p1 $0x0  }
0x8a: {  	[sflag:s0] =	ssyncadd.s32 @!p1 $0xFFFFD880;
	s0 =	rddreg [dreg:$0xa]  }
0x8b: {  	[hbm:s0], [sflag:s9] =	dma.local @!p2 [spmem:s21], $0x2780  }
0x8c: {  	s0 =	simm.s32 @!p2 $0x3  }
0x8d: {  	_ =	swait.ge @!p2 [sflag:s0], $0x2780  }
0x8e: {  	[sflag:s0] =	ssyncset.done @!p2 $0x0  }
0x8f: {  	[sflag:s0] =	ssyncadd.s32 @!p2 $0xFFFFD880  }
.LBB2_13:
0x90: {  	s3 =	sadd.s32 $0x1, s3  }
0x91: {  	p3 =	sne.s32 s3, s28  }
.Ltmp1:
0x92: {  	_ = 	snop;
	(pc) =	sbr.rel @!p3 .LBB2_14-.Ltmp1, $1  }
0x93: {  	_ =	sdelay $0x3  }
.LBB2_1:
0x94: {  	[spmem:s29], [sflag:s9] =	dma.local [hbm:s7], $0x2780  }
.Ltmp2:
0x95: {  	_ =	swait.ge [sflag:s22], $0x2780;
	(pc) =	sbr.rel .LBB2_2-.Ltmp2, $4  }
0x96: {  	[sflag:s22] =	ssyncset.done $0x0  }
0x97: {  	[sflag:s22] =	ssyncadd.s32 $0xFFFFD880  }
0x98: {  	[bflag:$0x0] =	sbarrier.arrive $0xFFFF  }
0x99: {  	s0 =	simm.s32 $0x0  }
.LBB2_9:
0x9a: {  	s0 =	sadd.s32 $0x1, s0  }
0x9b: {  	p3 =	sne.s32 s0, $0xA  }
.Ltmp3:
0x9c: {  	_ = 	snop;
	(pc) =	sbr.rel @!p3 .LBB2_10-.Ltmp3, $4  }
0x9d: {  	_ = 	snop  }
0x9e: {  	_ =	swait.ge [sflag:s1], $0x2800  }
0x9f: {  	[sflag:s1] =	ssyncset.done $0x0  }
0xa0: {  	[sflag:s1] =	ssyncadd.s32 $0xFFFFD800  }
.LBB2_2:
0xa1: {  	s12 =	sshll.u32 s0, $0xC  }
0xa2: {  	s11 =	sadd.s32 s10, s12  }
0xa3: {  	s11 =	sshrl.u32 s11, $0x3  }
0xa4: {  	s13 =	sadd.s32 s5, s11;
	s11 =	simm.s32 $0x0  }
0xa5: {  	[tilespmem:s23], [sflag:$0x3] =	stream.linear.gather [hbm4b:s13+s11], $0xC80, $0x38;
	[tilespmem:$0x1D400] =	vst v63  }
0xa6: {  	s12 =	sadd.s32 s8, s12;
	_ =	swait.ge [sflag:s22], $0xC80  }
0xa7: {  	s12 =	sshrl.u32 s12, $0x3;
	[sflag:s22] =	ssyncset.done $0x0  }
0xa8: {  	s14 =	sadd.s32 s6, s12;
	s12 =	simm.s32 $0x14C00;
	[sflag:s22] =	ssyncadd.s32 $0xFFFFF380  }
0xa9: {  	[tilespmem:s12], [sflag:$0x3] =	stream.linear.gather [hbm4b:s14+s11], $0xC80, $0x38;
	[tilespmem:$0x1D400] =	vst v63  }
0xaa: {  	_ =	swait.ge [sflag:s22], $0xC80  }
.Ltmp4:
0xab: {  	[sflag:s22] =	ssyncset.done $0x0;
	(pc) =	sbr.rel .LBB2_3-.Ltmp4, $4  }
0xac: {  	[sflag:s22] =	ssyncadd.s32 $0xFFFFF380  }
0xad: {  	[tilespmem:s25], [sflag:$0x1] =	stream.indirect.gather [hbm4b:s4+s24], $0x80, s23, s24, $0xb8;
	[tilespmem:$0x1D400] =	vst v63  }
0xae: {  	_ = 	snop  }
0xaf: {  	[tilespmem:s30], [sflag:$0x1] =	stream.indirect.gather [hbm4b:s4+s24], $0x80, s26, s24, $0xb8;
	[tilespmem:$0x1D400] =	vst v63  }
.LBB2_4:
0xb0: {  	s13 =	simm.s32 $0x1AC00;
	s14 =	simm.s32 $0x2  }
.LBB2_7:
0xb1: {  	s14 =	sshll.u32 s14, $0x7  }
0xb2: {  	s14 =	sand.u32 $0x3FFFFF80, s14  }
0xb3: {  	s14 =	sadd.s32 $0x13C00, s14  }
0xb4: {  	[tilespmem:s13], [sflag:$0x1] =	stream.indirect.gather [hbm4b:s4+s24], $0x80, s14, s24, $0xb8;
	[tilespmem:$0x1D400] =	vst v63  }
.LBB2_8:
0xb5: {  	s13 =	smul.u32 $0xAB, s11;
	_ =	sdelay $0x1  }
0xb6: {  	s13 =	sshrl.u32 s13, $0x9  }
0xb7: {  	s13 =	sand.u32 $0x7F, s13  }
0xb8: {  	s13 =	smul.u32 $0x3, s13;
	_ =	sdelay $0x1  }
0xb9: {  	s13 =	ssub.s32 s11, s13  }
0xba: {  	s13 =	sand.u32 $0xFF, s13  }
0xbb: {  	p3 =	seq.s32 s13, $0x0  }
0xbc: {  	p4 =	seq.s32 @!p3 s13, $0x2  }
0xbd: {  	p4 =	por !p4, p3  }
0xbe: {  	s13 =	simm.s32 @!p4 $0x1AC00  }
0xbf: {  	s11 =	sadd.s32 $0x1, s11;
	s13 =	simm.s32 @p4 $0x18400  }
0xc0: {  	s13 =	simm.s32 @p3 $0x15C00;
	p3 =	sne.s32 s11, $0x19  }
.Ltmp5:
0xc1: {  	_ = 	snop;
	(pc) =	sbr.rel @!p3 .LBB2_9-.Ltmp5, $3  }
0xc2: {  	_ =	sdelay $0x1  }
0xc3: {  	[spmem:s2] =	stream.indirect.scatter.add.f32 [tilespmem:s13], [sflag:$0x2], $0x80, s12, s24, $0xb8;
	[tilespmem:$0x1D400] =	vst v63  }
0xc4: {  	s12 =	sadd.s32 $0x80, s12  }
.LBB2_3:
0xc5: {  	p3 =	seq.s32 s11, $0x0  }
.Ltmp6:
0xc6: {  	_ = 	snop;
	(pc) =	sbr.rel @p3 .LBB2_4-.Ltmp6, $4  }
0xc7: {  	_ = 	snop  }
0xc8: {  	_ =	swait.ge [sflag:s31], $0x2800  }
0xc9: {  	[sflag:s31] =	ssyncset.done $0x0  }
0xca: {  	[sflag:s31] =	ssyncadd.s32 $0xFFFFD800  }
0xcb: {  	p3 =	sgt.u32 s11, $0x16  }
.Ltmp7:
0xcc: {  	_ = 	snop;
	(pc) =	sbr.rel @p3 .LBB2_8-.Ltmp7, $4  }
0xcd: {  	_ = 	snop  }
0xce: {  	_ =	swait.ge [sflag:s1], $0x2800  }
0xcf: {  	[sflag:s1] =	ssyncset.done $0x0  }
0xd0: {  	[sflag:s1] =	ssyncadd.s32 $0xFFFFD800  }
0xd1: {  	s13 =	smul.u32 $0xAB, s11;
	_ =	sdelay $0x1  }
0xd2: {  	s13 =	sshrl.u32 s13, $0x9  }
0xd3: {  	s13 =	sand.u32 $0x7F, s13  }
0xd4: {  	s13 =	smul.u32 $0x3, s13;
	_ =	sdelay $0x1  }
0xd5: {  	s13 =	ssub.s32 s11, s13  }
0xd6: {  	s13 =	sand.u32 $0xFF, s13  }
0xd7: {  	p3 =	seq.s32 s13, $0x0  }
.Ltmp8:
0xd8: {  	p4 =	seq.s32 @!p3 s13, $0x2;
	(pc) =	sbr.rel .LBB2_7-.Ltmp8, $4  }
0xd9: {  	p4 =	por !p4, p3  }
0xda: {  	s13 =	simm.s32 @!p4 $0x18400  }
0xdb: {  	s13 =	simm.s32 @p4 $0x15C00  }
0xdc: {  	s14 =	sadd.s32 $0x2, s11;
	s13 =	simm.s32 @p3 $0x1AC00  }
.LBB2_10:
0xdd: {  	[bflag:$0x0] =	sbarrier.arrive $0xFFFF  }
0xde: {  	s0 =	sld [smem:$0x7FD];
	_ =	sdelay $0x2  }
0xdf: {  	p3 =	seq.s32 s0, $0x1  }
.Ltmp9:
0xe0: {  	_ = 	snop;
	(pc) =	sbr.rel @p3 .LBB2_12-.Ltmp9, $1  }
0xe1: {  	_ =	sdelay $0x3  }
0xe2: {  	s0 =	sld [smem:$0x7F2];
	_ =	sdelay $0x1  }
0xe3: {  	s11 =	rddreg [dreg:$0x14]  }
0xe4: {  	p3 =	seq.s32 s0, $0x1;
	s0 =	rddreg [dreg:$0xd]  }
0xe5: {  	[hbm:s0], [sflag:s9] =	dma.local @!p3 [spmem:s11], $0x2780  }
0xe6: {  	s0 =	simm.s32 @!p3 $0x3  }
0xe7: {  	_ =	swait.ge @!p3 [sflag:s0], $0x2780  }
0xe8: {  	s13 =	sld [smem:$0x7F3];
	_ =	sdelay $0x1  }
0xe9: {  	[sflag:s0] =	ssyncset.done @!p3 $0x0;
	s11 =	rddreg [dreg:$0x15]  }
0xea: {  	[sflag:s0] =	ssyncadd.s32 @!p3 $0xFFFFD880;
	s0 =	rddreg [dreg:$0xc];
	p3 =	seq.s32 s13, $0x1  }
0xeb: {  	[hbm:s0], [sflag:s9] =	dma.local @!p3 [spmem:s11], $0x2780  }
0xec: {  	s0 =	simm.s32 @!p3 $0x3  }
0xed: {  	_ =	swait.ge @!p3 [sflag:s0], $0x2780  }
0xee: {  	s14 =	sld [smem:$0x7F4];
	_ =	sdelay $0x1  }
0xef: {  	[sflag:s0] =	ssyncset.done @!p3 $0x0;
	s11 =	rddreg [dreg:$0x16]  }
0xf0: {  	[sflag:s0] =	ssyncadd.s32 @!p3 $0xFFFFD880;
	s0 =	rddreg [dreg:$0x10];
	p3 =	seq.s32 s14, $0x1  }
0xf1: {  	[hbm:s0], [sflag:s9] =	dma.local @!p3 [spmem:s11], $0x2780  }
0xf2: {  	s0 =	simm.s32 @!p3 $0x3  }
0xf3: {  	_ =	swait.ge @!p3 [sflag:s0], $0x2780  }
0xf4: {  	s11 =	sld [smem:$0x7F5]  }
0xf5: {  	[sflag:s0] =	ssyncset.done @!p3 $0x0  }
0xf6: {  	[sflag:s0] =	ssyncadd.s32 @!p3 $0xFFFFD880;
	s0 =	rddreg [dreg:$0xf]  }
0xf7: {  	p3 =	seq.s32 s11, $0x1;
	s11 =	rddreg [dreg:$0x17]  }
0xf8: {  	[hbm:s0], [sflag:s9] =	dma.local @!p3 [spmem:s11], $0x2780  }
0xf9: {  	s0 =	simm.s32 @!p3 $0x3  }
0xfa: {  	_ =	swait.ge @!p3 [sflag:s0], $0x2780  }
0xfb: {  	s12 =	sld [smem:$0x7F6];
	_ =	sdelay $0x1  }
0xfc: {  	[sflag:s0] =	ssyncset.done @!p3 $0x0;
	s11 =	rddreg [dreg:$0x18]  }
0xfd: {  	[sflag:s0] =	ssyncadd.s32 @!p3 $0xFFFFD880;
	s0 =	rddreg [dreg:$0x12];
	p3 =	seq.s32 s12, $0x1  }
0xfe: {  	[hbm:s0], [sflag:s9] =	dma.local @!p3 [spmem:s11], $0x2780  }
0xff: {  	s0 =	simm.s32 @!p3 $0x3  }
0x100: {  	_ =	swait.ge @!p3 [sflag:s0], $0x2780  }
0x101: {  	s13 =	sld [smem:$0x7F7];
	_ =	sdelay $0x1  }
0x102: {  	[sflag:s0] =	ssyncset.done @!p3 $0x0;
	s11 =	rddreg [dreg:$0x19]  }
0x103: {  	[sflag:s0] =	ssyncadd.s32 @!p3 $0xFFFFD880;
	s0 =	rddreg [dreg:$0x11];
	p3 =	seq.s32 s13, $0x1  }
0x104: {  	[hbm:s0], [sflag:s9] =	dma.local @!p3 [spmem:s11], $0x2780  }
0x105: {  	s0 =	simm.s32 @!p3 $0x3  }
0x106: {  	_ =	swait.ge @!p3 [sflag:s0], $0x2780  }
0x107: {  	[sflag:s0] =	ssyncset.done @!p3 $0x0  }
0x108: {  	s11 =	rddreg [dreg:$0xe];
	[sflag:s0] =	ssyncadd.s32 @!p3 $0xFFFFD880;
	s0 =	sshrl.u32 @!p6 s2, $0x3  }
0x109: {  	[hbm:s11], [sflag:s9] =	dma.local @!p6 [spmem:s0], $0x2780  }
0x10a: {  	s0 =	simm.s32 @!p6 $0x3  }
0x10b: {  	_ =	swait.ge @!p6 [sflag:s0], $0x2780  }
0x10c: {  	s14 =	sld [smem:$0x7F8];
	_ =	sdelay $0x1  }
0x10d: {  	[sflag:s0] =	ssyncset.done @!p6 $0x0;
	s11 =	rddreg [dreg:$0x1a]  }
0x10e: {  	[sflag:s0] =	ssyncadd.s32 @!p6 $0xFFFFD880;
	s0 =	rddreg [dreg:$0x13];
	p3 =	seq.s32 s14, $0x1  }
0x10f: {  	[hbm:s0], [sflag:s9] =	dma.local @!p3 [spmem:s11], $0x2780  }
.Ltmp10:
0x110: {  	_ = 	snop;
	(pc) =	sbr.rel .LBB2_13-.Ltmp10, $4  }
0x111: {  	s0 =	simm.s32 @!p3 $0x3  }
0x112: {  	_ =	swait.ge @!p3 [sflag:s0], $0x2780  }
0x113: {  	[sflag:s0] =	ssyncset.done @!p3 $0x0  }
0x114: {  	[sflag:s0] =	ssyncadd.s32 @!p3 $0xFFFFD880  }
.LBB2_14:
0x115: {  	_ =	sfence.sel $0x180000  }
0x116: {  	[bflag:$0x0] =	sbarrier.arrive $0xFFFF  }
0x117: {  	_ =	strace $0x9000004A  }
0x118: {  	s0 =	stileid.u32;
	[bflag:$0x2] =	sbarrier.arrive $0xFFFF  }
0x119: {  	p0 =	sne.s32 s0, $0x0;
	s0 =	rddreg [dreg:$0x3]  }
0x11a: {  	s0 =	sadd.s32 @!p0 $0x100000, s0  }
0x11b: {  	[sflag:s0] =	ssyncadd.tile.s32 @!p0 $0x1;
	_ =	shalt  }
.Lfunc_end2:
_tile_overlayer_lowered:
.L_overlay_start_2:
0x11c: {  	(tag) =	ssettag $0x2  }
0x11d: {  	s0 =	rddreg [dreg:$0x0];
	s2 =	stileid.u32  }
0x11e: {  	s1 =	rddreg [dreg:$0x1];
	p0 =	sne.s32 s2, $0x0  }
0x11f: {  	s3 =	rddreg [dreg:$0x2];
	[bflag:$0x3] =	sbarrier.arrive $0xFFFF;
	s2 =	simm.s32 @!p0 $0x1C03  }
0x120: {  	[timem:s3], [sflag:s2] =	dma.local @!p0 [hbm:s0], s1  }
0x121: {  	s0 =	simm.s32 @!p0 $0x3  }
0x122: {  	_ =	swait.ge @!p0 [sflag:s0], s1  }
0x123: {  	s1 =	ssub.s32 @!p0 $0x0, s1;
	[sflag:s0] =	ssyncset.done @!p0 $0x0  }
0x124: {  	[sflag:s0] =	ssyncadd.s32 @!p0 s1  }
0x125: {  	[bflag:$0x3] =	sbarrier.arrive $0xFFFF  }
0x126: {  	_ =	shalt  }

</sc_bundles>
